<compile_context>
chip_gen: v7x
topology: tpu7x:2x2x1
jax: 0.10.2.dev20260603
libtpu: 0.0.44.dev20260713+nightly
codegen_flags: <defaults>
</compile_context>

<pallas_src>
import functools

import jax
import jax.numpy as jnp
import numpy as np
from jax import lax
from jax.experimental import pallas as pl
from jax.experimental.pallas import tpu as pltpu
from jax.experimental.pallas import tpu_sc as plsc

_B, _N, _Q = 4, 4096, 2048
_FEAT = 32
_POS = 3
_TIME_DIM = 16
_NEIGHBORS = 32
_TIMESTEPS = 16

_BIG = 1e9
_INF_BITS = 0x7F800000
_NW = 32



def _select_body(qpT_ref, kpT_ref, idx_ref, *, k, pos):
    kt = kpT_ref[0]
    qt = qpT_ref[0]
    tq = qt.shape[1]
    d2 = None
    for c in range(pos):
        diff = kt[c][:, None] - qt[c][None, :]
        sq = diff * diff
        d2 = sq if d2 is None else d2 + sq
    u = jax.lax.bitcast_convert_type(d2, jnp.int32)

    lo = jnp.full((tq,), -1, jnp.int32)
    hi = jnp.full((tq,), _INF_BITS, jnp.int32)
    kf = jnp.float32(k)
    for _ in range(31):
        mid = jax.lax.shift_right_arithmetic(lo + hi, 1)
        cnt = jnp.sum((u <= mid[None, :]).astype(jnp.float32), axis=0)
        pred = cnt >= kf
        hi = jnp.where(pred, mid, hi)
        lo = jnp.where(pred, lo, mid)

    n = kt.shape[1]
    mask = u <= hi[None, :]
    niota = jax.lax.broadcasted_iota(jnp.int32, (n, tq), 0).astype(jnp.float32)
    nv = jnp.where(mask, niota, _BIG)
    ch = n // 128
    rounds = 12 if k > 16 else 10
    cands = []
    for _ in range(rounds):
        nv3 = nv.reshape(ch, 128, tq)
        cmin = jnp.min(nv3, axis=1)
        cands.append(cmin)
        bc = jnp.broadcast_to(cmin[:, None, :], (ch, 128, tq)).reshape(n, tq)
        nv = jnp.where(nv == bc, _BIG, nv)
    cand = jnp.concatenate(cands, axis=0)
    for j in range(k):
        cur = jnp.min(cand, axis=0)
        idx_ref[0, j, :] = jnp.minimum(cur, n - 1).astype(jnp.int32)
        cand = jnp.where(cand == cur[None, :], _BIG, cand)


def _knn_pallas(qpT, kpT, k, tq=128):
    b, pos, m = qpT.shape
    n = kpT.shape[2]
    grid = (b, m // tq)
    return pl.pallas_call(
        functools.partial(_select_body, k=k, pos=pos),
        grid=grid,
        in_specs=[
            pl.BlockSpec((1, pos, tq), lambda bi, i: (bi, 0, i)),
            pl.BlockSpec((1, pos, n), lambda bi, i: (bi, 0, 0)),
        ],
        out_specs=pl.BlockSpec((1, k, tq), lambda bi, i: (bi, 0, i)),
        out_shape=jax.ShapeDtypeStruct((b, k, m), jnp.int32),
    )(qpT, kpT)



def _sc_gather(idx_flat, table, k, cb, reduce_max, d_eff):
    bmk = idx_flat.shape[0]
    bm = bmk // k
    d = table.shape[1]
    per_w = bm // _NW
    nb = per_w // cb
    out_rows = bm if reduce_max else bmk
    mesh = plsc.VectorSubcoreMesh(core_axis_name="c", subcore_axis_name="s")

    scratch = [
        pltpu.VMEM((cb * k,), jnp.int32),
        pltpu.VMEM((cb * k, d), jnp.float32),
    ]
    if reduce_max:
        scratch.append(pltpu.VMEM((cb, d), jnp.float32))
    scratch.append(pltpu.SemaphoreType.DMA)

    @functools.partial(
        pl.kernel,
        out_type=jax.ShapeDtypeStruct((out_rows, d), jnp.float32),
        mesh=mesh,
        scratch_types=scratch,
    )
    def sc_kernel(idx_hbm, table_hbm, out_hbm, idx_v, rows_v, *rest):
        if reduce_max:
            out_v, sem = rest
        else:
            (sem,) = rest
        wid = lax.axis_index("s") * 2 + lax.axis_index("c")
        base_q = wid * per_w

        def block(blk, carry):
            qb = pl.multiple_of(base_q + blk * cb, cb)
            pltpu.sync_copy(idx_hbm.at[pl.ds(qb * k, cb * k)], idx_v)
            pltpu.async_copy(table_hbm.at[idx_v], rows_v, sem).wait()
            if reduce_max:
                def qloop(qi, c2):
                    for dd in range(d_eff // 16):
                        sl = pl.ds(dd * 16, 16)
                        acc = rows_v[qi * k, sl]
                        for j in range(1, k):
                            acc = jnp.maximum(acc, rows_v[qi * k + j, sl])
                        out_v[qi, sl] = acc
                    return c2
                lax.fori_loop(0, cb, qloop, 0)
                pltpu.sync_copy(out_v, out_hbm.at[pl.ds(qb, cb)])
            else:
                pltpu.sync_copy(rows_v, out_hbm.at[pl.ds(qb * k, cb * k)])
            return carry

        lax.fori_loop(0, nb, block, 0)

    return sc_kernel(idx_flat, table)


def _pad128(x2d):
    return jnp.concatenate(
        [x2d, jnp.zeros((x2d.shape[0], 128 - x2d.shape[1]), jnp.float32)], -1)


def _flat_idx(idx_bkm, n_keys):
    b, k, m = idx_bkm.shape
    idx = jnp.transpose(idx_bkm, (0, 2, 1))
    idx = idx + (jnp.arange(b, dtype=jnp.int32) * n_keys)[:, None, None]
    return idx.reshape(b * m * k)



def _time_encode(dt, out_dim):
    half = out_dim // 2
    freqs = jnp.exp(-jnp.arange(half, dtype=jnp.float32) * (np.log(10000.0) / max(half - 1, 1)))
    ang = dt * freqs
    return jnp.concatenate([jnp.sin(ang), jnp.cos(ang)], axis=-1)


def _conv_sc(qp, kp, feats, idx_flat, W, b, mode, k, cb):
    bb, m = qp.shape[0], qp.shape[1]
    f = feats.shape[-1]
    p = kp.shape[-1]
    table = _pad128(jnp.concatenate([feats, kp], -1).reshape(-1, f + p))
    rows = _sc_gather(idx_flat, table, k, cb, False, f + p)
    rows = rows[:, :f + p].reshape(bb, m, k, f + p)
    nf = rows[..., :f]
    npos = rows[..., f:]
    rel = qp[:, :, None, :] - npos
    if mode == 'time':
        rel = _time_encode(rel, _TIME_DIM)
    h = jnp.concatenate([nf, rel], axis=-1) @ W + b
    h = jax.nn.relu(h)
    return jnp.max(h, axis=2)


def kernel(data, ids, space_pts, time_pts, target_pts, query_pts, Ws0, bs0, Wt0, bt0, Wc0a, bc0a, Wc0b, bc0b, Ws1, bs1, Wt1, bt1, Wc1a, bc1a, Wc1b, bc1b, Wtc, btc):
    spT = jnp.transpose(space_pts, (0, 2, 1))
    tpT = jnp.transpose(time_pts, (0, 2, 1))
    tgT = jnp.transpose(target_pts, (0, 2, 1))
    qpT = jnp.transpose(query_pts, (0, 2, 1))

    idx_s = _flat_idx(_knn_pallas(spT, spT, _NEIGHBORS), _N)
    idx_t = _flat_idx(_knn_pallas(tpT, tpT, _TIMESTEPS), _N)
    idx_q = _flat_idx(_knn_pallas(qpT, tgT, _NEIGHBORS), _N)

    x = data
    sn = _conv_sc(space_pts, space_pts, x, idx_s, Ws0, bs0, 'space', _NEIGHBORS, 16)
    tn = _conv_sc(time_pts, time_pts, jnp.concatenate([x, sn], -1), idx_t, Wt0, bt0, 'time', _TIMESTEPS, 32)
    c = jnp.concatenate([x, sn, tn], -1)
    x = jax.nn.relu(c @ Wc0a + bc0a) @ Wc0b + bc0b
    sn = _conv_sc(space_pts, space_pts, x, idx_s, Ws1, bs1, 'space', _NEIGHBORS, 16)
    tn = _conv_sc(time_pts, time_pts, jnp.concatenate([x, sn], -1), idx_t, Wt1, bt1, 'time', _TIMESTEPS, 32)
    c = jnp.concatenate([x, sn, tn], -1)
    x = jax.nn.relu(c @ Wc1a + bc1a) @ Wc1b + bc1b
    return _conv_sc(query_pts, target_pts, x, idx_q, Wtc, btc, 'space', _NEIGHBORS, 16)

# --- scband reference (transcript-rebuilt; emitter-appended) ---
"""Pipeline reference for scband-temporal-graph-conv-23158463660306 (READ-ONLY COPY).

The authoritative reference and input builder live on the scoring server;
editing this copy changes nothing except your own understanding.
"""

import jax, jax.numpy as jnp
import numpy as np

B, N, Q = 4, 4096, 2048
FEAT = 32
POS = 3
TIME_DIM = 16
NEIGHBORS = 32
TIMESTEPS = 16


def _knn(qp, kp, k):
    d2 = jnp.sum((qp[:, :, None, :] - kp[:, None, :, :]) ** 2, axis=-1)
    _, idx = jax.lax.top_k(-d2, k)
    return idx


def _gather(x, idx):
    return jax.vmap(lambda a, i: a[i])(x, idx)


def _time_encode(dt, out_dim):
    half = out_dim // 2
    freqs = jnp.exp(-jnp.arange(half, dtype=jnp.float32) * (np.log(10000.0) / max(half - 1, 1)))
    ang = dt * freqs
    return jnp.concatenate([jnp.sin(ang), jnp.cos(ang)], axis=-1)


def _graph_conv(qp, kp, feats, k, W, b, mode):
    idx = _knn(qp, kp, k)
    nf = _gather(feats, idx)
    npos = _gather(kp, idx)
    rel = qp[:, :, None, :] - npos
    if mode == 'time':
        rel = _time_encode(rel, TIME_DIM)
    h = jnp.concatenate([nf, rel], axis=-1) @ W + b
    h = jax.nn.relu(h)
    return jnp.max(h, axis=2)


def setup_inputs(seed: int = 0):
    key = jax.random.key(seed)
    ks = jax.random.split(key, 20)
    def p(i, shape):
        return jax.random.normal(ks[i], shape, dtype=jnp.float32) * 0.05
    inp = {}
    inp['data'] = jax.random.normal(ks[0], (B, N, FEAT), dtype=jnp.float32)
    inp['ids'] = jax.random.randint(ks[1], (B, N), 0, N).astype(jnp.int64)
    inp['space_pts'] = jax.random.uniform(ks[2], (B, N, POS), dtype=jnp.float32)
    inp['time_pts'] = jax.random.uniform(ks[3], (B, N, 1), dtype=jnp.float32)
    inp['target_pts'] = jax.random.uniform(ks[4], (B, N, POS), dtype=jnp.float32)
    inp['query_pts'] = jax.random.uniform(ks[5], (B, Q, POS), dtype=jnp.float32)
    inp['Ws0'] = p(6, (FEAT + POS, 32)); inp['bs0'] = jnp.zeros((32,), jnp.float32)
    inp['Wt0'] = p(7, (FEAT + 32 + TIME_DIM, 32)); inp['bt0'] = jnp.zeros((32,), jnp.float32)
    inp['Wc0a'] = p(8, (FEAT + 64, 64)); inp['bc0a'] = jnp.zeros((64,), jnp.float32)
    inp['Wc0b'] = p(9, (64, 64)); inp['bc0b'] = jnp.zeros((64,), jnp.float32)
    inp['Ws1'] = p(10, (64 + POS, 32)); inp['bs1'] = jnp.zeros((32,), jnp.float32)
    inp['Wt1'] = p(11, (64 + 32 + TIME_DIM, 32)); inp['bt1'] = jnp.zeros((32,), jnp.float32)
    inp['Wc1a'] = p(12, (64 + 64, 64)); inp['bc1a'] = jnp.zeros((64,), jnp.float32)
    inp['Wc1b'] = p(13, (64, 64)); inp['bc1b'] = jnp.zeros((64,), jnp.float32)
    inp['Wtc'] = p(14, (64 + POS, 64)); inp['btc'] = jnp.zeros((64,), jnp.float32)
    return inp


def reference(data, ids, space_pts, time_pts, target_pts, query_pts, Ws0, bs0, Wt0, bt0, Wc0a, bc0a, Wc0b, bc0b, Ws1, bs1, Wt1, bt1, Wc1a, bc1a, Wc1b, bc1b, Wtc, btc):
    x = data
    sn = _graph_conv(space_pts, space_pts, x, NEIGHBORS, Ws0, bs0, 'space')
    tn = _graph_conv(time_pts, time_pts, jnp.concatenate([x, sn], -1), TIMESTEPS, Wt0, bt0, 'time')
    c = jnp.concatenate([x, sn, tn], -1)
    x = jax.nn.relu(c @ Wc0a + bc0a) @ Wc0b + bc0b
    sn = _graph_conv(space_pts, space_pts, x, NEIGHBORS, Ws1, bs1, 'space')
    tn = _graph_conv(time_pts, time_pts, jnp.concatenate([x, sn], -1), TIMESTEPS, Wt1, bt1, 'time')
    c = jnp.concatenate([x, sn, tn], -1)
    x = jax.nn.relu(c @ Wc1a + bc1a) @ Wc1b + bc1b
    return _graph_conv(query_pts, target_pts, x, NEIGHBORS, Wtc, btc, 'space')

if __name__ == "__main__":
    import jax
    _d = setup_inputs()
    print(jax.jit(kernel)(*tuple(_d.values())))

</pallas_src>

<mosaic_0001>
#map = affine_map<(d0, d1) -> (0)>
#map1 = affine_map<(d0, d1) -> (0, 0)>
module attributes {stable_mosaic.version = 14 : i64} {
  func.func @sc_kernel(%arg0: i32, %arg1: i32, %arg2: memref<524288xi32, #tpu.memory_space<hbm>>, %arg3: memref<16384x128xf32, #tpu.memory_space<hbm>>, %arg4: memref<524288x128xf32, #tpu.memory_space<hbm>>, %arg5: memref<512xi32, #tpu.memory_space<vmem>>, %arg6: memref<512x128xf32, #tpu.memory_space<vmem>>, %arg7: memref<!tpu.dma_semaphore, #tpu.memory_space<semaphore_mem>>) attributes {dimension_semantics = [#tpu.dimension_semantics<core_parallel>, #tpu.dimension_semantics<subcore_parallel>], iteration_bounds = array<i64: 2, 16>, scalar_prefetch = 0 : i64, scratch_operands = 3 : i64, tpu.core_type = #tpu.core_type<sc_vector_subcore>, window_params = [{transform_indices = #map}, {transform_indices = #map1}, {transform_indices = #map1}]} {
    %mul3A = arith.constant 2 : i32
    %mul3A_0 = arith.muli %arg1, %mul3A : i32
    %add3A = arith.addi %mul3A_0, %arg0 : i32
    %mul3A_1 = arith.constant 512 : i32
    %mul3A_2 = arith.muli %add3A, %mul3A_1 : i32
    %scan3A = arith.constant 0 : i32
    %scan3A_3 = arith.constant 0 : i32
    %scan3A_4 = arith.constant 32 : i32
    %scan3A_5 = arith.addi %scan3A_3, %scan3A_4 : i32
    %scan3A_6 = arith.constant 1 : i32
    scf.for %scan3A_8 = %scan3A_3 to %scan3A_5 step %scan3A_6  : i32 {
      %mul3A_9 = arith.constant 16 : i32
      %mul3A_10 = arith.muli %scan3A_8, %mul3A_9 : i32
      %add3A_11 = arith.addi %mul3A_2, %mul3A_10 : i32
      %multiple_of3A = tpu.assume_multiple %add3A_11, 16 : i32
      %mul3A_12 = arith.constant 32 : i32
      %mul3A_13 = arith.muli %multiple_of3A, %mul3A_12 : i32
      "tpu.region"() ({
        %run_scoped3A = tpu.sem_alloc : memref<!tpu.dma_semaphore, #tpu.memory_space<semaphore_mem>>
        %dma_start3A_20 = tpu.memref_slice %arg2[%mul3A_13] : memref<524288xi32, #tpu.memory_space<hbm>> -> memref<512xi32, #tpu.memory_space<hbm>>
        %dma_start3A_21 = tpu.memref_slice %arg2[%mul3A_13] : memref<524288xi32, #tpu.memory_space<hbm>> -> memref<512xi32, #tpu.memory_space<hbm>>
        tpu.enqueue_dma source(%dma_start3A_21 : memref<512xi32, #tpu.memory_space<hbm>>) target(%arg5 : memref<512xi32, #tpu.memory_space<vmem>>) target_semaphore(%run_scoped3A : memref<!tpu.dma_semaphore, #tpu.memory_space<semaphore_mem>>)
        %dma_wait3A_22 = tpu.memref_slice %arg2[%mul3A_13] : memref<524288xi32, #tpu.memory_space<hbm>> -> memref<512xi32, #tpu.memory_space<hbm>>
        %dma_wait3A_23 = tpu.memref_slice %arg2[%mul3A_13] : memref<524288xi32, #tpu.memory_space<hbm>> -> memref<512xi32, #tpu.memory_space<hbm>>
        tpu.wait_dma2 semaphore(%run_scoped3A : memref<!tpu.dma_semaphore, #tpu.memory_space<semaphore_mem>>) src(%dma_wait3A_23 : memref<512xi32, #tpu.memory_space<hbm>>) dst(%arg5 : memref<512xi32, #tpu.memory_space<vmem>>)
        tpu.yield
      }) : () -> ()
      %dma_start3A = arith.constant 0 : i32
      %dma_start3A_14 = arith.constant 0 : i32
      %dma_start3A_15 = tpu.memref_slice %arg3[%dma_start3A, %dma_start3A_14] : memref<16384x128xf32, #tpu.memory_space<hbm>> -> memref<16384x128xf32, #tpu.memory_space<hbm>>
      tpu.enqueue_indirect_dma source(%dma_start3A_15 : memref<16384x128xf32, #tpu.memory_space<hbm>>) target(%arg6 : memref<512x128xf32, #tpu.memory_space<vmem>>) offsets(%arg5 : memref<512xi32, #tpu.memory_space<vmem>>) semaphore(%arg7 : memref<!tpu.dma_semaphore, #tpu.memory_space<semaphore_mem>>)
      %dma_wait3A = arith.constant 0 : i32
      %dma_wait3A_16 = arith.constant 0 : i32
      %dma_wait3A_17 = tpu.memref_slice %arg3[%dma_wait3A, %dma_wait3A_16] : memref<16384x128xf32, #tpu.memory_space<hbm>> -> memref<16384x128xf32, #tpu.memory_space<hbm>>
      tpu.wait_indirect_dma semaphore(%arg7 : memref<!tpu.dma_semaphore, #tpu.memory_space<semaphore_mem>>) src(%dma_wait3A_17 : memref<16384x128xf32, #tpu.memory_space<hbm>>) dst(%arg6 : memref<512x128xf32, #tpu.memory_space<vmem>>)
      %mul3A_18 = arith.constant 32 : i32
      %mul3A_19 = arith.muli %multiple_of3A, %mul3A_18 : i32
      "tpu.region"() ({
        %run_scoped3A = tpu.sem_alloc : memref<!tpu.dma_semaphore, #tpu.memory_space<semaphore_mem>>
        %dma_start3A_20 = arith.constant 0 : i32
        %dma_start3A_21 = tpu.memref_slice %arg4[%mul3A_19, %dma_start3A_20] : memref<524288x128xf32, #tpu.memory_space<hbm>> -> memref<512x128xf32, #tpu.memory_space<hbm>>
        %dma_start3A_22 = arith.constant 0 : i32
        %dma_start3A_23 = tpu.memref_slice %arg4[%mul3A_19, %dma_start3A_22] : memref<524288x128xf32, #tpu.memory_space<hbm>> -> memref<512x128xf32, #tpu.memory_space<hbm>>
        tpu.enqueue_dma source(%arg6 : memref<512x128xf32, #tpu.memory_space<vmem>>) target(%dma_start3A_23 : memref<512x128xf32, #tpu.memory_space<hbm>>) target_semaphore(%run_scoped3A : memref<!tpu.dma_semaphore, #tpu.memory_space<semaphore_mem>>)
        %dma_wait3A_24 = arith.constant 0 : i32
        %dma_wait3A_25 = tpu.memref_slice %arg4[%mul3A_19, %dma_wait3A_24] : memref<524288x128xf32, #tpu.memory_space<hbm>> -> memref<512x128xf32, #tpu.memory_space<hbm>>
        %dma_wait3A_26 = arith.constant 0 : i32
        %dma_wait3A_27 = tpu.memref_slice %arg4[%mul3A_19, %dma_wait3A_26] : memref<524288x128xf32, #tpu.memory_space<hbm>> -> memref<512x128xf32, #tpu.memory_space<hbm>>
        tpu.wait_dma2 semaphore(%run_scoped3A : memref<!tpu.dma_semaphore, #tpu.memory_space<semaphore_mem>>) src(%arg6 : memref<512x128xf32, #tpu.memory_space<vmem>>) dst(%dma_wait3A_27 : memref<512x128xf32, #tpu.memory_space<hbm>>)
        tpu.yield
      }) : () -> ()
    }
    %scan3A_7 = arith.constant 32 : i32
    return
  }
}

#map = affine_map<(d0, d1) -> (0)>
#map1 = affine_map<(d0, d1) -> (0, 0)>
module attributes {stable_mosaic.version = 14 : i64} {
  func.func @sc_kernel(%arg0: i32, %arg1: i32, %arg2: memref<262144xi32, #tpu.memory_space<hbm>>, %arg3: memref<16384x128xf32, #tpu.memory_space<hbm>>, %arg4: memref<262144x128xf32, #tpu.memory_space<hbm>>, %arg5: memref<512xi32, #tpu.memory_space<vmem>>, %arg6: memref<512x128xf32, #tpu.memory_space<vmem>>, %arg7: memref<!tpu.dma_semaphore, #tpu.memory_space<semaphore_mem>>) attributes {dimension_semantics = [#tpu.dimension_semantics<core_parallel>, #tpu.dimension_semantics<subcore_parallel>], iteration_bounds = array<i64: 2, 16>, scalar_prefetch = 0 : i64, scratch_operands = 3 : i64, tpu.core_type = #tpu.core_type<sc_vector_subcore>, window_params = [{transform_indices = #map}, {transform_indices = #map1}, {transform_indices = #map1}]} {
    %mul3A = arith.constant 2 : i32
    %mul3A_0 = arith.muli %arg1, %mul3A : i32
    %add3A = arith.addi %mul3A_0, %arg0 : i32
    %mul3A_1 = arith.constant 512 : i32
    %mul3A_2 = arith.muli %add3A, %mul3A_1 : i32
    %scan3A = arith.constant 0 : i32
    %scan3A_3 = arith.constant 0 : i32
    %scan3A_4 = arith.constant 16 : i32
    %scan3A_5 = arith.addi %scan3A_3, %scan3A_4 : i32
    %scan3A_6 = arith.constant 1 : i32
    scf.for %scan3A_8 = %scan3A_3 to %scan3A_5 step %scan3A_6  : i32 {
      %mul3A_9 = arith.constant 32 : i32
      %mul3A_10 = arith.muli %scan3A_8, %mul3A_9 : i32
      %add3A_11 = arith.addi %mul3A_2, %mul3A_10 : i32
      %multiple_of3A = tpu.assume_multiple %add3A_11, 32 : i32
      %mul3A_12 = arith.constant 16 : i32
      %mul3A_13 = arith.muli %multiple_of3A, %mul3A_12 : i32
      "tpu.region"() ({
        %run_scoped3A = tpu.sem_alloc : memref<!tpu.dma_semaphore, #tpu.memory_space<semaphore_mem>>
        %dma_start3A_20 = tpu.memref_slice %arg2[%mul3A_13] : memref<262144xi32, #tpu.memory_space<hbm>> -> memref<512xi32, #tpu.memory_space<hbm>>
        %dma_start3A_21 = tpu.memref_slice %arg2[%mul3A_13] : memref<262144xi32, #tpu.memory_space<hbm>> -> memref<512xi32, #tpu.memory_space<hbm>>
        tpu.enqueue_dma source(%dma_start3A_21 : memref<512xi32, #tpu.memory_space<hbm>>) target(%arg5 : memref<512xi32, #tpu.memory_space<vmem>>) target_semaphore(%run_scoped3A : memref<!tpu.dma_semaphore, #tpu.memory_space<semaphore_mem>>)
        %dma_wait3A_22 = tpu.memref_slice %arg2[%mul3A_13] : memref<262144xi32, #tpu.memory_space<hbm>> -> memref<512xi32, #tpu.memory_space<hbm>>
        %dma_wait3A_23 = tpu.memref_slice %arg2[%mul3A_13] : memref<262144xi32, #tpu.memory_space<hbm>> -> memref<512xi32, #tpu.memory_space<hbm>>
        tpu.wait_dma2 semaphore(%run_scoped3A : memref<!tpu.dma_semaphore, #tpu.memory_space<semaphore_mem>>) src(%dma_wait3A_23 : memref<512xi32, #tpu.memory_space<hbm>>) dst(%arg5 : memref<512xi32, #tpu.memory_space<vmem>>)
        tpu.yield
      }) : () -> ()
      %dma_start3A = arith.constant 0 : i32
      %dma_start3A_14 = arith.constant 0 : i32
      %dma_start3A_15 = tpu.memref_slice %arg3[%dma_start3A, %dma_start3A_14] : memref<16384x128xf32, #tpu.memory_space<hbm>> -> memref<16384x128xf32, #tpu.memory_space<hbm>>
      tpu.enqueue_indirect_dma source(%dma_start3A_15 : memref<16384x128xf32, #tpu.memory_space<hbm>>) target(%arg6 : memref<512x128xf32, #tpu.memory_space<vmem>>) offsets(%arg5 : memref<512xi32, #tpu.memory_space<vmem>>) semaphore(%arg7 : memref<!tpu.dma_semaphore, #tpu.memory_space<semaphore_mem>>)
      %dma_wait3A = arith.constant 0 : i32
      %dma_wait3A_16 = arith.constant 0 : i32
      %dma_wait3A_17 = tpu.memref_slice %arg3[%dma_wait3A, %dma_wait3A_16] : memref<16384x128xf32, #tpu.memory_space<hbm>> -> memref<16384x128xf32, #tpu.memory_space<hbm>>
      tpu.wait_indirect_dma semaphore(%arg7 : memref<!tpu.dma_semaphore, #tpu.memory_space<semaphore_mem>>) src(%dma_wait3A_17 : memref<16384x128xf32, #tpu.memory_space<hbm>>) dst(%arg6 : memref<512x128xf32, #tpu.memory_space<vmem>>)
      %mul3A_18 = arith.constant 16 : i32
      %mul3A_19 = arith.muli %multiple_of3A, %mul3A_18 : i32
      "tpu.region"() ({
        %run_scoped3A = tpu.sem_alloc : memref<!tpu.dma_semaphore, #tpu.memory_space<semaphore_mem>>
        %dma_start3A_20 = arith.constant 0 : i32
        %dma_start3A_21 = tpu.memref_slice %arg4[%mul3A_19, %dma_start3A_20] : memref<262144x128xf32, #tpu.memory_space<hbm>> -> memref<512x128xf32, #tpu.memory_space<hbm>>
        %dma_start3A_22 = arith.constant 0 : i32
        %dma_start3A_23 = tpu.memref_slice %arg4[%mul3A_19, %dma_start3A_22] : memref<262144x128xf32, #tpu.memory_space<hbm>> -> memref<512x128xf32, #tpu.memory_space<hbm>>
        tpu.enqueue_dma source(%arg6 : memref<512x128xf32, #tpu.memory_space<vmem>>) target(%dma_start3A_23 : memref<512x128xf32, #tpu.memory_space<hbm>>) target_semaphore(%run_scoped3A : memref<!tpu.dma_semaphore, #tpu.memory_space<semaphore_mem>>)
        %dma_wait3A_24 = arith.constant 0 : i32
        %dma_wait3A_25 = tpu.memref_slice %arg4[%mul3A_19, %dma_wait3A_24] : memref<262144x128xf32, #tpu.memory_space<hbm>> -> memref<512x128xf32, #tpu.memory_space<hbm>>
        %dma_wait3A_26 = arith.constant 0 : i32
        %dma_wait3A_27 = tpu.memref_slice %arg4[%mul3A_19, %dma_wait3A_26] : memref<262144x128xf32, #tpu.memory_space<hbm>> -> memref<512x128xf32, #tpu.memory_space<hbm>>
        tpu.wait_dma2 semaphore(%run_scoped3A : memref<!tpu.dma_semaphore, #tpu.memory_space<semaphore_mem>>) src(%arg6 : memref<512x128xf32, #tpu.memory_space<vmem>>) dst(%dma_wait3A_27 : memref<512x128xf32, #tpu.memory_space<hbm>>)
        tpu.yield
      }) : () -> ()
    }
    %scan3A_7 = arith.constant 16 : i32
    return
  }
}

#map = affine_map<(d0, d1) -> (0)>
#map1 = affine_map<(d0, d1) -> (0, 0)>
module attributes {stable_mosaic.version = 14 : i64} {
  func.func @sc_kernel(%arg0: i32, %arg1: i32, %arg2: memref<524288xi32, #tpu.memory_space<hbm>>, %arg3: memref<16384x128xf32, #tpu.memory_space<hbm>>, %arg4: memref<524288x128xf32, #tpu.memory_space<hbm>>, %arg5: memref<512xi32, #tpu.memory_space<vmem>>, %arg6: memref<512x128xf32, #tpu.memory_space<vmem>>, %arg7: memref<!tpu.dma_semaphore, #tpu.memory_space<semaphore_mem>>) attributes {dimension_semantics = [#tpu.dimension_semantics<core_parallel>, #tpu.dimension_semantics<subcore_parallel>], iteration_bounds = array<i64: 2, 16>, scalar_prefetch = 0 : i64, scratch_operands = 3 : i64, tpu.core_type = #tpu.core_type<sc_vector_subcore>, window_params = [{transform_indices = #map}, {transform_indices = #map1}, {transform_indices = #map1}]} {
    %mul3A = arith.constant 2 : i32
    %mul3A_0 = arith.muli %arg1, %mul3A : i32
    %add3A = arith.addi %mul3A_0, %arg0 : i32
    %mul3A_1 = arith.constant 512 : i32
    %mul3A_2 = arith.muli %add3A, %mul3A_1 : i32
    %scan3A = arith.constant 0 : i32
    %scan3A_3 = arith.constant 0 : i32
    %scan3A_4 = arith.constant 32 : i32
    %scan3A_5 = arith.addi %scan3A_3, %scan3A_4 : i32
    %scan3A_6 = arith.constant 1 : i32
    scf.for %scan3A_8 = %scan3A_3 to %scan3A_5 step %scan3A_6  : i32 {
      %mul3A_9 = arith.constant 16 : i32
      %mul3A_10 = arith.muli %scan3A_8, %mul3A_9 : i32
      %add3A_11 = arith.addi %mul3A_2, %mul3A_10 : i32
      %multiple_of3A = tpu.assume_multiple %add3A_11, 16 : i32
      %mul3A_12 = arith.constant 32 : i32
      %mul3A_13 = arith.muli %multiple_of3A, %mul3A_12 : i32
      "tpu.region"() ({
        %run_scoped3A = tpu.sem_alloc : memref<!tpu.dma_semaphore, #tpu.memory_space<semaphore_mem>>
        %dma_start3A_20 = tpu.memref_slice %arg2[%mul3A_13] : memref<524288xi32, #tpu.memory_space<hbm>> -> memref<512xi32, #tpu.memory_space<hbm>>
        %dma_start3A_21 = tpu.memref_slice %arg2[%mul3A_13] : memref<524288xi32, #tpu.memory_space<hbm>> -> memref<512xi32, #tpu.memory_space<hbm>>
        tpu.enqueue_dma source(%dma_start3A_21 : memref<512xi32, #tpu.memory_space<hbm>>) target(%arg5 : memref<512xi32, #tpu.memory_space<vmem>>) target_semaphore(%run_scoped3A : memref<!tpu.dma_semaphore, #tpu.memory_space<semaphore_mem>>)
        %dma_wait3A_22 = tpu.memref_slice %arg2[%mul3A_13] : memref<524288xi32, #tpu.memory_space<hbm>> -> memref<512xi32, #tpu.memory_space<hbm>>
        %dma_wait3A_23 = tpu.memref_slice %arg2[%mul3A_13] : memref<524288xi32, #tpu.memory_space<hbm>> -> memref<512xi32, #tpu.memory_space<hbm>>
        tpu.wait_dma2 semaphore(%run_scoped3A : memref<!tpu.dma_semaphore, #tpu.memory_space<semaphore_mem>>) src(%dma_wait3A_23 : memref<512xi32, #tpu.memory_space<hbm>>) dst(%arg5 : memref<512xi32, #tpu.memory_space<vmem>>)
        tpu.yield
      }) : () -> ()
      %dma_start3A = arith.constant 0 : i32
      %dma_start3A_14 = arith.constant 0 : i32
      %dma_start3A_15 = tpu.memref_slice %arg3[%dma_start3A, %dma_start3A_14] : memref<16384x128xf32, #tpu.memory_space<hbm>> -> memref<16384x128xf32, #tpu.memory_space<hbm>>
      tpu.enqueue_indirect_dma source(%dma_start3A_15 : memref<16384x128xf32, #tpu.memory_space<hbm>>) target(%arg6 : memref<512x128xf32, #tpu.memory_space<vmem>>) offsets(%arg5 : memref<512xi32, #tpu.memory_space<vmem>>) semaphore(%arg7 : memref<!tpu.dma_semaphore, #tpu.memory_space<semaphore_mem>>)
      %dma_wait3A = arith.constant 0 : i32
      %dma_wait3A_16 = arith.constant 0 : i32
      %dma_wait3A_17 = tpu.memref_slice %arg3[%dma_wait3A, %dma_wait3A_16] : memref<16384x128xf32, #tpu.memory_space<hbm>> -> memref<16384x128xf32, #tpu.memory_space<hbm>>
      tpu.wait_indirect_dma semaphore(%arg7 : memref<!tpu.dma_semaphore, #tpu.memory_space<semaphore_mem>>) src(%dma_wait3A_17 : memref<16384x128xf32, #tpu.memory_space<hbm>>) dst(%arg6 : memref<512x128xf32, #tpu.memory_space<vmem>>)
      %mul3A_18 = arith.constant 32 : i32
      %mul3A_19 = arith.muli %multiple_of3A, %mul3A_18 : i32
      "tpu.region"() ({
        %run_scoped3A = tpu.sem_alloc : memref<!tpu.dma_semaphore, #tpu.memory_space<semaphore_mem>>
        %dma_start3A_20 = arith.constant 0 : i32
        %dma_start3A_21 = tpu.memref_slice %arg4[%mul3A_19, %dma_start3A_20] : memref<524288x128xf32, #tpu.memory_space<hbm>> -> memref<512x128xf32, #tpu.memory_space<hbm>>
        %dma_start3A_22 = arith.constant 0 : i32
        %dma_start3A_23 = tpu.memref_slice %arg4[%mul3A_19, %dma_start3A_22] : memref<524288x128xf32, #tpu.memory_space<hbm>> -> memref<512x128xf32, #tpu.memory_space<hbm>>
        tpu.enqueue_dma source(%arg6 : memref<512x128xf32, #tpu.memory_space<vmem>>) target(%dma_start3A_23 : memref<512x128xf32, #tpu.memory_space<hbm>>) target_semaphore(%run_scoped3A : memref<!tpu.dma_semaphore, #tpu.memory_space<semaphore_mem>>)
        %dma_wait3A_24 = arith.constant 0 : i32
        %dma_wait3A_25 = tpu.memref_slice %arg4[%mul3A_19, %dma_wait3A_24] : memref<524288x128xf32, #tpu.memory_space<hbm>> -> memref<512x128xf32, #tpu.memory_space<hbm>>
        %dma_wait3A_26 = arith.constant 0 : i32
        %dma_wait3A_27 = tpu.memref_slice %arg4[%mul3A_19, %dma_wait3A_26] : memref<524288x128xf32, #tpu.memory_space<hbm>> -> memref<512x128xf32, #tpu.memory_space<hbm>>
        tpu.wait_dma2 semaphore(%run_scoped3A : memref<!tpu.dma_semaphore, #tpu.memory_space<semaphore_mem>>) src(%arg6 : memref<512x128xf32, #tpu.memory_space<vmem>>) dst(%dma_wait3A_27 : memref<512x128xf32, #tpu.memory_space<hbm>>)
        tpu.yield
      }) : () -> ()
    }
    %scan3A_7 = arith.constant 32 : i32
    return
  }
}

#map = affine_map<(d0, d1) -> (0)>
#map1 = affine_map<(d0, d1) -> (0, 0)>
module attributes {stable_mosaic.version = 14 : i64} {
  func.func @sc_kernel(%arg0: i32, %arg1: i32, %arg2: memref<262144xi32, #tpu.memory_space<hbm>>, %arg3: memref<16384x128xf32, #tpu.memory_space<hbm>>, %arg4: memref<262144x128xf32, #tpu.memory_space<hbm>>, %arg5: memref<512xi32, #tpu.memory_space<vmem>>, %arg6: memref<512x128xf32, #tpu.memory_space<vmem>>, %arg7: memref<!tpu.dma_semaphore, #tpu.memory_space<semaphore_mem>>) attributes {dimension_semantics = [#tpu.dimension_semantics<core_parallel>, #tpu.dimension_semantics<subcore_parallel>], iteration_bounds = array<i64: 2, 16>, scalar_prefetch = 0 : i64, scratch_operands = 3 : i64, tpu.core_type = #tpu.core_type<sc_vector_subcore>, window_params = [{transform_indices = #map}, {transform_indices = #map1}, {transform_indices = #map1}]} {
    %mul3A = arith.constant 2 : i32
    %mul3A_0 = arith.muli %arg1, %mul3A : i32
    %add3A = arith.addi %mul3A_0, %arg0 : i32
    %mul3A_1 = arith.constant 512 : i32
    %mul3A_2 = arith.muli %add3A, %mul3A_1 : i32
    %scan3A = arith.constant 0 : i32
    %scan3A_3 = arith.constant 0 : i32
    %scan3A_4 = arith.constant 16 : i32
    %scan3A_5 = arith.addi %scan3A_3, %scan3A_4 : i32
    %scan3A_6 = arith.constant 1 : i32
    scf.for %scan3A_8 = %scan3A_3 to %scan3A_5 step %scan3A_6  : i32 {
      %mul3A_9 = arith.constant 32 : i32
      %mul3A_10 = arith.muli %scan3A_8, %mul3A_9 : i32
      %add3A_11 = arith.addi %mul3A_2, %mul3A_10 : i32
      %multiple_of3A = tpu.assume_multiple %add3A_11, 32 : i32
      %mul3A_12 = arith.constant 16 : i32
      %mul3A_13 = arith.muli %multiple_of3A, %mul3A_12 : i32
      "tpu.region"() ({
        %run_scoped3A = tpu.sem_alloc : memref<!tpu.dma_semaphore, #tpu.memory_space<semaphore_mem>>
        %dma_start3A_20 = tpu.memref_slice %arg2[%mul3A_13] : memref<262144xi32, #tpu.memory_space<hbm>> -> memref<512xi32, #tpu.memory_space<hbm>>
        %dma_start3A_21 = tpu.memref_slice %arg2[%mul3A_13] : memref<262144xi32, #tpu.memory_space<hbm>> -> memref<512xi32, #tpu.memory_space<hbm>>
        tpu.enqueue_dma source(%dma_start3A_21 : memref<512xi32, #tpu.memory_space<hbm>>) target(%arg5 : memref<512xi32, #tpu.memory_space<vmem>>) target_semaphore(%run_scoped3A : memref<!tpu.dma_semaphore, #tpu.memory_space<semaphore_mem>>)
        %dma_wait3A_22 = tpu.memref_slice %arg2[%mul3A_13] : memref<262144xi32, #tpu.memory_space<hbm>> -> memref<512xi32, #tpu.memory_space<hbm>>
        %dma_wait3A_23 = tpu.memref_slice %arg2[%mul3A_13] : memref<262144xi32, #tpu.memory_space<hbm>> -> memref<512xi32, #tpu.memory_space<hbm>>
        tpu.wait_dma2 semaphore(%run_scoped3A : memref<!tpu.dma_semaphore, #tpu.memory_space<semaphore_mem>>) src(%dma_wait3A_23 : memref<512xi32, #tpu.memory_space<hbm>>) dst(%arg5 : memref<512xi32, #tpu.memory_space<vmem>>)
        tpu.yield
      }) : () -> ()
      %dma_start3A = arith.constant 0 : i32
      %dma_start3A_14 = arith.constant 0 : i32
      %dma_start3A_15 = tpu.memref_slice %arg3[%dma_start3A, %dma_start3A_14] : memref<16384x128xf32, #tpu.memory_space<hbm>> -> memref<16384x128xf32, #tpu.memory_space<hbm>>
      tpu.enqueue_indirect_dma source(%dma_start3A_15 : memref<16384x128xf32, #tpu.memory_space<hbm>>) target(%arg6 : memref<512x128xf32, #tpu.memory_space<vmem>>) offsets(%arg5 : memref<512xi32, #tpu.memory_space<vmem>>) semaphore(%arg7 : memref<!tpu.dma_semaphore, #tpu.memory_space<semaphore_mem>>)
      %dma_wait3A = arith.constant 0 : i32
      %dma_wait3A_16 = arith.constant 0 : i32
      %dma_wait3A_17 = tpu.memref_slice %arg3[%dma_wait3A, %dma_wait3A_16] : memref<16384x128xf32, #tpu.memory_space<hbm>> -> memref<16384x128xf32, #tpu.memory_space<hbm>>
      tpu.wait_indirect_dma semaphore(%arg7 : memref<!tpu.dma_semaphore, #tpu.memory_space<semaphore_mem>>) src(%dma_wait3A_17 : memref<16384x128xf32, #tpu.memory_space<hbm>>) dst(%arg6 : memref<512x128xf32, #tpu.memory_space<vmem>>)
      %mul3A_18 = arith.constant 16 : i32
      %mul3A_19 = arith.muli %multiple_of3A, %mul3A_18 : i32
      "tpu.region"() ({
        %run_scoped3A = tpu.sem_alloc : memref<!tpu.dma_semaphore, #tpu.memory_space<semaphore_mem>>
        %dma_start3A_20 = arith.constant 0 : i32
        %dma_start3A_21 = tpu.memref_slice %arg4[%mul3A_19, %dma_start3A_20] : memref<262144x128xf32, #tpu.memory_space<hbm>> -> memref<512x128xf32, #tpu.memory_space<hbm>>
        %dma_start3A_22 = arith.constant 0 : i32
        %dma_start3A_23 = tpu.memref_slice %arg4[%mul3A_19, %dma_start3A_22] : memref<262144x128xf32, #tpu.memory_space<hbm>> -> memref<512x128xf32, #tpu.memory_space<hbm>>
        tpu.enqueue_dma source(%arg6 : memref<512x128xf32, #tpu.memory_space<vmem>>) target(%dma_start3A_23 : memref<512x128xf32, #tpu.memory_space<hbm>>) target_semaphore(%run_scoped3A : memref<!tpu.dma_semaphore, #tpu.memory_space<semaphore_mem>>)
        %dma_wait3A_24 = arith.constant 0 : i32
        %dma_wait3A_25 = tpu.memref_slice %arg4[%mul3A_19, %dma_wait3A_24] : memref<262144x128xf32, #tpu.memory_space<hbm>> -> memref<512x128xf32, #tpu.memory_space<hbm>>
        %dma_wait3A_26 = arith.constant 0 : i32
        %dma_wait3A_27 = tpu.memref_slice %arg4[%mul3A_19, %dma_wait3A_26] : memref<262144x128xf32, #tpu.memory_space<hbm>> -> memref<512x128xf32, #tpu.memory_space<hbm>>
        tpu.wait_dma2 semaphore(%run_scoped3A : memref<!tpu.dma_semaphore, #tpu.memory_space<semaphore_mem>>) src(%arg6 : memref<512x128xf32, #tpu.memory_space<vmem>>) dst(%dma_wait3A_27 : memref<512x128xf32, #tpu.memory_space<hbm>>)
        tpu.yield
      }) : () -> ()
    }
    %scan3A_7 = arith.constant 16 : i32
    return
  }
}

#map = affine_map<(d0, d1) -> (0)>
#map1 = affine_map<(d0, d1) -> (0, 0)>
module attributes {stable_mosaic.version = 14 : i64} {
  func.func @sc_kernel(%arg0: i32, %arg1: i32, %arg2: memref<262144xi32, #tpu.memory_space<hbm>>, %arg3: memref<16384x128xf32, #tpu.memory_space<hbm>>, %arg4: memref<262144x128xf32, #tpu.memory_space<hbm>>, %arg5: memref<512xi32, #tpu.memory_space<vmem>>, %arg6: memref<512x128xf32, #tpu.memory_space<vmem>>, %arg7: memref<!tpu.dma_semaphore, #tpu.memory_space<semaphore_mem>>) attributes {dimension_semantics = [#tpu.dimension_semantics<core_parallel>, #tpu.dimension_semantics<subcore_parallel>], iteration_bounds = array<i64: 2, 16>, scalar_prefetch = 0 : i64, scratch_operands = 3 : i64, tpu.core_type = #tpu.core_type<sc_vector_subcore>, window_params = [{transform_indices = #map}, {transform_indices = #map1}, {transform_indices = #map1}]} {
    %mul3A = arith.constant 2 : i32
    %mul3A_0 = arith.muli %arg1, %mul3A : i32
    %add3A = arith.addi %mul3A_0, %arg0 : i32
    %mul3A_1 = arith.constant 256 : i32
    %mul3A_2 = arith.muli %add3A, %mul3A_1 : i32
    %scan3A = arith.constant 0 : i32
    %scan3A_3 = arith.constant 0 : i32
    %scan3A_4 = arith.constant 16 : i32
    %scan3A_5 = arith.addi %scan3A_3, %scan3A_4 : i32
    %scan3A_6 = arith.constant 1 : i32
    scf.for %scan3A_8 = %scan3A_3 to %scan3A_5 step %scan3A_6  : i32 {
      %mul3A_9 = arith.constant 16 : i32
      %mul3A_10 = arith.muli %scan3A_8, %mul3A_9 : i32
      %add3A_11 = arith.addi %mul3A_2, %mul3A_10 : i32
      %multiple_of3A = tpu.assume_multiple %add3A_11, 16 : i32
      %mul3A_12 = arith.constant 32 : i32
      %mul3A_13 = arith.muli %multiple_of3A, %mul3A_12 : i32
      "tpu.region"() ({
        %run_scoped3A = tpu.sem_alloc : memref<!tpu.dma_semaphore, #tpu.memory_space<semaphore_mem>>
        %dma_start3A_20 = tpu.memref_slice %arg2[%mul3A_13] : memref<262144xi32, #tpu.memory_space<hbm>> -> memref<512xi32, #tpu.memory_space<hbm>>
        %dma_start3A_21 = tpu.memref_slice %arg2[%mul3A_13] : memref<262144xi32, #tpu.memory_space<hbm>> -> memref<512xi32, #tpu.memory_space<hbm>>
        tpu.enqueue_dma source(%dma_start3A_21 : memref<512xi32, #tpu.memory_space<hbm>>) target(%arg5 : memref<512xi32, #tpu.memory_space<vmem>>) target_semaphore(%run_scoped3A : memref<!tpu.dma_semaphore, #tpu.memory_space<semaphore_mem>>)
        %dma_wait3A_22 = tpu.memref_slice %arg2[%mul3A_13] : memref<262144xi32, #tpu.memory_space<hbm>> -> memref<512xi32, #tpu.memory_space<hbm>>
        %dma_wait3A_23 = tpu.memref_slice %arg2[%mul3A_13] : memref<262144xi32, #tpu.memory_space<hbm>> -> memref<512xi32, #tpu.memory_space<hbm>>
        tpu.wait_dma2 semaphore(%run_scoped3A : memref<!tpu.dma_semaphore, #tpu.memory_space<semaphore_mem>>) src(%dma_wait3A_23 : memref<512xi32, #tpu.memory_space<hbm>>) dst(%arg5 : memref<512xi32, #tpu.memory_space<vmem>>)
        tpu.yield
      }) : () -> ()
      %dma_start3A = arith.constant 0 : i32
      %dma_start3A_14 = arith.constant 0 : i32
      %dma_start3A_15 = tpu.memref_slice %arg3[%dma_start3A, %dma_start3A_14] : memref<16384x128xf32, #tpu.memory_space<hbm>> -> memref<16384x128xf32, #tpu.memory_space<hbm>>
      tpu.enqueue_indirect_dma source(%dma_start3A_15 : memref<16384x128xf32, #tpu.memory_space<hbm>>) target(%arg6 : memref<512x128xf32, #tpu.memory_space<vmem>>) offsets(%arg5 : memref<512xi32, #tpu.memory_space<vmem>>) semaphore(%arg7 : memref<!tpu.dma_semaphore, #tpu.memory_space<semaphore_mem>>)
      %dma_wait3A = arith.constant 0 : i32
      %dma_wait3A_16 = arith.constant 0 : i32
      %dma_wait3A_17 = tpu.memref_slice %arg3[%dma_wait3A, %dma_wait3A_16] : memref<16384x128xf32, #tpu.memory_space<hbm>> -> memref<16384x128xf32, #tpu.memory_space<hbm>>
      tpu.wait_indirect_dma semaphore(%arg7 : memref<!tpu.dma_semaphore, #tpu.memory_space<semaphore_mem>>) src(%dma_wait3A_17 : memref<16384x128xf32, #tpu.memory_space<hbm>>) dst(%arg6 : memref<512x128xf32, #tpu.memory_space<vmem>>)
      %mul3A_18 = arith.constant 32 : i32
      %mul3A_19 = arith.muli %multiple_of3A, %mul3A_18 : i32
      "tpu.region"() ({
        %run_scoped3A = tpu.sem_alloc : memref<!tpu.dma_semaphore, #tpu.memory_space<semaphore_mem>>
        %dma_start3A_20 = arith.constant 0 : i32
        %dma_start3A_21 = tpu.memref_slice %arg4[%mul3A_19, %dma_start3A_20] : memref<262144x128xf32, #tpu.memory_space<hbm>> -> memref<512x128xf32, #tpu.memory_space<hbm>>
        %dma_start3A_22 = arith.constant 0 : i32
        %dma_start3A_23 = tpu.memref_slice %arg4[%mul3A_19, %dma_start3A_22] : memref<262144x128xf32, #tpu.memory_space<hbm>> -> memref<512x128xf32, #tpu.memory_space<hbm>>
        tpu.enqueue_dma source(%arg6 : memref<512x128xf32, #tpu.memory_space<vmem>>) target(%dma_start3A_23 : memref<512x128xf32, #tpu.memory_space<hbm>>) target_semaphore(%run_scoped3A : memref<!tpu.dma_semaphore, #tpu.memory_space<semaphore_mem>>)
        %dma_wait3A_24 = arith.constant 0 : i32
        %dma_wait3A_25 = tpu.memref_slice %arg4[%mul3A_19, %dma_wait3A_24] : memref<262144x128xf32, #tpu.memory_space<hbm>> -> memref<512x128xf32, #tpu.memory_space<hbm>>
        %dma_wait3A_26 = arith.constant 0 : i32
        %dma_wait3A_27 = tpu.memref_slice %arg4[%mul3A_19, %dma_wait3A_26] : memref<262144x128xf32, #tpu.memory_space<hbm>> -> memref<512x128xf32, #tpu.memory_space<hbm>>
        tpu.wait_dma2 semaphore(%run_scoped3A : memref<!tpu.dma_semaphore, #tpu.memory_space<semaphore_mem>>) src(%arg6 : memref<512x128xf32, #tpu.memory_space<vmem>>) dst(%dma_wait3A_27 : memref<512x128xf32, #tpu.memory_space<hbm>>)
        tpu.yield
      }) : () -> ()
    }
    %scan3A_7 = arith.constant 16 : i32
    return
  }
}

module attributes {stable_mosaic.version = 14 : i64} {
  func.func @_select_body(%arg0: i32, %arg1: i32, %arg2: memref<1x3x128xf32, #tpu.memory_space<vmem>>, %arg3: memref<1x3x4096xf32, #tpu.memory_space<vmem>>, %arg4: memref<1x32x128xi32, #tpu.memory_space<vmem>>) attributes {dimension_semantics = [#tpu.dimension_semantics<arbitrary>, #tpu.dimension_semantics<arbitrary>], iteration_bounds = array<i64: 4, 32>, scalar_prefetch = 0 : i64, scratch_operands = 0 : i64, tpu.core_type = #tpu.core_type<tc>, window_params = [{transform_indices = @transform_0, window_bounds = array<i64: 1, 3, 128>}, {transform_indices = @transform_1, window_bounds = array<i64: 1, 3, 4096>}, {transform_indices = @transform_2, window_bounds = array<i64: 1, 32, 128>}]} {
    %get3A = arith.constant 0 : index
    %get3A_0 = arith.constant 0 : index
    %get3A_1 = arith.constant 0 : index
    %get3A_2 = vector.load %arg3[%get3A, %get3A_0, %get3A_1] : memref<1x3x4096xf32, #tpu.memory_space<vmem>>, vector<1x3x4096xf32>
    %get3A_3 = vector.shape_cast %get3A_2 : vector<1x3x4096xf32> to vector<3x4096xf32>
    %get3A_4 = arith.constant 0 : index
    %get3A_5 = arith.constant 0 : index
    %get3A_6 = arith.constant 0 : index
    %get3A_7 = vector.load %arg2[%get3A_4, %get3A_5, %get3A_6] : memref<1x3x128xf32, #tpu.memory_space<vmem>>, vector<1x3x128xf32>
    %get3A_8 = vector.shape_cast %get3A_7 : vector<1x3x128xf32> to vector<3x128xf32>
    %slice3A = vector.extract_strided_slice %get3A_3 {offsets = [0, 0], sizes = [1, 4096], strides = [1, 1]} : vector<3x4096xf32> to vector<1x4096xf32>
    %squeeze3A = vector.shape_cast %slice3A : vector<1x4096xf32> to vector<4096xf32>
    %broadcast_in_dim3A = vector.shape_cast %squeeze3A : vector<4096xf32> to vector<4096x1xf32>
    %slice3A_9 = vector.extract_strided_slice %get3A_8 {offsets = [0, 0], sizes = [1, 128], strides = [1, 1]} : vector<3x128xf32> to vector<1x128xf32>
    %squeeze3A_10 = vector.shape_cast %slice3A_9 : vector<1x128xf32> to vector<128xf32>
    %broadcast_in_dim3A_11 = vector.shape_cast %squeeze3A_10 : vector<128xf32> to vector<1x128xf32>
    %sub3A = vector.broadcast %broadcast_in_dim3A : vector<4096x1xf32> to vector<4096x128xf32>
    %sub3A_12 = vector.broadcast %broadcast_in_dim3A_11 : vector<1x128xf32> to vector<4096x128xf32>
    %sub3A_13 = arith.subf %sub3A, %sub3A_12 : vector<4096x128xf32>
    %mul3A = arith.mulf %sub3A_13, %sub3A_13 : vector<4096x128xf32>
    %slice3A_14 = vector.extract_strided_slice %get3A_3 {offsets = [1, 0], sizes = [1, 4096], strides = [1, 1]} : vector<3x4096xf32> to vector<1x4096xf32>
    %squeeze3A_15 = vector.shape_cast %slice3A_14 : vector<1x4096xf32> to vector<4096xf32>
    %broadcast_in_dim3A_16 = vector.shape_cast %squeeze3A_15 : vector<4096xf32> to vector<4096x1xf32>
    %slice3A_17 = vector.extract_strided_slice %get3A_8 {offsets = [1, 0], sizes = [1, 128], strides = [1, 1]} : vector<3x128xf32> to vector<1x128xf32>
    %squeeze3A_18 = vector.shape_cast %slice3A_17 : vector<1x128xf32> to vector<128xf32>
    %broadcast_in_dim3A_19 = vector.shape_cast %squeeze3A_18 : vector<128xf32> to vector<1x128xf32>
    %sub3A_20 = vector.broadcast %broadcast_in_dim3A_16 : vector<4096x1xf32> to vector<4096x128xf32>
    %sub3A_21 = vector.broadcast %broadcast_in_dim3A_19 : vector<1x128xf32> to vector<4096x128xf32>
    %sub3A_22 = arith.subf %sub3A_20, %sub3A_21 : vector<4096x128xf32>
    %mul3A_23 = arith.mulf %sub3A_22, %sub3A_22 : vector<4096x128xf32>
    %add3A = arith.addf %mul3A, %mul3A_23 : vector<4096x128xf32>
    %slice3A_24 = vector.extract_strided_slice %get3A_3 {offsets = [2, 0], sizes = [1, 4096], strides = [1, 1]} : vector<3x4096xf32> to vector<1x4096xf32>
    %squeeze3A_25 = vector.shape_cast %slice3A_24 : vector<1x4096xf32> to vector<4096xf32>
    %broadcast_in_dim3A_26 = vector.shape_cast %squeeze3A_25 : vector<4096xf32> to vector<4096x1xf32>
    %slice3A_27 = vector.extract_strided_slice %get3A_8 {offsets = [2, 0], sizes = [1, 128], strides = [1, 1]} : vector<3x128xf32> to vector<1x128xf32>
    %squeeze3A_28 = vector.shape_cast %slice3A_27 : vector<1x128xf32> to vector<128xf32>
    %broadcast_in_dim3A_29 = vector.shape_cast %squeeze3A_28 : vector<128xf32> to vector<1x128xf32>
    %sub3A_30 = vector.broadcast %broadcast_in_dim3A_26 : vector<4096x1xf32> to vector<4096x128xf32>
    %sub3A_31 = vector.broadcast %broadcast_in_dim3A_29 : vector<1x128xf32> to vector<4096x128xf32>
    %sub3A_32 = arith.subf %sub3A_30, %sub3A_31 : vector<4096x128xf32>
    %mul3A_33 = arith.mulf %sub3A_32, %sub3A_32 : vector<4096x128xf32>
    %add3A_34 = arith.addf %add3A, %mul3A_33 : vector<4096x128xf32>
    %bitcast_convert_type3A = tpu.bitcast %add3A_34 : vector<4096x128xf32> -> vector<4096x128xi32>
    %broadcast_in_dim3A_35 = arith.constant -1 : i32
    %broadcast_in_dim3A_36 = vector.broadcast %broadcast_in_dim3A_35 : i32 to vector<128xi32>
    %broadcast_in_dim3A_37 = arith.constant 2139095040 : i32
    %broadcast_in_dim3A_38 = vector.broadcast %broadcast_in_dim3A_37 : i32 to vector<128xi32>
    %add3A_39 = arith.addi %broadcast_in_dim3A_36, %broadcast_in_dim3A_38 : vector<128xi32>
    %shift_right_arithmetic3A = arith.constant 1 : i32
    %shift_right_arithmetic3A_40 = vector.broadcast %shift_right_arithmetic3A : i32 to vector<128xi32>
    %shift_right_arithmetic3A_41 = arith.shrsi %add3A_39, %shift_right_arithmetic3A_40 : vector<128xi32>
    %broadcast_in_dim3A_42 = vector.shape_cast %shift_right_arithmetic3A_41 : vector<128xi32> to vector<1x128xi32>
    %le3A = vector.broadcast %broadcast_in_dim3A_42 : vector<1x128xi32> to vector<4096x128xi32>
    %le3A_43 = arith.cmpi sle, %bitcast_convert_type3A, %le3A : vector<4096x128xi32>
    %convert_element_type3A = arith.extui %le3A_43 : vector<4096x128xi1> to vector<4096x128xi32>
    %convert_element_type3A_44 = arith.sitofp %convert_element_type3A : vector<4096x128xi32> to vector<4096x128xf32>
    %reduce_sum3A = arith.constant dense<0.000000e+00> : vector<128xf32>
    %reduce_sum3A_45 = vector.multi_reduction <add>, %convert_element_type3A_44, %reduce_sum3A [0] : vector<4096x128xf32> to vector<128xf32>
    %ge3A = arith.constant 3.200000e+01 : f32
    %ge3A_46 = vector.broadcast %ge3A : f32 to vector<128xf32>
    %ge3A_47 = arith.cmpf oge, %reduce_sum3A_45, %ge3A_46 : vector<128xf32>
    %select_n3A = arith.select %ge3A_47, %shift_right_arithmetic3A_41, %broadcast_in_dim3A_38 : vector<128xi1>, vector<128xi32>
    %select_n3A_48 = arith.select %ge3A_47, %broadcast_in_dim3A_36, %shift_right_arithmetic3A_41 : vector<128xi1>, vector<128xi32>
    %add3A_49 = arith.addi %select_n3A_48, %select_n3A : vector<128xi32>
    %shift_right_arithmetic3A_50 = arith.constant 1 : i32
    %shift_right_arithmetic3A_51 = vector.broadcast %shift_right_arithmetic3A_50 : i32 to vector<128xi32>
    %shift_right_arithmetic3A_52 = arith.shrsi %add3A_49, %shift_right_arithmetic3A_51 : vector<128xi32>
    %broadcast_in_dim3A_53 = vector.shape_cast %shift_right_arithmetic3A_52 : vector<128xi32> to vector<1x128xi32>
    %le3A_54 = vector.broadcast %broadcast_in_dim3A_53 : vector<1x128xi32> to vector<4096x128xi32>
    %le3A_55 = arith.cmpi sle, %bitcast_convert_type3A, %le3A_54 : vector<4096x128xi32>
    %convert_element_type3A_56 = arith.extui %le3A_55 : vector<4096x128xi1> to vector<4096x128xi32>
    %convert_element_type3A_57 = arith.sitofp %convert_element_type3A_56 : vector<4096x128xi32> to vector<4096x128xf32>
    %reduce_sum3A_58 = arith.constant dense<0.000000e+00> : vector<128xf32>
    %reduce_sum3A_59 = vector.multi_reduction <add>, %convert_element_type3A_57, %reduce_sum3A_58 [0] : vector<4096x128xf32> to vector<128xf32>
    %ge3A_60 = arith.constant 3.200000e+01 : f32
    %ge3A_61 = vector.broadcast %ge3A_60 : f32 to vector<128xf32>
    %ge3A_62 = arith.cmpf oge, %reduce_sum3A_59, %ge3A_61 : vector<128xf32>
    %select_n3A_63 = arith.select %ge3A_62, %shift_right_arithmetic3A_52, %select_n3A : vector<128xi1>, vector<128xi32>
    %select_n3A_64 = arith.select %ge3A_62, %select_n3A_48, %shift_right_arithmetic3A_52 : vector<128xi1>, vector<128xi32>
    %add3A_65 = arith.addi %select_n3A_64, %select_n3A_63 : vector<128xi32>
    %shift_right_arithmetic3A_66 = arith.constant 1 : i32
    %shift_right_arithmetic3A_67 = vector.broadcast %shift_right_arithmetic3A_66 : i32 to vector<128xi32>
    %shift_right_arithmetic3A_68 = arith.shrsi %add3A_65, %shift_right_arithmetic3A_67 : vector<128xi32>
    %broadcast_in_dim3A_69 = vector.shape_cast %shift_right_arithmetic3A_68 : vector<128xi32> to vector<1x128xi32>
    %le3A_70 = vector.broadcast %broadcast_in_dim3A_69 : vector<1x128xi32> to vector<4096x128xi32>
    %le3A_71 = arith.cmpi sle, %bitcast_convert_type3A, %le3A_70 : vector<4096x128xi32>
    %convert_element_type3A_72 = arith.extui %le3A_71 : vector<4096x128xi1> to vector<4096x128xi32>
    %convert_element_type3A_73 = arith.sitofp %convert_element_type3A_72 : vector<4096x128xi32> to vector<4096x128xf32>
    %reduce_sum3A_74 = arith.constant dense<0.000000e+00> : vector<128xf32>
    %reduce_sum3A_75 = vector.multi_reduction <add>, %convert_element_type3A_73, %reduce_sum3A_74 [0] : vector<4096x128xf32> to vector<128xf32>
    %ge3A_76 = arith.constant 3.200000e+01 : f32
    %ge3A_77 = vector.broadcast %ge3A_76 : f32 to vector<128xf32>
    %ge3A_78 = arith.cmpf oge, %reduce_sum3A_75, %ge3A_77 : vector<128xf32>
    %select_n3A_79 = arith.select %ge3A_78, %shift_right_arithmetic3A_68, %select_n3A_63 : vector<128xi1>, vector<128xi32>
    %select_n3A_80 = arith.select %ge3A_78, %select_n3A_64, %shift_right_arithmetic3A_68 : vector<128xi1>, vector<128xi32>
    %add3A_81 = arith.addi %select_n3A_80, %select_n3A_79 : vector<128xi32>
    %shift_right_arithmetic3A_82 = arith.constant 1 : i32
    %shift_right_arithmetic3A_83 = vector.broadcast %shift_right_arithmetic3A_82 : i32 to vector<128xi32>
    %shift_right_arithmetic3A_84 = arith.shrsi %add3A_81, %shift_right_arithmetic3A_83 : vector<128xi32>
    %broadcast_in_dim3A_85 = vector.shape_cast %shift_right_arithmetic3A_84 : vector<128xi32> to vector<1x128xi32>
    %le3A_86 = vector.broadcast %broadcast_in_dim3A_85 : vector<1x128xi32> to vector<4096x128xi32>
    %le3A_87 = arith.cmpi sle, %bitcast_convert_type3A, %le3A_86 : vector<4096x128xi32>
    %convert_element_type3A_88 = arith.extui %le3A_87 : vector<4096x128xi1> to vector<4096x128xi32>
    %convert_element_type3A_89 = arith.sitofp %convert_element_type3A_88 : vector<4096x128xi32> to vector<4096x128xf32>
    %reduce_sum3A_90 = arith.constant dense<0.000000e+00> : vector<128xf32>
    %reduce_sum3A_91 = vector.multi_reduction <add>, %convert_element_type3A_89, %reduce_sum3A_90 [0] : vector<4096x128xf32> to vector<128xf32>
    %ge3A_92 = arith.constant 3.200000e+01 : f32
    %ge3A_93 = vector.broadcast %ge3A_92 : f32 to vector<128xf32>
    %ge3A_94 = arith.cmpf oge, %reduce_sum3A_91, %ge3A_93 : vector<128xf32>
    %select_n3A_95 = arith.select %ge3A_94, %shift_right_arithmetic3A_84, %select_n3A_79 : vector<128xi1>, vector<128xi32>
    %select_n3A_96 = arith.select %ge3A_94, %select_n3A_80, %shift_right_arithmetic3A_84 : vector<128xi1>, vector<128xi32>
    %add3A_97 = arith.addi %select_n3A_96, %select_n3A_95 : vector<128xi32>
    %shift_right_arithmetic3A_98 = arith.constant 1 : i32
    %shift_right_arithmetic3A_99 = vector.broadcast %shift_right_arithmetic3A_98 : i32 to vector<128xi32>
    %shift_right_arithmetic3A_100 = arith.shrsi %add3A_97, %shift_right_arithmetic3A_99 : vector<128xi32>
    %broadcast_in_dim3A_101 = vector.shape_cast %shift_right_arithmetic3A_100 : vector<128xi32> to vector<1x128xi32>
    %le3A_102 = vector.broadcast %broadcast_in_dim3A_101 : vector<1x128xi32> to vector<4096x128xi32>
    %le3A_103 = arith.cmpi sle, %bitcast_convert_type3A, %le3A_102 : vector<4096x128xi32>
    %convert_element_type3A_104 = arith.extui %le3A_103 : vector<4096x128xi1> to vector<4096x128xi32>
    %convert_element_type3A_105 = arith.sitofp %convert_element_type3A_104 : vector<4096x128xi32> to vector<4096x128xf32>
    %reduce_sum3A_106 = arith.constant dense<0.000000e+00> : vector<128xf32>
    %reduce_sum3A_107 = vector.multi_reduction <add>, %convert_element_type3A_105, %reduce_sum3A_106 [0] : vector<4096x128xf32> to vector<128xf32>
    %ge3A_108 = arith.constant 3.200000e+01 : f32
    %ge3A_109 = vector.broadcast %ge3A_108 : f32 to vector<128xf32>
    %ge3A_110 = arith.cmpf oge, %reduce_sum3A_107, %ge3A_109 : vector<128xf32>
    %select_n3A_111 = arith.select %ge3A_110, %shift_right_arithmetic3A_100, %select_n3A_95 : vector<128xi1>, vector<128xi32>
    %select_n3A_112 = arith.select %ge3A_110, %select_n3A_96, %shift_right_arithmetic3A_100 : vector<128xi1>, vector<128xi32>
    %add3A_113 = arith.addi %select_n3A_112, %select_n3A_111 : vector<128xi32>
    %shift_right_arithmetic3A_114 = arith.constant 1 : i32
    %shift_right_arithmetic3A_115 = vector.broadcast %shift_right_arithmetic3A_114 : i32 to vector<128xi32>
    %shift_right_arithmetic3A_116 = arith.shrsi %add3A_113, %shift_right_arithmetic3A_115 : vector<128xi32>
    %broadcast_in_dim3A_117 = vector.shape_cast %shift_right_arithmetic3A_116 : vector<128xi32> to vector<1x128xi32>
    %le3A_118 = vector.broadcast %broadcast_in_dim3A_117 : vector<1x128xi32> to vector<4096x128xi32>
    %le3A_119 = arith.cmpi sle, %bitcast_convert_type3A, %le3A_118 : vector<4096x128xi32>
    %convert_element_type3A_120 = arith.extui %le3A_119 : vector<4096x128xi1> to vector<4096x128xi32>
    %convert_element_type3A_121 = arith.sitofp %convert_element_type3A_120 : vector<4096x128xi32> to vector<4096x128xf32>
    %reduce_sum3A_122 = arith.constant dense<0.000000e+00> : vector<128xf32>
    %reduce_sum3A_123 = vector.multi_reduction <add>, %convert_element_type3A_121, %reduce_sum3A_122 [0] : vector<4096x128xf32> to vector<128xf32>
    %ge3A_124 = arith.constant 3.200000e+01 : f32
    %ge3A_125 = vector.broadcast %ge3A_124 : f32 to vector<128xf32>
    %ge3A_126 = arith.cmpf oge, %reduce_sum3A_123, %ge3A_125 : vector<128xf32>
    %select_n3A_127 = arith.select %ge3A_126, %shift_right_arithmetic3A_116, %select_n3A_111 : vector<128xi1>, vector<128xi32>
    %select_n3A_128 = arith.select %ge3A_126, %select_n3A_112, %shift_right_arithmetic3A_116 : vector<128xi1>, vector<128xi32>
    %add3A_129 = arith.addi %select_n3A_128, %select_n3A_127 : vector<128xi32>
    %shift_right_arithmetic3A_130 = arith.constant 1 : i32
    %shift_right_arithmetic3A_131 = vector.broadcast %shift_right_arithmetic3A_130 : i32 to vector<128xi32>
    %shift_right_arithmetic3A_132 = arith.shrsi %add3A_129, %shift_right_arithmetic3A_131 : vector<128xi32>
    %broadcast_in_dim3A_133 = vector.shape_cast %shift_right_arithmetic3A_132 : vector<128xi32> to vector<1x128xi32>
    %le3A_134 = vector.broadcast %broadcast_in_dim3A_133 : vector<1x128xi32> to vector<4096x128xi32>
    %le3A_135 = arith.cmpi sle, %bitcast_convert_type3A, %le3A_134 : vector<4096x128xi32>
    %convert_element_type3A_136 = arith.extui %le3A_135 : vector<4096x128xi1> to vector<4096x128xi32>
    %convert_element_type3A_137 = arith.sitofp %convert_element_type3A_136 : vector<4096x128xi32> to vector<4096x128xf32>
    %reduce_sum3A_138 = arith.constant dense<0.000000e+00> : vector<128xf32>
    %reduce_sum3A_139 = vector.multi_reduction <add>, %convert_element_type3A_137, %reduce_sum3A_138 [0] : vector<4096x128xf32> to vector<128xf32>
    %ge3A_140 = arith.constant 3.200000e+01 : f32
    %ge3A_141 = vector.broadcast %ge3A_140 : f32 to vector<128xf32>
    %ge3A_142 = arith.cmpf oge, %reduce_sum3A_139, %ge3A_141 : vector<128xf32>
    %select_n3A_143 = arith.select %ge3A_142, %shift_right_arithmetic3A_132, %select_n3A_127 : vector<128xi1>, vector<128xi32>
    %select_n3A_144 = arith.select %ge3A_142, %select_n3A_128, %shift_right_arithmetic3A_132 : vector<128xi1>, vector<128xi32>
    %add3A_145 = arith.addi %select_n3A_144, %select_n3A_143 : vector<128xi32>
    %shift_right_arithmetic3A_146 = arith.constant 1 : i32
    %shift_right_arithmetic3A_147 = vector.broadcast %shift_right_arithmetic3A_146 : i32 to vector<128xi32>
    %shift_right_arithmetic3A_148 = arith.shrsi %add3A_145, %shift_right_arithmetic3A_147 : vector<128xi32>
    %broadcast_in_dim3A_149 = vector.shape_cast %shift_right_arithmetic3A_148 : vector<128xi32> to vector<1x128xi32>
    %le3A_150 = vector.broadcast %broadcast_in_dim3A_149 : vector<1x128xi32> to vector<4096x128xi32>
    %le3A_151 = arith.cmpi sle, %bitcast_convert_type3A, %le3A_150 : vector<4096x128xi32>
    %convert_element_type3A_152 = arith.extui %le3A_151 : vector<4096x128xi1> to vector<4096x128xi32>
    %convert_element_type3A_153 = arith.sitofp %convert_element_type3A_152 : vector<4096x128xi32> to vector<4096x128xf32>
    %reduce_sum3A_154 = arith.constant dense<0.000000e+00> : vector<128xf32>
    %reduce_sum3A_155 = vector.multi_reduction <add>, %convert_element_type3A_153, %reduce_sum3A_154 [0] : vector<4096x128xf32> to vector<128xf32>
    %ge3A_156 = arith.constant 3.200000e+01 : f32
    %ge3A_157 = vector.broadcast %ge3A_156 : f32 to vector<128xf32>
    %ge3A_158 = arith.cmpf oge, %reduce_sum3A_155, %ge3A_157 : vector<128xf32>
    %select_n3A_159 = arith.select %ge3A_158, %shift_right_arithmetic3A_148, %select_n3A_143 : vector<128xi1>, vector<128xi32>
    %select_n3A_160 = arith.select %ge3A_158, %select_n3A_144, %shift_right_arithmetic3A_148 : vector<128xi1>, vector<128xi32>
    %add3A_161 = arith.addi %select_n3A_160, %select_n3A_159 : vector<128xi32>
    %shift_right_arithmetic3A_162 = arith.constant 1 : i32
    %shift_right_arithmetic3A_163 = vector.broadcast %shift_right_arithmetic3A_162 : i32 to vector<128xi32>
    %shift_right_arithmetic3A_164 = arith.shrsi %add3A_161, %shift_right_arithmetic3A_163 : vector<128xi32>
    %broadcast_in_dim3A_165 = vector.shape_cast %shift_right_arithmetic3A_164 : vector<128xi32> to vector<1x128xi32>
    %le3A_166 = vector.broadcast %broadcast_in_dim3A_165 : vector<1x128xi32> to vector<4096x128xi32>
    %le3A_167 = arith.cmpi sle, %bitcast_convert_type3A, %le3A_166 : vector<4096x128xi32>
    %convert_element_type3A_168 = arith.extui %le3A_167 : vector<4096x128xi1> to vector<4096x128xi32>
    %convert_element_type3A_169 = arith.sitofp %convert_element_type3A_168 : vector<4096x128xi32> to vector<4096x128xf32>
    %reduce_sum3A_170 = arith.constant dense<0.000000e+00> : vector<128xf32>
    %reduce_sum3A_171 = vector.multi_reduction <add>, %convert_element_type3A_169, %reduce_sum3A_170 [0] : vector<4096x128xf32> to vector<128xf32>
    %ge3A_172 = arith.constant 3.200000e+01 : f32
    %ge3A_173 = vector.broadcast %ge3A_172 : f32 to vector<128xf32>
    %ge3A_174 = arith.cmpf oge, %reduce_sum3A_171, %ge3A_173 : vector<128xf32>
    %select_n3A_175 = arith.select %ge3A_174, %shift_right_arithmetic3A_164, %select_n3A_159 : vector<128xi1>, vector<128xi32>
    %select_n3A_176 = arith.select %ge3A_174, %select_n3A_160, %shift_right_arithmetic3A_164 : vector<128xi1>, vector<128xi32>
    %add3A_177 = arith.addi %select_n3A_176, %select_n3A_175 : vector<128xi32>
    %shift_right_arithmetic3A_178 = arith.constant 1 : i32
    %shift_right_arithmetic3A_179 = vector.broadcast %shift_right_arithmetic3A_178 : i32 to vector<128xi32>
    %shift_right_arithmetic3A_180 = arith.shrsi %add3A_177, %shift_right_arithmetic3A_179 : vector<128xi32>
    %broadcast_in_dim3A_181 = vector.shape_cast %shift_right_arithmetic3A_180 : vector<128xi32> to vector<1x128xi32>
    %le3A_182 = vector.broadcast %broadcast_in_dim3A_181 : vector<1x128xi32> to vector<4096x128xi32>
    %le3A_183 = arith.cmpi sle, %bitcast_convert_type3A, %le3A_182 : vector<4096x128xi32>
    %convert_element_type3A_184 = arith.extui %le3A_183 : vector<4096x128xi1> to vector<4096x128xi32>
    %convert_element_type3A_185 = arith.sitofp %convert_element_type3A_184 : vector<4096x128xi32> to vector<4096x128xf32>
    %reduce_sum3A_186 = arith.constant dense<0.000000e+00> : vector<128xf32>
    %reduce_sum3A_187 = vector.multi_reduction <add>, %convert_element_type3A_185, %reduce_sum3A_186 [0] : vector<4096x128xf32> to vector<128xf32>
    %ge3A_188 = arith.constant 3.200000e+01 : f32
    %ge3A_189 = vector.broadcast %ge3A_188 : f32 to vector<128xf32>
    %ge3A_190 = arith.cmpf oge, %reduce_sum3A_187, %ge3A_189 : vector<128xf32>
    %select_n3A_191 = arith.select %ge3A_190, %shift_right_arithmetic3A_180, %select_n3A_175 : vector<128xi1>, vector<128xi32>
    %select_n3A_192 = arith.select %ge3A_190, %select_n3A_176, %shift_right_arithmetic3A_180 : vector<128xi1>, vector<128xi32>
    %add3A_193 = arith.addi %select_n3A_192, %select_n3A_191 : vector<128xi32>
    %shift_right_arithmetic3A_194 = arith.constant 1 : i32
    %shift_right_arithmetic3A_195 = vector.broadcast %shift_right_arithmetic3A_194 : i32 to vector<128xi32>
    %shift_right_arithmetic3A_196 = arith.shrsi %add3A_193, %shift_right_arithmetic3A_195 : vector<128xi32>
    %broadcast_in_dim3A_197 = vector.shape_cast %shift_right_arithmetic3A_196 : vector<128xi32> to vector<1x128xi32>
    %le3A_198 = vector.broadcast %broadcast_in_dim3A_197 : vector<1x128xi32> to vector<4096x128xi32>
    %le3A_199 = arith.cmpi sle, %bitcast_convert_type3A, %le3A_198 : vector<4096x128xi32>
    %convert_element_type3A_200 = arith.extui %le3A_199 : vector<4096x128xi1> to vector<4096x128xi32>
    %convert_element_type3A_201 = arith.sitofp %convert_element_type3A_200 : vector<4096x128xi32> to vector<4096x128xf32>
    %reduce_sum3A_202 = arith.constant dense<0.000000e+00> : vector<128xf32>
    %reduce_sum3A_203 = vector.multi_reduction <add>, %convert_element_type3A_201, %reduce_sum3A_202 [0] : vector<4096x128xf32> to vector<128xf32>
    %ge3A_204 = arith.constant 3.200000e+01 : f32
    %ge3A_205 = vector.broadcast %ge3A_204 : f32 to vector<128xf32>
    %ge3A_206 = arith.cmpf oge, %reduce_sum3A_203, %ge3A_205 : vector<128xf32>
    %select_n3A_207 = arith.select %ge3A_206, %shift_right_arithmetic3A_196, %select_n3A_191 : vector<128xi1>, vector<128xi32>
    %select_n3A_208 = arith.select %ge3A_206, %select_n3A_192, %shift_right_arithmetic3A_196 : vector<128xi1>, vector<128xi32>
    %add3A_209 = arith.addi %select_n3A_208, %select_n3A_207 : vector<128xi32>
    %shift_right_arithmetic3A_210 = arith.constant 1 : i32
    %shift_right_arithmetic3A_211 = vector.broadcast %shift_right_arithmetic3A_210 : i32 to vector<128xi32>
    %shift_right_arithmetic3A_212 = arith.shrsi %add3A_209, %shift_right_arithmetic3A_211 : vector<128xi32>
    %broadcast_in_dim3A_213 = vector.shape_cast %shift_right_arithmetic3A_212 : vector<128xi32> to vector<1x128xi32>
    %le3A_214 = vector.broadcast %broadcast_in_dim3A_213 : vector<1x128xi32> to vector<4096x128xi32>
    %le3A_215 = arith.cmpi sle, %bitcast_convert_type3A, %le3A_214 : vector<4096x128xi32>
    %convert_element_type3A_216 = arith.extui %le3A_215 : vector<4096x128xi1> to vector<4096x128xi32>
    %convert_element_type3A_217 = arith.sitofp %convert_element_type3A_216 : vector<4096x128xi32> to vector<4096x128xf32>
    %reduce_sum3A_218 = arith.constant dense<0.000000e+00> : vector<128xf32>
    %reduce_sum3A_219 = vector.multi_reduction <add>, %convert_element_type3A_217, %reduce_sum3A_218 [0] : vector<4096x128xf32> to vector<128xf32>
    %ge3A_220 = arith.constant 3.200000e+01 : f32
    %ge3A_221 = vector.broadcast %ge3A_220 : f32 to vector<128xf32>
    %ge3A_222 = arith.cmpf oge, %reduce_sum3A_219, %ge3A_221 : vector<128xf32>
    %select_n3A_223 = arith.select %ge3A_222, %shift_right_arithmetic3A_212, %select_n3A_207 : vector<128xi1>, vector<128xi32>
    %select_n3A_224 = arith.select %ge3A_222, %select_n3A_208, %shift_right_arithmetic3A_212 : vector<128xi1>, vector<128xi32>
    %add3A_225 = arith.addi %select_n3A_224, %select_n3A_223 : vector<128xi32>
    %shift_right_arithmetic3A_226 = arith.constant 1 : i32
    %shift_right_arithmetic3A_227 = vector.broadcast %shift_right_arithmetic3A_226 : i32 to vector<128xi32>
    %shift_right_arithmetic3A_228 = arith.shrsi %add3A_225, %shift_right_arithmetic3A_227 : vector<128xi32>
    %broadcast_in_dim3A_229 = vector.shape_cast %shift_right_arithmetic3A_228 : vector<128xi32> to vector<1x128xi32>
    %le3A_230 = vector.broadcast %broadcast_in_dim3A_229 : vector<1x128xi32> to vector<4096x128xi32>
    %le3A_231 = arith.cmpi sle, %bitcast_convert_type3A, %le3A_230 : vector<4096x128xi32>
    %convert_element_type3A_232 = arith.extui %le3A_231 : vector<4096x128xi1> to vector<4096x128xi32>
    %convert_element_type3A_233 = arith.sitofp %convert_element_type3A_232 : vector<4096x128xi32> to vector<4096x128xf32>
    %reduce_sum3A_234 = arith.constant dense<0.000000e+00> : vector<128xf32>
    %reduce_sum3A_235 = vector.multi_reduction <add>, %convert_element_type3A_233, %reduce_sum3A_234 [0] : vector<4096x128xf32> to vector<128xf32>
    %ge3A_236 = arith.constant 3.200000e+01 : f32
    %ge3A_237 = vector.broadcast %ge3A_236 : f32 to vector<128xf32>
    %ge3A_238 = arith.cmpf oge, %reduce_sum3A_235, %ge3A_237 : vector<128xf32>
    %select_n3A_239 = arith.select %ge3A_238, %shift_right_arithmetic3A_228, %select_n3A_223 : vector<128xi1>, vector<128xi32>
    %select_n3A_240 = arith.select %ge3A_238, %select_n3A_224, %shift_right_arithmetic3A_228 : vector<128xi1>, vector<128xi32>
    %add3A_241 = arith.addi %select_n3A_240, %select_n3A_239 : vector<128xi32>
    %shift_right_arithmetic3A_242 = arith.constant 1 : i32
    %shift_right_arithmetic3A_243 = vector.broadcast %shift_right_arithmetic3A_242 : i32 to vector<128xi32>
    %shift_right_arithmetic3A_244 = arith.shrsi %add3A_241, %shift_right_arithmetic3A_243 : vector<128xi32>
    %broadcast_in_dim3A_245 = vector.shape_cast %shift_right_arithmetic3A_244 : vector<128xi32> to vector<1x128xi32>
    %le3A_246 = vector.broadcast %broadcast_in_dim3A_245 : vector<1x128xi32> to vector<4096x128xi32>
    %le3A_247 = arith.cmpi sle, %bitcast_convert_type3A, %le3A_246 : vector<4096x128xi32>
    %convert_element_type3A_248 = arith.extui %le3A_247 : vector<4096x128xi1> to vector<4096x128xi32>
    %convert_element_type3A_249 = arith.sitofp %convert_element_type3A_248 : vector<4096x128xi32> to vector<4096x128xf32>
    %reduce_sum3A_250 = arith.constant dense<0.000000e+00> : vector<128xf32>
    %reduce_sum3A_251 = vector.multi_reduction <add>, %convert_element_type3A_249, %reduce_sum3A_250 [0] : vector<4096x128xf32> to vector<128xf32>
    %ge3A_252 = arith.constant 3.200000e+01 : f32
    %ge3A_253 = vector.broadcast %ge3A_252 : f32 to vector<128xf32>
    %ge3A_254 = arith.cmpf oge, %reduce_sum3A_251, %ge3A_253 : vector<128xf32>
    %select_n3A_255 = arith.select %ge3A_254, %shift_right_arithmetic3A_244, %select_n3A_239 : vector<128xi1>, vector<128xi32>
    %select_n3A_256 = arith.select %ge3A_254, %select_n3A_240, %shift_right_arithmetic3A_244 : vector<128xi1>, vector<128xi32>
    %add3A_257 = arith.addi %select_n3A_256, %select_n3A_255 : vector<128xi32>
    %shift_right_arithmetic3A_258 = arith.constant 1 : i32
    %shift_right_arithmetic3A_259 = vector.broadcast %shift_right_arithmetic3A_258 : i32 to vector<128xi32>
    %shift_right_arithmetic3A_260 = arith.shrsi %add3A_257, %shift_right_arithmetic3A_259 : vector<128xi32>
    %broadcast_in_dim3A_261 = vector.shape_cast %shift_right_arithmetic3A_260 : vector<128xi32> to vector<1x128xi32>
    %le3A_262 = vector.broadcast %broadcast_in_dim3A_261 : vector<1x128xi32> to vector<4096x128xi32>
    %le3A_263 = arith.cmpi sle, %bitcast_convert_type3A, %le3A_262 : vector<4096x128xi32>
    %convert_element_type3A_264 = arith.extui %le3A_263 : vector<4096x128xi1> to vector<4096x128xi32>
    %convert_element_type3A_265 = arith.sitofp %convert_element_type3A_264 : vector<4096x128xi32> to vector<4096x128xf32>
    %reduce_sum3A_266 = arith.constant dense<0.000000e+00> : vector<128xf32>
    %reduce_sum3A_267 = vector.multi_reduction <add>, %convert_element_type3A_265, %reduce_sum3A_266 [0] : vector<4096x128xf32> to vector<128xf32>
    %ge3A_268 = arith.constant 3.200000e+01 : f32
    %ge3A_269 = vector.broadcast %ge3A_268 : f32 to vector<128xf32>
    %ge3A_270 = arith.cmpf oge, %reduce_sum3A_267, %ge3A_269 : vector<128xf32>
    %select_n3A_271 = arith.select %ge3A_270, %shift_right_arithmetic3A_260, %select_n3A_255 : vector<128xi1>, vector<128xi32>
    %select_n3A_272 = arith.select %ge3A_270, %select_n3A_256, %shift_right_arithmetic3A_260 : vector<128xi1>, vector<128xi32>
    %add3A_273 = arith.addi %select_n3A_272, %select_n3A_271 : vector<128xi32>
    %shift_right_arithmetic3A_274 = arith.constant 1 : i32
    %shift_right_arithmetic3A_275 = vector.broadcast %shift_right_arithmetic3A_274 : i32 to vector<128xi32>
    %shift_right_arithmetic3A_276 = arith.shrsi %add3A_273, %shift_right_arithmetic3A_275 : vector<128xi32>
    %broadcast_in_dim3A_277 = vector.shape_cast %shift_right_arithmetic3A_276 : vector<128xi32> to vector<1x128xi32>
    %le3A_278 = vector.broadcast %broadcast_in_dim3A_277 : vector<1x128xi32> to vector<4096x128xi32>
    %le3A_279 = arith.cmpi sle, %bitcast_convert_type3A, %le3A_278 : vector<4096x128xi32>
    %convert_element_type3A_280 = arith.extui %le3A_279 : vector<4096x128xi1> to vector<4096x128xi32>
    %convert_element_type3A_281 = arith.sitofp %convert_element_type3A_280 : vector<4096x128xi32> to vector<4096x128xf32>
    %reduce_sum3A_282 = arith.constant dense<0.000000e+00> : vector<128xf32>
    %reduce_sum3A_283 = vector.multi_reduction <add>, %convert_element_type3A_281, %reduce_sum3A_282 [0] : vector<4096x128xf32> to vector<128xf32>
    %ge3A_284 = arith.constant 3.200000e+01 : f32
    %ge3A_285 = vector.broadcast %ge3A_284 : f32 to vector<128xf32>
    %ge3A_286 = arith.cmpf oge, %reduce_sum3A_283, %ge3A_285 : vector<128xf32>
    %select_n3A_287 = arith.select %ge3A_286, %shift_right_arithmetic3A_276, %select_n3A_271 : vector<128xi1>, vector<128xi32>
    %select_n3A_288 = arith.select %ge3A_286, %select_n3A_272, %shift_right_arithmetic3A_276 : vector<128xi1>, vector<128xi32>
    %add3A_289 = arith.addi %select_n3A_288, %select_n3A_287 : vector<128xi32>
    %shift_right_arithmetic3A_290 = arith.constant 1 : i32
    %shift_right_arithmetic3A_291 = vector.broadcast %shift_right_arithmetic3A_290 : i32 to vector<128xi32>
    %shift_right_arithmetic3A_292 = arith.shrsi %add3A_289, %shift_right_arithmetic3A_291 : vector<128xi32>
    %broadcast_in_dim3A_293 = vector.shape_cast %shift_right_arithmetic3A_292 : vector<128xi32> to vector<1x128xi32>
    %le3A_294 = vector.broadcast %broadcast_in_dim3A_293 : vector<1x128xi32> to vector<4096x128xi32>
    %le3A_295 = arith.cmpi sle, %bitcast_convert_type3A, %le3A_294 : vector<4096x128xi32>
    %convert_element_type3A_296 = arith.extui %le3A_295 : vector<4096x128xi1> to vector<4096x128xi32>
    %convert_element_type3A_297 = arith.sitofp %convert_element_type3A_296 : vector<4096x128xi32> to vector<4096x128xf32>
    %reduce_sum3A_298 = arith.constant dense<0.000000e+00> : vector<128xf32>
    %reduce_sum3A_299 = vector.multi_reduction <add>, %convert_element_type3A_297, %reduce_sum3A_298 [0] : vector<4096x128xf32> to vector<128xf32>
    %ge3A_300 = arith.constant 3.200000e+01 : f32
    %ge3A_301 = vector.broadcast %ge3A_300 : f32 to vector<128xf32>
    %ge3A_302 = arith.cmpf oge, %reduce_sum3A_299, %ge3A_301 : vector<128xf32>
    %select_n3A_303 = arith.select %ge3A_302, %shift_right_arithmetic3A_292, %select_n3A_287 : vector<128xi1>, vector<128xi32>
    %select_n3A_304 = arith.select %ge3A_302, %select_n3A_288, %shift_right_arithmetic3A_292 : vector<128xi1>, vector<128xi32>
    %add3A_305 = arith.addi %select_n3A_304, %select_n3A_303 : vector<128xi32>
    %shift_right_arithmetic3A_306 = arith.constant 1 : i32
    %shift_right_arithmetic3A_307 = vector.broadcast %shift_right_arithmetic3A_306 : i32 to vector<128xi32>
    %shift_right_arithmetic3A_308 = arith.shrsi %add3A_305, %shift_right_arithmetic3A_307 : vector<128xi32>
    %broadcast_in_dim3A_309 = vector.shape_cast %shift_right_arithmetic3A_308 : vector<128xi32> to vector<1x128xi32>
    %le3A_310 = vector.broadcast %broadcast_in_dim3A_309 : vector<1x128xi32> to vector<4096x128xi32>
    %le3A_311 = arith.cmpi sle, %bitcast_convert_type3A, %le3A_310 : vector<4096x128xi32>
    %convert_element_type3A_312 = arith.extui %le3A_311 : vector<4096x128xi1> to vector<4096x128xi32>
    %convert_element_type3A_313 = arith.sitofp %convert_element_type3A_312 : vector<4096x128xi32> to vector<4096x128xf32>
    %reduce_sum3A_314 = arith.constant dense<0.000000e+00> : vector<128xf32>
    %reduce_sum3A_315 = vector.multi_reduction <add>, %convert_element_type3A_313, %reduce_sum3A_314 [0] : vector<4096x128xf32> to vector<128xf32>
    %ge3A_316 = arith.constant 3.200000e+01 : f32
    %ge3A_317 = vector.broadcast %ge3A_316 : f32 to vector<128xf32>
    %ge3A_318 = arith.cmpf oge, %reduce_sum3A_315, %ge3A_317 : vector<128xf32>
    %select_n3A_319 = arith.select %ge3A_318, %shift_right_arithmetic3A_308, %select_n3A_303 : vector<128xi1>, vector<128xi32>
    %select_n3A_320 = arith.select %ge3A_318, %select_n3A_304, %shift_right_arithmetic3A_308 : vector<128xi1>, vector<128xi32>
    %add3A_321 = arith.addi %select_n3A_320, %select_n3A_319 : vector<128xi32>
    %shift_right_arithmetic3A_322 = arith.constant 1 : i32
    %shift_right_arithmetic3A_323 = vector.broadcast %shift_right_arithmetic3A_322 : i32 to vector<128xi32>
    %shift_right_arithmetic3A_324 = arith.shrsi %add3A_321, %shift_right_arithmetic3A_323 : vector<128xi32>
    %broadcast_in_dim3A_325 = vector.shape_cast %shift_right_arithmetic3A_324 : vector<128xi32> to vector<1x128xi32>
    %le3A_326 = vector.broadcast %broadcast_in_dim3A_325 : vector<1x128xi32> to vector<4096x128xi32>
    %le3A_327 = arith.cmpi sle, %bitcast_convert_type3A, %le3A_326 : vector<4096x128xi32>
    %convert_element_type3A_328 = arith.extui %le3A_327 : vector<4096x128xi1> to vector<4096x128xi32>
    %convert_element_type3A_329 = arith.sitofp %convert_element_type3A_328 : vector<4096x128xi32> to vector<4096x128xf32>
    %reduce_sum3A_330 = arith.constant dense<0.000000e+00> : vector<128xf32>
    %reduce_sum3A_331 = vector.multi_reduction <add>, %convert_element_type3A_329, %reduce_sum3A_330 [0] : vector<4096x128xf32> to vector<128xf32>
    %ge3A_332 = arith.constant 3.200000e+01 : f32
    %ge3A_333 = vector.broadcast %ge3A_332 : f32 to vector<128xf32>
    %ge3A_334 = arith.cmpf oge, %reduce_sum3A_331, %ge3A_333 : vector<128xf32>
    %select_n3A_335 = arith.select %ge3A_334, %shift_right_arithmetic3A_324, %select_n3A_319 : vector<128xi1>, vector<128xi32>
    %select_n3A_336 = arith.select %ge3A_334, %select_n3A_320, %shift_right_arithmetic3A_324 : vector<128xi1>, vector<128xi32>
    %add3A_337 = arith.addi %select_n3A_336, %select_n3A_335 : vector<128xi32>
    %shift_right_arithmetic3A_338 = arith.constant 1 : i32
    %shift_right_arithmetic3A_339 = vector.broadcast %shift_right_arithmetic3A_338 : i32 to vector<128xi32>
    %shift_right_arithmetic3A_340 = arith.shrsi %add3A_337, %shift_right_arithmetic3A_339 : vector<128xi32>
    %broadcast_in_dim3A_341 = vector.shape_cast %shift_right_arithmetic3A_340 : vector<128xi32> to vector<1x128xi32>
    %le3A_342 = vector.broadcast %broadcast_in_dim3A_341 : vector<1x128xi32> to vector<4096x128xi32>
    %le3A_343 = arith.cmpi sle, %bitcast_convert_type3A, %le3A_342 : vector<4096x128xi32>
    %convert_element_type3A_344 = arith.extui %le3A_343 : vector<4096x128xi1> to vector<4096x128xi32>
    %convert_element_type3A_345 = arith.sitofp %convert_element_type3A_344 : vector<4096x128xi32> to vector<4096x128xf32>
    %reduce_sum3A_346 = arith.constant dense<0.000000e+00> : vector<128xf32>
    %reduce_sum3A_347 = vector.multi_reduction <add>, %convert_element_type3A_345, %reduce_sum3A_346 [0] : vector<4096x128xf32> to vector<128xf32>
    %ge3A_348 = arith.constant 3.200000e+01 : f32
    %ge3A_349 = vector.broadcast %ge3A_348 : f32 to vector<128xf32>
    %ge3A_350 = arith.cmpf oge, %reduce_sum3A_347, %ge3A_349 : vector<128xf32>
    %select_n3A_351 = arith.select %ge3A_350, %shift_right_arithmetic3A_340, %select_n3A_335 : vector<128xi1>, vector<128xi32>
    %select_n3A_352 = arith.select %ge3A_350, %select_n3A_336, %shift_right_arithmetic3A_340 : vector<128xi1>, vector<128xi32>
    %add3A_353 = arith.addi %select_n3A_352, %select_n3A_351 : vector<128xi32>
    %shift_right_arithmetic3A_354 = arith.constant 1 : i32
    %shift_right_arithmetic3A_355 = vector.broadcast %shift_right_arithmetic3A_354 : i32 to vector<128xi32>
    %shift_right_arithmetic3A_356 = arith.shrsi %add3A_353, %shift_right_arithmetic3A_355 : vector<128xi32>
    %broadcast_in_dim3A_357 = vector.shape_cast %shift_right_arithmetic3A_356 : vector<128xi32> to vector<1x128xi32>
    %le3A_358 = vector.broadcast %broadcast_in_dim3A_357 : vector<1x128xi32> to vector<4096x128xi32>
    %le3A_359 = arith.cmpi sle, %bitcast_convert_type3A, %le3A_358 : vector<4096x128xi32>
    %convert_element_type3A_360 = arith.extui %le3A_359 : vector<4096x128xi1> to vector<4096x128xi32>
    %convert_element_type3A_361 = arith.sitofp %convert_element_type3A_360 : vector<4096x128xi32> to vector<4096x128xf32>
    %reduce_sum3A_362 = arith.constant dense<0.000000e+00> : vector<128xf32>
    %reduce_sum3A_363 = vector.multi_reduction <add>, %convert_element_type3A_361, %reduce_sum3A_362 [0] : vector<4096x128xf32> to vector<128xf32>
    %ge3A_364 = arith.constant 3.200000e+01 : f32
    %ge3A_365 = vector.broadcast %ge3A_364 : f32 to vector<128xf32>
    %ge3A_366 = arith.cmpf oge, %reduce_sum3A_363, %ge3A_365 : vector<128xf32>
    %select_n3A_367 = arith.select %ge3A_366, %shift_right_arithmetic3A_356, %select_n3A_351 : vector<128xi1>, vector<128xi32>
    %select_n3A_368 = arith.select %ge3A_366, %select_n3A_352, %shift_right_arithmetic3A_356 : vector<128xi1>, vector<128xi32>
    %add3A_369 = arith.addi %select_n3A_368, %select_n3A_367 : vector<128xi32>
    %shift_right_arithmetic3A_370 = arith.constant 1 : i32
    %shift_right_arithmetic3A_371 = vector.broadcast %shift_right_arithmetic3A_370 : i32 to vector<128xi32>
    %shift_right_arithmetic3A_372 = arith.shrsi %add3A_369, %shift_right_arithmetic3A_371 : vector<128xi32>
    %broadcast_in_dim3A_373 = vector.shape_cast %shift_right_arithmetic3A_372 : vector<128xi32> to vector<1x128xi32>
    %le3A_374 = vector.broadcast %broadcast_in_dim3A_373 : vector<1x128xi32> to vector<4096x128xi32>
    %le3A_375 = arith.cmpi sle, %bitcast_convert_type3A, %le3A_374 : vector<4096x128xi32>
    %convert_element_type3A_376 = arith.extui %le3A_375 : vector<4096x128xi1> to vector<4096x128xi32>
    %convert_element_type3A_377 = arith.sitofp %convert_element_type3A_376 : vector<4096x128xi32> to vector<4096x128xf32>
    %reduce_sum3A_378 = arith.constant dense<0.000000e+00> : vector<128xf32>
    %reduce_sum3A_379 = vector.multi_reduction <add>, %convert_element_type3A_377, %reduce_sum3A_378 [0] : vector<4096x128xf32> to vector<128xf32>
    %ge3A_380 = arith.constant 3.200000e+01 : f32
    %ge3A_381 = vector.broadcast %ge3A_380 : f32 to vector<128xf32>
    %ge3A_382 = arith.cmpf oge, %reduce_sum3A_379, %ge3A_381 : vector<128xf32>
    %select_n3A_383 = arith.select %ge3A_382, %shift_right_arithmetic3A_372, %select_n3A_367 : vector<128xi1>, vector<128xi32>
    %select_n3A_384 = arith.select %ge3A_382, %select_n3A_368, %shift_right_arithmetic3A_372 : vector<128xi1>, vector<128xi32>
    %add3A_385 = arith.addi %select_n3A_384, %select_n3A_383 : vector<128xi32>
    %shift_right_arithmetic3A_386 = arith.constant 1 : i32
    %shift_right_arithmetic3A_387 = vector.broadcast %shift_right_arithmetic3A_386 : i32 to vector<128xi32>
    %shift_right_arithmetic3A_388 = arith.shrsi %add3A_385, %shift_right_arithmetic3A_387 : vector<128xi32>
    %broadcast_in_dim3A_389 = vector.shape_cast %shift_right_arithmetic3A_388 : vector<128xi32> to vector<1x128xi32>
    %le3A_390 = vector.broadcast %broadcast_in_dim3A_389 : vector<1x128xi32> to vector<4096x128xi32>
    %le3A_391 = arith.cmpi sle, %bitcast_convert_type3A, %le3A_390 : vector<4096x128xi32>
    %convert_element_type3A_392 = arith.extui %le3A_391 : vector<4096x128xi1> to vector<4096x128xi32>
    %convert_element_type3A_393 = arith.sitofp %convert_element_type3A_392 : vector<4096x128xi32> to vector<4096x128xf32>
    %reduce_sum3A_394 = arith.constant dense<0.000000e+00> : vector<128xf32>
    %reduce_sum3A_395 = vector.multi_reduction <add>, %convert_element_type3A_393, %reduce_sum3A_394 [0] : vector<4096x128xf32> to vector<128xf32>
    %ge3A_396 = arith.constant 3.200000e+01 : f32
    %ge3A_397 = vector.broadcast %ge3A_396 : f32 to vector<128xf32>
    %ge3A_398 = arith.cmpf oge, %reduce_sum3A_395, %ge3A_397 : vector<128xf32>
    %select_n3A_399 = arith.select %ge3A_398, %shift_right_arithmetic3A_388, %select_n3A_383 : vector<128xi1>, vector<128xi32>
    %select_n3A_400 = arith.select %ge3A_398, %select_n3A_384, %shift_right_arithmetic3A_388 : vector<128xi1>, vector<128xi32>
    %add3A_401 = arith.addi %select_n3A_400, %select_n3A_399 : vector<128xi32>
    %shift_right_arithmetic3A_402 = arith.constant 1 : i32
    %shift_right_arithmetic3A_403 = vector.broadcast %shift_right_arithmetic3A_402 : i32 to vector<128xi32>
    %shift_right_arithmetic3A_404 = arith.shrsi %add3A_401, %shift_right_arithmetic3A_403 : vector<128xi32>
    %broadcast_in_dim3A_405 = vector.shape_cast %shift_right_arithmetic3A_404 : vector<128xi32> to vector<1x128xi32>
    %le3A_406 = vector.broadcast %broadcast_in_dim3A_405 : vector<1x128xi32> to vector<4096x128xi32>
    %le3A_407 = arith.cmpi sle, %bitcast_convert_type3A, %le3A_406 : vector<4096x128xi32>
    %convert_element_type3A_408 = arith.extui %le3A_407 : vector<4096x128xi1> to vector<4096x128xi32>
    %convert_element_type3A_409 = arith.sitofp %convert_element_type3A_408 : vector<4096x128xi32> to vector<4096x128xf32>
    %reduce_sum3A_410 = arith.constant dense<0.000000e+00> : vector<128xf32>
    %reduce_sum3A_411 = vector.multi_reduction <add>, %convert_element_type3A_409, %reduce_sum3A_410 [0] : vector<4096x128xf32> to vector<128xf32>
    %ge3A_412 = arith.constant 3.200000e+01 : f32
    %ge3A_413 = vector.broadcast %ge3A_412 : f32 to vector<128xf32>
    %ge3A_414 = arith.cmpf oge, %reduce_sum3A_411, %ge3A_413 : vector<128xf32>
    %select_n3A_415 = arith.select %ge3A_414, %shift_right_arithmetic3A_404, %select_n3A_399 : vector<128xi1>, vector<128xi32>
    %select_n3A_416 = arith.select %ge3A_414, %select_n3A_400, %shift_right_arithmetic3A_404 : vector<128xi1>, vector<128xi32>
    %add3A_417 = arith.addi %select_n3A_416, %select_n3A_415 : vector<128xi32>
    %shift_right_arithmetic3A_418 = arith.constant 1 : i32
    %shift_right_arithmetic3A_419 = vector.broadcast %shift_right_arithmetic3A_418 : i32 to vector<128xi32>
    %shift_right_arithmetic3A_420 = arith.shrsi %add3A_417, %shift_right_arithmetic3A_419 : vector<128xi32>
    %broadcast_in_dim3A_421 = vector.shape_cast %shift_right_arithmetic3A_420 : vector<128xi32> to vector<1x128xi32>
    %le3A_422 = vector.broadcast %broadcast_in_dim3A_421 : vector<1x128xi32> to vector<4096x128xi32>
    %le3A_423 = arith.cmpi sle, %bitcast_convert_type3A, %le3A_422 : vector<4096x128xi32>
    %convert_element_type3A_424 = arith.extui %le3A_423 : vector<4096x128xi1> to vector<4096x128xi32>
    %convert_element_type3A_425 = arith.sitofp %convert_element_type3A_424 : vector<4096x128xi32> to vector<4096x128xf32>
    %reduce_sum3A_426 = arith.constant dense<0.000000e+00> : vector<128xf32>
    %reduce_sum3A_427 = vector.multi_reduction <add>, %convert_element_type3A_425, %reduce_sum3A_426 [0] : vector<4096x128xf32> to vector<128xf32>
    %ge3A_428 = arith.constant 3.200000e+01 : f32
    %ge3A_429 = vector.broadcast %ge3A_428 : f32 to vector<128xf32>
    %ge3A_430 = arith.cmpf oge, %reduce_sum3A_427, %ge3A_429 : vector<128xf32>
    %select_n3A_431 = arith.select %ge3A_430, %shift_right_arithmetic3A_420, %select_n3A_415 : vector<128xi1>, vector<128xi32>
    %select_n3A_432 = arith.select %ge3A_430, %select_n3A_416, %shift_right_arithmetic3A_420 : vector<128xi1>, vector<128xi32>
    %add3A_433 = arith.addi %select_n3A_432, %select_n3A_431 : vector<128xi32>
    %shift_right_arithmetic3A_434 = arith.constant 1 : i32
    %shift_right_arithmetic3A_435 = vector.broadcast %shift_right_arithmetic3A_434 : i32 to vector<128xi32>
    %shift_right_arithmetic3A_436 = arith.shrsi %add3A_433, %shift_right_arithmetic3A_435 : vector<128xi32>
    %broadcast_in_dim3A_437 = vector.shape_cast %shift_right_arithmetic3A_436 : vector<128xi32> to vector<1x128xi32>
    %le3A_438 = vector.broadcast %broadcast_in_dim3A_437 : vector<1x128xi32> to vector<4096x128xi32>
    %le3A_439 = arith.cmpi sle, %bitcast_convert_type3A, %le3A_438 : vector<4096x128xi32>
    %convert_element_type3A_440 = arith.extui %le3A_439 : vector<4096x128xi1> to vector<4096x128xi32>
    %convert_element_type3A_441 = arith.sitofp %convert_element_type3A_440 : vector<4096x128xi32> to vector<4096x128xf32>
    %reduce_sum3A_442 = arith.constant dense<0.000000e+00> : vector<128xf32>
    %reduce_sum3A_443 = vector.multi_reduction <add>, %convert_element_type3A_441, %reduce_sum3A_442 [0] : vector<4096x128xf32> to vector<128xf32>
    %ge3A_444 = arith.constant 3.200000e+01 : f32
    %ge3A_445 = vector.broadcast %ge3A_444 : f32 to vector<128xf32>
    %ge3A_446 = arith.cmpf oge, %reduce_sum3A_443, %ge3A_445 : vector<128xf32>
    %select_n3A_447 = arith.select %ge3A_446, %shift_right_arithmetic3A_436, %select_n3A_431 : vector<128xi1>, vector<128xi32>
    %select_n3A_448 = arith.select %ge3A_446, %select_n3A_432, %shift_right_arithmetic3A_436 : vector<128xi1>, vector<128xi32>
    %add3A_449 = arith.addi %select_n3A_448, %select_n3A_447 : vector<128xi32>
    %shift_right_arithmetic3A_450 = arith.constant 1 : i32
    %shift_right_arithmetic3A_451 = vector.broadcast %shift_right_arithmetic3A_450 : i32 to vector<128xi32>
    %shift_right_arithmetic3A_452 = arith.shrsi %add3A_449, %shift_right_arithmetic3A_451 : vector<128xi32>
    %broadcast_in_dim3A_453 = vector.shape_cast %shift_right_arithmetic3A_452 : vector<128xi32> to vector<1x128xi32>
    %le3A_454 = vector.broadcast %broadcast_in_dim3A_453 : vector<1x128xi32> to vector<4096x128xi32>
    %le3A_455 = arith.cmpi sle, %bitcast_convert_type3A, %le3A_454 : vector<4096x128xi32>
    %convert_element_type3A_456 = arith.extui %le3A_455 : vector<4096x128xi1> to vector<4096x128xi32>
    %convert_element_type3A_457 = arith.sitofp %convert_element_type3A_456 : vector<4096x128xi32> to vector<4096x128xf32>
    %reduce_sum3A_458 = arith.constant dense<0.000000e+00> : vector<128xf32>
    %reduce_sum3A_459 = vector.multi_reduction <add>, %convert_element_type3A_457, %reduce_sum3A_458 [0] : vector<4096x128xf32> to vector<128xf32>
    %ge3A_460 = arith.constant 3.200000e+01 : f32
    %ge3A_461 = vector.broadcast %ge3A_460 : f32 to vector<128xf32>
    %ge3A_462 = arith.cmpf oge, %reduce_sum3A_459, %ge3A_461 : vector<128xf32>
    %select_n3A_463 = arith.select %ge3A_462, %shift_right_arithmetic3A_452, %select_n3A_447 : vector<128xi1>, vector<128xi32>
    %select_n3A_464 = arith.select %ge3A_462, %select_n3A_448, %shift_right_arithmetic3A_452 : vector<128xi1>, vector<128xi32>
    %add3A_465 = arith.addi %select_n3A_464, %select_n3A_463 : vector<128xi32>
    %shift_right_arithmetic3A_466 = arith.constant 1 : i32
    %shift_right_arithmetic3A_467 = vector.broadcast %shift_right_arithmetic3A_466 : i32 to vector<128xi32>
    %shift_right_arithmetic3A_468 = arith.shrsi %add3A_465, %shift_right_arithmetic3A_467 : vector<128xi32>
    %broadcast_in_dim3A_469 = vector.shape_cast %shift_right_arithmetic3A_468 : vector<128xi32> to vector<1x128xi32>
    %le3A_470 = vector.broadcast %broadcast_in_dim3A_469 : vector<1x128xi32> to vector<4096x128xi32>
    %le3A_471 = arith.cmpi sle, %bitcast_convert_type3A, %le3A_470 : vector<4096x128xi32>
    %convert_element_type3A_472 = arith.extui %le3A_471 : vector<4096x128xi1> to vector<4096x128xi32>
    %convert_element_type3A_473 = arith.sitofp %convert_element_type3A_472 : vector<4096x128xi32> to vector<4096x128xf32>
    %reduce_sum3A_474 = arith.constant dense<0.000000e+00> : vector<128xf32>
    %reduce_sum3A_475 = vector.multi_reduction <add>, %convert_element_type3A_473, %reduce_sum3A_474 [0] : vector<4096x128xf32> to vector<128xf32>
    %ge3A_476 = arith.constant 3.200000e+01 : f32
    %ge3A_477 = vector.broadcast %ge3A_476 : f32 to vector<128xf32>
    %ge3A_478 = arith.cmpf oge, %reduce_sum3A_475, %ge3A_477 : vector<128xf32>
    %select_n3A_479 = arith.select %ge3A_478, %shift_right_arithmetic3A_468, %select_n3A_463 : vector<128xi1>, vector<128xi32>
    %select_n3A_480 = arith.select %ge3A_478, %select_n3A_464, %shift_right_arithmetic3A_468 : vector<128xi1>, vector<128xi32>
    %add3A_481 = arith.addi %select_n3A_480, %select_n3A_479 : vector<128xi32>
    %shift_right_arithmetic3A_482 = arith.constant 1 : i32
    %shift_right_arithmetic3A_483 = vector.broadcast %shift_right_arithmetic3A_482 : i32 to vector<128xi32>
    %shift_right_arithmetic3A_484 = arith.shrsi %add3A_481, %shift_right_arithmetic3A_483 : vector<128xi32>
    %broadcast_in_dim3A_485 = vector.shape_cast %shift_right_arithmetic3A_484 : vector<128xi32> to vector<1x128xi32>
    %le3A_486 = vector.broadcast %broadcast_in_dim3A_485 : vector<1x128xi32> to vector<4096x128xi32>
    %le3A_487 = arith.cmpi sle, %bitcast_convert_type3A, %le3A_486 : vector<4096x128xi32>
    %convert_element_type3A_488 = arith.extui %le3A_487 : vector<4096x128xi1> to vector<4096x128xi32>
    %convert_element_type3A_489 = arith.sitofp %convert_element_type3A_488 : vector<4096x128xi32> to vector<4096x128xf32>
    %reduce_sum3A_490 = arith.constant dense<0.000000e+00> : vector<128xf32>
    %reduce_sum3A_491 = vector.multi_reduction <add>, %convert_element_type3A_489, %reduce_sum3A_490 [0] : vector<4096x128xf32> to vector<128xf32>
    %ge3A_492 = arith.constant 3.200000e+01 : f32
    %ge3A_493 = vector.broadcast %ge3A_492 : f32 to vector<128xf32>
    %ge3A_494 = arith.cmpf oge, %reduce_sum3A_491, %ge3A_493 : vector<128xf32>
    %select_n3A_495 = arith.select %ge3A_494, %shift_right_arithmetic3A_484, %select_n3A_479 : vector<128xi1>, vector<128xi32>
    %select_n3A_496 = arith.select %ge3A_494, %select_n3A_480, %shift_right_arithmetic3A_484 : vector<128xi1>, vector<128xi32>
    %add3A_497 = arith.addi %select_n3A_496, %select_n3A_495 : vector<128xi32>
    %shift_right_arithmetic3A_498 = arith.constant 1 : i32
    %shift_right_arithmetic3A_499 = vector.broadcast %shift_right_arithmetic3A_498 : i32 to vector<128xi32>
    %shift_right_arithmetic3A_500 = arith.shrsi %add3A_497, %shift_right_arithmetic3A_499 : vector<128xi32>
    %broadcast_in_dim3A_501 = vector.shape_cast %shift_right_arithmetic3A_500 : vector<128xi32> to vector<1x128xi32>
    %le3A_502 = vector.broadcast %broadcast_in_dim3A_501 : vector<1x128xi32> to vector<4096x128xi32>
    %le3A_503 = arith.cmpi sle, %bitcast_convert_type3A, %le3A_502 : vector<4096x128xi32>
    %convert_element_type3A_504 = arith.extui %le3A_503 : vector<4096x128xi1> to vector<4096x128xi32>
    %convert_element_type3A_505 = arith.sitofp %convert_element_type3A_504 : vector<4096x128xi32> to vector<4096x128xf32>
    %reduce_sum3A_506 = arith.constant dense<0.000000e+00> : vector<128xf32>
    %reduce_sum3A_507 = vector.multi_reduction <add>, %convert_element_type3A_505, %reduce_sum3A_506 [0] : vector<4096x128xf32> to vector<128xf32>
    %ge3A_508 = arith.constant 3.200000e+01 : f32
    %ge3A_509 = vector.broadcast %ge3A_508 : f32 to vector<128xf32>
    %ge3A_510 = arith.cmpf oge, %reduce_sum3A_507, %ge3A_509 : vector<128xf32>
    %select_n3A_511 = arith.select %ge3A_510, %shift_right_arithmetic3A_500, %select_n3A_495 : vector<128xi1>, vector<128xi32>
    %select_n3A_512 = arith.select %ge3A_510, %select_n3A_496, %shift_right_arithmetic3A_500 : vector<128xi1>, vector<128xi32>
    %add3A_513 = arith.addi %select_n3A_512, %select_n3A_511 : vector<128xi32>
    %shift_right_arithmetic3A_514 = arith.constant 1 : i32
    %shift_right_arithmetic3A_515 = vector.broadcast %shift_right_arithmetic3A_514 : i32 to vector<128xi32>
    %shift_right_arithmetic3A_516 = arith.shrsi %add3A_513, %shift_right_arithmetic3A_515 : vector<128xi32>
    %broadcast_in_dim3A_517 = vector.shape_cast %shift_right_arithmetic3A_516 : vector<128xi32> to vector<1x128xi32>
    %le3A_518 = vector.broadcast %broadcast_in_dim3A_517 : vector<1x128xi32> to vector<4096x128xi32>
    %le3A_519 = arith.cmpi sle, %bitcast_convert_type3A, %le3A_518 : vector<4096x128xi32>
    %convert_element_type3A_520 = arith.extui %le3A_519 : vector<4096x128xi1> to vector<4096x128xi32>
    %convert_element_type3A_521 = arith.sitofp %convert_element_type3A_520 : vector<4096x128xi32> to vector<4096x128xf32>
    %reduce_sum3A_522 = arith.constant dense<0.000000e+00> : vector<128xf32>
    %reduce_sum3A_523 = vector.multi_reduction <add>, %convert_element_type3A_521, %reduce_sum3A_522 [0] : vector<4096x128xf32> to vector<128xf32>
    %ge3A_524 = arith.constant 3.200000e+01 : f32
    %ge3A_525 = vector.broadcast %ge3A_524 : f32 to vector<128xf32>
    %ge3A_526 = arith.cmpf oge, %reduce_sum3A_523, %ge3A_525 : vector<128xf32>
    %select_n3A_527 = arith.select %ge3A_526, %shift_right_arithmetic3A_516, %select_n3A_511 : vector<128xi1>, vector<128xi32>
    %broadcast_in_dim3A_528 = vector.shape_cast %select_n3A_527 : vector<128xi32> to vector<1x128xi32>
    %le3A_529 = vector.broadcast %broadcast_in_dim3A_528 : vector<1x128xi32> to vector<4096x128xi32>
    %le3A_530 = arith.cmpi sle, %bitcast_convert_type3A, %le3A_529 : vector<4096x128xi32>
    %iota3A = tpu.iota {dimensions = array<i32: 0>} : vector<4096x128xi32>
    %convert_element_type3A_531 = arith.sitofp %iota3A : vector<4096x128xi32> to vector<4096x128xf32>
    %jit3A = arith.constant 1.000000e+09 : f32
    %broadcast_in_dim3A_532 = vector.broadcast %jit3A : f32 to vector<4096x128xf32>
    %select_n3A_533 = arith.select %le3A_530, %convert_element_type3A_531, %broadcast_in_dim3A_532 : vector<4096x128xi1>, vector<4096x128xf32>
    %reshape3A = vector.shape_cast %select_n3A_533 : vector<4096x128xf32> to vector<32x128x128xf32>
    %reduce_min3A = arith.constant dense<0x7F800000> : vector<32x128xf32>
    %reduce_min3A_534 = vector.multi_reduction <minimumf>, %reshape3A, %reduce_min3A [1] : vector<32x128x128xf32> to vector<32x128xf32>
    %broadcast_in_dim3A_535 = vector.shape_cast %reduce_min3A_534 : vector<32x128xf32> to vector<32x1x128xf32>
    %broadcast_in_dim3A_536 = vector.shape_cast %broadcast_in_dim3A_535 : vector<32x1x128xf32> to vector<32x1x128xf32>
    %broadcast_in_dim3A_537 = vector.broadcast %broadcast_in_dim3A_536 : vector<32x1x128xf32> to vector<32x128x128xf32>
    %reshape3A_538 = vector.shape_cast %broadcast_in_dim3A_537 : vector<32x128x128xf32> to vector<4096x128xf32>
    %eq3A = arith.cmpf oeq, %select_n3A_533, %reshape3A_538 : vector<4096x128xf32>
    %jit3A_539 = arith.constant 1.000000e+09 : f32
    %broadcast_in_dim3A_540 = vector.broadcast %jit3A_539 : f32 to vector<4096x128xf32>
    %select_n3A_541 = arith.select %eq3A, %broadcast_in_dim3A_540, %select_n3A_533 : vector<4096x128xi1>, vector<4096x128xf32>
    %reshape3A_542 = vector.shape_cast %select_n3A_541 : vector<4096x128xf32> to vector<32x128x128xf32>
    %reduce_min3A_543 = arith.constant dense<0x7F800000> : vector<32x128xf32>
    %reduce_min3A_544 = vector.multi_reduction <minimumf>, %reshape3A_542, %reduce_min3A_543 [1] : vector<32x128x128xf32> to vector<32x128xf32>
    %broadcast_in_dim3A_545 = vector.shape_cast %reduce_min3A_544 : vector<32x128xf32> to vector<32x1x128xf32>
    %broadcast_in_dim3A_546 = vector.shape_cast %broadcast_in_dim3A_545 : vector<32x1x128xf32> to vector<32x1x128xf32>
    %broadcast_in_dim3A_547 = vector.broadcast %broadcast_in_dim3A_546 : vector<32x1x128xf32> to vector<32x128x128xf32>
    %reshape3A_548 = vector.shape_cast %broadcast_in_dim3A_547 : vector<32x128x128xf32> to vector<4096x128xf32>
    %eq3A_549 = arith.cmpf oeq, %select_n3A_541, %reshape3A_548 : vector<4096x128xf32>
    %jit3A_550 = arith.constant 1.000000e+09 : f32
    %broadcast_in_dim3A_551 = vector.broadcast %jit3A_550 : f32 to vector<4096x128xf32>
    %select_n3A_552 = arith.select %eq3A_549, %broadcast_in_dim3A_551, %select_n3A_541 : vector<4096x128xi1>, vector<4096x128xf32>
    %reshape3A_553 = vector.shape_cast %select_n3A_552 : vector<4096x128xf32> to vector<32x128x128xf32>
    %reduce_min3A_554 = arith.constant dense<0x7F800000> : vector<32x128xf32>
    %reduce_min3A_555 = vector.multi_reduction <minimumf>, %reshape3A_553, %reduce_min3A_554 [1] : vector<32x128x128xf32> to vector<32x128xf32>
    %broadcast_in_dim3A_556 = vector.shape_cast %reduce_min3A_555 : vector<32x128xf32> to vector<32x1x128xf32>
    %broadcast_in_dim3A_557 = vector.shape_cast %broadcast_in_dim3A_556 : vector<32x1x128xf32> to vector<32x1x128xf32>
    %broadcast_in_dim3A_558 = vector.broadcast %broadcast_in_dim3A_557 : vector<32x1x128xf32> to vector<32x128x128xf32>
    %reshape3A_559 = vector.shape_cast %broadcast_in_dim3A_558 : vector<32x128x128xf32> to vector<4096x128xf32>
    %eq3A_560 = arith.cmpf oeq, %select_n3A_552, %reshape3A_559 : vector<4096x128xf32>
    %jit3A_561 = arith.constant 1.000000e+09 : f32
    %broadcast_in_dim3A_562 = vector.broadcast %jit3A_561 : f32 to vector<4096x128xf32>
    %select_n3A_563 = arith.select %eq3A_560, %broadcast_in_dim3A_562, %select_n3A_552 : vector<4096x128xi1>, vector<4096x128xf32>
    %reshape3A_564 = vector.shape_cast %select_n3A_563 : vector<4096x128xf32> to vector<32x128x128xf32>
    %reduce_min3A_565 = arith.constant dense<0x7F800000> : vector<32x128xf32>
    %reduce_min3A_566 = vector.multi_reduction <minimumf>, %reshape3A_564, %reduce_min3A_565 [1] : vector<32x128x128xf32> to vector<32x128xf32>
    %broadcast_in_dim3A_567 = vector.shape_cast %reduce_min3A_566 : vector<32x128xf32> to vector<32x1x128xf32>
    %broadcast_in_dim3A_568 = vector.shape_cast %broadcast_in_dim3A_567 : vector<32x1x128xf32> to vector<32x1x128xf32>
    %broadcast_in_dim3A_569 = vector.broadcast %broadcast_in_dim3A_568 : vector<32x1x128xf32> to vector<32x128x128xf32>
    %reshape3A_570 = vector.shape_cast %broadcast_in_dim3A_569 : vector<32x128x128xf32> to vector<4096x128xf32>
    %eq3A_571 = arith.cmpf oeq, %select_n3A_563, %reshape3A_570 : vector<4096x128xf32>
    %jit3A_572 = arith.constant 1.000000e+09 : f32
    %broadcast_in_dim3A_573 = vector.broadcast %jit3A_572 : f32 to vector<4096x128xf32>
    %select_n3A_574 = arith.select %eq3A_571, %broadcast_in_dim3A_573, %select_n3A_563 : vector<4096x128xi1>, vector<4096x128xf32>
    %reshape3A_575 = vector.shape_cast %select_n3A_574 : vector<4096x128xf32> to vector<32x128x128xf32>
    %reduce_min3A_576 = arith.constant dense<0x7F800000> : vector<32x128xf32>
    %reduce_min3A_577 = vector.multi_reduction <minimumf>, %reshape3A_575, %reduce_min3A_576 [1] : vector<32x128x128xf32> to vector<32x128xf32>
    %broadcast_in_dim3A_578 = vector.shape_cast %reduce_min3A_577 : vector<32x128xf32> to vector<32x1x128xf32>
    %broadcast_in_dim3A_579 = vector.shape_cast %broadcast_in_dim3A_578 : vector<32x1x128xf32> to vector<32x1x128xf32>
    %broadcast_in_dim3A_580 = vector.broadcast %broadcast_in_dim3A_579 : vector<32x1x128xf32> to vector<32x128x128xf32>
    %reshape3A_581 = vector.shape_cast %broadcast_in_dim3A_580 : vector<32x128x128xf32> to vector<4096x128xf32>
    %eq3A_582 = arith.cmpf oeq, %select_n3A_574, %reshape3A_581 : vector<4096x128xf32>
    %jit3A_583 = arith.constant 1.000000e+09 : f32
    %broadcast_in_dim3A_584 = vector.broadcast %jit3A_583 : f32 to vector<4096x128xf32>
    %select_n3A_585 = arith.select %eq3A_582, %broadcast_in_dim3A_584, %select_n3A_574 : vector<4096x128xi1>, vector<4096x128xf32>
    %reshape3A_586 = vector.shape_cast %select_n3A_585 : vector<4096x128xf32> to vector<32x128x128xf32>
    %reduce_min3A_587 = arith.constant dense<0x7F800000> : vector<32x128xf32>
    %reduce_min3A_588 = vector.multi_reduction <minimumf>, %reshape3A_586, %reduce_min3A_587 [1] : vector<32x128x128xf32> to vector<32x128xf32>
    %broadcast_in_dim3A_589 = vector.shape_cast %reduce_min3A_588 : vector<32x128xf32> to vector<32x1x128xf32>
    %broadcast_in_dim3A_590 = vector.shape_cast %broadcast_in_dim3A_589 : vector<32x1x128xf32> to vector<32x1x128xf32>
    %broadcast_in_dim3A_591 = vector.broadcast %broadcast_in_dim3A_590 : vector<32x1x128xf32> to vector<32x128x128xf32>
    %reshape3A_592 = vector.shape_cast %broadcast_in_dim3A_591 : vector<32x128x128xf32> to vector<4096x128xf32>
    %eq3A_593 = arith.cmpf oeq, %select_n3A_585, %reshape3A_592 : vector<4096x128xf32>
    %jit3A_594 = arith.constant 1.000000e+09 : f32
    %broadcast_in_dim3A_595 = vector.broadcast %jit3A_594 : f32 to vector<4096x128xf32>
    %select_n3A_596 = arith.select %eq3A_593, %broadcast_in_dim3A_595, %select_n3A_585 : vector<4096x128xi1>, vector<4096x128xf32>
    %reshape3A_597 = vector.shape_cast %select_n3A_596 : vector<4096x128xf32> to vector<32x128x128xf32>
    %reduce_min3A_598 = arith.constant dense<0x7F800000> : vector<32x128xf32>
    %reduce_min3A_599 = vector.multi_reduction <minimumf>, %reshape3A_597, %reduce_min3A_598 [1] : vector<32x128x128xf32> to vector<32x128xf32>
    %broadcast_in_dim3A_600 = vector.shape_cast %reduce_min3A_599 : vector<32x128xf32> to vector<32x1x128xf32>
    %broadcast_in_dim3A_601 = vector.shape_cast %broadcast_in_dim3A_600 : vector<32x1x128xf32> to vector<32x1x128xf32>
    %broadcast_in_dim3A_602 = vector.broadcast %broadcast_in_dim3A_601 : vector<32x1x128xf32> to vector<32x128x128xf32>
    %reshape3A_603 = vector.shape_cast %broadcast_in_dim3A_602 : vector<32x128x128xf32> to vector<4096x128xf32>
    %eq3A_604 = arith.cmpf oeq, %select_n3A_596, %reshape3A_603 : vector<4096x128xf32>
    %jit3A_605 = arith.constant 1.000000e+09 : f32
    %broadcast_in_dim3A_606 = vector.broadcast %jit3A_605 : f32 to vector<4096x128xf32>
    %select_n3A_607 = arith.select %eq3A_604, %broadcast_in_dim3A_606, %select_n3A_596 : vector<4096x128xi1>, vector<4096x128xf32>
    %reshape3A_608 = vector.shape_cast %select_n3A_607 : vector<4096x128xf32> to vector<32x128x128xf32>
    %reduce_min3A_609 = arith.constant dense<0x7F800000> : vector<32x128xf32>
    %reduce_min3A_610 = vector.multi_reduction <minimumf>, %reshape3A_608, %reduce_min3A_609 [1] : vector<32x128x128xf32> to vector<32x128xf32>
    %broadcast_in_dim3A_611 = vector.shape_cast %reduce_min3A_610 : vector<32x128xf32> to vector<32x1x128xf32>
    %broadcast_in_dim3A_612 = vector.shape_cast %broadcast_in_dim3A_611 : vector<32x1x128xf32> to vector<32x1x128xf32>
    %broadcast_in_dim3A_613 = vector.broadcast %broadcast_in_dim3A_612 : vector<32x1x128xf32> to vector<32x128x128xf32>
    %reshape3A_614 = vector.shape_cast %broadcast_in_dim3A_613 : vector<32x128x128xf32> to vector<4096x128xf32>
    %eq3A_615 = arith.cmpf oeq, %select_n3A_607, %reshape3A_614 : vector<4096x128xf32>
    %jit3A_616 = arith.constant 1.000000e+09 : f32
    %broadcast_in_dim3A_617 = vector.broadcast %jit3A_616 : f32 to vector<4096x128xf32>
    %select_n3A_618 = arith.select %eq3A_615, %broadcast_in_dim3A_617, %select_n3A_607 : vector<4096x128xi1>, vector<4096x128xf32>
    %reshape3A_619 = vector.shape_cast %select_n3A_618 : vector<4096x128xf32> to vector<32x128x128xf32>
    %reduce_min3A_620 = arith.constant dense<0x7F800000> : vector<32x128xf32>
    %reduce_min3A_621 = vector.multi_reduction <minimumf>, %reshape3A_619, %reduce_min3A_620 [1] : vector<32x128x128xf32> to vector<32x128xf32>
    %broadcast_in_dim3A_622 = vector.shape_cast %reduce_min3A_621 : vector<32x128xf32> to vector<32x1x128xf32>
    %broadcast_in_dim3A_623 = vector.shape_cast %broadcast_in_dim3A_622 : vector<32x1x128xf32> to vector<32x1x128xf32>
    %broadcast_in_dim3A_624 = vector.broadcast %broadcast_in_dim3A_623 : vector<32x1x128xf32> to vector<32x128x128xf32>
    %reshape3A_625 = vector.shape_cast %broadcast_in_dim3A_624 : vector<32x128x128xf32> to vector<4096x128xf32>
    %eq3A_626 = arith.cmpf oeq, %select_n3A_618, %reshape3A_625 : vector<4096x128xf32>
    %jit3A_627 = arith.constant 1.000000e+09 : f32
    %broadcast_in_dim3A_628 = vector.broadcast %jit3A_627 : f32 to vector<4096x128xf32>
    %select_n3A_629 = arith.select %eq3A_626, %broadcast_in_dim3A_628, %select_n3A_618 : vector<4096x128xi1>, vector<4096x128xf32>
    %reshape3A_630 = vector.shape_cast %select_n3A_629 : vector<4096x128xf32> to vector<32x128x128xf32>
    %reduce_min3A_631 = arith.constant dense<0x7F800000> : vector<32x128xf32>
    %reduce_min3A_632 = vector.multi_reduction <minimumf>, %reshape3A_630, %reduce_min3A_631 [1] : vector<32x128x128xf32> to vector<32x128xf32>
    %broadcast_in_dim3A_633 = vector.shape_cast %reduce_min3A_632 : vector<32x128xf32> to vector<32x1x128xf32>
    %broadcast_in_dim3A_634 = vector.shape_cast %broadcast_in_dim3A_633 : vector<32x1x128xf32> to vector<32x1x128xf32>
    %broadcast_in_dim3A_635 = vector.broadcast %broadcast_in_dim3A_634 : vector<32x1x128xf32> to vector<32x128x128xf32>
    %reshape3A_636 = vector.shape_cast %broadcast_in_dim3A_635 : vector<32x128x128xf32> to vector<4096x128xf32>
    %eq3A_637 = arith.cmpf oeq, %select_n3A_629, %reshape3A_636 : vector<4096x128xf32>
    %jit3A_638 = arith.constant 1.000000e+09 : f32
    %broadcast_in_dim3A_639 = vector.broadcast %jit3A_638 : f32 to vector<4096x128xf32>
    %select_n3A_640 = arith.select %eq3A_637, %broadcast_in_dim3A_639, %select_n3A_629 : vector<4096x128xi1>, vector<4096x128xf32>
    %reshape3A_641 = vector.shape_cast %select_n3A_640 : vector<4096x128xf32> to vector<32x128x128xf32>
    %reduce_min3A_642 = arith.constant dense<0x7F800000> : vector<32x128xf32>
    %reduce_min3A_643 = vector.multi_reduction <minimumf>, %reshape3A_641, %reduce_min3A_642 [1] : vector<32x128x128xf32> to vector<32x128xf32>
    %broadcast_in_dim3A_644 = vector.shape_cast %reduce_min3A_643 : vector<32x128xf32> to vector<32x1x128xf32>
    %broadcast_in_dim3A_645 = vector.shape_cast %broadcast_in_dim3A_644 : vector<32x1x128xf32> to vector<32x1x128xf32>
    %broadcast_in_dim3A_646 = vector.broadcast %broadcast_in_dim3A_645 : vector<32x1x128xf32> to vector<32x128x128xf32>
    %reshape3A_647 = vector.shape_cast %broadcast_in_dim3A_646 : vector<32x128x128xf32> to vector<4096x128xf32>
    %eq3A_648 = arith.cmpf oeq, %select_n3A_640, %reshape3A_647 : vector<4096x128xf32>
    %jit3A_649 = arith.constant 1.000000e+09 : f32
    %broadcast_in_dim3A_650 = vector.broadcast %jit3A_649 : f32 to vector<4096x128xf32>
    %select_n3A_651 = arith.select %eq3A_648, %broadcast_in_dim3A_650, %select_n3A_640 : vector<4096x128xi1>, vector<4096x128xf32>
    %reshape3A_652 = vector.shape_cast %select_n3A_651 : vector<4096x128xf32> to vector<32x128x128xf32>
    %reduce_min3A_653 = arith.constant dense<0x7F800000> : vector<32x128xf32>
    %reduce_min3A_654 = vector.multi_reduction <minimumf>, %reshape3A_652, %reduce_min3A_653 [1] : vector<32x128x128xf32> to vector<32x128xf32>
    %concatenate3A = tpu.concatenate %reduce_min3A_534, %reduce_min3A_544, %reduce_min3A_555, %reduce_min3A_566, %reduce_min3A_577, %reduce_min3A_588, %reduce_min3A_599, %reduce_min3A_610, %reduce_min3A_621, %reduce_min3A_632, %reduce_min3A_643, %reduce_min3A_654 in 0 : vector<32x128xf32>, vector<32x128xf32>, vector<32x128xf32>, vector<32x128xf32>, vector<32x128xf32>, vector<32x128xf32>, vector<32x128xf32>, vector<32x128xf32>, vector<32x128xf32>, vector<32x128xf32>, vector<32x128xf32>, vector<32x128xf32> -> vector<384x128xf32>
    %reduce_min3A_655 = arith.constant dense<0x7F800000> : vector<128xf32>
    %reduce_min3A_656 = vector.multi_reduction <minimumf>, %concatenate3A, %reduce_min3A_655 [0] : vector<384x128xf32> to vector<128xf32>
    %min3A = arith.constant 4.095000e+03 : f32
    %min3A_657 = vector.broadcast %min3A : f32 to vector<128xf32>
    %min3A_658 = arith.minimumf %reduce_min3A_656, %min3A_657 : vector<128xf32>
    %convert_element_type3A_659 = arith.fptosi %min3A_658 : vector<128xf32> to vector<128xi32>
    %swap3A = arith.constant 0 : index
    %swap3A_660 = arith.constant 0 : index
    %swap3A_661 = arith.constant 0 : index
    %swap3A_662 = vector.load %arg4[%swap3A, %swap3A_660, %swap3A_661] : memref<1x32x128xi32, #tpu.memory_space<vmem>>, vector<1x1x128xi32>
    %swap3A_663 = vector.shape_cast %swap3A_662 : vector<1x1x128xi32> to vector<128xi32>
    %swap3A_664 = vector.shape_cast %convert_element_type3A_659 : vector<128xi32> to vector<1x1x128xi32>
    tpu.vector_store %arg4[%swap3A, %swap3A_660, %swap3A_661], %swap3A_664 {strides = array<i32>} : memref<1x32x128xi32, #tpu.memory_space<vmem>>, vector<1x1x128xi32>,
    %broadcast_in_dim3A_665 = vector.shape_cast %reduce_min3A_656 : vector<128xf32> to vector<1x128xf32>
    %eq3A_666 = vector.broadcast %broadcast_in_dim3A_665 : vector<1x128xf32> to vector<384x128xf32>
    %eq3A_667 = arith.cmpf oeq, %concatenate3A, %eq3A_666 : vector<384x128xf32>
    %jit3A_668 = arith.constant 1.000000e+09 : f32
    %broadcast_in_dim3A_669 = vector.broadcast %jit3A_668 : f32 to vector<384x128xf32>
    %select_n3A_670 = arith.select %eq3A_667, %broadcast_in_dim3A_669, %concatenate3A : vector<384x128xi1>, vector<384x128xf32>
    %reduce_min3A_671 = arith.constant dense<0x7F800000> : vector<128xf32>
    %reduce_min3A_672 = vector.multi_reduction <minimumf>, %select_n3A_670, %reduce_min3A_671 [0] : vector<384x128xf32> to vector<128xf32>
    %min3A_673 = arith.constant 4.095000e+03 : f32
    %min3A_674 = vector.broadcast %min3A_673 : f32 to vector<128xf32>
    %min3A_675 = arith.minimumf %reduce_min3A_672, %min3A_674 : vector<128xf32>
    %convert_element_type3A_676 = arith.fptosi %min3A_675 : vector<128xf32> to vector<128xi32>
    %swap3A_677 = arith.constant 0 : index
    %swap3A_678 = arith.constant 1 : index
    %swap3A_679 = arith.constant 0 : index
    %swap3A_680 = vector.load %arg4[%swap3A_677, %swap3A_678, %swap3A_679] : memref<1x32x128xi32, #tpu.memory_space<vmem>>, vector<1x1x128xi32>
    %swap3A_681 = vector.shape_cast %swap3A_680 : vector<1x1x128xi32> to vector<128xi32>
    %swap3A_682 = vector.shape_cast %convert_element_type3A_676 : vector<128xi32> to vector<1x1x128xi32>
    tpu.vector_store %arg4[%swap3A_677, %swap3A_678, %swap3A_679], %swap3A_682 {strides = array<i32>} : memref<1x32x128xi32, #tpu.memory_space<vmem>>, vector<1x1x128xi32>,
    %broadcast_in_dim3A_683 = vector.shape_cast %reduce_min3A_672 : vector<128xf32> to vector<1x128xf32>
    %eq3A_684 = vector.broadcast %broadcast_in_dim3A_683 : vector<1x128xf32> to vector<384x128xf32>
    %eq3A_685 = arith.cmpf oeq, %select_n3A_670, %eq3A_684 : vector<384x128xf32>
    %jit3A_686 = arith.constant 1.000000e+09 : f32
    %broadcast_in_dim3A_687 = vector.broadcast %jit3A_686 : f32 to vector<384x128xf32>
    %select_n3A_688 = arith.select %eq3A_685, %broadcast_in_dim3A_687, %select_n3A_670 : vector<384x128xi1>, vector<384x128xf32>
    %reduce_min3A_689 = arith.constant dense<0x7F800000> : vector<128xf32>
    %reduce_min3A_690 = vector.multi_reduction <minimumf>, %select_n3A_688, %reduce_min3A_689 [0] : vector<384x128xf32> to vector<128xf32>
    %min3A_691 = arith.constant 4.095000e+03 : f32
    %min3A_692 = vector.broadcast %min3A_691 : f32 to vector<128xf32>
    %min3A_693 = arith.minimumf %reduce_min3A_690, %min3A_692 : vector<128xf32>
    %convert_element_type3A_694 = arith.fptosi %min3A_693 : vector<128xf32> to vector<128xi32>
    %swap3A_695 = arith.constant 0 : index
    %swap3A_696 = arith.constant 2 : index
    %swap3A_697 = arith.constant 0 : index
    %swap3A_698 = vector.load %arg4[%swap3A_695, %swap3A_696, %swap3A_697] : memref<1x32x128xi32, #tpu.memory_space<vmem>>, vector<1x1x128xi32>
    %swap3A_699 = vector.shape_cast %swap3A_698 : vector<1x1x128xi32> to vector<128xi32>
    %swap3A_700 = vector.shape_cast %convert_element_type3A_694 : vector<128xi32> to vector<1x1x128xi32>
    tpu.vector_store %arg4[%swap3A_695, %swap3A_696, %swap3A_697], %swap3A_700 {strides = array<i32>} : memref<1x32x128xi32, #tpu.memory_space<vmem>>, vector<1x1x128xi32>,
    %broadcast_in_dim3A_701 = vector.shape_cast %reduce_min3A_690 : vector<128xf32> to vector<1x128xf32>
    %eq3A_702 = vector.broadcast %broadcast_in_dim3A_701 : vector<1x128xf32> to vector<384x128xf32>
    %eq3A_703 = arith.cmpf oeq, %select_n3A_688, %eq3A_702 : vector<384x128xf32>
    %jit3A_704 = arith.constant 1.000000e+09 : f32
    %broadcast_in_dim3A_705 = vector.broadcast %jit3A_704 : f32 to vector<384x128xf32>
    %select_n3A_706 = arith.select %eq3A_703, %broadcast_in_dim3A_705, %select_n3A_688 : vector<384x128xi1>, vector<384x128xf32>
    %reduce_min3A_707 = arith.constant dense<0x7F800000> : vector<128xf32>
    %reduce_min3A_708 = vector.multi_reduction <minimumf>, %select_n3A_706, %reduce_min3A_707 [0] : vector<384x128xf32> to vector<128xf32>
    %min3A_709 = arith.constant 4.095000e+03 : f32
    %min3A_710 = vector.broadcast %min3A_709 : f32 to vector<128xf32>
    %min3A_711 = arith.minimumf %reduce_min3A_708, %min3A_710 : vector<128xf32>
    %convert_element_type3A_712 = arith.fptosi %min3A_711 : vector<128xf32> to vector<128xi32>
    %swap3A_713 = arith.constant 0 : index
    %swap3A_714 = arith.constant 3 : index
    %swap3A_715 = arith.constant 0 : index
    %swap3A_716 = vector.load %arg4[%swap3A_713, %swap3A_714, %swap3A_715] : memref<1x32x128xi32, #tpu.memory_space<vmem>>, vector<1x1x128xi32>
    %swap3A_717 = vector.shape_cast %swap3A_716 : vector<1x1x128xi32> to vector<128xi32>
    %swap3A_718 = vector.shape_cast %convert_element_type3A_712 : vector<128xi32> to vector<1x1x128xi32>
    tpu.vector_store %arg4[%swap3A_713, %swap3A_714, %swap3A_715], %swap3A_718 {strides = array<i32>} : memref<1x32x128xi32, #tpu.memory_space<vmem>>, vector<1x1x128xi32>,
    %broadcast_in_dim3A_719 = vector.shape_cast %reduce_min3A_708 : vector<128xf32> to vector<1x128xf32>
    %eq3A_720 = vector.broadcast %broadcast_in_dim3A_719 : vector<1x128xf32> to vector<384x128xf32>
    %eq3A_721 = arith.cmpf oeq, %select_n3A_706, %eq3A_720 : vector<384x128xf32>
    %jit3A_722 = arith.constant 1.000000e+09 : f32
    %broadcast_in_dim3A_723 = vector.broadcast %jit3A_722 : f32 to vector<384x128xf32>
    %select_n3A_724 = arith.select %eq3A_721, %broadcast_in_dim3A_723, %select_n3A_706 : vector<384x128xi1>, vector<384x128xf32>
    %reduce_min3A_725 = arith.constant dense<0x7F800000> : vector<128xf32>
    %reduce_min3A_726 = vector.multi_reduction <minimumf>, %select_n3A_724, %reduce_min3A_725 [0] : vector<384x128xf32> to vector<128xf32>
    %min3A_727 = arith.constant 4.095000e+03 : f32
    %min3A_728 = vector.broadcast %min3A_727 : f32 to vector<128xf32>
    %min3A_729 = arith.minimumf %reduce_min3A_726, %min3A_728 : vector<128xf32>
    %convert_element_type3A_730 = arith.fptosi %min3A_729 : vector<128xf32> to vector<128xi32>
    %swap3A_731 = arith.constant 0 : index
    %swap3A_732 = arith.constant 4 : index
    %swap3A_733 = arith.constant 0 : index
    %swap3A_734 = vector.load %arg4[%swap3A_731, %swap3A_732, %swap3A_733] : memref<1x32x128xi32, #tpu.memory_space<vmem>>, vector<1x1x128xi32>
    %swap3A_735 = vector.shape_cast %swap3A_734 : vector<1x1x128xi32> to vector<128xi32>
    %swap3A_736 = vector.shape_cast %convert_element_type3A_730 : vector<128xi32> to vector<1x1x128xi32>
    tpu.vector_store %arg4[%swap3A_731, %swap3A_732, %swap3A_733], %swap3A_736 {strides = array<i32>} : memref<1x32x128xi32, #tpu.memory_space<vmem>>, vector<1x1x128xi32>,
    %broadcast_in_dim3A_737 = vector.shape_cast %reduce_min3A_726 : vector<128xf32> to vector<1x128xf32>
    %eq3A_738 = vector.broadcast %broadcast_in_dim3A_737 : vector<1x128xf32> to vector<384x128xf32>
    %eq3A_739 = arith.cmpf oeq, %select_n3A_724, %eq3A_738 : vector<384x128xf32>
    %jit3A_740 = arith.constant 1.000000e+09 : f32
    %broadcast_in_dim3A_741 = vector.broadcast %jit3A_740 : f32 to vector<384x128xf32>
    %select_n3A_742 = arith.select %eq3A_739, %broadcast_in_dim3A_741, %select_n3A_724 : vector<384x128xi1>, vector<384x128xf32>
    %reduce_min3A_743 = arith.constant dense<0x7F800000> : vector<128xf32>
    %reduce_min3A_744 = vector.multi_reduction <minimumf>, %select_n3A_742, %reduce_min3A_743 [0] : vector<384x128xf32> to vector<128xf32>
    %min3A_745 = arith.constant 4.095000e+03 : f32
    %min3A_746 = vector.broadcast %min3A_745 : f32 to vector<128xf32>
    %min3A_747 = arith.minimumf %reduce_min3A_744, %min3A_746 : vector<128xf32>
    %convert_element_type3A_748 = arith.fptosi %min3A_747 : vector<128xf32> to vector<128xi32>
    %swap3A_749 = arith.constant 0 : index
    %swap3A_750 = arith.constant 5 : index
    %swap3A_751 = arith.constant 0 : index
    %swap3A_752 = vector.load %arg4[%swap3A_749, %swap3A_750, %swap3A_751] : memref<1x32x128xi32, #tpu.memory_space<vmem>>, vector<1x1x128xi32>
    %swap3A_753 = vector.shape_cast %swap3A_752 : vector<1x1x128xi32> to vector<128xi32>
    %swap3A_754 = vector.shape_cast %convert_element_type3A_748 : vector<128xi32> to vector<1x1x128xi32>
    tpu.vector_store %arg4[%swap3A_749, %swap3A_750, %swap3A_751], %swap3A_754 {strides = array<i32>} : memref<1x32x128xi32, #tpu.memory_space<vmem>>, vector<1x1x128xi32>,
    %broadcast_in_dim3A_755 = vector.shape_cast %reduce_min3A_744 : vector<128xf32> to vector<1x128xf32>
    %eq3A_756 = vector.broadcast %broadcast_in_dim3A_755 : vector<1x128xf32> to vector<384x128xf32>
    %eq3A_757 = arith.cmpf oeq, %select_n3A_742, %eq3A_756 : vector<384x128xf32>
    %jit3A_758 = arith.constant 1.000000e+09 : f32
    %broadcast_in_dim3A_759 = vector.broadcast %jit3A_758 : f32 to vector<384x128xf32>
    %select_n3A_760 = arith.select %eq3A_757, %broadcast_in_dim3A_759, %select_n3A_742 : vector<384x128xi1>, vector<384x128xf32>
    %reduce_min3A_761 = arith.constant dense<0x7F800000> : vector<128xf32>
    %reduce_min3A_762 = vector.multi_reduction <minimumf>, %select_n3A_760, %reduce_min3A_761 [0] : vector<384x128xf32> to vector<128xf32>
    %min3A_763 = arith.constant 4.095000e+03 : f32
    %min3A_764 = vector.broadcast %min3A_763 : f32 to vector<128xf32>
    %min3A_765 = arith.minimumf %reduce_min3A_762, %min3A_764 : vector<128xf32>
    %convert_element_type3A_766 = arith.fptosi %min3A_765 : vector<128xf32> to vector<128xi32>
    %swap3A_767 = arith.constant 0 : index
    %swap3A_768 = arith.constant 6 : index
    %swap3A_769 = arith.constant 0 : index
    %swap3A_770 = vector.load %arg4[%swap3A_767, %swap3A_768, %swap3A_769] : memref<1x32x128xi32, #tpu.memory_space<vmem>>, vector<1x1x128xi32>
    %swap3A_771 = vector.shape_cast %swap3A_770 : vector<1x1x128xi32> to vector<128xi32>
    %swap3A_772 = vector.shape_cast %convert_element_type3A_766 : vector<128xi32> to vector<1x1x128xi32>
    tpu.vector_store %arg4[%swap3A_767, %swap3A_768, %swap3A_769], %swap3A_772 {strides = array<i32>} : memref<1x32x128xi32, #tpu.memory_space<vmem>>, vector<1x1x128xi32>,
    %broadcast_in_dim3A_773 = vector.shape_cast %reduce_min3A_762 : vector<128xf32> to vector<1x128xf32>
    %eq3A_774 = vector.broadcast %broadcast_in_dim3A_773 : vector<1x128xf32> to vector<384x128xf32>
    %eq3A_775 = arith.cmpf oeq, %select_n3A_760, %eq3A_774 : vector<384x128xf32>
    %jit3A_776 = arith.constant 1.000000e+09 : f32
    %broadcast_in_dim3A_777 = vector.broadcast %jit3A_776 : f32 to vector<384x128xf32>
    %select_n3A_778 = arith.select %eq3A_775, %broadcast_in_dim3A_777, %select_n3A_760 : vector<384x128xi1>, vector<384x128xf32>
    %reduce_min3A_779 = arith.constant dense<0x7F800000> : vector<128xf32>
    %reduce_min3A_780 = vector.multi_reduction <minimumf>, %select_n3A_778, %reduce_min3A_779 [0] : vector<384x128xf32> to vector<128xf32>
    %min3A_781 = arith.constant 4.095000e+03 : f32
    %min3A_782 = vector.broadcast %min3A_781 : f32 to vector<128xf32>
    %min3A_783 = arith.minimumf %reduce_min3A_780, %min3A_782 : vector<128xf32>
    %convert_element_type3A_784 = arith.fptosi %min3A_783 : vector<128xf32> to vector<128xi32>
    %swap3A_785 = arith.constant 0 : index
    %swap3A_786 = arith.constant 7 : index
    %swap3A_787 = arith.constant 0 : index
    %swap3A_788 = vector.load %arg4[%swap3A_785, %swap3A_786, %swap3A_787] : memref<1x32x128xi32, #tpu.memory_space<vmem>>, vector<1x1x128xi32>
    %swap3A_789 = vector.shape_cast %swap3A_788 : vector<1x1x128xi32> to vector<128xi32>
    %swap3A_790 = vector.shape_cast %convert_element_type3A_784 : vector<128xi32> to vector<1x1x128xi32>
    tpu.vector_store %arg4[%swap3A_785, %swap3A_786, %swap3A_787], %swap3A_790 {strides = array<i32>} : memref<1x32x128xi32, #tpu.memory_space<vmem>>, vector<1x1x128xi32>,
    %broadcast_in_dim3A_791 = vector.shape_cast %reduce_min3A_780 : vector<128xf32> to vector<1x128xf32>
    %eq3A_792 = vector.broadcast %broadcast_in_dim3A_791 : vector<1x128xf32> to vector<384x128xf32>
    %eq3A_793 = arith.cmpf oeq, %select_n3A_778, %eq3A_792 : vector<384x128xf32>
    %jit3A_794 = arith.constant 1.000000e+09 : f32
    %broadcast_in_dim3A_795 = vector.broadcast %jit3A_794 : f32 to vector<384x128xf32>
    %select_n3A_796 = arith.select %eq3A_793, %broadcast_in_dim3A_795, %select_n3A_778 : vector<384x128xi1>, vector<384x128xf32>
    %reduce_min3A_797 = arith.constant dense<0x7F800000> : vector<128xf32>
    %reduce_min3A_798 = vector.multi_reduction <minimumf>, %select_n3A_796, %reduce_min3A_797 [0] : vector<384x128xf32> to vector<128xf32>
    %min3A_799 = arith.constant 4.095000e+03 : f32
    %min3A_800 = vector.broadcast %min3A_799 : f32 to vector<128xf32>
    %min3A_801 = arith.minimumf %reduce_min3A_798, %min3A_800 : vector<128xf32>
    %convert_element_type3A_802 = arith.fptosi %min3A_801 : vector<128xf32> to vector<128xi32>
    %swap3A_803 = arith.constant 0 : index
    %swap3A_804 = arith.constant 8 : index
    %swap3A_805 = arith.constant 0 : index
    %swap3A_806 = vector.load %arg4[%swap3A_803, %swap3A_804, %swap3A_805] : memref<1x32x128xi32, #tpu.memory_space<vmem>>, vector<1x1x128xi32>
    %swap3A_807 = vector.shape_cast %swap3A_806 : vector<1x1x128xi32> to vector<128xi32>
    %swap3A_808 = vector.shape_cast %convert_element_type3A_802 : vector<128xi32> to vector<1x1x128xi32>
    tpu.vector_store %arg4[%swap3A_803, %swap3A_804, %swap3A_805], %swap3A_808 {strides = array<i32>} : memref<1x32x128xi32, #tpu.memory_space<vmem>>, vector<1x1x128xi32>,
    %broadcast_in_dim3A_809 = vector.shape_cast %reduce_min3A_798 : vector<128xf32> to vector<1x128xf32>
    %eq3A_810 = vector.broadcast %broadcast_in_dim3A_809 : vector<1x128xf32> to vector<384x128xf32>
    %eq3A_811 = arith.cmpf oeq, %select_n3A_796, %eq3A_810 : vector<384x128xf32>
    %jit3A_812 = arith.constant 1.000000e+09 : f32
    %broadcast_in_dim3A_813 = vector.broadcast %jit3A_812 : f32 to vector<384x128xf32>
    %select_n3A_814 = arith.select %eq3A_811, %broadcast_in_dim3A_813, %select_n3A_796 : vector<384x128xi1>, vector<384x128xf32>
    %reduce_min3A_815 = arith.constant dense<0x7F800000> : vector<128xf32>
    %reduce_min3A_816 = vector.multi_reduction <minimumf>, %select_n3A_814, %reduce_min3A_815 [0] : vector<384x128xf32> to vector<128xf32>
    %min3A_817 = arith.constant 4.095000e+03 : f32
    %min3A_818 = vector.broadcast %min3A_817 : f32 to vector<128xf32>
    %min3A_819 = arith.minimumf %reduce_min3A_816, %min3A_818 : vector<128xf32>
    %convert_element_type3A_820 = arith.fptosi %min3A_819 : vector<128xf32> to vector<128xi32>
    %swap3A_821 = arith.constant 0 : index
    %swap3A_822 = arith.constant 9 : index
    %swap3A_823 = arith.constant 0 : index
    %swap3A_824 = vector.load %arg4[%swap3A_821, %swap3A_822, %swap3A_823] : memref<1x32x128xi32, #tpu.memory_space<vmem>>, vector<1x1x128xi32>
    %swap3A_825 = vector.shape_cast %swap3A_824 : vector<1x1x128xi32> to vector<128xi32>
    %swap3A_826 = vector.shape_cast %convert_element_type3A_820 : vector<128xi32> to vector<1x1x128xi32>
    tpu.vector_store %arg4[%swap3A_821, %swap3A_822, %swap3A_823], %swap3A_826 {strides = array<i32>} : memref<1x32x128xi32, #tpu.memory_space<vmem>>, vector<1x1x128xi32>,
    %broadcast_in_dim3A_827 = vector.shape_cast %reduce_min3A_816 : vector<128xf32> to vector<1x128xf32>
    %eq3A_828 = vector.broadcast %broadcast_in_dim3A_827 : vector<1x128xf32> to vector<384x128xf32>
    %eq3A_829 = arith.cmpf oeq, %select_n3A_814, %eq3A_828 : vector<384x128xf32>
    %jit3A_830 = arith.constant 1.000000e+09 : f32
    %broadcast_in_dim3A_831 = vector.broadcast %jit3A_830 : f32 to vector<384x128xf32>
    %select_n3A_832 = arith.select %eq3A_829, %broadcast_in_dim3A_831, %select_n3A_814 : vector<384x128xi1>, vector<384x128xf32>
    %reduce_min3A_833 = arith.constant dense<0x7F800000> : vector<128xf32>
    %reduce_min3A_834 = vector.multi_reduction <minimumf>, %select_n3A_832, %reduce_min3A_833 [0] : vector<384x128xf32> to vector<128xf32>
    %min3A_835 = arith.constant 4.095000e+03 : f32
    %min3A_836 = vector.broadcast %min3A_835 : f32 to vector<128xf32>
    %min3A_837 = arith.minimumf %reduce_min3A_834, %min3A_836 : vector<128xf32>
    %convert_element_type3A_838 = arith.fptosi %min3A_837 : vector<128xf32> to vector<128xi32>
    %swap3A_839 = arith.constant 0 : index
    %swap3A_840 = arith.constant 10 : index
    %swap3A_841 = arith.constant 0 : index
    %swap3A_842 = vector.load %arg4[%swap3A_839, %swap3A_840, %swap3A_841] : memref<1x32x128xi32, #tpu.memory_space<vmem>>, vector<1x1x128xi32>
    %swap3A_843 = vector.shape_cast %swap3A_842 : vector<1x1x128xi32> to vector<128xi32>
    %swap3A_844 = vector.shape_cast %convert_element_type3A_838 : vector<128xi32> to vector<1x1x128xi32>
    tpu.vector_store %arg4[%swap3A_839, %swap3A_840, %swap3A_841], %swap3A_844 {strides = array<i32>} : memref<1x32x128xi32, #tpu.memory_space<vmem>>, vector<1x1x128xi32>,
    %broadcast_in_dim3A_845 = vector.shape_cast %reduce_min3A_834 : vector<128xf32> to vector<1x128xf32>
    %eq3A_846 = vector.broadcast %broadcast_in_dim3A_845 : vector<1x128xf32> to vector<384x128xf32>
    %eq3A_847 = arith.cmpf oeq, %select_n3A_832, %eq3A_846 : vector<384x128xf32>
    %jit3A_848 = arith.constant 1.000000e+09 : f32
    %broadcast_in_dim3A_849 = vector.broadcast %jit3A_848 : f32 to vector<384x128xf32>
    %select_n3A_850 = arith.select %eq3A_847, %broadcast_in_dim3A_849, %select_n3A_832 : vector<384x128xi1>, vector<384x128xf32>
    %reduce_min3A_851 = arith.constant dense<0x7F800000> : vector<128xf32>
    %reduce_min3A_852 = vector.multi_reduction <minimumf>, %select_n3A_850, %reduce_min3A_851 [0] : vector<384x128xf32> to vector<128xf32>
    %min3A_853 = arith.constant 4.095000e+03 : f32
    %min3A_854 = vector.broadcast %min3A_853 : f32 to vector<128xf32>
    %min3A_855 = arith.minimumf %reduce_min3A_852, %min3A_854 : vector<128xf32>
    %convert_element_type3A_856 = arith.fptosi %min3A_855 : vector<128xf32> to vector<128xi32>
    %swap3A_857 = arith.constant 0 : index
    %swap3A_858 = arith.constant 11 : index
    %swap3A_859 = arith.constant 0 : index
    %swap3A_860 = vector.load %arg4[%swap3A_857, %swap3A_858, %swap3A_859] : memref<1x32x128xi32, #tpu.memory_space<vmem>>, vector<1x1x128xi32>
    %swap3A_861 = vector.shape_cast %swap3A_860 : vector<1x1x128xi32> to vector<128xi32>
    %swap3A_862 = vector.shape_cast %convert_element_type3A_856 : vector<128xi32> to vector<1x1x128xi32>
    tpu.vector_store %arg4[%swap3A_857, %swap3A_858, %swap3A_859], %swap3A_862 {strides = array<i32>} : memref<1x32x128xi32, #tpu.memory_space<vmem>>, vector<1x1x128xi32>,
    %broadcast_in_dim3A_863 = vector.shape_cast %reduce_min3A_852 : vector<128xf32> to vector<1x128xf32>
    %eq3A_864 = vector.broadcast %broadcast_in_dim3A_863 : vector<1x128xf32> to vector<384x128xf32>
    %eq3A_865 = arith.cmpf oeq, %select_n3A_850, %eq3A_864 : vector<384x128xf32>
    %jit3A_866 = arith.constant 1.000000e+09 : f32
    %broadcast_in_dim3A_867 = vector.broadcast %jit3A_866 : f32 to vector<384x128xf32>
    %select_n3A_868 = arith.select %eq3A_865, %broadcast_in_dim3A_867, %select_n3A_850 : vector<384x128xi1>, vector<384x128xf32>
    %reduce_min3A_869 = arith.constant dense<0x7F800000> : vector<128xf32>
    %reduce_min3A_870 = vector.multi_reduction <minimumf>, %select_n3A_868, %reduce_min3A_869 [0] : vector<384x128xf32> to vector<128xf32>
    %min3A_871 = arith.constant 4.095000e+03 : f32
    %min3A_872 = vector.broadcast %min3A_871 : f32 to vector<128xf32>
    %min3A_873 = arith.minimumf %reduce_min3A_870, %min3A_872 : vector<128xf32>
    %convert_element_type3A_874 = arith.fptosi %min3A_873 : vector<128xf32> to vector<128xi32>
    %swap3A_875 = arith.constant 0 : index
    %swap3A_876 = arith.constant 12 : index
    %swap3A_877 = arith.constant 0 : index
    %swap3A_878 = vector.load %arg4[%swap3A_875, %swap3A_876, %swap3A_877] : memref<1x32x128xi32, #tpu.memory_space<vmem>>, vector<1x1x128xi32>
    %swap3A_879 = vector.shape_cast %swap3A_878 : vector<1x1x128xi32> to vector<128xi32>
    %swap3A_880 = vector.shape_cast %convert_element_type3A_874 : vector<128xi32> to vector<1x1x128xi32>
    tpu.vector_store %arg4[%swap3A_875, %swap3A_876, %swap3A_877], %swap3A_880 {strides = array<i32>} : memref<1x32x128xi32, #tpu.memory_space<vmem>>, vector<1x1x128xi32>,
    %broadcast_in_dim3A_881 = vector.shape_cast %reduce_min3A_870 : vector<128xf32> to vector<1x128xf32>
    %eq3A_882 = vector.broadcast %broadcast_in_dim3A_881 : vector<1x128xf32> to vector<384x128xf32>
    %eq3A_883 = arith.cmpf oeq, %select_n3A_868, %eq3A_882 : vector<384x128xf32>
    %jit3A_884 = arith.constant 1.000000e+09 : f32
    %broadcast_in_dim3A_885 = vector.broadcast %jit3A_884 : f32 to vector<384x128xf32>
    %select_n3A_886 = arith.select %eq3A_883, %broadcast_in_dim3A_885, %select_n3A_868 : vector<384x128xi1>, vector<384x128xf32>
    %reduce_min3A_887 = arith.constant dense<0x7F800000> : vector<128xf32>
    %reduce_min3A_888 = vector.multi_reduction <minimumf>, %select_n3A_886, %reduce_min3A_887 [0] : vector<384x128xf32> to vector<128xf32>
    %min3A_889 = arith.constant 4.095000e+03 : f32
    %min3A_890 = vector.broadcast %min3A_889 : f32 to vector<128xf32>
    %min3A_891 = arith.minimumf %reduce_min3A_888, %min3A_890 : vector<128xf32>
    %convert_element_type3A_892 = arith.fptosi %min3A_891 : vector<128xf32> to vector<128xi32>
    %swap3A_893 = arith.constant 0 : index
    %swap3A_894 = arith.constant 13 : index
    %swap3A_895 = arith.constant 0 : index
    %swap3A_896 = vector.load %arg4[%swap3A_893, %swap3A_894, %swap3A_895] : memref<1x32x128xi32, #tpu.memory_space<vmem>>, vector<1x1x128xi32>
    %swap3A_897 = vector.shape_cast %swap3A_896 : vector<1x1x128xi32> to vector<128xi32>
    %swap3A_898 = vector.shape_cast %convert_element_type3A_892 : vector<128xi32> to vector<1x1x128xi32>
    tpu.vector_store %arg4[%swap3A_893, %swap3A_894, %swap3A_895], %swap3A_898 {strides = array<i32>} : memref<1x32x128xi32, #tpu.memory_space<vmem>>, vector<1x1x128xi32>,
    %broadcast_in_dim3A_899 = vector.shape_cast %reduce_min3A_888 : vector<128xf32> to vector<1x128xf32>
    %eq3A_900 = vector.broadcast %broadcast_in_dim3A_899 : vector<1x128xf32> to vector<384x128xf32>
    %eq3A_901 = arith.cmpf oeq, %select_n3A_886, %eq3A_900 : vector<384x128xf32>
    %jit3A_902 = arith.constant 1.000000e+09 : f32
    %broadcast_in_dim3A_903 = vector.broadcast %jit3A_902 : f32 to vector<384x128xf32>
    %select_n3A_904 = arith.select %eq3A_901, %broadcast_in_dim3A_903, %select_n3A_886 : vector<384x128xi1>, vector<384x128xf32>
    %reduce_min3A_905 = arith.constant dense<0x7F800000> : vector<128xf32>
    %reduce_min3A_906 = vector.multi_reduction <minimumf>, %select_n3A_904, %reduce_min3A_905 [0] : vector<384x128xf32> to vector<128xf32>
    %min3A_907 = arith.constant 4.095000e+03 : f32
    %min3A_908 = vector.broadcast %min3A_907 : f32 to vector<128xf32>
    %min3A_909 = arith.minimumf %reduce_min3A_906, %min3A_908 : vector<128xf32>
    %convert_element_type3A_910 = arith.fptosi %min3A_909 : vector<128xf32> to vector<128xi32>
    %swap3A_911 = arith.constant 0 : index
    %swap3A_912 = arith.constant 14 : index
    %swap3A_913 = arith.constant 0 : index
    %swap3A_914 = vector.load %arg4[%swap3A_911, %swap3A_912, %swap3A_913] : memref<1x32x128xi32, #tpu.memory_space<vmem>>, vector<1x1x128xi32>
    %swap3A_915 = vector.shape_cast %swap3A_914 : vector<1x1x128xi32> to vector<128xi32>
    %swap3A_916 = vector.shape_cast %convert_element_type3A_910 : vector<128xi32> to vector<1x1x128xi32>
    tpu.vector_store %arg4[%swap3A_911, %swap3A_912, %swap3A_913], %swap3A_916 {strides = array<i32>} : memref<1x32x128xi32, #tpu.memory_space<vmem>>, vector<1x1x128xi32>,
    %broadcast_in_dim3A_917 = vector.shape_cast %reduce_min3A_906 : vector<128xf32> to vector<1x128xf32>
    %eq3A_918 = vector.broadcast %broadcast_in_dim3A_917 : vector<1x128xf32> to vector<384x128xf32>
    %eq3A_919 = arith.cmpf oeq, %select_n3A_904, %eq3A_918 : vector<384x128xf32>
    %jit3A_920 = arith.constant 1.000000e+09 : f32
    %broadcast_in_dim3A_921 = vector.broadcast %jit3A_920 : f32 to vector<384x128xf32>
    %select_n3A_922 = arith.select %eq3A_919, %broadcast_in_dim3A_921, %select_n3A_904 : vector<384x128xi1>, vector<384x128xf32>
    %reduce_min3A_923 = arith.constant dense<0x7F800000> : vector<128xf32>
    %reduce_min3A_924 = vector.multi_reduction <minimumf>, %select_n3A_922, %reduce_min3A_923 [0] : vector<384x128xf32> to vector<128xf32>
    %min3A_925 = arith.constant 4.095000e+03 : f32
    %min3A_926 = vector.broadcast %min3A_925 : f32 to vector<128xf32>
    %min3A_927 = arith.minimumf %reduce_min3A_924, %min3A_926 : vector<128xf32>
    %convert_element_type3A_928 = arith.fptosi %min3A_927 : vector<128xf32> to vector<128xi32>
    %swap3A_929 = arith.constant 0 : index
    %swap3A_930 = arith.constant 15 : index
    %swap3A_931 = arith.constant 0 : index
    %swap3A_932 = vector.load %arg4[%swap3A_929, %swap3A_930, %swap3A_931] : memref<1x32x128xi32, #tpu.memory_space<vmem>>, vector<1x1x128xi32>
    %swap3A_933 = vector.shape_cast %swap3A_932 : vector<1x1x128xi32> to vector<128xi32>
    %swap3A_934 = vector.shape_cast %convert_element_type3A_928 : vector<128xi32> to vector<1x1x128xi32>
    tpu.vector_store %arg4[%swap3A_929, %swap3A_930, %swap3A_931], %swap3A_934 {strides = array<i32>} : memref<1x32x128xi32, #tpu.memory_space<vmem>>, vector<1x1x128xi32>,
    %broadcast_in_dim3A_935 = vector.shape_cast %reduce_min3A_924 : vector<128xf32> to vector<1x128xf32>
    %eq3A_936 = vector.broadcast %broadcast_in_dim3A_935 : vector<1x128xf32> to vector<384x128xf32>
    %eq3A_937 = arith.cmpf oeq, %select_n3A_922, %eq3A_936 : vector<384x128xf32>
    %jit3A_938 = arith.constant 1.000000e+09 : f32
    %broadcast_in_dim3A_939 = vector.broadcast %jit3A_938 : f32 to vector<384x128xf32>
    %select_n3A_940 = arith.select %eq3A_937, %broadcast_in_dim3A_939, %select_n3A_922 : vector<384x128xi1>, vector<384x128xf32>
    %reduce_min3A_941 = arith.constant dense<0x7F800000> : vector<128xf32>
    %reduce_min3A_942 = vector.multi_reduction <minimumf>, %select_n3A_940, %reduce_min3A_941 [0] : vector<384x128xf32> to vector<128xf32>
    %min3A_943 = arith.constant 4.095000e+03 : f32
    %min3A_944 = vector.broadcast %min3A_943 : f32 to vector<128xf32>
    %min3A_945 = arith.minimumf %reduce_min3A_942, %min3A_944 : vector<128xf32>
    %convert_element_type3A_946 = arith.fptosi %min3A_945 : vector<128xf32> to vector<128xi32>
    %swap3A_947 = arith.constant 0 : index
    %swap3A_948 = arith.constant 16 : index
    %swap3A_949 = arith.constant 0 : index
    %swap3A_950 = vector.load %arg4[%swap3A_947, %swap3A_948, %swap3A_949] : memref<1x32x128xi32, #tpu.memory_space<vmem>>, vector<1x1x128xi32>
    %swap3A_951 = vector.shape_cast %swap3A_950 : vector<1x1x128xi32> to vector<128xi32>
    %swap3A_952 = vector.shape_cast %convert_element_type3A_946 : vector<128xi32> to vector<1x1x128xi32>
    tpu.vector_store %arg4[%swap3A_947, %swap3A_948, %swap3A_949], %swap3A_952 {strides = array<i32>} : memref<1x32x128xi32, #tpu.memory_space<vmem>>, vector<1x1x128xi32>,
    %broadcast_in_dim3A_953 = vector.shape_cast %reduce_min3A_942 : vector<128xf32> to vector<1x128xf32>
    %eq3A_954 = vector.broadcast %broadcast_in_dim3A_953 : vector<1x128xf32> to vector<384x128xf32>
    %eq3A_955 = arith.cmpf oeq, %select_n3A_940, %eq3A_954 : vector<384x128xf32>
    %jit3A_956 = arith.constant 1.000000e+09 : f32
    %broadcast_in_dim3A_957 = vector.broadcast %jit3A_956 : f32 to vector<384x128xf32>
    %select_n3A_958 = arith.select %eq3A_955, %broadcast_in_dim3A_957, %select_n3A_940 : vector<384x128xi1>, vector<384x128xf32>
    %reduce_min3A_959 = arith.constant dense<0x7F800000> : vector<128xf32>
    %reduce_min3A_960 = vector.multi_reduction <minimumf>, %select_n3A_958, %reduce_min3A_959 [0] : vector<384x128xf32> to vector<128xf32>
    %min3A_961 = arith.constant 4.095000e+03 : f32
    %min3A_962 = vector.broadcast %min3A_961 : f32 to vector<128xf32>
    %min3A_963 = arith.minimumf %reduce_min3A_960, %min3A_962 : vector<128xf32>
    %convert_element_type3A_964 = arith.fptosi %min3A_963 : vector<128xf32> to vector<128xi32>
    %swap3A_965 = arith.constant 0 : index
    %swap3A_966 = arith.constant 17 : index
    %swap3A_967 = arith.constant 0 : index
    %swap3A_968 = vector.load %arg4[%swap3A_965, %swap3A_966, %swap3A_967] : memref<1x32x128xi32, #tpu.memory_space<vmem>>, vector<1x1x128xi32>
    %swap3A_969 = vector.shape_cast %swap3A_968 : vector<1x1x128xi32> to vector<128xi32>
    %swap3A_970 = vector.shape_cast %convert_element_type3A_964 : vector<128xi32> to vector<1x1x128xi32>
    tpu.vector_store %arg4[%swap3A_965, %swap3A_966, %swap3A_967], %swap3A_970 {strides = array<i32>} : memref<1x32x128xi32, #tpu.memory_space<vmem>>, vector<1x1x128xi32>,
    %broadcast_in_dim3A_971 = vector.shape_cast %reduce_min3A_960 : vector<128xf32> to vector<1x128xf32>
    %eq3A_972 = vector.broadcast %broadcast_in_dim3A_971 : vector<1x128xf32> to vector<384x128xf32>
    %eq3A_973 = arith.cmpf oeq, %select_n3A_958, %eq3A_972 : vector<384x128xf32>
    %jit3A_974 = arith.constant 1.000000e+09 : f32
    %broadcast_in_dim3A_975 = vector.broadcast %jit3A_974 : f32 to vector<384x128xf32>
    %select_n3A_976 = arith.select %eq3A_973, %broadcast_in_dim3A_975, %select_n3A_958 : vector<384x128xi1>, vector<384x128xf32>
    %reduce_min3A_977 = arith.constant dense<0x7F800000> : vector<128xf32>
    %reduce_min3A_978 = vector.multi_reduction <minimumf>, %select_n3A_976, %reduce_min3A_977 [0] : vector<384x128xf32> to vector<128xf32>
    %min3A_979 = arith.constant 4.095000e+03 : f32
    %min3A_980 = vector.broadcast %min3A_979 : f32 to vector<128xf32>
    %min3A_981 = arith.minimumf %reduce_min3A_978, %min3A_980 : vector<128xf32>
    %convert_element_type3A_982 = arith.fptosi %min3A_981 : vector<128xf32> to vector<128xi32>
    %swap3A_983 = arith.constant 0 : index
    %swap3A_984 = arith.constant 18 : index
    %swap3A_985 = arith.constant 0 : index
    %swap3A_986 = vector.load %arg4[%swap3A_983, %swap3A_984, %swap3A_985] : memref<1x32x128xi32, #tpu.memory_space<vmem>>, vector<1x1x128xi32>
    %swap3A_987 = vector.shape_cast %swap3A_986 : vector<1x1x128xi32> to vector<128xi32>
    %swap3A_988 = vector.shape_cast %convert_element_type3A_982 : vector<128xi32> to vector<1x1x128xi32>
    tpu.vector_store %arg4[%swap3A_983, %swap3A_984, %swap3A_985], %swap3A_988 {strides = array<i32>} : memref<1x32x128xi32, #tpu.memory_space<vmem>>, vector<1x1x128xi32>,
    %broadcast_in_dim3A_989 = vector.shape_cast %reduce_min3A_978 : vector<128xf32> to vector<1x128xf32>
    %eq3A_990 = vector.broadcast %broadcast_in_dim3A_989 : vector<1x128xf32> to vector<384x128xf32>
    %eq3A_991 = arith.cmpf oeq, %select_n3A_976, %eq3A_990 : vector<384x128xf32>
    %jit3A_992 = arith.constant 1.000000e+09 : f32
    %broadcast_in_dim3A_993 = vector.broadcast %jit3A_992 : f32 to vector<384x128xf32>
    %select_n3A_994 = arith.select %eq3A_991, %broadcast_in_dim3A_993, %select_n3A_976 : vector<384x128xi1>, vector<384x128xf32>
    %reduce_min3A_995 = arith.constant dense<0x7F800000> : vector<128xf32>
    %reduce_min3A_996 = vector.multi_reduction <minimumf>, %select_n3A_994, %reduce_min3A_995 [0] : vector<384x128xf32> to vector<128xf32>
    %min3A_997 = arith.constant 4.095000e+03 : f32
    %min3A_998 = vector.broadcast %min3A_997 : f32 to vector<128xf32>
    %min3A_999 = arith.minimumf %reduce_min3A_996, %min3A_998 : vector<128xf32>
    %convert_element_type3A_1000 = arith.fptosi %min3A_999 : vector<128xf32> to vector<128xi32>
    %swap3A_1001 = arith.constant 0 : index
    %swap3A_1002 = arith.constant 19 : index
    %swap3A_1003 = arith.constant 0 : index
    %swap3A_1004 = vector.load %arg4[%swap3A_1001, %swap3A_1002, %swap3A_1003] : memref<1x32x128xi32, #tpu.memory_space<vmem>>, vector<1x1x128xi32>
    %swap3A_1005 = vector.shape_cast %swap3A_1004 : vector<1x1x128xi32> to vector<128xi32>
    %swap3A_1006 = vector.shape_cast %convert_element_type3A_1000 : vector<128xi32> to vector<1x1x128xi32>
    tpu.vector_store %arg4[%swap3A_1001, %swap3A_1002, %swap3A_1003], %swap3A_1006 {strides = array<i32>} : memref<1x32x128xi32, #tpu.memory_space<vmem>>, vector<1x1x128xi32>,
    %broadcast_in_dim3A_1007 = vector.shape_cast %reduce_min3A_996 : vector<128xf32> to vector<1x128xf32>
    %eq3A_1008 = vector.broadcast %broadcast_in_dim3A_1007 : vector<1x128xf32> to vector<384x128xf32>
    %eq3A_1009 = arith.cmpf oeq, %select_n3A_994, %eq3A_1008 : vector<384x128xf32>
    %jit3A_1010 = arith.constant 1.000000e+09 : f32
    %broadcast_in_dim3A_1011 = vector.broadcast %jit3A_1010 : f32 to vector<384x128xf32>
    %select_n3A_1012 = arith.select %eq3A_1009, %broadcast_in_dim3A_1011, %select_n3A_994 : vector<384x128xi1>, vector<384x128xf32>
    %reduce_min3A_1013 = arith.constant dense<0x7F800000> : vector<128xf32>
    %reduce_min3A_1014 = vector.multi_reduction <minimumf>, %select_n3A_1012, %reduce_min3A_1013 [0] : vector<384x128xf32> to vector<128xf32>
    %min3A_1015 = arith.constant 4.095000e+03 : f32
    %min3A_1016 = vector.broadcast %min3A_1015 : f32 to vector<128xf32>
    %min3A_1017 = arith.minimumf %reduce_min3A_1014, %min3A_1016 : vector<128xf32>
    %convert_element_type3A_1018 = arith.fptosi %min3A_1017 : vector<128xf32> to vector<128xi32>
    %swap3A_1019 = arith.constant 0 : index
    %swap3A_1020 = arith.constant 20 : index
    %swap3A_1021 = arith.constant 0 : index
    %swap3A_1022 = vector.load %arg4[%swap3A_1019, %swap3A_1020, %swap3A_1021] : memref<1x32x128xi32, #tpu.memory_space<vmem>>, vector<1x1x128xi32>
    %swap3A_1023 = vector.shape_cast %swap3A_1022 : vector<1x1x128xi32> to vector<128xi32>
    %swap3A_1024 = vector.shape_cast %convert_element_type3A_1018 : vector<128xi32> to vector<1x1x128xi32>
    tpu.vector_store %arg4[%swap3A_1019, %swap3A_1020, %swap3A_1021], %swap3A_1024 {strides = array<i32>} : memref<1x32x128xi32, #tpu.memory_space<vmem>>, vector<1x1x128xi32>,
    %broadcast_in_dim3A_1025 = vector.shape_cast %reduce_min3A_1014 : vector<128xf32> to vector<1x128xf32>
    %eq3A_1026 = vector.broadcast %broadcast_in_dim3A_1025 : vector<1x128xf32> to vector<384x128xf32>
    %eq3A_1027 = arith.cmpf oeq, %select_n3A_1012, %eq3A_1026 : vector<384x128xf32>
    %jit3A_1028 = arith.constant 1.000000e+09 : f32
    %broadcast_in_dim3A_1029 = vector.broadcast %jit3A_1028 : f32 to vector<384x128xf32>
    %select_n3A_1030 = arith.select %eq3A_1027, %broadcast_in_dim3A_1029, %select_n3A_1012 : vector<384x128xi1>, vector<384x128xf32>
    %reduce_min3A_1031 = arith.constant dense<0x7F800000> : vector<128xf32>
    %reduce_min3A_1032 = vector.multi_reduction <minimumf>, %select_n3A_1030, %reduce_min3A_1031 [0] : vector<384x128xf32> to vector<128xf32>
    %min3A_1033 = arith.constant 4.095000e+03 : f32
    %min3A_1034 = vector.broadcast %min3A_1033 : f32 to vector<128xf32>
    %min3A_1035 = arith.minimumf %reduce_min3A_1032, %min3A_1034 : vector<128xf32>
    %convert_element_type3A_1036 = arith.fptosi %min3A_1035 : vector<128xf32> to vector<128xi32>
    %swap3A_1037 = arith.constant 0 : index
    %swap3A_1038 = arith.constant 21 : index
    %swap3A_1039 = arith.constant 0 : index
    %swap3A_1040 = vector.load %arg4[%swap3A_1037, %swap3A_1038, %swap3A_1039] : memref<1x32x128xi32, #tpu.memory_space<vmem>>, vector<1x1x128xi32>
    %swap3A_1041 = vector.shape_cast %swap3A_1040 : vector<1x1x128xi32> to vector<128xi32>
    %swap3A_1042 = vector.shape_cast %convert_element_type3A_1036 : vector<128xi32> to vector<1x1x128xi32>
    tpu.vector_store %arg4[%swap3A_1037, %swap3A_1038, %swap3A_1039], %swap3A_1042 {strides = array<i32>} : memref<1x32x128xi32, #tpu.memory_space<vmem>>, vector<1x1x128xi32>,
    %broadcast_in_dim3A_1043 = vector.shape_cast %reduce_min3A_1032 : vector<128xf32> to vector<1x128xf32>
    %eq3A_1044 = vector.broadcast %broadcast_in_dim3A_1043 : vector<1x128xf32> to vector<384x128xf32>
    %eq3A_1045 = arith.cmpf oeq, %select_n3A_1030, %eq3A_1044 : vector<384x128xf32>
    %jit3A_1046 = arith.constant 1.000000e+09 : f32
    %broadcast_in_dim3A_1047 = vector.broadcast %jit3A_1046 : f32 to vector<384x128xf32>
    %select_n3A_1048 = arith.select %eq3A_1045, %broadcast_in_dim3A_1047, %select_n3A_1030 : vector<384x128xi1>, vector<384x128xf32>
    %reduce_min3A_1049 = arith.constant dense<0x7F800000> : vector<128xf32>
    %reduce_min3A_1050 = vector.multi_reduction <minimumf>, %select_n3A_1048, %reduce_min3A_1049 [0] : vector<384x128xf32> to vector<128xf32>
    %min3A_1051 = arith.constant 4.095000e+03 : f32
    %min3A_1052 = vector.broadcast %min3A_1051 : f32 to vector<128xf32>
    %min3A_1053 = arith.minimumf %reduce_min3A_1050, %min3A_1052 : vector<128xf32>
    %convert_element_type3A_1054 = arith.fptosi %min3A_1053 : vector<128xf32> to vector<128xi32>
    %swap3A_1055 = arith.constant 0 : index
    %swap3A_1056 = arith.constant 22 : index
    %swap3A_1057 = arith.constant 0 : index
    %swap3A_1058 = vector.load %arg4[%swap3A_1055, %swap3A_1056, %swap3A_1057] : memref<1x32x128xi32, #tpu.memory_space<vmem>>, vector<1x1x128xi32>
    %swap3A_1059 = vector.shape_cast %swap3A_1058 : vector<1x1x128xi32> to vector<128xi32>
    %swap3A_1060 = vector.shape_cast %convert_element_type3A_1054 : vector<128xi32> to vector<1x1x128xi32>
    tpu.vector_store %arg4[%swap3A_1055, %swap3A_1056, %swap3A_1057], %swap3A_1060 {strides = array<i32>} : memref<1x32x128xi32, #tpu.memory_space<vmem>>, vector<1x1x128xi32>,
    %broadcast_in_dim3A_1061 = vector.shape_cast %reduce_min3A_1050 : vector<128xf32> to vector<1x128xf32>
    %eq3A_1062 = vector.broadcast %broadcast_in_dim3A_1061 : vector<1x128xf32> to vector<384x128xf32>
    %eq3A_1063 = arith.cmpf oeq, %select_n3A_1048, %eq3A_1062 : vector<384x128xf32>
    %jit3A_1064 = arith.constant 1.000000e+09 : f32
    %broadcast_in_dim3A_1065 = vector.broadcast %jit3A_1064 : f32 to vector<384x128xf32>
    %select_n3A_1066 = arith.select %eq3A_1063, %broadcast_in_dim3A_1065, %select_n3A_1048 : vector<384x128xi1>, vector<384x128xf32>
    %reduce_min3A_1067 = arith.constant dense<0x7F800000> : vector<128xf32>
    %reduce_min3A_1068 = vector.multi_reduction <minimumf>, %select_n3A_1066, %reduce_min3A_1067 [0] : vector<384x128xf32> to vector<128xf32>
    %min3A_1069 = arith.constant 4.095000e+03 : f32
    %min3A_1070 = vector.broadcast %min3A_1069 : f32 to vector<128xf32>
    %min3A_1071 = arith.minimumf %reduce_min3A_1068, %min3A_1070 : vector<128xf32>
    %convert_element_type3A_1072 = arith.fptosi %min3A_1071 : vector<128xf32> to vector<128xi32>
    %swap3A_1073 = arith.constant 0 : index
    %swap3A_1074 = arith.constant 23 : index
    %swap3A_1075 = arith.constant 0 : index
    %swap3A_1076 = vector.load %arg4[%swap3A_1073, %swap3A_1074, %swap3A_1075] : memref<1x32x128xi32, #tpu.memory_space<vmem>>, vector<1x1x128xi32>
    %swap3A_1077 = vector.shape_cast %swap3A_1076 : vector<1x1x128xi32> to vector<128xi32>
    %swap3A_1078 = vector.shape_cast %convert_element_type3A_1072 : vector<128xi32> to vector<1x1x128xi32>
    tpu.vector_store %arg4[%swap3A_1073, %swap3A_1074, %swap3A_1075], %swap3A_1078 {strides = array<i32>} : memref<1x32x128xi32, #tpu.memory_space<vmem>>, vector<1x1x128xi32>,
    %broadcast_in_dim3A_1079 = vector.shape_cast %reduce_min3A_1068 : vector<128xf32> to vector<1x128xf32>
    %eq3A_1080 = vector.broadcast %broadcast_in_dim3A_1079 : vector<1x128xf32> to vector<384x128xf32>
    %eq3A_1081 = arith.cmpf oeq, %select_n3A_1066, %eq3A_1080 : vector<384x128xf32>
    %jit3A_1082 = arith.constant 1.000000e+09 : f32
    %broadcast_in_dim3A_1083 = vector.broadcast %jit3A_1082 : f32 to vector<384x128xf32>
    %select_n3A_1084 = arith.select %eq3A_1081, %broadcast_in_dim3A_1083, %select_n3A_1066 : vector<384x128xi1>, vector<384x128xf32>
    %reduce_min3A_1085 = arith.constant dense<0x7F800000> : vector<128xf32>
    %reduce_min3A_1086 = vector.multi_reduction <minimumf>, %select_n3A_1084, %reduce_min3A_1085 [0] : vector<384x128xf32> to vector<128xf32>
    %min3A_1087 = arith.constant 4.095000e+03 : f32
    %min3A_1088 = vector.broadcast %min3A_1087 : f32 to vector<128xf32>
    %min3A_1089 = arith.minimumf %reduce_min3A_1086, %min3A_1088 : vector<128xf32>
    %convert_element_type3A_1090 = arith.fptosi %min3A_1089 : vector<128xf32> to vector<128xi32>
    %swap3A_1091 = arith.constant 0 : index
    %swap3A_1092 = arith.constant 24 : index
    %swap3A_1093 = arith.constant 0 : index
    %swap3A_1094 = vector.load %arg4[%swap3A_1091, %swap3A_1092, %swap3A_1093] : memref<1x32x128xi32, #tpu.memory_space<vmem>>, vector<1x1x128xi32>
    %swap3A_1095 = vector.shape_cast %swap3A_1094 : vector<1x1x128xi32> to vector<128xi32>
    %swap3A_1096 = vector.shape_cast %convert_element_type3A_1090 : vector<128xi32> to vector<1x1x128xi32>
    tpu.vector_store %arg4[%swap3A_1091, %swap3A_1092, %swap3A_1093], %swap3A_1096 {strides = array<i32>} : memref<1x32x128xi32, #tpu.memory_space<vmem>>, vector<1x1x128xi32>,
    %broadcast_in_dim3A_1097 = vector.shape_cast %reduce_min3A_1086 : vector<128xf32> to vector<1x128xf32>
    %eq3A_1098 = vector.broadcast %broadcast_in_dim3A_1097 : vector<1x128xf32> to vector<384x128xf32>
    %eq3A_1099 = arith.cmpf oeq, %select_n3A_1084, %eq3A_1098 : vector<384x128xf32>
    %jit3A_1100 = arith.constant 1.000000e+09 : f32
    %broadcast_in_dim3A_1101 = vector.broadcast %jit3A_1100 : f32 to vector<384x128xf32>
    %select_n3A_1102 = arith.select %eq3A_1099, %broadcast_in_dim3A_1101, %select_n3A_1084 : vector<384x128xi1>, vector<384x128xf32>
    %reduce_min3A_1103 = arith.constant dense<0x7F800000> : vector<128xf32>
    %reduce_min3A_1104 = vector.multi_reduction <minimumf>, %select_n3A_1102, %reduce_min3A_1103 [0] : vector<384x128xf32> to vector<128xf32>
    %min3A_1105 = arith.constant 4.095000e+03 : f32
    %min3A_1106 = vector.broadcast %min3A_1105 : f32 to vector<128xf32>
    %min3A_1107 = arith.minimumf %reduce_min3A_1104, %min3A_1106 : vector<128xf32>
    %convert_element_type3A_1108 = arith.fptosi %min3A_1107 : vector<128xf32> to vector<128xi32>
    %swap3A_1109 = arith.constant 0 : index
    %swap3A_1110 = arith.constant 25 : index
    %swap3A_1111 = arith.constant 0 : index
    %swap3A_1112 = vector.load %arg4[%swap3A_1109, %swap3A_1110, %swap3A_1111] : memref<1x32x128xi32, #tpu.memory_space<vmem>>, vector<1x1x128xi32>
    %swap3A_1113 = vector.shape_cast %swap3A_1112 : vector<1x1x128xi32> to vector<128xi32>
    %swap3A_1114 = vector.shape_cast %convert_element_type3A_1108 : vector<128xi32> to vector<1x1x128xi32>
    tpu.vector_store %arg4[%swap3A_1109, %swap3A_1110, %swap3A_1111], %swap3A_1114 {strides = array<i32>} : memref<1x32x128xi32, #tpu.memory_space<vmem>>, vector<1x1x128xi32>,
    %broadcast_in_dim3A_1115 = vector.shape_cast %reduce_min3A_1104 : vector<128xf32> to vector<1x128xf32>
    %eq3A_1116 = vector.broadcast %broadcast_in_dim3A_1115 : vector<1x128xf32> to vector<384x128xf32>
    %eq3A_1117 = arith.cmpf oeq, %select_n3A_1102, %eq3A_1116 : vector<384x128xf32>
    %jit3A_1118 = arith.constant 1.000000e+09 : f32
    %broadcast_in_dim3A_1119 = vector.broadcast %jit3A_1118 : f32 to vector<384x128xf32>
    %select_n3A_1120 = arith.select %eq3A_1117, %broadcast_in_dim3A_1119, %select_n3A_1102 : vector<384x128xi1>, vector<384x128xf32>
    %reduce_min3A_1121 = arith.constant dense<0x7F800000> : vector<128xf32>
    %reduce_min3A_1122 = vector.multi_reduction <minimumf>, %select_n3A_1120, %reduce_min3A_1121 [0] : vector<384x128xf32> to vector<128xf32>
    %min3A_1123 = arith.constant 4.095000e+03 : f32
    %min3A_1124 = vector.broadcast %min3A_1123 : f32 to vector<128xf32>
    %min3A_1125 = arith.minimumf %reduce_min3A_1122, %min3A_1124 : vector<128xf32>
    %convert_element_type3A_1126 = arith.fptosi %min3A_1125 : vector<128xf32> to vector<128xi32>
    %swap3A_1127 = arith.constant 0 : index
    %swap3A_1128 = arith.constant 26 : index
    %swap3A_1129 = arith.constant 0 : index
    %swap3A_1130 = vector.load %arg4[%swap3A_1127, %swap3A_1128, %swap3A_1129] : memref<1x32x128xi32, #tpu.memory_space<vmem>>, vector<1x1x128xi32>
    %swap3A_1131 = vector.shape_cast %swap3A_1130 : vector<1x1x128xi32> to vector<128xi32>
    %swap3A_1132 = vector.shape_cast %convert_element_type3A_1126 : vector<128xi32> to vector<1x1x128xi32>
    tpu.vector_store %arg4[%swap3A_1127, %swap3A_1128, %swap3A_1129], %swap3A_1132 {strides = array<i32>} : memref<1x32x128xi32, #tpu.memory_space<vmem>>, vector<1x1x128xi32>,
    %broadcast_in_dim3A_1133 = vector.shape_cast %reduce_min3A_1122 : vector<128xf32> to vector<1x128xf32>
    %eq3A_1134 = vector.broadcast %broadcast_in_dim3A_1133 : vector<1x128xf32> to vector<384x128xf32>
    %eq3A_1135 = arith.cmpf oeq, %select_n3A_1120, %eq3A_1134 : vector<384x128xf32>
    %jit3A_1136 = arith.constant 1.000000e+09 : f32
    %broadcast_in_dim3A_1137 = vector.broadcast %jit3A_1136 : f32 to vector<384x128xf32>
    %select_n3A_1138 = arith.select %eq3A_1135, %broadcast_in_dim3A_1137, %select_n3A_1120 : vector<384x128xi1>, vector<384x128xf32>
    %reduce_min3A_1139 = arith.constant dense<0x7F800000> : vector<128xf32>
    %reduce_min3A_1140 = vector.multi_reduction <minimumf>, %select_n3A_1138, %reduce_min3A_1139 [0] : vector<384x128xf32> to vector<128xf32>
    %min3A_1141 = arith.constant 4.095000e+03 : f32
    %min3A_1142 = vector.broadcast %min3A_1141 : f32 to vector<128xf32>
    %min3A_1143 = arith.minimumf %reduce_min3A_1140, %min3A_1142 : vector<128xf32>
    %convert_element_type3A_1144 = arith.fptosi %min3A_1143 : vector<128xf32> to vector<128xi32>
    %swap3A_1145 = arith.constant 0 : index
    %swap3A_1146 = arith.constant 27 : index
    %swap3A_1147 = arith.constant 0 : index
    %swap3A_1148 = vector.load %arg4[%swap3A_1145, %swap3A_1146, %swap3A_1147] : memref<1x32x128xi32, #tpu.memory_space<vmem>>, vector<1x1x128xi32>
    %swap3A_1149 = vector.shape_cast %swap3A_1148 : vector<1x1x128xi32> to vector<128xi32>
    %swap3A_1150 = vector.shape_cast %convert_element_type3A_1144 : vector<128xi32> to vector<1x1x128xi32>
    tpu.vector_store %arg4[%swap3A_1145, %swap3A_1146, %swap3A_1147], %swap3A_1150 {strides = array<i32>} : memref<1x32x128xi32, #tpu.memory_space<vmem>>, vector<1x1x128xi32>,
    %broadcast_in_dim3A_1151 = vector.shape_cast %reduce_min3A_1140 : vector<128xf32> to vector<1x128xf32>
    %eq3A_1152 = vector.broadcast %broadcast_in_dim3A_1151 : vector<1x128xf32> to vector<384x128xf32>
    %eq3A_1153 = arith.cmpf oeq, %select_n3A_1138, %eq3A_1152 : vector<384x128xf32>
    %jit3A_1154 = arith.constant 1.000000e+09 : f32
    %broadcast_in_dim3A_1155 = vector.broadcast %jit3A_1154 : f32 to vector<384x128xf32>
    %select_n3A_1156 = arith.select %eq3A_1153, %broadcast_in_dim3A_1155, %select_n3A_1138 : vector<384x128xi1>, vector<384x128xf32>
    %reduce_min3A_1157 = arith.constant dense<0x7F800000> : vector<128xf32>
    %reduce_min3A_1158 = vector.multi_reduction <minimumf>, %select_n3A_1156, %reduce_min3A_1157 [0] : vector<384x128xf32> to vector<128xf32>
    %min3A_1159 = arith.constant 4.095000e+03 : f32
    %min3A_1160 = vector.broadcast %min3A_1159 : f32 to vector<128xf32>
    %min3A_1161 = arith.minimumf %reduce_min3A_1158, %min3A_1160 : vector<128xf32>
    %convert_element_type3A_1162 = arith.fptosi %min3A_1161 : vector<128xf32> to vector<128xi32>
    %swap3A_1163 = arith.constant 0 : index
    %swap3A_1164 = arith.constant 28 : index
    %swap3A_1165 = arith.constant 0 : index
    %swap3A_1166 = vector.load %arg4[%swap3A_1163, %swap3A_1164, %swap3A_1165] : memref<1x32x128xi32, #tpu.memory_space<vmem>>, vector<1x1x128xi32>
    %swap3A_1167 = vector.shape_cast %swap3A_1166 : vector<1x1x128xi32> to vector<128xi32>
    %swap3A_1168 = vector.shape_cast %convert_element_type3A_1162 : vector<128xi32> to vector<1x1x128xi32>
    tpu.vector_store %arg4[%swap3A_1163, %swap3A_1164, %swap3A_1165], %swap3A_1168 {strides = array<i32>} : memref<1x32x128xi32, #tpu.memory_space<vmem>>, vector<1x1x128xi32>,
    %broadcast_in_dim3A_1169 = vector.shape_cast %reduce_min3A_1158 : vector<128xf32> to vector<1x128xf32>
    %eq3A_1170 = vector.broadcast %broadcast_in_dim3A_1169 : vector<1x128xf32> to vector<384x128xf32>
    %eq3A_1171 = arith.cmpf oeq, %select_n3A_1156, %eq3A_1170 : vector<384x128xf32>
    %jit3A_1172 = arith.constant 1.000000e+09 : f32
    %broadcast_in_dim3A_1173 = vector.broadcast %jit3A_1172 : f32 to vector<384x128xf32>
    %select_n3A_1174 = arith.select %eq3A_1171, %broadcast_in_dim3A_1173, %select_n3A_1156 : vector<384x128xi1>, vector<384x128xf32>
    %reduce_min3A_1175 = arith.constant dense<0x7F800000> : vector<128xf32>
    %reduce_min3A_1176 = vector.multi_reduction <minimumf>, %select_n3A_1174, %reduce_min3A_1175 [0] : vector<384x128xf32> to vector<128xf32>
    %min3A_1177 = arith.constant 4.095000e+03 : f32
    %min3A_1178 = vector.broadcast %min3A_1177 : f32 to vector<128xf32>
    %min3A_1179 = arith.minimumf %reduce_min3A_1176, %min3A_1178 : vector<128xf32>
    %convert_element_type3A_1180 = arith.fptosi %min3A_1179 : vector<128xf32> to vector<128xi32>
    %swap3A_1181 = arith.constant 0 : index
    %swap3A_1182 = arith.constant 29 : index
    %swap3A_1183 = arith.constant 0 : index
    %swap3A_1184 = vector.load %arg4[%swap3A_1181, %swap3A_1182, %swap3A_1183] : memref<1x32x128xi32, #tpu.memory_space<vmem>>, vector<1x1x128xi32>
    %swap3A_1185 = vector.shape_cast %swap3A_1184 : vector<1x1x128xi32> to vector<128xi32>
    %swap3A_1186 = vector.shape_cast %convert_element_type3A_1180 : vector<128xi32> to vector<1x1x128xi32>
    tpu.vector_store %arg4[%swap3A_1181, %swap3A_1182, %swap3A_1183], %swap3A_1186 {strides = array<i32>} : memref<1x32x128xi32, #tpu.memory_space<vmem>>, vector<1x1x128xi32>,
    %broadcast_in_dim3A_1187 = vector.shape_cast %reduce_min3A_1176 : vector<128xf32> to vector<1x128xf32>
    %eq3A_1188 = vector.broadcast %broadcast_in_dim3A_1187 : vector<1x128xf32> to vector<384x128xf32>
    %eq3A_1189 = arith.cmpf oeq, %select_n3A_1174, %eq3A_1188 : vector<384x128xf32>
    %jit3A_1190 = arith.constant 1.000000e+09 : f32
    %broadcast_in_dim3A_1191 = vector.broadcast %jit3A_1190 : f32 to vector<384x128xf32>
    %select_n3A_1192 = arith.select %eq3A_1189, %broadcast_in_dim3A_1191, %select_n3A_1174 : vector<384x128xi1>, vector<384x128xf32>
    %reduce_min3A_1193 = arith.constant dense<0x7F800000> : vector<128xf32>
    %reduce_min3A_1194 = vector.multi_reduction <minimumf>, %select_n3A_1192, %reduce_min3A_1193 [0] : vector<384x128xf32> to vector<128xf32>
    %min3A_1195 = arith.constant 4.095000e+03 : f32
    %min3A_1196 = vector.broadcast %min3A_1195 : f32 to vector<128xf32>
    %min3A_1197 = arith.minimumf %reduce_min3A_1194, %min3A_1196 : vector<128xf32>
    %convert_element_type3A_1198 = arith.fptosi %min3A_1197 : vector<128xf32> to vector<128xi32>
    %swap3A_1199 = arith.constant 0 : index
    %swap3A_1200 = arith.constant 30 : index
    %swap3A_1201 = arith.constant 0 : index
    %swap3A_1202 = vector.load %arg4[%swap3A_1199, %swap3A_1200, %swap3A_1201] : memref<1x32x128xi32, #tpu.memory_space<vmem>>, vector<1x1x128xi32>
    %swap3A_1203 = vector.shape_cast %swap3A_1202 : vector<1x1x128xi32> to vector<128xi32>
    %swap3A_1204 = vector.shape_cast %convert_element_type3A_1198 : vector<128xi32> to vector<1x1x128xi32>
    tpu.vector_store %arg4[%swap3A_1199, %swap3A_1200, %swap3A_1201], %swap3A_1204 {strides = array<i32>} : memref<1x32x128xi32, #tpu.memory_space<vmem>>, vector<1x1x128xi32>,
    %broadcast_in_dim3A_1205 = vector.shape_cast %reduce_min3A_1194 : vector<128xf32> to vector<1x128xf32>
    %eq3A_1206 = vector.broadcast %broadcast_in_dim3A_1205 : vector<1x128xf32> to vector<384x128xf32>
    %eq3A_1207 = arith.cmpf oeq, %select_n3A_1192, %eq3A_1206 : vector<384x128xf32>
    %jit3A_1208 = arith.constant 1.000000e+09 : f32
    %broadcast_in_dim3A_1209 = vector.broadcast %jit3A_1208 : f32 to vector<384x128xf32>
    %select_n3A_1210 = arith.select %eq3A_1207, %broadcast_in_dim3A_1209, %select_n3A_1192 : vector<384x128xi1>, vector<384x128xf32>
    %reduce_min3A_1211 = arith.constant dense<0x7F800000> : vector<128xf32>
    %reduce_min3A_1212 = vector.multi_reduction <minimumf>, %select_n3A_1210, %reduce_min3A_1211 [0] : vector<384x128xf32> to vector<128xf32>
    %min3A_1213 = arith.constant 4.095000e+03 : f32
    %min3A_1214 = vector.broadcast %min3A_1213 : f32 to vector<128xf32>
    %min3A_1215 = arith.minimumf %reduce_min3A_1212, %min3A_1214 : vector<128xf32>
    %convert_element_type3A_1216 = arith.fptosi %min3A_1215 : vector<128xf32> to vector<128xi32>
    %swap3A_1217 = arith.constant 0 : index
    %swap3A_1218 = arith.constant 31 : index
    %swap3A_1219 = arith.constant 0 : index
    %swap3A_1220 = vector.load %arg4[%swap3A_1217, %swap3A_1218, %swap3A_1219] : memref<1x32x128xi32, #tpu.memory_space<vmem>>, vector<1x1x128xi32>
    %swap3A_1221 = vector.shape_cast %swap3A_1220 : vector<1x1x128xi32> to vector<128xi32>
    %swap3A_1222 = vector.shape_cast %convert_element_type3A_1216 : vector<128xi32> to vector<1x1x128xi32>
    tpu.vector_store %arg4[%swap3A_1217, %swap3A_1218, %swap3A_1219], %swap3A_1222 {strides = array<i32>} : memref<1x32x128xi32, #tpu.memory_space<vmem>>, vector<1x1x128xi32>,
    return
  }
  func.func @transform_0(%arg0: i32, %arg1: i32) -> (i32, i32, i32) {
    %c0_i32 = arith.constant 0 : i32
    %c0_i32_0 = arith.constant 0 : i32
    return %arg0, %c0_i32, %arg1 : i32, i32, i32
  }
  func.func @transform_1(%arg0: i32, %arg1: i32) -> (i32, i32, i32) {
    %c0_i32 = arith.constant 0 : i32
    %c0_i32_0 = arith.constant 0 : i32
    %c0_i32_1 = arith.constant 0 : i32
    return %arg0, %c0_i32, %c0_i32_0 : i32, i32, i32
  }
  func.func @transform_2(%arg0: i32, %arg1: i32) -> (i32, i32, i32) {
    %c0_i32 = arith.constant 0 : i32
    %c0_i32_0 = arith.constant 0 : i32
    return %arg0, %c0_i32, %arg1 : i32, i32, i32
  }
}

module attributes {stable_mosaic.version = 14 : i64} {
  func.func @_select_body(%arg0: i32, %arg1: i32, %arg2: memref<1x1x128xf32, #tpu.memory_space<vmem>>, %arg3: memref<1x1x4096xf32, #tpu.memory_space<vmem>>, %arg4: memref<1x16x128xi32, #tpu.memory_space<vmem>>) attributes {dimension_semantics = [#tpu.dimension_semantics<arbitrary>, #tpu.dimension_semantics<arbitrary>], iteration_bounds = array<i64: 4, 32>, scalar_prefetch = 0 : i64, scratch_operands = 0 : i64, tpu.core_type = #tpu.core_type<tc>, window_params = [{transform_indices = @transform_0, window_bounds = array<i64: 1, 1, 128>}, {transform_indices = @transform_1, window_bounds = array<i64: 1, 1, 4096>}, {transform_indices = @transform_2, window_bounds = array<i64: 1, 16, 128>}]} {
    %get3A = arith.constant 0 : index
    %get3A_0 = arith.constant 0 : index
    %get3A_1 = arith.constant 0 : index
    %get3A_2 = vector.load %arg3[%get3A, %get3A_0, %get3A_1] : memref<1x1x4096xf32, #tpu.memory_space<vmem>>, vector<1x1x4096xf32>
    %get3A_3 = vector.shape_cast %get3A_2 : vector<1x1x4096xf32> to vector<1x4096xf32>
    %get3A_4 = arith.constant 0 : index
    %get3A_5 = arith.constant 0 : index
    %get3A_6 = arith.constant 0 : index
    %get3A_7 = vector.load %arg2[%get3A_4, %get3A_5, %get3A_6] : memref<1x1x128xf32, #tpu.memory_space<vmem>>, vector<1x1x128xf32>
    %get3A_8 = vector.shape_cast %get3A_7 : vector<1x1x128xf32> to vector<1x128xf32>
    %squeeze3A = vector.shape_cast %get3A_3 : vector<1x4096xf32> to vector<4096xf32>
    %broadcast_in_dim3A = vector.shape_cast %squeeze3A : vector<4096xf32> to vector<4096x1xf32>
    %squeeze3A_9 = vector.shape_cast %get3A_8 : vector<1x128xf32> to vector<128xf32>
    %broadcast_in_dim3A_10 = vector.shape_cast %squeeze3A_9 : vector<128xf32> to vector<1x128xf32>
    %sub3A = vector.broadcast %broadcast_in_dim3A : vector<4096x1xf32> to vector<4096x128xf32>
    %sub3A_11 = vector.broadcast %broadcast_in_dim3A_10 : vector<1x128xf32> to vector<4096x128xf32>
    %sub3A_12 = arith.subf %sub3A, %sub3A_11 : vector<4096x128xf32>
    %mul3A = arith.mulf %sub3A_12, %sub3A_12 : vector<4096x128xf32>
    %bitcast_convert_type3A = tpu.bitcast %mul3A : vector<4096x128xf32> -> vector<4096x128xi32>
    %broadcast_in_dim3A_13 = arith.constant -1 : i32
    %broadcast_in_dim3A_14 = vector.broadcast %broadcast_in_dim3A_13 : i32 to vector<128xi32>
    %broadcast_in_dim3A_15 = arith.constant 2139095040 : i32
    %broadcast_in_dim3A_16 = vector.broadcast %broadcast_in_dim3A_15 : i32 to vector<128xi32>
    %add3A = arith.addi %broadcast_in_dim3A_14, %broadcast_in_dim3A_16 : vector<128xi32>
    %shift_right_arithmetic3A = arith.constant 1 : i32
    %shift_right_arithmetic3A_17 = vector.broadcast %shift_right_arithmetic3A : i32 to vector<128xi32>
    %shift_right_arithmetic3A_18 = arith.shrsi %add3A, %shift_right_arithmetic3A_17 : vector<128xi32>
    %broadcast_in_dim3A_19 = vector.shape_cast %shift_right_arithmetic3A_18 : vector<128xi32> to vector<1x128xi32>
    %le3A = vector.broadcast %broadcast_in_dim3A_19 : vector<1x128xi32> to vector<4096x128xi32>
    %le3A_20 = arith.cmpi sle, %bitcast_convert_type3A, %le3A : vector<4096x128xi32>
    %convert_element_type3A = arith.extui %le3A_20 : vector<4096x128xi1> to vector<4096x128xi32>
    %convert_element_type3A_21 = arith.sitofp %convert_element_type3A : vector<4096x128xi32> to vector<4096x128xf32>
    %reduce_sum3A = arith.constant dense<0.000000e+00> : vector<128xf32>
    %reduce_sum3A_22 = vector.multi_reduction <add>, %convert_element_type3A_21, %reduce_sum3A [0] : vector<4096x128xf32> to vector<128xf32>
    %ge3A = arith.constant 1.600000e+01 : f32
    %ge3A_23 = vector.broadcast %ge3A : f32 to vector<128xf32>
    %ge3A_24 = arith.cmpf oge, %reduce_sum3A_22, %ge3A_23 : vector<128xf32>
    %select_n3A = arith.select %ge3A_24, %shift_right_arithmetic3A_18, %broadcast_in_dim3A_16 : vector<128xi1>, vector<128xi32>
    %select_n3A_25 = arith.select %ge3A_24, %broadcast_in_dim3A_14, %shift_right_arithmetic3A_18 : vector<128xi1>, vector<128xi32>
    %add3A_26 = arith.addi %select_n3A_25, %select_n3A : vector<128xi32>
    %shift_right_arithmetic3A_27 = arith.constant 1 : i32
    %shift_right_arithmetic3A_28 = vector.broadcast %shift_right_arithmetic3A_27 : i32 to vector<128xi32>
    %shift_right_arithmetic3A_29 = arith.shrsi %add3A_26, %shift_right_arithmetic3A_28 : vector<128xi32>
    %broadcast_in_dim3A_30 = vector.shape_cast %shift_right_arithmetic3A_29 : vector<128xi32> to vector<1x128xi32>
    %le3A_31 = vector.broadcast %broadcast_in_dim3A_30 : vector<1x128xi32> to vector<4096x128xi32>
    %le3A_32 = arith.cmpi sle, %bitcast_convert_type3A, %le3A_31 : vector<4096x128xi32>
    %convert_element_type3A_33 = arith.extui %le3A_32 : vector<4096x128xi1> to vector<4096x128xi32>
    %convert_element_type3A_34 = arith.sitofp %convert_element_type3A_33 : vector<4096x128xi32> to vector<4096x128xf32>
    %reduce_sum3A_35 = arith.constant dense<0.000000e+00> : vector<128xf32>
    %reduce_sum3A_36 = vector.multi_reduction <add>, %convert_element_type3A_34, %reduce_sum3A_35 [0] : vector<4096x128xf32> to vector<128xf32>
    %ge3A_37 = arith.constant 1.600000e+01 : f32
    %ge3A_38 = vector.broadcast %ge3A_37 : f32 to vector<128xf32>
    %ge3A_39 = arith.cmpf oge, %reduce_sum3A_36, %ge3A_38 : vector<128xf32>
    %select_n3A_40 = arith.select %ge3A_39, %shift_right_arithmetic3A_29, %select_n3A : vector<128xi1>, vector<128xi32>
    %select_n3A_41 = arith.select %ge3A_39, %select_n3A_25, %shift_right_arithmetic3A_29 : vector<128xi1>, vector<128xi32>
    %add3A_42 = arith.addi %select_n3A_41, %select_n3A_40 : vector<128xi32>
    %shift_right_arithmetic3A_43 = arith.constant 1 : i32
    %shift_right_arithmetic3A_44 = vector.broadcast %shift_right_arithmetic3A_43 : i32 to vector<128xi32>
    %shift_right_arithmetic3A_45 = arith.shrsi %add3A_42, %shift_right_arithmetic3A_44 : vector<128xi32>
    %broadcast_in_dim3A_46 = vector.shape_cast %shift_right_arithmetic3A_45 : vector<128xi32> to vector<1x128xi32>
    %le3A_47 = vector.broadcast %broadcast_in_dim3A_46 : vector<1x128xi32> to vector<4096x128xi32>
    %le3A_48 = arith.cmpi sle, %bitcast_convert_type3A, %le3A_47 : vector<4096x128xi32>
    %convert_element_type3A_49 = arith.extui %le3A_48 : vector<4096x128xi1> to vector<4096x128xi32>
    %convert_element_type3A_50 = arith.sitofp %convert_element_type3A_49 : vector<4096x128xi32> to vector<4096x128xf32>
    %reduce_sum3A_51 = arith.constant dense<0.000000e+00> : vector<128xf32>
    %reduce_sum3A_52 = vector.multi_reduction <add>, %convert_element_type3A_50, %reduce_sum3A_51 [0] : vector<4096x128xf32> to vector<128xf32>
    %ge3A_53 = arith.constant 1.600000e+01 : f32
    %ge3A_54 = vector.broadcast %ge3A_53 : f32 to vector<128xf32>
    %ge3A_55 = arith.cmpf oge, %reduce_sum3A_52, %ge3A_54 : vector<128xf32>
    %select_n3A_56 = arith.select %ge3A_55, %shift_right_arithmetic3A_45, %select_n3A_40 : vector<128xi1>, vector<128xi32>
    %select_n3A_57 = arith.select %ge3A_55, %select_n3A_41, %shift_right_arithmetic3A_45 : vector<128xi1>, vector<128xi32>
    %add3A_58 = arith.addi %select_n3A_57, %select_n3A_56 : vector<128xi32>
    %shift_right_arithmetic3A_59 = arith.constant 1 : i32
    %shift_right_arithmetic3A_60 = vector.broadcast %shift_right_arithmetic3A_59 : i32 to vector<128xi32>
    %shift_right_arithmetic3A_61 = arith.shrsi %add3A_58, %shift_right_arithmetic3A_60 : vector<128xi32>
    %broadcast_in_dim3A_62 = vector.shape_cast %shift_right_arithmetic3A_61 : vector<128xi32> to vector<1x128xi32>
    %le3A_63 = vector.broadcast %broadcast_in_dim3A_62 : vector<1x128xi32> to vector<4096x128xi32>
    %le3A_64 = arith.cmpi sle, %bitcast_convert_type3A, %le3A_63 : vector<4096x128xi32>
    %convert_element_type3A_65 = arith.extui %le3A_64 : vector<4096x128xi1> to vector<4096x128xi32>
    %convert_element_type3A_66 = arith.sitofp %convert_element_type3A_65 : vector<4096x128xi32> to vector<4096x128xf32>
    %reduce_sum3A_67 = arith.constant dense<0.000000e+00> : vector<128xf32>
    %reduce_sum3A_68 = vector.multi_reduction <add>, %convert_element_type3A_66, %reduce_sum3A_67 [0] : vector<4096x128xf32> to vector<128xf32>
    %ge3A_69 = arith.constant 1.600000e+01 : f32
    %ge3A_70 = vector.broadcast %ge3A_69 : f32 to vector<128xf32>
    %ge3A_71 = arith.cmpf oge, %reduce_sum3A_68, %ge3A_70 : vector<128xf32>
    %select_n3A_72 = arith.select %ge3A_71, %shift_right_arithmetic3A_61, %select_n3A_56 : vector<128xi1>, vector<128xi32>
    %select_n3A_73 = arith.select %ge3A_71, %select_n3A_57, %shift_right_arithmetic3A_61 : vector<128xi1>, vector<128xi32>
    %add3A_74 = arith.addi %select_n3A_73, %select_n3A_72 : vector<128xi32>
    %shift_right_arithmetic3A_75 = arith.constant 1 : i32
    %shift_right_arithmetic3A_76 = vector.broadcast %shift_right_arithmetic3A_75 : i32 to vector<128xi32>
    %shift_right_arithmetic3A_77 = arith.shrsi %add3A_74, %shift_right_arithmetic3A_76 : vector<128xi32>
    %broadcast_in_dim3A_78 = vector.shape_cast %shift_right_arithmetic3A_77 : vector<128xi32> to vector<1x128xi32>
    %le3A_79 = vector.broadcast %broadcast_in_dim3A_78 : vector<1x128xi32> to vector<4096x128xi32>
    %le3A_80 = arith.cmpi sle, %bitcast_convert_type3A, %le3A_79 : vector<4096x128xi32>
    %convert_element_type3A_81 = arith.extui %le3A_80 : vector<4096x128xi1> to vector<4096x128xi32>
    %convert_element_type3A_82 = arith.sitofp %convert_element_type3A_81 : vector<4096x128xi32> to vector<4096x128xf32>
    %reduce_sum3A_83 = arith.constant dense<0.000000e+00> : vector<128xf32>
    %reduce_sum3A_84 = vector.multi_reduction <add>, %convert_element_type3A_82, %reduce_sum3A_83 [0] : vector<4096x128xf32> to vector<128xf32>
    %ge3A_85 = arith.constant 1.600000e+01 : f32
    %ge3A_86 = vector.broadcast %ge3A_85 : f32 to vector<128xf32>
    %ge3A_87 = arith.cmpf oge, %reduce_sum3A_84, %ge3A_86 : vector<128xf32>
    %select_n3A_88 = arith.select %ge3A_87, %shift_right_arithmetic3A_77, %select_n3A_72 : vector<128xi1>, vector<128xi32>
    %select_n3A_89 = arith.select %ge3A_87, %select_n3A_73, %shift_right_arithmetic3A_77 : vector<128xi1>, vector<128xi32>
    %add3A_90 = arith.addi %select_n3A_89, %select_n3A_88 : vector<128xi32>
    %shift_right_arithmetic3A_91 = arith.constant 1 : i32
    %shift_right_arithmetic3A_92 = vector.broadcast %shift_right_arithmetic3A_91 : i32 to vector<128xi32>
    %shift_right_arithmetic3A_93 = arith.shrsi %add3A_90, %shift_right_arithmetic3A_92 : vector<128xi32>
    %broadcast_in_dim3A_94 = vector.shape_cast %shift_right_arithmetic3A_93 : vector<128xi32> to vector<1x128xi32>
    %le3A_95 = vector.broadcast %broadcast_in_dim3A_94 : vector<1x128xi32> to vector<4096x128xi32>
    %le3A_96 = arith.cmpi sle, %bitcast_convert_type3A, %le3A_95 : vector<4096x128xi32>
    %convert_element_type3A_97 = arith.extui %le3A_96 : vector<4096x128xi1> to vector<4096x128xi32>
    %convert_element_type3A_98 = arith.sitofp %convert_element_type3A_97 : vector<4096x128xi32> to vector<4096x128xf32>
    %reduce_sum3A_99 = arith.constant dense<0.000000e+00> : vector<128xf32>
    %reduce_sum3A_100 = vector.multi_reduction <add>, %convert_element_type3A_98, %reduce_sum3A_99 [0] : vector<4096x128xf32> to vector<128xf32>
    %ge3A_101 = arith.constant 1.600000e+01 : f32
    %ge3A_102 = vector.broadcast %ge3A_101 : f32 to vector<128xf32>
    %ge3A_103 = arith.cmpf oge, %reduce_sum3A_100, %ge3A_102 : vector<128xf32>
    %select_n3A_104 = arith.select %ge3A_103, %shift_right_arithmetic3A_93, %select_n3A_88 : vector<128xi1>, vector<128xi32>
    %select_n3A_105 = arith.select %ge3A_103, %select_n3A_89, %shift_right_arithmetic3A_93 : vector<128xi1>, vector<128xi32>
    %add3A_106 = arith.addi %select_n3A_105, %select_n3A_104 : vector<128xi32>
    %shift_right_arithmetic3A_107 = arith.constant 1 : i32
    %shift_right_arithmetic3A_108 = vector.broadcast %shift_right_arithmetic3A_107 : i32 to vector<128xi32>
    %shift_right_arithmetic3A_109 = arith.shrsi %add3A_106, %shift_right_arithmetic3A_108 : vector<128xi32>
    %broadcast_in_dim3A_110 = vector.shape_cast %shift_right_arithmetic3A_109 : vector<128xi32> to vector<1x128xi32>
    %le3A_111 = vector.broadcast %broadcast_in_dim3A_110 : vector<1x128xi32> to vector<4096x128xi32>
    %le3A_112 = arith.cmpi sle, %bitcast_convert_type3A, %le3A_111 : vector<4096x128xi32>
    %convert_element_type3A_113 = arith.extui %le3A_112 : vector<4096x128xi1> to vector<4096x128xi32>
    %convert_element_type3A_114 = arith.sitofp %convert_element_type3A_113 : vector<4096x128xi32> to vector<4096x128xf32>
    %reduce_sum3A_115 = arith.constant dense<0.000000e+00> : vector<128xf32>
    %reduce_sum3A_116 = vector.multi_reduction <add>, %convert_element_type3A_114, %reduce_sum3A_115 [0] : vector<4096x128xf32> to vector<128xf32>
    %ge3A_117 = arith.constant 1.600000e+01 : f32
    %ge3A_118 = vector.broadcast %ge3A_117 : f32 to vector<128xf32>
    %ge3A_119 = arith.cmpf oge, %reduce_sum3A_116, %ge3A_118 : vector<128xf32>
    %select_n3A_120 = arith.select %ge3A_119, %shift_right_arithmetic3A_109, %select_n3A_104 : vector<128xi1>, vector<128xi32>
    %select_n3A_121 = arith.select %ge3A_119, %select_n3A_105, %shift_right_arithmetic3A_109 : vector<128xi1>, vector<128xi32>
    %add3A_122 = arith.addi %select_n3A_121, %select_n3A_120 : vector<128xi32>
    %shift_right_arithmetic3A_123 = arith.constant 1 : i32
    %shift_right_arithmetic3A_124 = vector.broadcast %shift_right_arithmetic3A_123 : i32 to vector<128xi32>
    %shift_right_arithmetic3A_125 = arith.shrsi %add3A_122, %shift_right_arithmetic3A_124 : vector<128xi32>
    %broadcast_in_dim3A_126 = vector.shape_cast %shift_right_arithmetic3A_125 : vector<128xi32> to vector<1x128xi32>
    %le3A_127 = vector.broadcast %broadcast_in_dim3A_126 : vector<1x128xi32> to vector<4096x128xi32>
    %le3A_128 = arith.cmpi sle, %bitcast_convert_type3A, %le3A_127 : vector<4096x128xi32>
    %convert_element_type3A_129 = arith.extui %le3A_128 : vector<4096x128xi1> to vector<4096x128xi32>
    %convert_element_type3A_130 = arith.sitofp %convert_element_type3A_129 : vector<4096x128xi32> to vector<4096x128xf32>
    %reduce_sum3A_131 = arith.constant dense<0.000000e+00> : vector<128xf32>
    %reduce_sum3A_132 = vector.multi_reduction <add>, %convert_element_type3A_130, %reduce_sum3A_131 [0] : vector<4096x128xf32> to vector<128xf32>
    %ge3A_133 = arith.constant 1.600000e+01 : f32
    %ge3A_134 = vector.broadcast %ge3A_133 : f32 to vector<128xf32>
    %ge3A_135 = arith.cmpf oge, %reduce_sum3A_132, %ge3A_134 : vector<128xf32>
    %select_n3A_136 = arith.select %ge3A_135, %shift_right_arithmetic3A_125, %select_n3A_120 : vector<128xi1>, vector<128xi32>
    %select_n3A_137 = arith.select %ge3A_135, %select_n3A_121, %shift_right_arithmetic3A_125 : vector<128xi1>, vector<128xi32>
    %add3A_138 = arith.addi %select_n3A_137, %select_n3A_136 : vector<128xi32>
    %shift_right_arithmetic3A_139 = arith.constant 1 : i32
    %shift_right_arithmetic3A_140 = vector.broadcast %shift_right_arithmetic3A_139 : i32 to vector<128xi32>
    %shift_right_arithmetic3A_141 = arith.shrsi %add3A_138, %shift_right_arithmetic3A_140 : vector<128xi32>
    %broadcast_in_dim3A_142 = vector.shape_cast %shift_right_arithmetic3A_141 : vector<128xi32> to vector<1x128xi32>
    %le3A_143 = vector.broadcast %broadcast_in_dim3A_142 : vector<1x128xi32> to vector<4096x128xi32>
    %le3A_144 = arith.cmpi sle, %bitcast_convert_type3A, %le3A_143 : vector<4096x128xi32>
    %convert_element_type3A_145 = arith.extui %le3A_144 : vector<4096x128xi1> to vector<4096x128xi32>
    %convert_element_type3A_146 = arith.sitofp %convert_element_type3A_145 : vector<4096x128xi32> to vector<4096x128xf32>
    %reduce_sum3A_147 = arith.constant dense<0.000000e+00> : vector<128xf32>
    %reduce_sum3A_148 = vector.multi_reduction <add>, %convert_element_type3A_146, %reduce_sum3A_147 [0] : vector<4096x128xf32> to vector<128xf32>
    %ge3A_149 = arith.constant 1.600000e+01 : f32
    %ge3A_150 = vector.broadcast %ge3A_149 : f32 to vector<128xf32>
    %ge3A_151 = arith.cmpf oge, %reduce_sum3A_148, %ge3A_150 : vector<128xf32>
    %select_n3A_152 = arith.select %ge3A_151, %shift_right_arithmetic3A_141, %select_n3A_136 : vector<128xi1>, vector<128xi32>
    %select_n3A_153 = arith.select %ge3A_151, %select_n3A_137, %shift_right_arithmetic3A_141 : vector<128xi1>, vector<128xi32>
    %add3A_154 = arith.addi %select_n3A_153, %select_n3A_152 : vector<128xi32>
    %shift_right_arithmetic3A_155 = arith.constant 1 : i32
    %shift_right_arithmetic3A_156 = vector.broadcast %shift_right_arithmetic3A_155 : i32 to vector<128xi32>
    %shift_right_arithmetic3A_157 = arith.shrsi %add3A_154, %shift_right_arithmetic3A_156 : vector<128xi32>
    %broadcast_in_dim3A_158 = vector.shape_cast %shift_right_arithmetic3A_157 : vector<128xi32> to vector<1x128xi32>
    %le3A_159 = vector.broadcast %broadcast_in_dim3A_158 : vector<1x128xi32> to vector<4096x128xi32>
    %le3A_160 = arith.cmpi sle, %bitcast_convert_type3A, %le3A_159 : vector<4096x128xi32>
    %convert_element_type3A_161 = arith.extui %le3A_160 : vector<4096x128xi1> to vector<4096x128xi32>
    %convert_element_type3A_162 = arith.sitofp %convert_element_type3A_161 : vector<4096x128xi32> to vector<4096x128xf32>
    %reduce_sum3A_163 = arith.constant dense<0.000000e+00> : vector<128xf32>
    %reduce_sum3A_164 = vector.multi_reduction <add>, %convert_element_type3A_162, %reduce_sum3A_163 [0] : vector<4096x128xf32> to vector<128xf32>
    %ge3A_165 = arith.constant 1.600000e+01 : f32
    %ge3A_166 = vector.broadcast %ge3A_165 : f32 to vector<128xf32>
    %ge3A_167 = arith.cmpf oge, %reduce_sum3A_164, %ge3A_166 : vector<128xf32>
    %select_n3A_168 = arith.select %ge3A_167, %shift_right_arithmetic3A_157, %select_n3A_152 : vector<128xi1>, vector<128xi32>
    %select_n3A_169 = arith.select %ge3A_167, %select_n3A_153, %shift_right_arithmetic3A_157 : vector<128xi1>, vector<128xi32>
    %add3A_170 = arith.addi %select_n3A_169, %select_n3A_168 : vector<128xi32>
    %shift_right_arithmetic3A_171 = arith.constant 1 : i32
    %shift_right_arithmetic3A_172 = vector.broadcast %shift_right_arithmetic3A_171 : i32 to vector<128xi32>
    %shift_right_arithmetic3A_173 = arith.shrsi %add3A_170, %shift_right_arithmetic3A_172 : vector<128xi32>
    %broadcast_in_dim3A_174 = vector.shape_cast %shift_right_arithmetic3A_173 : vector<128xi32> to vector<1x128xi32>
    %le3A_175 = vector.broadcast %broadcast_in_dim3A_174 : vector<1x128xi32> to vector<4096x128xi32>
    %le3A_176 = arith.cmpi sle, %bitcast_convert_type3A, %le3A_175 : vector<4096x128xi32>
    %convert_element_type3A_177 = arith.extui %le3A_176 : vector<4096x128xi1> to vector<4096x128xi32>
    %convert_element_type3A_178 = arith.sitofp %convert_element_type3A_177 : vector<4096x128xi32> to vector<4096x128xf32>
    %reduce_sum3A_179 = arith.constant dense<0.000000e+00> : vector<128xf32>
    %reduce_sum3A_180 = vector.multi_reduction <add>, %convert_element_type3A_178, %reduce_sum3A_179 [0] : vector<4096x128xf32> to vector<128xf32>
    %ge3A_181 = arith.constant 1.600000e+01 : f32
    %ge3A_182 = vector.broadcast %ge3A_181 : f32 to vector<128xf32>
    %ge3A_183 = arith.cmpf oge, %reduce_sum3A_180, %ge3A_182 : vector<128xf32>
    %select_n3A_184 = arith.select %ge3A_183, %shift_right_arithmetic3A_173, %select_n3A_168 : vector<128xi1>, vector<128xi32>
    %select_n3A_185 = arith.select %ge3A_183, %select_n3A_169, %shift_right_arithmetic3A_173 : vector<128xi1>, vector<128xi32>
    %add3A_186 = arith.addi %select_n3A_185, %select_n3A_184 : vector<128xi32>
    %shift_right_arithmetic3A_187 = arith.constant 1 : i32
    %shift_right_arithmetic3A_188 = vector.broadcast %shift_right_arithmetic3A_187 : i32 to vector<128xi32>
    %shift_right_arithmetic3A_189 = arith.shrsi %add3A_186, %shift_right_arithmetic3A_188 : vector<128xi32>
    %broadcast_in_dim3A_190 = vector.shape_cast %shift_right_arithmetic3A_189 : vector<128xi32> to vector<1x128xi32>
    %le3A_191 = vector.broadcast %broadcast_in_dim3A_190 : vector<1x128xi32> to vector<4096x128xi32>
    %le3A_192 = arith.cmpi sle, %bitcast_convert_type3A, %le3A_191 : vector<4096x128xi32>
    %convert_element_type3A_193 = arith.extui %le3A_192 : vector<4096x128xi1> to vector<4096x128xi32>
    %convert_element_type3A_194 = arith.sitofp %convert_element_type3A_193 : vector<4096x128xi32> to vector<4096x128xf32>
    %reduce_sum3A_195 = arith.constant dense<0.000000e+00> : vector<128xf32>
    %reduce_sum3A_196 = vector.multi_reduction <add>, %convert_element_type3A_194, %reduce_sum3A_195 [0] : vector<4096x128xf32> to vector<128xf32>
    %ge3A_197 = arith.constant 1.600000e+01 : f32
    %ge3A_198 = vector.broadcast %ge3A_197 : f32 to vector<128xf32>
    %ge3A_199 = arith.cmpf oge, %reduce_sum3A_196, %ge3A_198 : vector<128xf32>
    %select_n3A_200 = arith.select %ge3A_199, %shift_right_arithmetic3A_189, %select_n3A_184 : vector<128xi1>, vector<128xi32>
    %select_n3A_201 = arith.select %ge3A_199, %select_n3A_185, %shift_right_arithmetic3A_189 : vector<128xi1>, vector<128xi32>
    %add3A_202 = arith.addi %select_n3A_201, %select_n3A_200 : vector<128xi32>
    %shift_right_arithmetic3A_203 = arith.constant 1 : i32
    %shift_right_arithmetic3A_204 = vector.broadcast %shift_right_arithmetic3A_203 : i32 to vector<128xi32>
    %shift_right_arithmetic3A_205 = arith.shrsi %add3A_202, %shift_right_arithmetic3A_204 : vector<128xi32>
    %broadcast_in_dim3A_206 = vector.shape_cast %shift_right_arithmetic3A_205 : vector<128xi32> to vector<1x128xi32>
    %le3A_207 = vector.broadcast %broadcast_in_dim3A_206 : vector<1x128xi32> to vector<4096x128xi32>
    %le3A_208 = arith.cmpi sle, %bitcast_convert_type3A, %le3A_207 : vector<4096x128xi32>
    %convert_element_type3A_209 = arith.extui %le3A_208 : vector<4096x128xi1> to vector<4096x128xi32>
    %convert_element_type3A_210 = arith.sitofp %convert_element_type3A_209 : vector<4096x128xi32> to vector<4096x128xf32>
    %reduce_sum3A_211 = arith.constant dense<0.000000e+00> : vector<128xf32>
    %reduce_sum3A_212 = vector.multi_reduction <add>, %convert_element_type3A_210, %reduce_sum3A_211 [0] : vector<4096x128xf32> to vector<128xf32>
    %ge3A_213 = arith.constant 1.600000e+01 : f32
    %ge3A_214 = vector.broadcast %ge3A_213 : f32 to vector<128xf32>
    %ge3A_215 = arith.cmpf oge, %reduce_sum3A_212, %ge3A_214 : vector<128xf32>
    %select_n3A_216 = arith.select %ge3A_215, %shift_right_arithmetic3A_205, %select_n3A_200 : vector<128xi1>, vector<128xi32>
    %select_n3A_217 = arith.select %ge3A_215, %select_n3A_201, %shift_right_arithmetic3A_205 : vector<128xi1>, vector<128xi32>
    %add3A_218 = arith.addi %select_n3A_217, %select_n3A_216 : vector<128xi32>
    %shift_right_arithmetic3A_219 = arith.constant 1 : i32
    %shift_right_arithmetic3A_220 = vector.broadcast %shift_right_arithmetic3A_219 : i32 to vector<128xi32>
    %shift_right_arithmetic3A_221 = arith.shrsi %add3A_218, %shift_right_arithmetic3A_220 : vector<128xi32>
    %broadcast_in_dim3A_222 = vector.shape_cast %shift_right_arithmetic3A_221 : vector<128xi32> to vector<1x128xi32>
    %le3A_223 = vector.broadcast %broadcast_in_dim3A_222 : vector<1x128xi32> to vector<4096x128xi32>
    %le3A_224 = arith.cmpi sle, %bitcast_convert_type3A, %le3A_223 : vector<4096x128xi32>
    %convert_element_type3A_225 = arith.extui %le3A_224 : vector<4096x128xi1> to vector<4096x128xi32>
    %convert_element_type3A_226 = arith.sitofp %convert_element_type3A_225 : vector<4096x128xi32> to vector<4096x128xf32>
    %reduce_sum3A_227 = arith.constant dense<0.000000e+00> : vector<128xf32>
    %reduce_sum3A_228 = vector.multi_reduction <add>, %convert_element_type3A_226, %reduce_sum3A_227 [0] : vector<4096x128xf32> to vector<128xf32>
    %ge3A_229 = arith.constant 1.600000e+01 : f32
    %ge3A_230 = vector.broadcast %ge3A_229 : f32 to vector<128xf32>
    %ge3A_231 = arith.cmpf oge, %reduce_sum3A_228, %ge3A_230 : vector<128xf32>
    %select_n3A_232 = arith.select %ge3A_231, %shift_right_arithmetic3A_221, %select_n3A_216 : vector<128xi1>, vector<128xi32>
    %select_n3A_233 = arith.select %ge3A_231, %select_n3A_217, %shift_right_arithmetic3A_221 : vector<128xi1>, vector<128xi32>
    %add3A_234 = arith.addi %select_n3A_233, %select_n3A_232 : vector<128xi32>
    %shift_right_arithmetic3A_235 = arith.constant 1 : i32
    %shift_right_arithmetic3A_236 = vector.broadcast %shift_right_arithmetic3A_235 : i32 to vector<128xi32>
    %shift_right_arithmetic3A_237 = arith.shrsi %add3A_234, %shift_right_arithmetic3A_236 : vector<128xi32>
    %broadcast_in_dim3A_238 = vector.shape_cast %shift_right_arithmetic3A_237 : vector<128xi32> to vector<1x128xi32>
    %le3A_239 = vector.broadcast %broadcast_in_dim3A_238 : vector<1x128xi32> to vector<4096x128xi32>
    %le3A_240 = arith.cmpi sle, %bitcast_convert_type3A, %le3A_239 : vector<4096x128xi32>
    %convert_element_type3A_241 = arith.extui %le3A_240 : vector<4096x128xi1> to vector<4096x128xi32>
    %convert_element_type3A_242 = arith.sitofp %convert_element_type3A_241 : vector<4096x128xi32> to vector<4096x128xf32>
    %reduce_sum3A_243 = arith.constant dense<0.000000e+00> : vector<128xf32>
    %reduce_sum3A_244 = vector.multi_reduction <add>, %convert_element_type3A_242, %reduce_sum3A_243 [0] : vector<4096x128xf32> to vector<128xf32>
    %ge3A_245 = arith.constant 1.600000e+01 : f32
    %ge3A_246 = vector.broadcast %ge3A_245 : f32 to vector<128xf32>
    %ge3A_247 = arith.cmpf oge, %reduce_sum3A_244, %ge3A_246 : vector<128xf32>
    %select_n3A_248 = arith.select %ge3A_247, %shift_right_arithmetic3A_237, %select_n3A_232 : vector<128xi1>, vector<128xi32>
    %select_n3A_249 = arith.select %ge3A_247, %select_n3A_233, %shift_right_arithmetic3A_237 : vector<128xi1>, vector<128xi32>
    %add3A_250 = arith.addi %select_n3A_249, %select_n3A_248 : vector<128xi32>
    %shift_right_arithmetic3A_251 = arith.constant 1 : i32
    %shift_right_arithmetic3A_252 = vector.broadcast %shift_right_arithmetic3A_251 : i32 to vector<128xi32>
    %shift_right_arithmetic3A_253 = arith.shrsi %add3A_250, %shift_right_arithmetic3A_252 : vector<128xi32>
    %broadcast_in_dim3A_254 = vector.shape_cast %shift_right_arithmetic3A_253 : vector<128xi32> to vector<1x128xi32>
    %le3A_255 = vector.broadcast %broadcast_in_dim3A_254 : vector<1x128xi32> to vector<4096x128xi32>
    %le3A_256 = arith.cmpi sle, %bitcast_convert_type3A, %le3A_255 : vector<4096x128xi32>
    %convert_element_type3A_257 = arith.extui %le3A_256 : vector<4096x128xi1> to vector<4096x128xi32>
    %convert_element_type3A_258 = arith.sitofp %convert_element_type3A_257 : vector<4096x128xi32> to vector<4096x128xf32>
    %reduce_sum3A_259 = arith.constant dense<0.000000e+00> : vector<128xf32>
    %reduce_sum3A_260 = vector.multi_reduction <add>, %convert_element_type3A_258, %reduce_sum3A_259 [0] : vector<4096x128xf32> to vector<128xf32>
    %ge3A_261 = arith.constant 1.600000e+01 : f32
    %ge3A_262 = vector.broadcast %ge3A_261 : f32 to vector<128xf32>
    %ge3A_263 = arith.cmpf oge, %reduce_sum3A_260, %ge3A_262 : vector<128xf32>
    %select_n3A_264 = arith.select %ge3A_263, %shift_right_arithmetic3A_253, %select_n3A_248 : vector<128xi1>, vector<128xi32>
    %select_n3A_265 = arith.select %ge3A_263, %select_n3A_249, %shift_right_arithmetic3A_253 : vector<128xi1>, vector<128xi32>
    %add3A_266 = arith.addi %select_n3A_265, %select_n3A_264 : vector<128xi32>
    %shift_right_arithmetic3A_267 = arith.constant 1 : i32
    %shift_right_arithmetic3A_268 = vector.broadcast %shift_right_arithmetic3A_267 : i32 to vector<128xi32>
    %shift_right_arithmetic3A_269 = arith.shrsi %add3A_266, %shift_right_arithmetic3A_268 : vector<128xi32>
    %broadcast_in_dim3A_270 = vector.shape_cast %shift_right_arithmetic3A_269 : vector<128xi32> to vector<1x128xi32>
    %le3A_271 = vector.broadcast %broadcast_in_dim3A_270 : vector<1x128xi32> to vector<4096x128xi32>
    %le3A_272 = arith.cmpi sle, %bitcast_convert_type3A, %le3A_271 : vector<4096x128xi32>
    %convert_element_type3A_273 = arith.extui %le3A_272 : vector<4096x128xi1> to vector<4096x128xi32>
    %convert_element_type3A_274 = arith.sitofp %convert_element_type3A_273 : vector<4096x128xi32> to vector<4096x128xf32>
    %reduce_sum3A_275 = arith.constant dense<0.000000e+00> : vector<128xf32>
    %reduce_sum3A_276 = vector.multi_reduction <add>, %convert_element_type3A_274, %reduce_sum3A_275 [0] : vector<4096x128xf32> to vector<128xf32>
    %ge3A_277 = arith.constant 1.600000e+01 : f32
    %ge3A_278 = vector.broadcast %ge3A_277 : f32 to vector<128xf32>
    %ge3A_279 = arith.cmpf oge, %reduce_sum3A_276, %ge3A_278 : vector<128xf32>
    %select_n3A_280 = arith.select %ge3A_279, %shift_right_arithmetic3A_269, %select_n3A_264 : vector<128xi1>, vector<128xi32>
    %select_n3A_281 = arith.select %ge3A_279, %select_n3A_265, %shift_right_arithmetic3A_269 : vector<128xi1>, vector<128xi32>
    %add3A_282 = arith.addi %select_n3A_281, %select_n3A_280 : vector<128xi32>
    %shift_right_arithmetic3A_283 = arith.constant 1 : i32
    %shift_right_arithmetic3A_284 = vector.broadcast %shift_right_arithmetic3A_283 : i32 to vector<128xi32>
    %shift_right_arithmetic3A_285 = arith.shrsi %add3A_282, %shift_right_arithmetic3A_284 : vector<128xi32>
    %broadcast_in_dim3A_286 = vector.shape_cast %shift_right_arithmetic3A_285 : vector<128xi32> to vector<1x128xi32>
    %le3A_287 = vector.broadcast %broadcast_in_dim3A_286 : vector<1x128xi32> to vector<4096x128xi32>
    %le3A_288 = arith.cmpi sle, %bitcast_convert_type3A, %le3A_287 : vector<4096x128xi32>
    %convert_element_type3A_289 = arith.extui %le3A_288 : vector<4096x128xi1> to vector<4096x128xi32>
    %convert_element_type3A_290 = arith.sitofp %convert_element_type3A_289 : vector<4096x128xi32> to vector<4096x128xf32>
    %reduce_sum3A_291 = arith.constant dense<0.000000e+00> : vector<128xf32>
    %reduce_sum3A_292 = vector.multi_reduction <add>, %convert_element_type3A_290, %reduce_sum3A_291 [0] : vector<4096x128xf32> to vector<128xf32>
    %ge3A_293 = arith.constant 1.600000e+01 : f32
    %ge3A_294 = vector.broadcast %ge3A_293 : f32 to vector<128xf32>
    %ge3A_295 = arith.cmpf oge, %reduce_sum3A_292, %ge3A_294 : vector<128xf32>
    %select_n3A_296 = arith.select %ge3A_295, %shift_right_arithmetic3A_285, %select_n3A_280 : vector<128xi1>, vector<128xi32>
    %select_n3A_297 = arith.select %ge3A_295, %select_n3A_281, %shift_right_arithmetic3A_285 : vector<128xi1>, vector<128xi32>
    %add3A_298 = arith.addi %select_n3A_297, %select_n3A_296 : vector<128xi32>
    %shift_right_arithmetic3A_299 = arith.constant 1 : i32
    %shift_right_arithmetic3A_300 = vector.broadcast %shift_right_arithmetic3A_299 : i32 to vector<128xi32>
    %shift_right_arithmetic3A_301 = arith.shrsi %add3A_298, %shift_right_arithmetic3A_300 : vector<128xi32>
    %broadcast_in_dim3A_302 = vector.shape_cast %shift_right_arithmetic3A_301 : vector<128xi32> to vector<1x128xi32>
    %le3A_303 = vector.broadcast %broadcast_in_dim3A_302 : vector<1x128xi32> to vector<4096x128xi32>
    %le3A_304 = arith.cmpi sle, %bitcast_convert_type3A, %le3A_303 : vector<4096x128xi32>
    %convert_element_type3A_305 = arith.extui %le3A_304 : vector<4096x128xi1> to vector<4096x128xi32>
    %convert_element_type3A_306 = arith.sitofp %convert_element_type3A_305 : vector<4096x128xi32> to vector<4096x128xf32>
    %reduce_sum3A_307 = arith.constant dense<0.000000e+00> : vector<128xf32>
    %reduce_sum3A_308 = vector.multi_reduction <add>, %convert_element_type3A_306, %reduce_sum3A_307 [0] : vector<4096x128xf32> to vector<128xf32>
    %ge3A_309 = arith.constant 1.600000e+01 : f32
    %ge3A_310 = vector.broadcast %ge3A_309 : f32 to vector<128xf32>
    %ge3A_311 = arith.cmpf oge, %reduce_sum3A_308, %ge3A_310 : vector<128xf32>
    %select_n3A_312 = arith.select %ge3A_311, %shift_right_arithmetic3A_301, %select_n3A_296 : vector<128xi1>, vector<128xi32>
    %select_n3A_313 = arith.select %ge3A_311, %select_n3A_297, %shift_right_arithmetic3A_301 : vector<128xi1>, vector<128xi32>
    %add3A_314 = arith.addi %select_n3A_313, %select_n3A_312 : vector<128xi32>
    %shift_right_arithmetic3A_315 = arith.constant 1 : i32
    %shift_right_arithmetic3A_316 = vector.broadcast %shift_right_arithmetic3A_315 : i32 to vector<128xi32>
    %shift_right_arithmetic3A_317 = arith.shrsi %add3A_314, %shift_right_arithmetic3A_316 : vector<128xi32>
    %broadcast_in_dim3A_318 = vector.shape_cast %shift_right_arithmetic3A_317 : vector<128xi32> to vector<1x128xi32>
    %le3A_319 = vector.broadcast %broadcast_in_dim3A_318 : vector<1x128xi32> to vector<4096x128xi32>
    %le3A_320 = arith.cmpi sle, %bitcast_convert_type3A, %le3A_319 : vector<4096x128xi32>
    %convert_element_type3A_321 = arith.extui %le3A_320 : vector<4096x128xi1> to vector<4096x128xi32>
    %convert_element_type3A_322 = arith.sitofp %convert_element_type3A_321 : vector<4096x128xi32> to vector<4096x128xf32>
    %reduce_sum3A_323 = arith.constant dense<0.000000e+00> : vector<128xf32>
    %reduce_sum3A_324 = vector.multi_reduction <add>, %convert_element_type3A_322, %reduce_sum3A_323 [0] : vector<4096x128xf32> to vector<128xf32>
    %ge3A_325 = arith.constant 1.600000e+01 : f32
    %ge3A_326 = vector.broadcast %ge3A_325 : f32 to vector<128xf32>
    %ge3A_327 = arith.cmpf oge, %reduce_sum3A_324, %ge3A_326 : vector<128xf32>
    %select_n3A_328 = arith.select %ge3A_327, %shift_right_arithmetic3A_317, %select_n3A_312 : vector<128xi1>, vector<128xi32>
    %select_n3A_329 = arith.select %ge3A_327, %select_n3A_313, %shift_right_arithmetic3A_317 : vector<128xi1>, vector<128xi32>
    %add3A_330 = arith.addi %select_n3A_329, %select_n3A_328 : vector<128xi32>
    %shift_right_arithmetic3A_331 = arith.constant 1 : i32
    %shift_right_arithmetic3A_332 = vector.broadcast %shift_right_arithmetic3A_331 : i32 to vector<128xi32>
    %shift_right_arithmetic3A_333 = arith.shrsi %add3A_330, %shift_right_arithmetic3A_332 : vector<128xi32>
    %broadcast_in_dim3A_334 = vector.shape_cast %shift_right_arithmetic3A_333 : vector<128xi32> to vector<1x128xi32>
    %le3A_335 = vector.broadcast %broadcast_in_dim3A_334 : vector<1x128xi32> to vector<4096x128xi32>
    %le3A_336 = arith.cmpi sle, %bitcast_convert_type3A, %le3A_335 : vector<4096x128xi32>
    %convert_element_type3A_337 = arith.extui %le3A_336 : vector<4096x128xi1> to vector<4096x128xi32>
    %convert_element_type3A_338 = arith.sitofp %convert_element_type3A_337 : vector<4096x128xi32> to vector<4096x128xf32>
    %reduce_sum3A_339 = arith.constant dense<0.000000e+00> : vector<128xf32>
    %reduce_sum3A_340 = vector.multi_reduction <add>, %convert_element_type3A_338, %reduce_sum3A_339 [0] : vector<4096x128xf32> to vector<128xf32>
    %ge3A_341 = arith.constant 1.600000e+01 : f32
    %ge3A_342 = vector.broadcast %ge3A_341 : f32 to vector<128xf32>
    %ge3A_343 = arith.cmpf oge, %reduce_sum3A_340, %ge3A_342 : vector<128xf32>
    %select_n3A_344 = arith.select %ge3A_343, %shift_right_arithmetic3A_333, %select_n3A_328 : vector<128xi1>, vector<128xi32>
    %select_n3A_345 = arith.select %ge3A_343, %select_n3A_329, %shift_right_arithmetic3A_333 : vector<128xi1>, vector<128xi32>
    %add3A_346 = arith.addi %select_n3A_345, %select_n3A_344 : vector<128xi32>
    %shift_right_arithmetic3A_347 = arith.constant 1 : i32
    %shift_right_arithmetic3A_348 = vector.broadcast %shift_right_arithmetic3A_347 : i32 to vector<128xi32>
    %shift_right_arithmetic3A_349 = arith.shrsi %add3A_346, %shift_right_arithmetic3A_348 : vector<128xi32>
    %broadcast_in_dim3A_350 = vector.shape_cast %shift_right_arithmetic3A_349 : vector<128xi32> to vector<1x128xi32>
    %le3A_351 = vector.broadcast %broadcast_in_dim3A_350 : vector<1x128xi32> to vector<4096x128xi32>
    %le3A_352 = arith.cmpi sle, %bitcast_convert_type3A, %le3A_351 : vector<4096x128xi32>
    %convert_element_type3A_353 = arith.extui %le3A_352 : vector<4096x128xi1> to vector<4096x128xi32>
    %convert_element_type3A_354 = arith.sitofp %convert_element_type3A_353 : vector<4096x128xi32> to vector<4096x128xf32>
    %reduce_sum3A_355 = arith.constant dense<0.000000e+00> : vector<128xf32>
    %reduce_sum3A_356 = vector.multi_reduction <add>, %convert_element_type3A_354, %reduce_sum3A_355 [0] : vector<4096x128xf32> to vector<128xf32>
    %ge3A_357 = arith.constant 1.600000e+01 : f32
    %ge3A_358 = vector.broadcast %ge3A_357 : f32 to vector<128xf32>
    %ge3A_359 = arith.cmpf oge, %reduce_sum3A_356, %ge3A_358 : vector<128xf32>
    %select_n3A_360 = arith.select %ge3A_359, %shift_right_arithmetic3A_349, %select_n3A_344 : vector<128xi1>, vector<128xi32>
    %select_n3A_361 = arith.select %ge3A_359, %select_n3A_345, %shift_right_arithmetic3A_349 : vector<128xi1>, vector<128xi32>
    %add3A_362 = arith.addi %select_n3A_361, %select_n3A_360 : vector<128xi32>
    %shift_right_arithmetic3A_363 = arith.constant 1 : i32
    %shift_right_arithmetic3A_364 = vector.broadcast %shift_right_arithmetic3A_363 : i32 to vector<128xi32>
    %shift_right_arithmetic3A_365 = arith.shrsi %add3A_362, %shift_right_arithmetic3A_364 : vector<128xi32>
    %broadcast_in_dim3A_366 = vector.shape_cast %shift_right_arithmetic3A_365 : vector<128xi32> to vector<1x128xi32>
    %le3A_367 = vector.broadcast %broadcast_in_dim3A_366 : vector<1x128xi32> to vector<4096x128xi32>
    %le3A_368 = arith.cmpi sle, %bitcast_convert_type3A, %le3A_367 : vector<4096x128xi32>
    %convert_element_type3A_369 = arith.extui %le3A_368 : vector<4096x128xi1> to vector<4096x128xi32>
    %convert_element_type3A_370 = arith.sitofp %convert_element_type3A_369 : vector<4096x128xi32> to vector<4096x128xf32>
    %reduce_sum3A_371 = arith.constant dense<0.000000e+00> : vector<128xf32>
    %reduce_sum3A_372 = vector.multi_reduction <add>, %convert_element_type3A_370, %reduce_sum3A_371 [0] : vector<4096x128xf32> to vector<128xf32>
    %ge3A_373 = arith.constant 1.600000e+01 : f32
    %ge3A_374 = vector.broadcast %ge3A_373 : f32 to vector<128xf32>
    %ge3A_375 = arith.cmpf oge, %reduce_sum3A_372, %ge3A_374 : vector<128xf32>
    %select_n3A_376 = arith.select %ge3A_375, %shift_right_arithmetic3A_365, %select_n3A_360 : vector<128xi1>, vector<128xi32>
    %select_n3A_377 = arith.select %ge3A_375, %select_n3A_361, %shift_right_arithmetic3A_365 : vector<128xi1>, vector<128xi32>
    %add3A_378 = arith.addi %select_n3A_377, %select_n3A_376 : vector<128xi32>
    %shift_right_arithmetic3A_379 = arith.constant 1 : i32
    %shift_right_arithmetic3A_380 = vector.broadcast %shift_right_arithmetic3A_379 : i32 to vector<128xi32>
    %shift_right_arithmetic3A_381 = arith.shrsi %add3A_378, %shift_right_arithmetic3A_380 : vector<128xi32>
    %broadcast_in_dim3A_382 = vector.shape_cast %shift_right_arithmetic3A_381 : vector<128xi32> to vector<1x128xi32>
    %le3A_383 = vector.broadcast %broadcast_in_dim3A_382 : vector<1x128xi32> to vector<4096x128xi32>
    %le3A_384 = arith.cmpi sle, %bitcast_convert_type3A, %le3A_383 : vector<4096x128xi32>
    %convert_element_type3A_385 = arith.extui %le3A_384 : vector<4096x128xi1> to vector<4096x128xi32>
    %convert_element_type3A_386 = arith.sitofp %convert_element_type3A_385 : vector<4096x128xi32> to vector<4096x128xf32>
    %reduce_sum3A_387 = arith.constant dense<0.000000e+00> : vector<128xf32>
    %reduce_sum3A_388 = vector.multi_reduction <add>, %convert_element_type3A_386, %reduce_sum3A_387 [0] : vector<4096x128xf32> to vector<128xf32>
    %ge3A_389 = arith.constant 1.600000e+01 : f32
    %ge3A_390 = vector.broadcast %ge3A_389 : f32 to vector<128xf32>
    %ge3A_391 = arith.cmpf oge, %reduce_sum3A_388, %ge3A_390 : vector<128xf32>
    %select_n3A_392 = arith.select %ge3A_391, %shift_right_arithmetic3A_381, %select_n3A_376 : vector<128xi1>, vector<128xi32>
    %select_n3A_393 = arith.select %ge3A_391, %select_n3A_377, %shift_right_arithmetic3A_381 : vector<128xi1>, vector<128xi32>
    %add3A_394 = arith.addi %select_n3A_393, %select_n3A_392 : vector<128xi32>
    %shift_right_arithmetic3A_395 = arith.constant 1 : i32
    %shift_right_arithmetic3A_396 = vector.broadcast %shift_right_arithmetic3A_395 : i32 to vector<128xi32>
    %shift_right_arithmetic3A_397 = arith.shrsi %add3A_394, %shift_right_arithmetic3A_396 : vector<128xi32>
    %broadcast_in_dim3A_398 = vector.shape_cast %shift_right_arithmetic3A_397 : vector<128xi32> to vector<1x128xi32>
    %le3A_399 = vector.broadcast %broadcast_in_dim3A_398 : vector<1x128xi32> to vector<4096x128xi32>
    %le3A_400 = arith.cmpi sle, %bitcast_convert_type3A, %le3A_399 : vector<4096x128xi32>
    %convert_element_type3A_401 = arith.extui %le3A_400 : vector<4096x128xi1> to vector<4096x128xi32>
    %convert_element_type3A_402 = arith.sitofp %convert_element_type3A_401 : vector<4096x128xi32> to vector<4096x128xf32>
    %reduce_sum3A_403 = arith.constant dense<0.000000e+00> : vector<128xf32>
    %reduce_sum3A_404 = vector.multi_reduction <add>, %convert_element_type3A_402, %reduce_sum3A_403 [0] : vector<4096x128xf32> to vector<128xf32>
    %ge3A_405 = arith.constant 1.600000e+01 : f32
    %ge3A_406 = vector.broadcast %ge3A_405 : f32 to vector<128xf32>
    %ge3A_407 = arith.cmpf oge, %reduce_sum3A_404, %ge3A_406 : vector<128xf32>
    %select_n3A_408 = arith.select %ge3A_407, %shift_right_arithmetic3A_397, %select_n3A_392 : vector<128xi1>, vector<128xi32>
    %select_n3A_409 = arith.select %ge3A_407, %select_n3A_393, %shift_right_arithmetic3A_397 : vector<128xi1>, vector<128xi32>
    %add3A_410 = arith.addi %select_n3A_409, %select_n3A_408 : vector<128xi32>
    %shift_right_arithmetic3A_411 = arith.constant 1 : i32
    %shift_right_arithmetic3A_412 = vector.broadcast %shift_right_arithmetic3A_411 : i32 to vector<128xi32>
    %shift_right_arithmetic3A_413 = arith.shrsi %add3A_410, %shift_right_arithmetic3A_412 : vector<128xi32>
    %broadcast_in_dim3A_414 = vector.shape_cast %shift_right_arithmetic3A_413 : vector<128xi32> to vector<1x128xi32>
    %le3A_415 = vector.broadcast %broadcast_in_dim3A_414 : vector<1x128xi32> to vector<4096x128xi32>
    %le3A_416 = arith.cmpi sle, %bitcast_convert_type3A, %le3A_415 : vector<4096x128xi32>
    %convert_element_type3A_417 = arith.extui %le3A_416 : vector<4096x128xi1> to vector<4096x128xi32>
    %convert_element_type3A_418 = arith.sitofp %convert_element_type3A_417 : vector<4096x128xi32> to vector<4096x128xf32>
    %reduce_sum3A_419 = arith.constant dense<0.000000e+00> : vector<128xf32>
    %reduce_sum3A_420 = vector.multi_reduction <add>, %convert_element_type3A_418, %reduce_sum3A_419 [0] : vector<4096x128xf32> to vector<128xf32>
    %ge3A_421 = arith.constant 1.600000e+01 : f32
    %ge3A_422 = vector.broadcast %ge3A_421 : f32 to vector<128xf32>
    %ge3A_423 = arith.cmpf oge, %reduce_sum3A_420, %ge3A_422 : vector<128xf32>
    %select_n3A_424 = arith.select %ge3A_423, %shift_right_arithmetic3A_413, %select_n3A_408 : vector<128xi1>, vector<128xi32>
    %select_n3A_425 = arith.select %ge3A_423, %select_n3A_409, %shift_right_arithmetic3A_413 : vector<128xi1>, vector<128xi32>
    %add3A_426 = arith.addi %select_n3A_425, %select_n3A_424 : vector<128xi32>
    %shift_right_arithmetic3A_427 = arith.constant 1 : i32
    %shift_right_arithmetic3A_428 = vector.broadcast %shift_right_arithmetic3A_427 : i32 to vector<128xi32>
    %shift_right_arithmetic3A_429 = arith.shrsi %add3A_426, %shift_right_arithmetic3A_428 : vector<128xi32>
    %broadcast_in_dim3A_430 = vector.shape_cast %shift_right_arithmetic3A_429 : vector<128xi32> to vector<1x128xi32>
    %le3A_431 = vector.broadcast %broadcast_in_dim3A_430 : vector<1x128xi32> to vector<4096x128xi32>
    %le3A_432 = arith.cmpi sle, %bitcast_convert_type3A, %le3A_431 : vector<4096x128xi32>
    %convert_element_type3A_433 = arith.extui %le3A_432 : vector<4096x128xi1> to vector<4096x128xi32>
    %convert_element_type3A_434 = arith.sitofp %convert_element_type3A_433 : vector<4096x128xi32> to vector<4096x128xf32>
    %reduce_sum3A_435 = arith.constant dense<0.000000e+00> : vector<128xf32>
    %reduce_sum3A_436 = vector.multi_reduction <add>, %convert_element_type3A_434, %reduce_sum3A_435 [0] : vector<4096x128xf32> to vector<128xf32>
    %ge3A_437 = arith.constant 1.600000e+01 : f32
    %ge3A_438 = vector.broadcast %ge3A_437 : f32 to vector<128xf32>
    %ge3A_439 = arith.cmpf oge, %reduce_sum3A_436, %ge3A_438 : vector<128xf32>
    %select_n3A_440 = arith.select %ge3A_439, %shift_right_arithmetic3A_429, %select_n3A_424 : vector<128xi1>, vector<128xi32>
    %select_n3A_441 = arith.select %ge3A_439, %select_n3A_425, %shift_right_arithmetic3A_429 : vector<128xi1>, vector<128xi32>
    %add3A_442 = arith.addi %select_n3A_441, %select_n3A_440 : vector<128xi32>
    %shift_right_arithmetic3A_443 = arith.constant 1 : i32
    %shift_right_arithmetic3A_444 = vector.broadcast %shift_right_arithmetic3A_443 : i32 to vector<128xi32>
    %shift_right_arithmetic3A_445 = arith.shrsi %add3A_442, %shift_right_arithmetic3A_444 : vector<128xi32>
    %broadcast_in_dim3A_446 = vector.shape_cast %shift_right_arithmetic3A_445 : vector<128xi32> to vector<1x128xi32>
    %le3A_447 = vector.broadcast %broadcast_in_dim3A_446 : vector<1x128xi32> to vector<4096x128xi32>
    %le3A_448 = arith.cmpi sle, %bitcast_convert_type3A, %le3A_447 : vector<4096x128xi32>
    %convert_element_type3A_449 = arith.extui %le3A_448 : vector<4096x128xi1> to vector<4096x128xi32>
    %convert_element_type3A_450 = arith.sitofp %convert_element_type3A_449 : vector<4096x128xi32> to vector<4096x128xf32>
    %reduce_sum3A_451 = arith.constant dense<0.000000e+00> : vector<128xf32>
    %reduce_sum3A_452 = vector.multi_reduction <add>, %convert_element_type3A_450, %reduce_sum3A_451 [0] : vector<4096x128xf32> to vector<128xf32>
    %ge3A_453 = arith.constant 1.600000e+01 : f32
    %ge3A_454 = vector.broadcast %ge3A_453 : f32 to vector<128xf32>
    %ge3A_455 = arith.cmpf oge, %reduce_sum3A_452, %ge3A_454 : vector<128xf32>
    %select_n3A_456 = arith.select %ge3A_455, %shift_right_arithmetic3A_445, %select_n3A_440 : vector<128xi1>, vector<128xi32>
    %select_n3A_457 = arith.select %ge3A_455, %select_n3A_441, %shift_right_arithmetic3A_445 : vector<128xi1>, vector<128xi32>
    %add3A_458 = arith.addi %select_n3A_457, %select_n3A_456 : vector<128xi32>
    %shift_right_arithmetic3A_459 = arith.constant 1 : i32
    %shift_right_arithmetic3A_460 = vector.broadcast %shift_right_arithmetic3A_459 : i32 to vector<128xi32>
    %shift_right_arithmetic3A_461 = arith.shrsi %add3A_458, %shift_right_arithmetic3A_460 : vector<128xi32>
    %broadcast_in_dim3A_462 = vector.shape_cast %shift_right_arithmetic3A_461 : vector<128xi32> to vector<1x128xi32>
    %le3A_463 = vector.broadcast %broadcast_in_dim3A_462 : vector<1x128xi32> to vector<4096x128xi32>
    %le3A_464 = arith.cmpi sle, %bitcast_convert_type3A, %le3A_463 : vector<4096x128xi32>
    %convert_element_type3A_465 = arith.extui %le3A_464 : vector<4096x128xi1> to vector<4096x128xi32>
    %convert_element_type3A_466 = arith.sitofp %convert_element_type3A_465 : vector<4096x128xi32> to vector<4096x128xf32>
    %reduce_sum3A_467 = arith.constant dense<0.000000e+00> : vector<128xf32>
    %reduce_sum3A_468 = vector.multi_reduction <add>, %convert_element_type3A_466, %reduce_sum3A_467 [0] : vector<4096x128xf32> to vector<128xf32>
    %ge3A_469 = arith.constant 1.600000e+01 : f32
    %ge3A_470 = vector.broadcast %ge3A_469 : f32 to vector<128xf32>
    %ge3A_471 = arith.cmpf oge, %reduce_sum3A_468, %ge3A_470 : vector<128xf32>
    %select_n3A_472 = arith.select %ge3A_471, %shift_right_arithmetic3A_461, %select_n3A_456 : vector<128xi1>, vector<128xi32>
    %select_n3A_473 = arith.select %ge3A_471, %select_n3A_457, %shift_right_arithmetic3A_461 : vector<128xi1>, vector<128xi32>
    %add3A_474 = arith.addi %select_n3A_473, %select_n3A_472 : vector<128xi32>
    %shift_right_arithmetic3A_475 = arith.constant 1 : i32
    %shift_right_arithmetic3A_476 = vector.broadcast %shift_right_arithmetic3A_475 : i32 to vector<128xi32>
    %shift_right_arithmetic3A_477 = arith.shrsi %add3A_474, %shift_right_arithmetic3A_476 : vector<128xi32>
    %broadcast_in_dim3A_478 = vector.shape_cast %shift_right_arithmetic3A_477 : vector<128xi32> to vector<1x128xi32>
    %le3A_479 = vector.broadcast %broadcast_in_dim3A_478 : vector<1x128xi32> to vector<4096x128xi32>
    %le3A_480 = arith.cmpi sle, %bitcast_convert_type3A, %le3A_479 : vector<4096x128xi32>
    %convert_element_type3A_481 = arith.extui %le3A_480 : vector<4096x128xi1> to vector<4096x128xi32>
    %convert_element_type3A_482 = arith.sitofp %convert_element_type3A_481 : vector<4096x128xi32> to vector<4096x128xf32>
    %reduce_sum3A_483 = arith.constant dense<0.000000e+00> : vector<128xf32>
    %reduce_sum3A_484 = vector.multi_reduction <add>, %convert_element_type3A_482, %reduce_sum3A_483 [0] : vector<4096x128xf32> to vector<128xf32>
    %ge3A_485 = arith.constant 1.600000e+01 : f32
    %ge3A_486 = vector.broadcast %ge3A_485 : f32 to vector<128xf32>
    %ge3A_487 = arith.cmpf oge, %reduce_sum3A_484, %ge3A_486 : vector<128xf32>
    %select_n3A_488 = arith.select %ge3A_487, %shift_right_arithmetic3A_477, %select_n3A_472 : vector<128xi1>, vector<128xi32>
    %select_n3A_489 = arith.select %ge3A_487, %select_n3A_473, %shift_right_arithmetic3A_477 : vector<128xi1>, vector<128xi32>
    %add3A_490 = arith.addi %select_n3A_489, %select_n3A_488 : vector<128xi32>
    %shift_right_arithmetic3A_491 = arith.constant 1 : i32
    %shift_right_arithmetic3A_492 = vector.broadcast %shift_right_arithmetic3A_491 : i32 to vector<128xi32>
    %shift_right_arithmetic3A_493 = arith.shrsi %add3A_490, %shift_right_arithmetic3A_492 : vector<128xi32>
    %broadcast_in_dim3A_494 = vector.shape_cast %shift_right_arithmetic3A_493 : vector<128xi32> to vector<1x128xi32>
    %le3A_495 = vector.broadcast %broadcast_in_dim3A_494 : vector<1x128xi32> to vector<4096x128xi32>
    %le3A_496 = arith.cmpi sle, %bitcast_convert_type3A, %le3A_495 : vector<4096x128xi32>
    %convert_element_type3A_497 = arith.extui %le3A_496 : vector<4096x128xi1> to vector<4096x128xi32>
    %convert_element_type3A_498 = arith.sitofp %convert_element_type3A_497 : vector<4096x128xi32> to vector<4096x128xf32>
    %reduce_sum3A_499 = arith.constant dense<0.000000e+00> : vector<128xf32>
    %reduce_sum3A_500 = vector.multi_reduction <add>, %convert_element_type3A_498, %reduce_sum3A_499 [0] : vector<4096x128xf32> to vector<128xf32>
    %ge3A_501 = arith.constant 1.600000e+01 : f32
    %ge3A_502 = vector.broadcast %ge3A_501 : f32 to vector<128xf32>
    %ge3A_503 = arith.cmpf oge, %reduce_sum3A_500, %ge3A_502 : vector<128xf32>
    %select_n3A_504 = arith.select %ge3A_503, %shift_right_arithmetic3A_493, %select_n3A_488 : vector<128xi1>, vector<128xi32>
    %broadcast_in_dim3A_505 = vector.shape_cast %select_n3A_504 : vector<128xi32> to vector<1x128xi32>
    %le3A_506 = vector.broadcast %broadcast_in_dim3A_505 : vector<1x128xi32> to vector<4096x128xi32>
    %le3A_507 = arith.cmpi sle, %bitcast_convert_type3A, %le3A_506 : vector<4096x128xi32>
    %iota3A = tpu.iota {dimensions = array<i32: 0>} : vector<4096x128xi32>
    %convert_element_type3A_508 = arith.sitofp %iota3A : vector<4096x128xi32> to vector<4096x128xf32>
    %jit3A = arith.constant 1.000000e+09 : f32
    %broadcast_in_dim3A_509 = vector.broadcast %jit3A : f32 to vector<4096x128xf32>
    %select_n3A_510 = arith.select %le3A_507, %convert_element_type3A_508, %broadcast_in_dim3A_509 : vector<4096x128xi1>, vector<4096x128xf32>
    %reshape3A = vector.shape_cast %select_n3A_510 : vector<4096x128xf32> to vector<32x128x128xf32>
    %reduce_min3A = arith.constant dense<0x7F800000> : vector<32x128xf32>
    %reduce_min3A_511 = vector.multi_reduction <minimumf>, %reshape3A, %reduce_min3A [1] : vector<32x128x128xf32> to vector<32x128xf32>
    %broadcast_in_dim3A_512 = vector.shape_cast %reduce_min3A_511 : vector<32x128xf32> to vector<32x1x128xf32>
    %broadcast_in_dim3A_513 = vector.shape_cast %broadcast_in_dim3A_512 : vector<32x1x128xf32> to vector<32x1x128xf32>
    %broadcast_in_dim3A_514 = vector.broadcast %broadcast_in_dim3A_513 : vector<32x1x128xf32> to vector<32x128x128xf32>
    %reshape3A_515 = vector.shape_cast %broadcast_in_dim3A_514 : vector<32x128x128xf32> to vector<4096x128xf32>
    %eq3A = arith.cmpf oeq, %select_n3A_510, %reshape3A_515 : vector<4096x128xf32>
    %jit3A_516 = arith.constant 1.000000e+09 : f32
    %broadcast_in_dim3A_517 = vector.broadcast %jit3A_516 : f32 to vector<4096x128xf32>
    %select_n3A_518 = arith.select %eq3A, %broadcast_in_dim3A_517, %select_n3A_510 : vector<4096x128xi1>, vector<4096x128xf32>
    %reshape3A_519 = vector.shape_cast %select_n3A_518 : vector<4096x128xf32> to vector<32x128x128xf32>
    %reduce_min3A_520 = arith.constant dense<0x7F800000> : vector<32x128xf32>
    %reduce_min3A_521 = vector.multi_reduction <minimumf>, %reshape3A_519, %reduce_min3A_520 [1] : vector<32x128x128xf32> to vector<32x128xf32>
    %broadcast_in_dim3A_522 = vector.shape_cast %reduce_min3A_521 : vector<32x128xf32> to vector<32x1x128xf32>
    %broadcast_in_dim3A_523 = vector.shape_cast %broadcast_in_dim3A_522 : vector<32x1x128xf32> to vector<32x1x128xf32>
    %broadcast_in_dim3A_524 = vector.broadcast %broadcast_in_dim3A_523 : vector<32x1x128xf32> to vector<32x128x128xf32>
    %reshape3A_525 = vector.shape_cast %broadcast_in_dim3A_524 : vector<32x128x128xf32> to vector<4096x128xf32>
    %eq3A_526 = arith.cmpf oeq, %select_n3A_518, %reshape3A_525 : vector<4096x128xf32>
    %jit3A_527 = arith.constant 1.000000e+09 : f32
    %broadcast_in_dim3A_528 = vector.broadcast %jit3A_527 : f32 to vector<4096x128xf32>
    %select_n3A_529 = arith.select %eq3A_526, %broadcast_in_dim3A_528, %select_n3A_518 : vector<4096x128xi1>, vector<4096x128xf32>
    %reshape3A_530 = vector.shape_cast %select_n3A_529 : vector<4096x128xf32> to vector<32x128x128xf32>
    %reduce_min3A_531 = arith.constant dense<0x7F800000> : vector<32x128xf32>
    %reduce_min3A_532 = vector.multi_reduction <minimumf>, %reshape3A_530, %reduce_min3A_531 [1] : vector<32x128x128xf32> to vector<32x128xf32>
    %broadcast_in_dim3A_533 = vector.shape_cast %reduce_min3A_532 : vector<32x128xf32> to vector<32x1x128xf32>
    %broadcast_in_dim3A_534 = vector.shape_cast %broadcast_in_dim3A_533 : vector<32x1x128xf32> to vector<32x1x128xf32>
    %broadcast_in_dim3A_535 = vector.broadcast %broadcast_in_dim3A_534 : vector<32x1x128xf32> to vector<32x128x128xf32>
    %reshape3A_536 = vector.shape_cast %broadcast_in_dim3A_535 : vector<32x128x128xf32> to vector<4096x128xf32>
    %eq3A_537 = arith.cmpf oeq, %select_n3A_529, %reshape3A_536 : vector<4096x128xf32>
    %jit3A_538 = arith.constant 1.000000e+09 : f32
    %broadcast_in_dim3A_539 = vector.broadcast %jit3A_538 : f32 to vector<4096x128xf32>
    %select_n3A_540 = arith.select %eq3A_537, %broadcast_in_dim3A_539, %select_n3A_529 : vector<4096x128xi1>, vector<4096x128xf32>
    %reshape3A_541 = vector.shape_cast %select_n3A_540 : vector<4096x128xf32> to vector<32x128x128xf32>
    %reduce_min3A_542 = arith.constant dense<0x7F800000> : vector<32x128xf32>
    %reduce_min3A_543 = vector.multi_reduction <minimumf>, %reshape3A_541, %reduce_min3A_542 [1] : vector<32x128x128xf32> to vector<32x128xf32>
    %broadcast_in_dim3A_544 = vector.shape_cast %reduce_min3A_543 : vector<32x128xf32> to vector<32x1x128xf32>
    %broadcast_in_dim3A_545 = vector.shape_cast %broadcast_in_dim3A_544 : vector<32x1x128xf32> to vector<32x1x128xf32>
    %broadcast_in_dim3A_546 = vector.broadcast %broadcast_in_dim3A_545 : vector<32x1x128xf32> to vector<32x128x128xf32>
    %reshape3A_547 = vector.shape_cast %broadcast_in_dim3A_546 : vector<32x128x128xf32> to vector<4096x128xf32>
    %eq3A_548 = arith.cmpf oeq, %select_n3A_540, %reshape3A_547 : vector<4096x128xf32>
    %jit3A_549 = arith.constant 1.000000e+09 : f32
    %broadcast_in_dim3A_550 = vector.broadcast %jit3A_549 : f32 to vector<4096x128xf32>
    %select_n3A_551 = arith.select %eq3A_548, %broadcast_in_dim3A_550, %select_n3A_540 : vector<4096x128xi1>, vector<4096x128xf32>
    %reshape3A_552 = vector.shape_cast %select_n3A_551 : vector<4096x128xf32> to vector<32x128x128xf32>
    %reduce_min3A_553 = arith.constant dense<0x7F800000> : vector<32x128xf32>
    %reduce_min3A_554 = vector.multi_reduction <minimumf>, %reshape3A_552, %reduce_min3A_553 [1] : vector<32x128x128xf32> to vector<32x128xf32>
    %broadcast_in_dim3A_555 = vector.shape_cast %reduce_min3A_554 : vector<32x128xf32> to vector<32x1x128xf32>
    %broadcast_in_dim3A_556 = vector.shape_cast %broadcast_in_dim3A_555 : vector<32x1x128xf32> to vector<32x1x128xf32>
    %broadcast_in_dim3A_557 = vector.broadcast %broadcast_in_dim3A_556 : vector<32x1x128xf32> to vector<32x128x128xf32>
    %reshape3A_558 = vector.shape_cast %broadcast_in_dim3A_557 : vector<32x128x128xf32> to vector<4096x128xf32>
    %eq3A_559 = arith.cmpf oeq, %select_n3A_551, %reshape3A_558 : vector<4096x128xf32>
    %jit3A_560 = arith.constant 1.000000e+09 : f32
    %broadcast_in_dim3A_561 = vector.broadcast %jit3A_560 : f32 to vector<4096x128xf32>
    %select_n3A_562 = arith.select %eq3A_559, %broadcast_in_dim3A_561, %select_n3A_551 : vector<4096x128xi1>, vector<4096x128xf32>
    %reshape3A_563 = vector.shape_cast %select_n3A_562 : vector<4096x128xf32> to vector<32x128x128xf32>
    %reduce_min3A_564 = arith.constant dense<0x7F800000> : vector<32x128xf32>
    %reduce_min3A_565 = vector.multi_reduction <minimumf>, %reshape3A_563, %reduce_min3A_564 [1] : vector<32x128x128xf32> to vector<32x128xf32>
    %broadcast_in_dim3A_566 = vector.shape_cast %reduce_min3A_565 : vector<32x128xf32> to vector<32x1x128xf32>
    %broadcast_in_dim3A_567 = vector.shape_cast %broadcast_in_dim3A_566 : vector<32x1x128xf32> to vector<32x1x128xf32>
    %broadcast_in_dim3A_568 = vector.broadcast %broadcast_in_dim3A_567 : vector<32x1x128xf32> to vector<32x128x128xf32>
    %reshape3A_569 = vector.shape_cast %broadcast_in_dim3A_568 : vector<32x128x128xf32> to vector<4096x128xf32>
    %eq3A_570 = arith.cmpf oeq, %select_n3A_562, %reshape3A_569 : vector<4096x128xf32>
    %jit3A_571 = arith.constant 1.000000e+09 : f32
    %broadcast_in_dim3A_572 = vector.broadcast %jit3A_571 : f32 to vector<4096x128xf32>
    %select_n3A_573 = arith.select %eq3A_570, %broadcast_in_dim3A_572, %select_n3A_562 : vector<4096x128xi1>, vector<4096x128xf32>
    %reshape3A_574 = vector.shape_cast %select_n3A_573 : vector<4096x128xf32> to vector<32x128x128xf32>
    %reduce_min3A_575 = arith.constant dense<0x7F800000> : vector<32x128xf32>
    %reduce_min3A_576 = vector.multi_reduction <minimumf>, %reshape3A_574, %reduce_min3A_575 [1] : vector<32x128x128xf32> to vector<32x128xf32>
    %broadcast_in_dim3A_577 = vector.shape_cast %reduce_min3A_576 : vector<32x128xf32> to vector<32x1x128xf32>
    %broadcast_in_dim3A_578 = vector.shape_cast %broadcast_in_dim3A_577 : vector<32x1x128xf32> to vector<32x1x128xf32>
    %broadcast_in_dim3A_579 = vector.broadcast %broadcast_in_dim3A_578 : vector<32x1x128xf32> to vector<32x128x128xf32>
    %reshape3A_580 = vector.shape_cast %broadcast_in_dim3A_579 : vector<32x128x128xf32> to vector<4096x128xf32>
    %eq3A_581 = arith.cmpf oeq, %select_n3A_573, %reshape3A_580 : vector<4096x128xf32>
    %jit3A_582 = arith.constant 1.000000e+09 : f32
    %broadcast_in_dim3A_583 = vector.broadcast %jit3A_582 : f32 to vector<4096x128xf32>
    %select_n3A_584 = arith.select %eq3A_581, %broadcast_in_dim3A_583, %select_n3A_573 : vector<4096x128xi1>, vector<4096x128xf32>
    %reshape3A_585 = vector.shape_cast %select_n3A_584 : vector<4096x128xf32> to vector<32x128x128xf32>
    %reduce_min3A_586 = arith.constant dense<0x7F800000> : vector<32x128xf32>
    %reduce_min3A_587 = vector.multi_reduction <minimumf>, %reshape3A_585, %reduce_min3A_586 [1] : vector<32x128x128xf32> to vector<32x128xf32>
    %broadcast_in_dim3A_588 = vector.shape_cast %reduce_min3A_587 : vector<32x128xf32> to vector<32x1x128xf32>
    %broadcast_in_dim3A_589 = vector.shape_cast %broadcast_in_dim3A_588 : vector<32x1x128xf32> to vector<32x1x128xf32>
    %broadcast_in_dim3A_590 = vector.broadcast %broadcast_in_dim3A_589 : vector<32x1x128xf32> to vector<32x128x128xf32>
    %reshape3A_591 = vector.shape_cast %broadcast_in_dim3A_590 : vector<32x128x128xf32> to vector<4096x128xf32>
    %eq3A_592 = arith.cmpf oeq, %select_n3A_584, %reshape3A_591 : vector<4096x128xf32>
    %jit3A_593 = arith.constant 1.000000e+09 : f32
    %broadcast_in_dim3A_594 = vector.broadcast %jit3A_593 : f32 to vector<4096x128xf32>
    %select_n3A_595 = arith.select %eq3A_592, %broadcast_in_dim3A_594, %select_n3A_584 : vector<4096x128xi1>, vector<4096x128xf32>
    %reshape3A_596 = vector.shape_cast %select_n3A_595 : vector<4096x128xf32> to vector<32x128x128xf32>
    %reduce_min3A_597 = arith.constant dense<0x7F800000> : vector<32x128xf32>
    %reduce_min3A_598 = vector.multi_reduction <minimumf>, %reshape3A_596, %reduce_min3A_597 [1] : vector<32x128x128xf32> to vector<32x128xf32>
    %broadcast_in_dim3A_599 = vector.shape_cast %reduce_min3A_598 : vector<32x128xf32> to vector<32x1x128xf32>
    %broadcast_in_dim3A_600 = vector.shape_cast %broadcast_in_dim3A_599 : vector<32x1x128xf32> to vector<32x1x128xf32>
    %broadcast_in_dim3A_601 = vector.broadcast %broadcast_in_dim3A_600 : vector<32x1x128xf32> to vector<32x128x128xf32>
    %reshape3A_602 = vector.shape_cast %broadcast_in_dim3A_601 : vector<32x128x128xf32> to vector<4096x128xf32>
    %eq3A_603 = arith.cmpf oeq, %select_n3A_595, %reshape3A_602 : vector<4096x128xf32>
    %jit3A_604 = arith.constant 1.000000e+09 : f32
    %broadcast_in_dim3A_605 = vector.broadcast %jit3A_604 : f32 to vector<4096x128xf32>
    %select_n3A_606 = arith.select %eq3A_603, %broadcast_in_dim3A_605, %select_n3A_595 : vector<4096x128xi1>, vector<4096x128xf32>
    %reshape3A_607 = vector.shape_cast %select_n3A_606 : vector<4096x128xf32> to vector<32x128x128xf32>
    %reduce_min3A_608 = arith.constant dense<0x7F800000> : vector<32x128xf32>
    %reduce_min3A_609 = vector.multi_reduction <minimumf>, %reshape3A_607, %reduce_min3A_608 [1] : vector<32x128x128xf32> to vector<32x128xf32>
    %concatenate3A = tpu.concatenate %reduce_min3A_511, %reduce_min3A_521, %reduce_min3A_532, %reduce_min3A_543, %reduce_min3A_554, %reduce_min3A_565, %reduce_min3A_576, %reduce_min3A_587, %reduce_min3A_598, %reduce_min3A_609 in 0 : vector<32x128xf32>, vector<32x128xf32>, vector<32x128xf32>, vector<32x128xf32>, vector<32x128xf32>, vector<32x128xf32>, vector<32x128xf32>, vector<32x128xf32>, vector<32x128xf32>, vector<32x128xf32> -> vector<320x128xf32>
    %reduce_min3A_610 = arith.constant dense<0x7F800000> : vector<128xf32>
    %reduce_min3A_611 = vector.multi_reduction <minimumf>, %concatenate3A, %reduce_min3A_610 [0] : vector<320x128xf32> to vector<128xf32>
    %min3A = arith.constant 4.095000e+03 : f32
    %min3A_612 = vector.broadcast %min3A : f32 to vector<128xf32>
    %min3A_613 = arith.minimumf %reduce_min3A_611, %min3A_612 : vector<128xf32>
    %convert_element_type3A_614 = arith.fptosi %min3A_613 : vector<128xf32> to vector<128xi32>
    %swap3A = arith.constant 0 : index
    %swap3A_615 = arith.constant 0 : index
    %swap3A_616 = arith.constant 0 : index
    %swap3A_617 = vector.load %arg4[%swap3A, %swap3A_615, %swap3A_616] : memref<1x16x128xi32, #tpu.memory_space<vmem>>, vector<1x1x128xi32>
    %swap3A_618 = vector.shape_cast %swap3A_617 : vector<1x1x128xi32> to vector<128xi32>
    %swap3A_619 = vector.shape_cast %convert_element_type3A_614 : vector<128xi32> to vector<1x1x128xi32>
    tpu.vector_store %arg4[%swap3A, %swap3A_615, %swap3A_616], %swap3A_619 {strides = array<i32>} : memref<1x16x128xi32, #tpu.memory_space<vmem>>, vector<1x1x128xi32>,
    %broadcast_in_dim3A_620 = vector.shape_cast %reduce_min3A_611 : vector<128xf32> to vector<1x128xf32>
    %eq3A_621 = vector.broadcast %broadcast_in_dim3A_620 : vector<1x128xf32> to vector<320x128xf32>
    %eq3A_622 = arith.cmpf oeq, %concatenate3A, %eq3A_621 : vector<320x128xf32>
    %jit3A_623 = arith.constant 1.000000e+09 : f32
    %broadcast_in_dim3A_624 = vector.broadcast %jit3A_623 : f32 to vector<320x128xf32>
    %select_n3A_625 = arith.select %eq3A_622, %broadcast_in_dim3A_624, %concatenate3A : vector<320x128xi1>, vector<320x128xf32>
    %reduce_min3A_626 = arith.constant dense<0x7F800000> : vector<128xf32>
    %reduce_min3A_627 = vector.multi_reduction <minimumf>, %select_n3A_625, %reduce_min3A_626 [0] : vector<320x128xf32> to vector<128xf32>
    %min3A_628 = arith.constant 4.095000e+03 : f32
    %min3A_629 = vector.broadcast %min3A_628 : f32 to vector<128xf32>
    %min3A_630 = arith.minimumf %reduce_min3A_627, %min3A_629 : vector<128xf32>
    %convert_element_type3A_631 = arith.fptosi %min3A_630 : vector<128xf32> to vector<128xi32>
    %swap3A_632 = arith.constant 0 : index
    %swap3A_633 = arith.constant 1 : index
    %swap3A_634 = arith.constant 0 : index
    %swap3A_635 = vector.load %arg4[%swap3A_632, %swap3A_633, %swap3A_634] : memref<1x16x128xi32, #tpu.memory_space<vmem>>, vector<1x1x128xi32>
    %swap3A_636 = vector.shape_cast %swap3A_635 : vector<1x1x128xi32> to vector<128xi32>
    %swap3A_637 = vector.shape_cast %convert_element_type3A_631 : vector<128xi32> to vector<1x1x128xi32>
    tpu.vector_store %arg4[%swap3A_632, %swap3A_633, %swap3A_634], %swap3A_637 {strides = array<i32>} : memref<1x16x128xi32, #tpu.memory_space<vmem>>, vector<1x1x128xi32>,
    %broadcast_in_dim3A_638 = vector.shape_cast %reduce_min3A_627 : vector<128xf32> to vector<1x128xf32>
    %eq3A_639 = vector.broadcast %broadcast_in_dim3A_638 : vector<1x128xf32> to vector<320x128xf32>
    %eq3A_640 = arith.cmpf oeq, %select_n3A_625, %eq3A_639 : vector<320x128xf32>
    %jit3A_641 = arith.constant 1.000000e+09 : f32
    %broadcast_in_dim3A_642 = vector.broadcast %jit3A_641 : f32 to vector<320x128xf32>
    %select_n3A_643 = arith.select %eq3A_640, %broadcast_in_dim3A_642, %select_n3A_625 : vector<320x128xi1>, vector<320x128xf32>
    %reduce_min3A_644 = arith.constant dense<0x7F800000> : vector<128xf32>
    %reduce_min3A_645 = vector.multi_reduction <minimumf>, %select_n3A_643, %reduce_min3A_644 [0] : vector<320x128xf32> to vector<128xf32>
    %min3A_646 = arith.constant 4.095000e+03 : f32
    %min3A_647 = vector.broadcast %min3A_646 : f32 to vector<128xf32>
    %min3A_648 = arith.minimumf %reduce_min3A_645, %min3A_647 : vector<128xf32>
    %convert_element_type3A_649 = arith.fptosi %min3A_648 : vector<128xf32> to vector<128xi32>
    %swap3A_650 = arith.constant 0 : index
    %swap3A_651 = arith.constant 2 : index
    %swap3A_652 = arith.constant 0 : index
    %swap3A_653 = vector.load %arg4[%swap3A_650, %swap3A_651, %swap3A_652] : memref<1x16x128xi32, #tpu.memory_space<vmem>>, vector<1x1x128xi32>
    %swap3A_654 = vector.shape_cast %swap3A_653 : vector<1x1x128xi32> to vector<128xi32>
    %swap3A_655 = vector.shape_cast %convert_element_type3A_649 : vector<128xi32> to vector<1x1x128xi32>
    tpu.vector_store %arg4[%swap3A_650, %swap3A_651, %swap3A_652], %swap3A_655 {strides = array<i32>} : memref<1x16x128xi32, #tpu.memory_space<vmem>>, vector<1x1x128xi32>,
    %broadcast_in_dim3A_656 = vector.shape_cast %reduce_min3A_645 : vector<128xf32> to vector<1x128xf32>
    %eq3A_657 = vector.broadcast %broadcast_in_dim3A_656 : vector<1x128xf32> to vector<320x128xf32>
    %eq3A_658 = arith.cmpf oeq, %select_n3A_643, %eq3A_657 : vector<320x128xf32>
    %jit3A_659 = arith.constant 1.000000e+09 : f32
    %broadcast_in_dim3A_660 = vector.broadcast %jit3A_659 : f32 to vector<320x128xf32>
    %select_n3A_661 = arith.select %eq3A_658, %broadcast_in_dim3A_660, %select_n3A_643 : vector<320x128xi1>, vector<320x128xf32>
    %reduce_min3A_662 = arith.constant dense<0x7F800000> : vector<128xf32>
    %reduce_min3A_663 = vector.multi_reduction <minimumf>, %select_n3A_661, %reduce_min3A_662 [0] : vector<320x128xf32> to vector<128xf32>
    %min3A_664 = arith.constant 4.095000e+03 : f32
    %min3A_665 = vector.broadcast %min3A_664 : f32 to vector<128xf32>
    %min3A_666 = arith.minimumf %reduce_min3A_663, %min3A_665 : vector<128xf32>
    %convert_element_type3A_667 = arith.fptosi %min3A_666 : vector<128xf32> to vector<128xi32>
    %swap3A_668 = arith.constant 0 : index
    %swap3A_669 = arith.constant 3 : index
    %swap3A_670 = arith.constant 0 : index
    %swap3A_671 = vector.load %arg4[%swap3A_668, %swap3A_669, %swap3A_670] : memref<1x16x128xi32, #tpu.memory_space<vmem>>, vector<1x1x128xi32>
    %swap3A_672 = vector.shape_cast %swap3A_671 : vector<1x1x128xi32> to vector<128xi32>
    %swap3A_673 = vector.shape_cast %convert_element_type3A_667 : vector<128xi32> to vector<1x1x128xi32>
    tpu.vector_store %arg4[%swap3A_668, %swap3A_669, %swap3A_670], %swap3A_673 {strides = array<i32>} : memref<1x16x128xi32, #tpu.memory_space<vmem>>, vector<1x1x128xi32>,
    %broadcast_in_dim3A_674 = vector.shape_cast %reduce_min3A_663 : vector<128xf32> to vector<1x128xf32>
    %eq3A_675 = vector.broadcast %broadcast_in_dim3A_674 : vector<1x128xf32> to vector<320x128xf32>
    %eq3A_676 = arith.cmpf oeq, %select_n3A_661, %eq3A_675 : vector<320x128xf32>
    %jit3A_677 = arith.constant 1.000000e+09 : f32
    %broadcast_in_dim3A_678 = vector.broadcast %jit3A_677 : f32 to vector<320x128xf32>
    %select_n3A_679 = arith.select %eq3A_676, %broadcast_in_dim3A_678, %select_n3A_661 : vector<320x128xi1>, vector<320x128xf32>
    %reduce_min3A_680 = arith.constant dense<0x7F800000> : vector<128xf32>
    %reduce_min3A_681 = vector.multi_reduction <minimumf>, %select_n3A_679, %reduce_min3A_680 [0] : vector<320x128xf32> to vector<128xf32>
    %min3A_682 = arith.constant 4.095000e+03 : f32
    %min3A_683 = vector.broadcast %min3A_682 : f32 to vector<128xf32>
    %min3A_684 = arith.minimumf %reduce_min3A_681, %min3A_683 : vector<128xf32>
    %convert_element_type3A_685 = arith.fptosi %min3A_684 : vector<128xf32> to vector<128xi32>
    %swap3A_686 = arith.constant 0 : index
    %swap3A_687 = arith.constant 4 : index
    %swap3A_688 = arith.constant 0 : index
    %swap3A_689 = vector.load %arg4[%swap3A_686, %swap3A_687, %swap3A_688] : memref<1x16x128xi32, #tpu.memory_space<vmem>>, vector<1x1x128xi32>
    %swap3A_690 = vector.shape_cast %swap3A_689 : vector<1x1x128xi32> to vector<128xi32>
    %swap3A_691 = vector.shape_cast %convert_element_type3A_685 : vector<128xi32> to vector<1x1x128xi32>
    tpu.vector_store %arg4[%swap3A_686, %swap3A_687, %swap3A_688], %swap3A_691 {strides = array<i32>} : memref<1x16x128xi32, #tpu.memory_space<vmem>>, vector<1x1x128xi32>,
    %broadcast_in_dim3A_692 = vector.shape_cast %reduce_min3A_681 : vector<128xf32> to vector<1x128xf32>
    %eq3A_693 = vector.broadcast %broadcast_in_dim3A_692 : vector<1x128xf32> to vector<320x128xf32>
    %eq3A_694 = arith.cmpf oeq, %select_n3A_679, %eq3A_693 : vector<320x128xf32>
    %jit3A_695 = arith.constant 1.000000e+09 : f32
    %broadcast_in_dim3A_696 = vector.broadcast %jit3A_695 : f32 to vector<320x128xf32>
    %select_n3A_697 = arith.select %eq3A_694, %broadcast_in_dim3A_696, %select_n3A_679 : vector<320x128xi1>, vector<320x128xf32>
    %reduce_min3A_698 = arith.constant dense<0x7F800000> : vector<128xf32>
    %reduce_min3A_699 = vector.multi_reduction <minimumf>, %select_n3A_697, %reduce_min3A_698 [0] : vector<320x128xf32> to vector<128xf32>
    %min3A_700 = arith.constant 4.095000e+03 : f32
    %min3A_701 = vector.broadcast %min3A_700 : f32 to vector<128xf32>
    %min3A_702 = arith.minimumf %reduce_min3A_699, %min3A_701 : vector<128xf32>
    %convert_element_type3A_703 = arith.fptosi %min3A_702 : vector<128xf32> to vector<128xi32>
    %swap3A_704 = arith.constant 0 : index
    %swap3A_705 = arith.constant 5 : index
    %swap3A_706 = arith.constant 0 : index
    %swap3A_707 = vector.load %arg4[%swap3A_704, %swap3A_705, %swap3A_706] : memref<1x16x128xi32, #tpu.memory_space<vmem>>, vector<1x1x128xi32>
    %swap3A_708 = vector.shape_cast %swap3A_707 : vector<1x1x128xi32> to vector<128xi32>
    %swap3A_709 = vector.shape_cast %convert_element_type3A_703 : vector<128xi32> to vector<1x1x128xi32>
    tpu.vector_store %arg4[%swap3A_704, %swap3A_705, %swap3A_706], %swap3A_709 {strides = array<i32>} : memref<1x16x128xi32, #tpu.memory_space<vmem>>, vector<1x1x128xi32>,
    %broadcast_in_dim3A_710 = vector.shape_cast %reduce_min3A_699 : vector<128xf32> to vector<1x128xf32>
    %eq3A_711 = vector.broadcast %broadcast_in_dim3A_710 : vector<1x128xf32> to vector<320x128xf32>
    %eq3A_712 = arith.cmpf oeq, %select_n3A_697, %eq3A_711 : vector<320x128xf32>
    %jit3A_713 = arith.constant 1.000000e+09 : f32
    %broadcast_in_dim3A_714 = vector.broadcast %jit3A_713 : f32 to vector<320x128xf32>
    %select_n3A_715 = arith.select %eq3A_712, %broadcast_in_dim3A_714, %select_n3A_697 : vector<320x128xi1>, vector<320x128xf32>
    %reduce_min3A_716 = arith.constant dense<0x7F800000> : vector<128xf32>
    %reduce_min3A_717 = vector.multi_reduction <minimumf>, %select_n3A_715, %reduce_min3A_716 [0] : vector<320x128xf32> to vector<128xf32>
    %min3A_718 = arith.constant 4.095000e+03 : f32
    %min3A_719 = vector.broadcast %min3A_718 : f32 to vector<128xf32>
    %min3A_720 = arith.minimumf %reduce_min3A_717, %min3A_719 : vector<128xf32>
    %convert_element_type3A_721 = arith.fptosi %min3A_720 : vector<128xf32> to vector<128xi32>
    %swap3A_722 = arith.constant 0 : index
    %swap3A_723 = arith.constant 6 : index
    %swap3A_724 = arith.constant 0 : index
    %swap3A_725 = vector.load %arg4[%swap3A_722, %swap3A_723, %swap3A_724] : memref<1x16x128xi32, #tpu.memory_space<vmem>>, vector<1x1x128xi32>
    %swap3A_726 = vector.shape_cast %swap3A_725 : vector<1x1x128xi32> to vector<128xi32>
    %swap3A_727 = vector.shape_cast %convert_element_type3A_721 : vector<128xi32> to vector<1x1x128xi32>
    tpu.vector_store %arg4[%swap3A_722, %swap3A_723, %swap3A_724], %swap3A_727 {strides = array<i32>} : memref<1x16x128xi32, #tpu.memory_space<vmem>>, vector<1x1x128xi32>,
    %broadcast_in_dim3A_728 = vector.shape_cast %reduce_min3A_717 : vector<128xf32> to vector<1x128xf32>
    %eq3A_729 = vector.broadcast %broadcast_in_dim3A_728 : vector<1x128xf32> to vector<320x128xf32>
    %eq3A_730 = arith.cmpf oeq, %select_n3A_715, %eq3A_729 : vector<320x128xf32>
    %jit3A_731 = arith.constant 1.000000e+09 : f32
    %broadcast_in_dim3A_732 = vector.broadcast %jit3A_731 : f32 to vector<320x128xf32>
    %select_n3A_733 = arith.select %eq3A_730, %broadcast_in_dim3A_732, %select_n3A_715 : vector<320x128xi1>, vector<320x128xf32>
    %reduce_min3A_734 = arith.constant dense<0x7F800000> : vector<128xf32>
    %reduce_min3A_735 = vector.multi_reduction <minimumf>, %select_n3A_733, %reduce_min3A_734 [0] : vector<320x128xf32> to vector<128xf32>
    %min3A_736 = arith.constant 4.095000e+03 : f32
    %min3A_737 = vector.broadcast %min3A_736 : f32 to vector<128xf32>
    %min3A_738 = arith.minimumf %reduce_min3A_735, %min3A_737 : vector<128xf32>
    %convert_element_type3A_739 = arith.fptosi %min3A_738 : vector<128xf32> to vector<128xi32>
    %swap3A_740 = arith.constant 0 : index
    %swap3A_741 = arith.constant 7 : index
    %swap3A_742 = arith.constant 0 : index
    %swap3A_743 = vector.load %arg4[%swap3A_740, %swap3A_741, %swap3A_742] : memref<1x16x128xi32, #tpu.memory_space<vmem>>, vector<1x1x128xi32>
    %swap3A_744 = vector.shape_cast %swap3A_743 : vector<1x1x128xi32> to vector<128xi32>
    %swap3A_745 = vector.shape_cast %convert_element_type3A_739 : vector<128xi32> to vector<1x1x128xi32>
    tpu.vector_store %arg4[%swap3A_740, %swap3A_741, %swap3A_742], %swap3A_745 {strides = array<i32>} : memref<1x16x128xi32, #tpu.memory_space<vmem>>, vector<1x1x128xi32>,
    %broadcast_in_dim3A_746 = vector.shape_cast %reduce_min3A_735 : vector<128xf32> to vector<1x128xf32>
    %eq3A_747 = vector.broadcast %broadcast_in_dim3A_746 : vector<1x128xf32> to vector<320x128xf32>
    %eq3A_748 = arith.cmpf oeq, %select_n3A_733, %eq3A_747 : vector<320x128xf32>
    %jit3A_749 = arith.constant 1.000000e+09 : f32
    %broadcast_in_dim3A_750 = vector.broadcast %jit3A_749 : f32 to vector<320x128xf32>
    %select_n3A_751 = arith.select %eq3A_748, %broadcast_in_dim3A_750, %select_n3A_733 : vector<320x128xi1>, vector<320x128xf32>
    %reduce_min3A_752 = arith.constant dense<0x7F800000> : vector<128xf32>
    %reduce_min3A_753 = vector.multi_reduction <minimumf>, %select_n3A_751, %reduce_min3A_752 [0] : vector<320x128xf32> to vector<128xf32>
    %min3A_754 = arith.constant 4.095000e+03 : f32
    %min3A_755 = vector.broadcast %min3A_754 : f32 to vector<128xf32>
    %min3A_756 = arith.minimumf %reduce_min3A_753, %min3A_755 : vector<128xf32>
    %convert_element_type3A_757 = arith.fptosi %min3A_756 : vector<128xf32> to vector<128xi32>
    %swap3A_758 = arith.constant 0 : index
    %swap3A_759 = arith.constant 8 : index
    %swap3A_760 = arith.constant 0 : index
    %swap3A_761 = vector.load %arg4[%swap3A_758, %swap3A_759, %swap3A_760] : memref<1x16x128xi32, #tpu.memory_space<vmem>>, vector<1x1x128xi32>
    %swap3A_762 = vector.shape_cast %swap3A_761 : vector<1x1x128xi32> to vector<128xi32>
    %swap3A_763 = vector.shape_cast %convert_element_type3A_757 : vector<128xi32> to vector<1x1x128xi32>
    tpu.vector_store %arg4[%swap3A_758, %swap3A_759, %swap3A_760], %swap3A_763 {strides = array<i32>} : memref<1x16x128xi32, #tpu.memory_space<vmem>>, vector<1x1x128xi32>,
    %broadcast_in_dim3A_764 = vector.shape_cast %reduce_min3A_753 : vector<128xf32> to vector<1x128xf32>
    %eq3A_765 = vector.broadcast %broadcast_in_dim3A_764 : vector<1x128xf32> to vector<320x128xf32>
    %eq3A_766 = arith.cmpf oeq, %select_n3A_751, %eq3A_765 : vector<320x128xf32>
    %jit3A_767 = arith.constant 1.000000e+09 : f32
    %broadcast_in_dim3A_768 = vector.broadcast %jit3A_767 : f32 to vector<320x128xf32>
    %select_n3A_769 = arith.select %eq3A_766, %broadcast_in_dim3A_768, %select_n3A_751 : vector<320x128xi1>, vector<320x128xf32>
    %reduce_min3A_770 = arith.constant dense<0x7F800000> : vector<128xf32>
    %reduce_min3A_771 = vector.multi_reduction <minimumf>, %select_n3A_769, %reduce_min3A_770 [0] : vector<320x128xf32> to vector<128xf32>
    %min3A_772 = arith.constant 4.095000e+03 : f32
    %min3A_773 = vector.broadcast %min3A_772 : f32 to vector<128xf32>
    %min3A_774 = arith.minimumf %reduce_min3A_771, %min3A_773 : vector<128xf32>
    %convert_element_type3A_775 = arith.fptosi %min3A_774 : vector<128xf32> to vector<128xi32>
    %swap3A_776 = arith.constant 0 : index
    %swap3A_777 = arith.constant 9 : index
    %swap3A_778 = arith.constant 0 : index
    %swap3A_779 = vector.load %arg4[%swap3A_776, %swap3A_777, %swap3A_778] : memref<1x16x128xi32, #tpu.memory_space<vmem>>, vector<1x1x128xi32>
    %swap3A_780 = vector.shape_cast %swap3A_779 : vector<1x1x128xi32> to vector<128xi32>
    %swap3A_781 = vector.shape_cast %convert_element_type3A_775 : vector<128xi32> to vector<1x1x128xi32>
    tpu.vector_store %arg4[%swap3A_776, %swap3A_777, %swap3A_778], %swap3A_781 {strides = array<i32>} : memref<1x16x128xi32, #tpu.memory_space<vmem>>, vector<1x1x128xi32>,
    %broadcast_in_dim3A_782 = vector.shape_cast %reduce_min3A_771 : vector<128xf32> to vector<1x128xf32>
    %eq3A_783 = vector.broadcast %broadcast_in_dim3A_782 : vector<1x128xf32> to vector<320x128xf32>
    %eq3A_784 = arith.cmpf oeq, %select_n3A_769, %eq3A_783 : vector<320x128xf32>
    %jit3A_785 = arith.constant 1.000000e+09 : f32
    %broadcast_in_dim3A_786 = vector.broadcast %jit3A_785 : f32 to vector<320x128xf32>
    %select_n3A_787 = arith.select %eq3A_784, %broadcast_in_dim3A_786, %select_n3A_769 : vector<320x128xi1>, vector<320x128xf32>
    %reduce_min3A_788 = arith.constant dense<0x7F800000> : vector<128xf32>
    %reduce_min3A_789 = vector.multi_reduction <minimumf>, %select_n3A_787, %reduce_min3A_788 [0] : vector<320x128xf32> to vector<128xf32>
    %min3A_790 = arith.constant 4.095000e+03 : f32
    %min3A_791 = vector.broadcast %min3A_790 : f32 to vector<128xf32>
    %min3A_792 = arith.minimumf %reduce_min3A_789, %min3A_791 : vector<128xf32>
    %convert_element_type3A_793 = arith.fptosi %min3A_792 : vector<128xf32> to vector<128xi32>
    %swap3A_794 = arith.constant 0 : index
    %swap3A_795 = arith.constant 10 : index
    %swap3A_796 = arith.constant 0 : index
    %swap3A_797 = vector.load %arg4[%swap3A_794, %swap3A_795, %swap3A_796] : memref<1x16x128xi32, #tpu.memory_space<vmem>>, vector<1x1x128xi32>
    %swap3A_798 = vector.shape_cast %swap3A_797 : vector<1x1x128xi32> to vector<128xi32>
    %swap3A_799 = vector.shape_cast %convert_element_type3A_793 : vector<128xi32> to vector<1x1x128xi32>
    tpu.vector_store %arg4[%swap3A_794, %swap3A_795, %swap3A_796], %swap3A_799 {strides = array<i32>} : memref<1x16x128xi32, #tpu.memory_space<vmem>>, vector<1x1x128xi32>,
    %broadcast_in_dim3A_800 = vector.shape_cast %reduce_min3A_789 : vector<128xf32> to vector<1x128xf32>
    %eq3A_801 = vector.broadcast %broadcast_in_dim3A_800 : vector<1x128xf32> to vector<320x128xf32>
    %eq3A_802 = arith.cmpf oeq, %select_n3A_787, %eq3A_801 : vector<320x128xf32>
    %jit3A_803 = arith.constant 1.000000e+09 : f32
    %broadcast_in_dim3A_804 = vector.broadcast %jit3A_803 : f32 to vector<320x128xf32>
    %select_n3A_805 = arith.select %eq3A_802, %broadcast_in_dim3A_804, %select_n3A_787 : vector<320x128xi1>, vector<320x128xf32>
    %reduce_min3A_806 = arith.constant dense<0x7F800000> : vector<128xf32>
    %reduce_min3A_807 = vector.multi_reduction <minimumf>, %select_n3A_805, %reduce_min3A_806 [0] : vector<320x128xf32> to vector<128xf32>
    %min3A_808 = arith.constant 4.095000e+03 : f32
    %min3A_809 = vector.broadcast %min3A_808 : f32 to vector<128xf32>
    %min3A_810 = arith.minimumf %reduce_min3A_807, %min3A_809 : vector<128xf32>
    %convert_element_type3A_811 = arith.fptosi %min3A_810 : vector<128xf32> to vector<128xi32>
    %swap3A_812 = arith.constant 0 : index
    %swap3A_813 = arith.constant 11 : index
    %swap3A_814 = arith.constant 0 : index
    %swap3A_815 = vector.load %arg4[%swap3A_812, %swap3A_813, %swap3A_814] : memref<1x16x128xi32, #tpu.memory_space<vmem>>, vector<1x1x128xi32>
    %swap3A_816 = vector.shape_cast %swap3A_815 : vector<1x1x128xi32> to vector<128xi32>
    %swap3A_817 = vector.shape_cast %convert_element_type3A_811 : vector<128xi32> to vector<1x1x128xi32>
    tpu.vector_store %arg4[%swap3A_812, %swap3A_813, %swap3A_814], %swap3A_817 {strides = array<i32>} : memref<1x16x128xi32, #tpu.memory_space<vmem>>, vector<1x1x128xi32>,
    %broadcast_in_dim3A_818 = vector.shape_cast %reduce_min3A_807 : vector<128xf32> to vector<1x128xf32>
    %eq3A_819 = vector.broadcast %broadcast_in_dim3A_818 : vector<1x128xf32> to vector<320x128xf32>
    %eq3A_820 = arith.cmpf oeq, %select_n3A_805, %eq3A_819 : vector<320x128xf32>
    %jit3A_821 = arith.constant 1.000000e+09 : f32
    %broadcast_in_dim3A_822 = vector.broadcast %jit3A_821 : f32 to vector<320x128xf32>
    %select_n3A_823 = arith.select %eq3A_820, %broadcast_in_dim3A_822, %select_n3A_805 : vector<320x128xi1>, vector<320x128xf32>
    %reduce_min3A_824 = arith.constant dense<0x7F800000> : vector<128xf32>
    %reduce_min3A_825 = vector.multi_reduction <minimumf>, %select_n3A_823, %reduce_min3A_824 [0] : vector<320x128xf32> to vector<128xf32>
    %min3A_826 = arith.constant 4.095000e+03 : f32
    %min3A_827 = vector.broadcast %min3A_826 : f32 to vector<128xf32>
    %min3A_828 = arith.minimumf %reduce_min3A_825, %min3A_827 : vector<128xf32>
    %convert_element_type3A_829 = arith.fptosi %min3A_828 : vector<128xf32> to vector<128xi32>
    %swap3A_830 = arith.constant 0 : index
    %swap3A_831 = arith.constant 12 : index
    %swap3A_832 = arith.constant 0 : index
    %swap3A_833 = vector.load %arg4[%swap3A_830, %swap3A_831, %swap3A_832] : memref<1x16x128xi32, #tpu.memory_space<vmem>>, vector<1x1x128xi32>
    %swap3A_834 = vector.shape_cast %swap3A_833 : vector<1x1x128xi32> to vector<128xi32>
    %swap3A_835 = vector.shape_cast %convert_element_type3A_829 : vector<128xi32> to vector<1x1x128xi32>
    tpu.vector_store %arg4[%swap3A_830, %swap3A_831, %swap3A_832], %swap3A_835 {strides = array<i32>} : memref<1x16x128xi32, #tpu.memory_space<vmem>>, vector<1x1x128xi32>,
    %broadcast_in_dim3A_836 = vector.shape_cast %reduce_min3A_825 : vector<128xf32> to vector<1x128xf32>
    %eq3A_837 = vector.broadcast %broadcast_in_dim3A_836 : vector<1x128xf32> to vector<320x128xf32>
    %eq3A_838 = arith.cmpf oeq, %select_n3A_823, %eq3A_837 : vector<320x128xf32>
    %jit3A_839 = arith.constant 1.000000e+09 : f32
    %broadcast_in_dim3A_840 = vector.broadcast %jit3A_839 : f32 to vector<320x128xf32>
    %select_n3A_841 = arith.select %eq3A_838, %broadcast_in_dim3A_840, %select_n3A_823 : vector<320x128xi1>, vector<320x128xf32>
    %reduce_min3A_842 = arith.constant dense<0x7F800000> : vector<128xf32>
    %reduce_min3A_843 = vector.multi_reduction <minimumf>, %select_n3A_841, %reduce_min3A_842 [0] : vector<320x128xf32> to vector<128xf32>
    %min3A_844 = arith.constant 4.095000e+03 : f32
    %min3A_845 = vector.broadcast %min3A_844 : f32 to vector<128xf32>
    %min3A_846 = arith.minimumf %reduce_min3A_843, %min3A_845 : vector<128xf32>
    %convert_element_type3A_847 = arith.fptosi %min3A_846 : vector<128xf32> to vector<128xi32>
    %swap3A_848 = arith.constant 0 : index
    %swap3A_849 = arith.constant 13 : index
    %swap3A_850 = arith.constant 0 : index
    %swap3A_851 = vector.load %arg4[%swap3A_848, %swap3A_849, %swap3A_850] : memref<1x16x128xi32, #tpu.memory_space<vmem>>, vector<1x1x128xi32>
    %swap3A_852 = vector.shape_cast %swap3A_851 : vector<1x1x128xi32> to vector<128xi32>
    %swap3A_853 = vector.shape_cast %convert_element_type3A_847 : vector<128xi32> to vector<1x1x128xi32>
    tpu.vector_store %arg4[%swap3A_848, %swap3A_849, %swap3A_850], %swap3A_853 {strides = array<i32>} : memref<1x16x128xi32, #tpu.memory_space<vmem>>, vector<1x1x128xi32>,
    %broadcast_in_dim3A_854 = vector.shape_cast %reduce_min3A_843 : vector<128xf32> to vector<1x128xf32>
    %eq3A_855 = vector.broadcast %broadcast_in_dim3A_854 : vector<1x128xf32> to vector<320x128xf32>
    %eq3A_856 = arith.cmpf oeq, %select_n3A_841, %eq3A_855 : vector<320x128xf32>
    %jit3A_857 = arith.constant 1.000000e+09 : f32
    %broadcast_in_dim3A_858 = vector.broadcast %jit3A_857 : f32 to vector<320x128xf32>
    %select_n3A_859 = arith.select %eq3A_856, %broadcast_in_dim3A_858, %select_n3A_841 : vector<320x128xi1>, vector<320x128xf32>
    %reduce_min3A_860 = arith.constant dense<0x7F800000> : vector<128xf32>
    %reduce_min3A_861 = vector.multi_reduction <minimumf>, %select_n3A_859, %reduce_min3A_860 [0] : vector<320x128xf32> to vector<128xf32>
    %min3A_862 = arith.constant 4.095000e+03 : f32
    %min3A_863 = vector.broadcast %min3A_862 : f32 to vector<128xf32>
    %min3A_864 = arith.minimumf %reduce_min3A_861, %min3A_863 : vector<128xf32>
    %convert_element_type3A_865 = arith.fptosi %min3A_864 : vector<128xf32> to vector<128xi32>
    %swap3A_866 = arith.constant 0 : index
    %swap3A_867 = arith.constant 14 : index
    %swap3A_868 = arith.constant 0 : index
    %swap3A_869 = vector.load %arg4[%swap3A_866, %swap3A_867, %swap3A_868] : memref<1x16x128xi32, #tpu.memory_space<vmem>>, vector<1x1x128xi32>
    %swap3A_870 = vector.shape_cast %swap3A_869 : vector<1x1x128xi32> to vector<128xi32>
    %swap3A_871 = vector.shape_cast %convert_element_type3A_865 : vector<128xi32> to vector<1x1x128xi32>
    tpu.vector_store %arg4[%swap3A_866, %swap3A_867, %swap3A_868], %swap3A_871 {strides = array<i32>} : memref<1x16x128xi32, #tpu.memory_space<vmem>>, vector<1x1x128xi32>,
    %broadcast_in_dim3A_872 = vector.shape_cast %reduce_min3A_861 : vector<128xf32> to vector<1x128xf32>
    %eq3A_873 = vector.broadcast %broadcast_in_dim3A_872 : vector<1x128xf32> to vector<320x128xf32>
    %eq3A_874 = arith.cmpf oeq, %select_n3A_859, %eq3A_873 : vector<320x128xf32>
    %jit3A_875 = arith.constant 1.000000e+09 : f32
    %broadcast_in_dim3A_876 = vector.broadcast %jit3A_875 : f32 to vector<320x128xf32>
    %select_n3A_877 = arith.select %eq3A_874, %broadcast_in_dim3A_876, %select_n3A_859 : vector<320x128xi1>, vector<320x128xf32>
    %reduce_min3A_878 = arith.constant dense<0x7F800000> : vector<128xf32>
    %reduce_min3A_879 = vector.multi_reduction <minimumf>, %select_n3A_877, %reduce_min3A_878 [0] : vector<320x128xf32> to vector<128xf32>
    %min3A_880 = arith.constant 4.095000e+03 : f32
    %min3A_881 = vector.broadcast %min3A_880 : f32 to vector<128xf32>
    %min3A_882 = arith.minimumf %reduce_min3A_879, %min3A_881 : vector<128xf32>
    %convert_element_type3A_883 = arith.fptosi %min3A_882 : vector<128xf32> to vector<128xi32>
    %swap3A_884 = arith.constant 0 : index
    %swap3A_885 = arith.constant 15 : index
    %swap3A_886 = arith.constant 0 : index
    %swap3A_887 = vector.load %arg4[%swap3A_884, %swap3A_885, %swap3A_886] : memref<1x16x128xi32, #tpu.memory_space<vmem>>, vector<1x1x128xi32>
    %swap3A_888 = vector.shape_cast %swap3A_887 : vector<1x1x128xi32> to vector<128xi32>
    %swap3A_889 = vector.shape_cast %convert_element_type3A_883 : vector<128xi32> to vector<1x1x128xi32>
    tpu.vector_store %arg4[%swap3A_884, %swap3A_885, %swap3A_886], %swap3A_889 {strides = array<i32>} : memref<1x16x128xi32, #tpu.memory_space<vmem>>, vector<1x1x128xi32>,
    return
  }
  func.func @transform_0(%arg0: i32, %arg1: i32) -> (i32, i32, i32) {
    %c0_i32 = arith.constant 0 : i32
    %c0_i32_0 = arith.constant 0 : i32
    return %arg0, %c0_i32, %arg1 : i32, i32, i32
  }
  func.func @transform_1(%arg0: i32, %arg1: i32) -> (i32, i32, i32) {
    %c0_i32 = arith.constant 0 : i32
    %c0_i32_0 = arith.constant 0 : i32
    %c0_i32_1 = arith.constant 0 : i32
    return %arg0, %c0_i32, %c0_i32_0 : i32, i32, i32
  }
  func.func @transform_2(%arg0: i32, %arg1: i32) -> (i32, i32, i32) {
    %c0_i32 = arith.constant 0 : i32
    %c0_i32_0 = arith.constant 0 : i32
    return %arg0, %c0_i32, %arg1 : i32, i32, i32
  }
}

module attributes {stable_mosaic.version = 14 : i64} {
  func.func @_select_body(%arg0: i32, %arg1: i32, %arg2: memref<1x3x128xf32, #tpu.memory_space<vmem>>, %arg3: memref<1x3x4096xf32, #tpu.memory_space<vmem>>, %arg4: memref<1x32x128xi32, #tpu.memory_space<vmem>>) attributes {dimension_semantics = [#tpu.dimension_semantics<arbitrary>, #tpu.dimension_semantics<arbitrary>], iteration_bounds = array<i64: 4, 16>, scalar_prefetch = 0 : i64, scratch_operands = 0 : i64, tpu.core_type = #tpu.core_type<tc>, window_params = [{transform_indices = @transform_0, window_bounds = array<i64: 1, 3, 128>}, {transform_indices = @transform_1, window_bounds = array<i64: 1, 3, 4096>}, {transform_indices = @transform_2, window_bounds = array<i64: 1, 32, 128>}]} {
    %get3A = arith.constant 0 : index
    %get3A_0 = arith.constant 0 : index
    %get3A_1 = arith.constant 0 : index
    %get3A_2 = vector.load %arg3[%get3A, %get3A_0, %get3A_1] : memref<1x3x4096xf32, #tpu.memory_space<vmem>>, vector<1x3x4096xf32>
    %get3A_3 = vector.shape_cast %get3A_2 : vector<1x3x4096xf32> to vector<3x4096xf32>
    %get3A_4 = arith.constant 0 : index
    %get3A_5 = arith.constant 0 : index
    %get3A_6 = arith.constant 0 : index
    %get3A_7 = vector.load %arg2[%get3A_4, %get3A_5, %get3A_6] : memref<1x3x128xf32, #tpu.memory_space<vmem>>, vector<1x3x128xf32>
    %get3A_8 = vector.shape_cast %get3A_7 : vector<1x3x128xf32> to vector<3x128xf32>
    %slice3A = vector.extract_strided_slice %get3A_3 {offsets = [0, 0], sizes = [1, 4096], strides = [1, 1]} : vector<3x4096xf32> to vector<1x4096xf32>
    %squeeze3A = vector.shape_cast %slice3A : vector<1x4096xf32> to vector<4096xf32>
    %broadcast_in_dim3A = vector.shape_cast %squeeze3A : vector<4096xf32> to vector<4096x1xf32>
    %slice3A_9 = vector.extract_strided_slice %get3A_8 {offsets = [0, 0], sizes = [1, 128], strides = [1, 1]} : vector<3x128xf32> to vector<1x128xf32>
    %squeeze3A_10 = vector.shape_cast %slice3A_9 : vector<1x128xf32> to vector<128xf32>
    %broadcast_in_dim3A_11 = vector.shape_cast %squeeze3A_10 : vector<128xf32> to vector<1x128xf32>
    %sub3A = vector.broadcast %broadcast_in_dim3A : vector<4096x1xf32> to vector<4096x128xf32>
    %sub3A_12 = vector.broadcast %broadcast_in_dim3A_11 : vector<1x128xf32> to vector<4096x128xf32>
    %sub3A_13 = arith.subf %sub3A, %sub3A_12 : vector<4096x128xf32>
    %mul3A = arith.mulf %sub3A_13, %sub3A_13 : vector<4096x128xf32>
    %slice3A_14 = vector.extract_strided_slice %get3A_3 {offsets = [1, 0], sizes = [1, 4096], strides = [1, 1]} : vector<3x4096xf32> to vector<1x4096xf32>
    %squeeze3A_15 = vector.shape_cast %slice3A_14 : vector<1x4096xf32> to vector<4096xf32>
    %broadcast_in_dim3A_16 = vector.shape_cast %squeeze3A_15 : vector<4096xf32> to vector<4096x1xf32>
    %slice3A_17 = vector.extract_strided_slice %get3A_8 {offsets = [1, 0], sizes = [1, 128], strides = [1, 1]} : vector<3x128xf32> to vector<1x128xf32>
    %squeeze3A_18 = vector.shape_cast %slice3A_17 : vector<1x128xf32> to vector<128xf32>
    %broadcast_in_dim3A_19 = vector.shape_cast %squeeze3A_18 : vector<128xf32> to vector<1x128xf32>
    %sub3A_20 = vector.broadcast %broadcast_in_dim3A_16 : vector<4096x1xf32> to vector<4096x128xf32>
    %sub3A_21 = vector.broadcast %broadcast_in_dim3A_19 : vector<1x128xf32> to vector<4096x128xf32>
    %sub3A_22 = arith.subf %sub3A_20, %sub3A_21 : vector<4096x128xf32>
    %mul3A_23 = arith.mulf %sub3A_22, %sub3A_22 : vector<4096x128xf32>
    %add3A = arith.addf %mul3A, %mul3A_23 : vector<4096x128xf32>
    %slice3A_24 = vector.extract_strided_slice %get3A_3 {offsets = [2, 0], sizes = [1, 4096], strides = [1, 1]} : vector<3x4096xf32> to vector<1x4096xf32>
    %squeeze3A_25 = vector.shape_cast %slice3A_24 : vector<1x4096xf32> to vector<4096xf32>
    %broadcast_in_dim3A_26 = vector.shape_cast %squeeze3A_25 : vector<4096xf32> to vector<4096x1xf32>
    %slice3A_27 = vector.extract_strided_slice %get3A_8 {offsets = [2, 0], sizes = [1, 128], strides = [1, 1]} : vector<3x128xf32> to vector<1x128xf32>
    %squeeze3A_28 = vector.shape_cast %slice3A_27 : vector<1x128xf32> to vector<128xf32>
    %broadcast_in_dim3A_29 = vector.shape_cast %squeeze3A_28 : vector<128xf32> to vector<1x128xf32>
    %sub3A_30 = vector.broadcast %broadcast_in_dim3A_26 : vector<4096x1xf32> to vector<4096x128xf32>
    %sub3A_31 = vector.broadcast %broadcast_in_dim3A_29 : vector<1x128xf32> to vector<4096x128xf32>
    %sub3A_32 = arith.subf %sub3A_30, %sub3A_31 : vector<4096x128xf32>
    %mul3A_33 = arith.mulf %sub3A_32, %sub3A_32 : vector<4096x128xf32>
    %add3A_34 = arith.addf %add3A, %mul3A_33 : vector<4096x128xf32>
    %bitcast_convert_type3A = tpu.bitcast %add3A_34 : vector<4096x128xf32> -> vector<4096x128xi32>
    %broadcast_in_dim3A_35 = arith.constant -1 : i32
    %broadcast_in_dim3A_36 = vector.broadcast %broadcast_in_dim3A_35 : i32 to vector<128xi32>
    %broadcast_in_dim3A_37 = arith.constant 2139095040 : i32
    %broadcast_in_dim3A_38 = vector.broadcast %broadcast_in_dim3A_37 : i32 to vector<128xi32>
    %add3A_39 = arith.addi %broadcast_in_dim3A_36, %broadcast_in_dim3A_38 : vector<128xi32>
    %shift_right_arithmetic3A = arith.constant 1 : i32
    %shift_right_arithmetic3A_40 = vector.broadcast %shift_right_arithmetic3A : i32 to vector<128xi32>
    %shift_right_arithmetic3A_41 = arith.shrsi %add3A_39, %shift_right_arithmetic3A_40 : vector<128xi32>
    %broadcast_in_dim3A_42 = vector.shape_cast %shift_right_arithmetic3A_41 : vector<128xi32> to vector<1x128xi32>
    %le3A = vector.broadcast %broadcast_in_dim3A_42 : vector<1x128xi32> to vector<4096x128xi32>
    %le3A_43 = arith.cmpi sle, %bitcast_convert_type3A, %le3A : vector<4096x128xi32>
    %convert_element_type3A = arith.extui %le3A_43 : vector<4096x128xi1> to vector<4096x128xi32>
    %convert_element_type3A_44 = arith.sitofp %convert_element_type3A : vector<4096x128xi32> to vector<4096x128xf32>
    %reduce_sum3A = arith.constant dense<0.000000e+00> : vector<128xf32>
    %reduce_sum3A_45 = vector.multi_reduction <add>, %convert_element_type3A_44, %reduce_sum3A [0] : vector<4096x128xf32> to vector<128xf32>
    %ge3A = arith.constant 3.200000e+01 : f32
    %ge3A_46 = vector.broadcast %ge3A : f32 to vector<128xf32>
    %ge3A_47 = arith.cmpf oge, %reduce_sum3A_45, %ge3A_46 : vector<128xf32>
    %select_n3A = arith.select %ge3A_47, %shift_right_arithmetic3A_41, %broadcast_in_dim3A_38 : vector<128xi1>, vector<128xi32>
    %select_n3A_48 = arith.select %ge3A_47, %broadcast_in_dim3A_36, %shift_right_arithmetic3A_41 : vector<128xi1>, vector<128xi32>
    %add3A_49 = arith.addi %select_n3A_48, %select_n3A : vector<128xi32>
    %shift_right_arithmetic3A_50 = arith.constant 1 : i32
    %shift_right_arithmetic3A_51 = vector.broadcast %shift_right_arithmetic3A_50 : i32 to vector<128xi32>
    %shift_right_arithmetic3A_52 = arith.shrsi %add3A_49, %shift_right_arithmetic3A_51 : vector<128xi32>
    %broadcast_in_dim3A_53 = vector.shape_cast %shift_right_arithmetic3A_52 : vector<128xi32> to vector<1x128xi32>
    %le3A_54 = vector.broadcast %broadcast_in_dim3A_53 : vector<1x128xi32> to vector<4096x128xi32>
    %le3A_55 = arith.cmpi sle, %bitcast_convert_type3A, %le3A_54 : vector<4096x128xi32>
    %convert_element_type3A_56 = arith.extui %le3A_55 : vector<4096x128xi1> to vector<4096x128xi32>
    %convert_element_type3A_57 = arith.sitofp %convert_element_type3A_56 : vector<4096x128xi32> to vector<4096x128xf32>
    %reduce_sum3A_58 = arith.constant dense<0.000000e+00> : vector<128xf32>
    %reduce_sum3A_59 = vector.multi_reduction <add>, %convert_element_type3A_57, %reduce_sum3A_58 [0] : vector<4096x128xf32> to vector<128xf32>
    %ge3A_60 = arith.constant 3.200000e+01 : f32
    %ge3A_61 = vector.broadcast %ge3A_60 : f32 to vector<128xf32>
    %ge3A_62 = arith.cmpf oge, %reduce_sum3A_59, %ge3A_61 : vector<128xf32>
    %select_n3A_63 = arith.select %ge3A_62, %shift_right_arithmetic3A_52, %select_n3A : vector<128xi1>, vector<128xi32>
    %select_n3A_64 = arith.select %ge3A_62, %select_n3A_48, %shift_right_arithmetic3A_52 : vector<128xi1>, vector<128xi32>
    %add3A_65 = arith.addi %select_n3A_64, %select_n3A_63 : vector<128xi32>
    %shift_right_arithmetic3A_66 = arith.constant 1 : i32
    %shift_right_arithmetic3A_67 = vector.broadcast %shift_right_arithmetic3A_66 : i32 to vector<128xi32>
    %shift_right_arithmetic3A_68 = arith.shrsi %add3A_65, %shift_right_arithmetic3A_67 : vector<128xi32>
    %broadcast_in_dim3A_69 = vector.shape_cast %shift_right_arithmetic3A_68 : vector<128xi32> to vector<1x128xi32>
    %le3A_70 = vector.broadcast %broadcast_in_dim3A_69 : vector<1x128xi32> to vector<4096x128xi32>
    %le3A_71 = arith.cmpi sle, %bitcast_convert_type3A, %le3A_70 : vector<4096x128xi32>
    %convert_element_type3A_72 = arith.extui %le3A_71 : vector<4096x128xi1> to vector<4096x128xi32>
    %convert_element_type3A_73 = arith.sitofp %convert_element_type3A_72 : vector<4096x128xi32> to vector<4096x128xf32>
    %reduce_sum3A_74 = arith.constant dense<0.000000e+00> : vector<128xf32>
    %reduce_sum3A_75 = vector.multi_reduction <add>, %convert_element_type3A_73, %reduce_sum3A_74 [0] : vector<4096x128xf32> to vector<128xf32>
    %ge3A_76 = arith.constant 3.200000e+01 : f32
    %ge3A_77 = vector.broadcast %ge3A_76 : f32 to vector<128xf32>
    %ge3A_78 = arith.cmpf oge, %reduce_sum3A_75, %ge3A_77 : vector<128xf32>
    %select_n3A_79 = arith.select %ge3A_78, %shift_right_arithmetic3A_68, %select_n3A_63 : vector<128xi1>, vector<128xi32>
    %select_n3A_80 = arith.select %ge3A_78, %select_n3A_64, %shift_right_arithmetic3A_68 : vector<128xi1>, vector<128xi32>
    %add3A_81 = arith.addi %select_n3A_80, %select_n3A_79 : vector<128xi32>
    %shift_right_arithmetic3A_82 = arith.constant 1 : i32
    %shift_right_arithmetic3A_83 = vector.broadcast %shift_right_arithmetic3A_82 : i32 to vector<128xi32>
    %shift_right_arithmetic3A_84 = arith.shrsi %add3A_81, %shift_right_arithmetic3A_83 : vector<128xi32>
    %broadcast_in_dim3A_85 = vector.shape_cast %shift_right_arithmetic3A_84 : vector<128xi32> to vector<1x128xi32>
    %le3A_86 = vector.broadcast %broadcast_in_dim3A_85 : vector<1x128xi32> to vector<4096x128xi32>
    %le3A_87 = arith.cmpi sle, %bitcast_convert_type3A, %le3A_86 : vector<4096x128xi32>
    %convert_element_type3A_88 = arith.extui %le3A_87 : vector<4096x128xi1> to vector<4096x128xi32>
    %convert_element_type3A_89 = arith.sitofp %convert_element_type3A_88 : vector<4096x128xi32> to vector<4096x128xf32>
    %reduce_sum3A_90 = arith.constant dense<0.000000e+00> : vector<128xf32>
    %reduce_sum3A_91 = vector.multi_reduction <add>, %convert_element_type3A_89, %reduce_sum3A_90 [0] : vector<4096x128xf32> to vector<128xf32>
    %ge3A_92 = arith.constant 3.200000e+01 : f32
    %ge3A_93 = vector.broadcast %ge3A_92 : f32 to vector<128xf32>
    %ge3A_94 = arith.cmpf oge, %reduce_sum3A_91, %ge3A_93 : vector<128xf32>
    %select_n3A_95 = arith.select %ge3A_94, %shift_right_arithmetic3A_84, %select_n3A_79 : vector<128xi1>, vector<128xi32>
    %select_n3A_96 = arith.select %ge3A_94, %select_n3A_80, %shift_right_arithmetic3A_84 : vector<128xi1>, vector<128xi32>
    %add3A_97 = arith.addi %select_n3A_96, %select_n3A_95 : vector<128xi32>
    %shift_right_arithmetic3A_98 = arith.constant 1 : i32
    %shift_right_arithmetic3A_99 = vector.broadcast %shift_right_arithmetic3A_98 : i32 to vector<128xi32>
    %shift_right_arithmetic3A_100 = arith.shrsi %add3A_97, %shift_right_arithmetic3A_99 : vector<128xi32>
    %broadcast_in_dim3A_101 = vector.shape_cast %shift_right_arithmetic3A_100 : vector<128xi32> to vector<1x128xi32>
    %le3A_102 = vector.broadcast %broadcast_in_dim3A_101 : vector<1x128xi32> to vector<4096x128xi32>
    %le3A_103 = arith.cmpi sle, %bitcast_convert_type3A, %le3A_102 : vector<4096x128xi32>
    %convert_element_type3A_104 = arith.extui %le3A_103 : vector<4096x128xi1> to vector<4096x128xi32>
    %convert_element_type3A_105 = arith.sitofp %convert_element_type3A_104 : vector<4096x128xi32> to vector<4096x128xf32>
    %reduce_sum3A_106 = arith.constant dense<0.000000e+00> : vector<128xf32>
    %reduce_sum3A_107 = vector.multi_reduction <add>, %convert_element_type3A_105, %reduce_sum3A_106 [0] : vector<4096x128xf32> to vector<128xf32>
    %ge3A_108 = arith.constant 3.200000e+01 : f32
    %ge3A_109 = vector.broadcast %ge3A_108 : f32 to vector<128xf32>
    %ge3A_110 = arith.cmpf oge, %reduce_sum3A_107, %ge3A_109 : vector<128xf32>
    %select_n3A_111 = arith.select %ge3A_110, %shift_right_arithmetic3A_100, %select_n3A_95 : vector<128xi1>, vector<128xi32>
    %select_n3A_112 = arith.select %ge3A_110, %select_n3A_96, %shift_right_arithmetic3A_100 : vector<128xi1>, vector<128xi32>
    %add3A_113 = arith.addi %select_n3A_112, %select_n3A_111 : vector<128xi32>
    %shift_right_arithmetic3A_114 = arith.constant 1 : i32
    %shift_right_arithmetic3A_115 = vector.broadcast %shift_right_arithmetic3A_114 : i32 to vector<128xi32>
    %shift_right_arithmetic3A_116 = arith.shrsi %add3A_113, %shift_right_arithmetic3A_115 : vector<128xi32>
    %broadcast_in_dim3A_117 = vector.shape_cast %shift_right_arithmetic3A_116 : vector<128xi32> to vector<1x128xi32>
    %le3A_118 = vector.broadcast %broadcast_in_dim3A_117 : vector<1x128xi32> to vector<4096x128xi32>
    %le3A_119 = arith.cmpi sle, %bitcast_convert_type3A, %le3A_118 : vector<4096x128xi32>
    %convert_element_type3A_120 = arith.extui %le3A_119 : vector<4096x128xi1> to vector<4096x128xi32>
    %convert_element_type3A_121 = arith.sitofp %convert_element_type3A_120 : vector<4096x128xi32> to vector<4096x128xf32>
    %reduce_sum3A_122 = arith.constant dense<0.000000e+00> : vector<128xf32>
    %reduce_sum3A_123 = vector.multi_reduction <add>, %convert_element_type3A_121, %reduce_sum3A_122 [0] : vector<4096x128xf32> to vector<128xf32>
    %ge3A_124 = arith.constant 3.200000e+01 : f32
    %ge3A_125 = vector.broadcast %ge3A_124 : f32 to vector<128xf32>
    %ge3A_126 = arith.cmpf oge, %reduce_sum3A_123, %ge3A_125 : vector<128xf32>
    %select_n3A_127 = arith.select %ge3A_126, %shift_right_arithmetic3A_116, %select_n3A_111 : vector<128xi1>, vector<128xi32>
    %select_n3A_128 = arith.select %ge3A_126, %select_n3A_112, %shift_right_arithmetic3A_116 : vector<128xi1>, vector<128xi32>
    %add3A_129 = arith.addi %select_n3A_128, %select_n3A_127 : vector<128xi32>
    %shift_right_arithmetic3A_130 = arith.constant 1 : i32
    %shift_right_arithmetic3A_131 = vector.broadcast %shift_right_arithmetic3A_130 : i32 to vector<128xi32>
    %shift_right_arithmetic3A_132 = arith.shrsi %add3A_129, %shift_right_arithmetic3A_131 : vector<128xi32>
    %broadcast_in_dim3A_133 = vector.shape_cast %shift_right_arithmetic3A_132 : vector<128xi32> to vector<1x128xi32>
    %le3A_134 = vector.broadcast %broadcast_in_dim3A_133 : vector<1x128xi32> to vector<4096x128xi32>
    %le3A_135 = arith.cmpi sle, %bitcast_convert_type3A, %le3A_134 : vector<4096x128xi32>
    %convert_element_type3A_136 = arith.extui %le3A_135 : vector<4096x128xi1> to vector<4096x128xi32>
    %convert_element_type3A_137 = arith.sitofp %convert_element_type3A_136 : vector<4096x128xi32> to vector<4096x128xf32>
    %reduce_sum3A_138 = arith.constant dense<0.000000e+00> : vector<128xf32>
    %reduce_sum3A_139 = vector.multi_reduction <add>, %convert_element_type3A_137, %reduce_sum3A_138 [0] : vector<4096x128xf32> to vector<128xf32>
    %ge3A_140 = arith.constant 3.200000e+01 : f32
    %ge3A_141 = vector.broadcast %ge3A_140 : f32 to vector<128xf32>
    %ge3A_142 = arith.cmpf oge, %reduce_sum3A_139, %ge3A_141 : vector<128xf32>
    %select_n3A_143 = arith.select %ge3A_142, %shift_right_arithmetic3A_132, %select_n3A_127 : vector<128xi1>, vector<128xi32>
    %select_n3A_144 = arith.select %ge3A_142, %select_n3A_128, %shift_right_arithmetic3A_132 : vector<128xi1>, vector<128xi32>
    %add3A_145 = arith.addi %select_n3A_144, %select_n3A_143 : vector<128xi32>
    %shift_right_arithmetic3A_146 = arith.constant 1 : i32
    %shift_right_arithmetic3A_147 = vector.broadcast %shift_right_arithmetic3A_146 : i32 to vector<128xi32>
    %shift_right_arithmetic3A_148 = arith.shrsi %add3A_145, %shift_right_arithmetic3A_147 : vector<128xi32>
    %broadcast_in_dim3A_149 = vector.shape_cast %shift_right_arithmetic3A_148 : vector<128xi32> to vector<1x128xi32>
    %le3A_150 = vector.broadcast %broadcast_in_dim3A_149 : vector<1x128xi32> to vector<4096x128xi32>
    %le3A_151 = arith.cmpi sle, %bitcast_convert_type3A, %le3A_150 : vector<4096x128xi32>
    %convert_element_type3A_152 = arith.extui %le3A_151 : vector<4096x128xi1> to vector<4096x128xi32>
    %convert_element_type3A_153 = arith.sitofp %convert_element_type3A_152 : vector<4096x128xi32> to vector<4096x128xf32>
    %reduce_sum3A_154 = arith.constant dense<0.000000e+00> : vector<128xf32>
    %reduce_sum3A_155 = vector.multi_reduction <add>, %convert_element_type3A_153, %reduce_sum3A_154 [0] : vector<4096x128xf32> to vector<128xf32>
    %ge3A_156 = arith.constant 3.200000e+01 : f32
    %ge3A_157 = vector.broadcast %ge3A_156 : f32 to vector<128xf32>
    %ge3A_158 = arith.cmpf oge, %reduce_sum3A_155, %ge3A_157 : vector<128xf32>
    %select_n3A_159 = arith.select %ge3A_158, %shift_right_arithmetic3A_148, %select_n3A_143 : vector<128xi1>, vector<128xi32>
    %select_n3A_160 = arith.select %ge3A_158, %select_n3A_144, %shift_right_arithmetic3A_148 : vector<128xi1>, vector<128xi32>
    %add3A_161 = arith.addi %select_n3A_160, %select_n3A_159 : vector<128xi32>
    %shift_right_arithmetic3A_162 = arith.constant 1 : i32
    %shift_right_arithmetic3A_163 = vector.broadcast %shift_right_arithmetic3A_162 : i32 to vector<128xi32>
    %shift_right_arithmetic3A_164 = arith.shrsi %add3A_161, %shift_right_arithmetic3A_163 : vector<128xi32>
    %broadcast_in_dim3A_165 = vector.shape_cast %shift_right_arithmetic3A_164 : vector<128xi32> to vector<1x128xi32>
    %le3A_166 = vector.broadcast %broadcast_in_dim3A_165 : vector<1x128xi32> to vector<4096x128xi32>
    %le3A_167 = arith.cmpi sle, %bitcast_convert_type3A, %le3A_166 : vector<4096x128xi32>
    %convert_element_type3A_168 = arith.extui %le3A_167 : vector<4096x128xi1> to vector<4096x128xi32>
    %convert_element_type3A_169 = arith.sitofp %convert_element_type3A_168 : vector<4096x128xi32> to vector<4096x128xf32>
    %reduce_sum3A_170 = arith.constant dense<0.000000e+00> : vector<128xf32>
    %reduce_sum3A_171 = vector.multi_reduction <add>, %convert_element_type3A_169, %reduce_sum3A_170 [0] : vector<4096x128xf32> to vector<128xf32>
    %ge3A_172 = arith.constant 3.200000e+01 : f32
    %ge3A_173 = vector.broadcast %ge3A_172 : f32 to vector<128xf32>
    %ge3A_174 = arith.cmpf oge, %reduce_sum3A_171, %ge3A_173 : vector<128xf32>
    %select_n3A_175 = arith.select %ge3A_174, %shift_right_arithmetic3A_164, %select_n3A_159 : vector<128xi1>, vector<128xi32>
    %select_n3A_176 = arith.select %ge3A_174, %select_n3A_160, %shift_right_arithmetic3A_164 : vector<128xi1>, vector<128xi32>
    %add3A_177 = arith.addi %select_n3A_176, %select_n3A_175 : vector<128xi32>
    %shift_right_arithmetic3A_178 = arith.constant 1 : i32
    %shift_right_arithmetic3A_179 = vector.broadcast %shift_right_arithmetic3A_178 : i32 to vector<128xi32>
    %shift_right_arithmetic3A_180 = arith.shrsi %add3A_177, %shift_right_arithmetic3A_179 : vector<128xi32>
    %broadcast_in_dim3A_181 = vector.shape_cast %shift_right_arithmetic3A_180 : vector<128xi32> to vector<1x128xi32>
    %le3A_182 = vector.broadcast %broadcast_in_dim3A_181 : vector<1x128xi32> to vector<4096x128xi32>
    %le3A_183 = arith.cmpi sle, %bitcast_convert_type3A, %le3A_182 : vector<4096x128xi32>
    %convert_element_type3A_184 = arith.extui %le3A_183 : vector<4096x128xi1> to vector<4096x128xi32>
    %convert_element_type3A_185 = arith.sitofp %convert_element_type3A_184 : vector<4096x128xi32> to vector<4096x128xf32>
    %reduce_sum3A_186 = arith.constant dense<0.000000e+00> : vector<128xf32>
    %reduce_sum3A_187 = vector.multi_reduction <add>, %convert_element_type3A_185, %reduce_sum3A_186 [0] : vector<4096x128xf32> to vector<128xf32>
    %ge3A_188 = arith.constant 3.200000e+01 : f32
    %ge3A_189 = vector.broadcast %ge3A_188 : f32 to vector<128xf32>
    %ge3A_190 = arith.cmpf oge, %reduce_sum3A_187, %ge3A_189 : vector<128xf32>
    %select_n3A_191 = arith.select %ge3A_190, %shift_right_arithmetic3A_180, %select_n3A_175 : vector<128xi1>, vector<128xi32>
    %select_n3A_192 = arith.select %ge3A_190, %select_n3A_176, %shift_right_arithmetic3A_180 : vector<128xi1>, vector<128xi32>
    %add3A_193 = arith.addi %select_n3A_192, %select_n3A_191 : vector<128xi32>
    %shift_right_arithmetic3A_194 = arith.constant 1 : i32
    %shift_right_arithmetic3A_195 = vector.broadcast %shift_right_arithmetic3A_194 : i32 to vector<128xi32>
    %shift_right_arithmetic3A_196 = arith.shrsi %add3A_193, %shift_right_arithmetic3A_195 : vector<128xi32>
    %broadcast_in_dim3A_197 = vector.shape_cast %shift_right_arithmetic3A_196 : vector<128xi32> to vector<1x128xi32>
    %le3A_198 = vector.broadcast %broadcast_in_dim3A_197 : vector<1x128xi32> to vector<4096x128xi32>
    %le3A_199 = arith.cmpi sle, %bitcast_convert_type3A, %le3A_198 : vector<4096x128xi32>
    %convert_element_type3A_200 = arith.extui %le3A_199 : vector<4096x128xi1> to vector<4096x128xi32>
    %convert_element_type3A_201 = arith.sitofp %convert_element_type3A_200 : vector<4096x128xi32> to vector<4096x128xf32>
    %reduce_sum3A_202 = arith.constant dense<0.000000e+00> : vector<128xf32>
    %reduce_sum3A_203 = vector.multi_reduction <add>, %convert_element_type3A_201, %reduce_sum3A_202 [0] : vector<4096x128xf32> to vector<128xf32>
    %ge3A_204 = arith.constant 3.200000e+01 : f32
    %ge3A_205 = vector.broadcast %ge3A_204 : f32 to vector<128xf32>
    %ge3A_206 = arith.cmpf oge, %reduce_sum3A_203, %ge3A_205 : vector<128xf32>
    %select_n3A_207 = arith.select %ge3A_206, %shift_right_arithmetic3A_196, %select_n3A_191 : vector<128xi1>, vector<128xi32>
    %select_n3A_208 = arith.select %ge3A_206, %select_n3A_192, %shift_right_arithmetic3A_196 : vector<128xi1>, vector<128xi32>
    %add3A_209 = arith.addi %select_n3A_208, %select_n3A_207 : vector<128xi32>
    %shift_right_arithmetic3A_210 = arith.constant 1 : i32
    %shift_right_arithmetic3A_211 = vector.broadcast %shift_right_arithmetic3A_210 : i32 to vector<128xi32>
    %shift_right_arithmetic3A_212 = arith.shrsi %add3A_209, %shift_right_arithmetic3A_211 : vector<128xi32>
    %broadcast_in_dim3A_213 = vector.shape_cast %shift_right_arithmetic3A_212 : vector<128xi32> to vector<1x128xi32>
    %le3A_214 = vector.broadcast %broadcast_in_dim3A_213 : vector<1x128xi32> to vector<4096x128xi32>
    %le3A_215 = arith.cmpi sle, %bitcast_convert_type3A, %le3A_214 : vector<4096x128xi32>
    %convert_element_type3A_216 = arith.extui %le3A_215 : vector<4096x128xi1> to vector<4096x128xi32>
    %convert_element_type3A_217 = arith.sitofp %convert_element_type3A_216 : vector<4096x128xi32> to vector<4096x128xf32>
    %reduce_sum3A_218 = arith.constant dense<0.000000e+00> : vector<128xf32>
    %reduce_sum3A_219 = vector.multi_reduction <add>, %convert_element_type3A_217, %reduce_sum3A_218 [0] : vector<4096x128xf32> to vector<128xf32>
    %ge3A_220 = arith.constant 3.200000e+01 : f32
    %ge3A_221 = vector.broadcast %ge3A_220 : f32 to vector<128xf32>
    %ge3A_222 = arith.cmpf oge, %reduce_sum3A_219, %ge3A_221 : vector<128xf32>
    %select_n3A_223 = arith.select %ge3A_222, %shift_right_arithmetic3A_212, %select_n3A_207 : vector<128xi1>, vector<128xi32>
    %select_n3A_224 = arith.select %ge3A_222, %select_n3A_208, %shift_right_arithmetic3A_212 : vector<128xi1>, vector<128xi32>
    %add3A_225 = arith.addi %select_n3A_224, %select_n3A_223 : vector<128xi32>
    %shift_right_arithmetic3A_226 = arith.constant 1 : i32
    %shift_right_arithmetic3A_227 = vector.broadcast %shift_right_arithmetic3A_226 : i32 to vector<128xi32>
    %shift_right_arithmetic3A_228 = arith.shrsi %add3A_225, %shift_right_arithmetic3A_227 : vector<128xi32>
    %broadcast_in_dim3A_229 = vector.shape_cast %shift_right_arithmetic3A_228 : vector<128xi32> to vector<1x128xi32>
    %le3A_230 = vector.broadcast %broadcast_in_dim3A_229 : vector<1x128xi32> to vector<4096x128xi32>
    %le3A_231 = arith.cmpi sle, %bitcast_convert_type3A, %le3A_230 : vector<4096x128xi32>
    %convert_element_type3A_232 = arith.extui %le3A_231 : vector<4096x128xi1> to vector<4096x128xi32>
    %convert_element_type3A_233 = arith.sitofp %convert_element_type3A_232 : vector<4096x128xi32> to vector<4096x128xf32>
    %reduce_sum3A_234 = arith.constant dense<0.000000e+00> : vector<128xf32>
    %reduce_sum3A_235 = vector.multi_reduction <add>, %convert_element_type3A_233, %reduce_sum3A_234 [0] : vector<4096x128xf32> to vector<128xf32>
    %ge3A_236 = arith.constant 3.200000e+01 : f32
    %ge3A_237 = vector.broadcast %ge3A_236 : f32 to vector<128xf32>
    %ge3A_238 = arith.cmpf oge, %reduce_sum3A_235, %ge3A_237 : vector<128xf32>
    %select_n3A_239 = arith.select %ge3A_238, %shift_right_arithmetic3A_228, %select_n3A_223 : vector<128xi1>, vector<128xi32>
    %select_n3A_240 = arith.select %ge3A_238, %select_n3A_224, %shift_right_arithmetic3A_228 : vector<128xi1>, vector<128xi32>
    %add3A_241 = arith.addi %select_n3A_240, %select_n3A_239 : vector<128xi32>
    %shift_right_arithmetic3A_242 = arith.constant 1 : i32
    %shift_right_arithmetic3A_243 = vector.broadcast %shift_right_arithmetic3A_242 : i32 to vector<128xi32>
    %shift_right_arithmetic3A_244 = arith.shrsi %add3A_241, %shift_right_arithmetic3A_243 : vector<128xi32>
    %broadcast_in_dim3A_245 = vector.shape_cast %shift_right_arithmetic3A_244 : vector<128xi32> to vector<1x128xi32>
    %le3A_246 = vector.broadcast %broadcast_in_dim3A_245 : vector<1x128xi32> to vector<4096x128xi32>
    %le3A_247 = arith.cmpi sle, %bitcast_convert_type3A, %le3A_246 : vector<4096x128xi32>
    %convert_element_type3A_248 = arith.extui %le3A_247 : vector<4096x128xi1> to vector<4096x128xi32>
    %convert_element_type3A_249 = arith.sitofp %convert_element_type3A_248 : vector<4096x128xi32> to vector<4096x128xf32>
    %reduce_sum3A_250 = arith.constant dense<0.000000e+00> : vector<128xf32>
    %reduce_sum3A_251 = vector.multi_reduction <add>, %convert_element_type3A_249, %reduce_sum3A_250 [0] : vector<4096x128xf32> to vector<128xf32>
    %ge3A_252 = arith.constant 3.200000e+01 : f32
    %ge3A_253 = vector.broadcast %ge3A_252 : f32 to vector<128xf32>
    %ge3A_254 = arith.cmpf oge, %reduce_sum3A_251, %ge3A_253 : vector<128xf32>
    %select_n3A_255 = arith.select %ge3A_254, %shift_right_arithmetic3A_244, %select_n3A_239 : vector<128xi1>, vector<128xi32>
    %select_n3A_256 = arith.select %ge3A_254, %select_n3A_240, %shift_right_arithmetic3A_244 : vector<128xi1>, vector<128xi32>
    %add3A_257 = arith.addi %select_n3A_256, %select_n3A_255 : vector<128xi32>
    %shift_right_arithmetic3A_258 = arith.constant 1 : i32
    %shift_right_arithmetic3A_259 = vector.broadcast %shift_right_arithmetic3A_258 : i32 to vector<128xi32>
    %shift_right_arithmetic3A_260 = arith.shrsi %add3A_257, %shift_right_arithmetic3A_259 : vector<128xi32>
    %broadcast_in_dim3A_261 = vector.shape_cast %shift_right_arithmetic3A_260 : vector<128xi32> to vector<1x128xi32>
    %le3A_262 = vector.broadcast %broadcast_in_dim3A_261 : vector<1x128xi32> to vector<4096x128xi32>
    %le3A_263 = arith.cmpi sle, %bitcast_convert_type3A, %le3A_262 : vector<4096x128xi32>
    %convert_element_type3A_264 = arith.extui %le3A_263 : vector<4096x128xi1> to vector<4096x128xi32>
    %convert_element_type3A_265 = arith.sitofp %convert_element_type3A_264 : vector<4096x128xi32> to vector<4096x128xf32>
    %reduce_sum3A_266 = arith.constant dense<0.000000e+00> : vector<128xf32>
    %reduce_sum3A_267 = vector.multi_reduction <add>, %convert_element_type3A_265, %reduce_sum3A_266 [0] : vector<4096x128xf32> to vector<128xf32>
    %ge3A_268 = arith.constant 3.200000e+01 : f32
    %ge3A_269 = vector.broadcast %ge3A_268 : f32 to vector<128xf32>
    %ge3A_270 = arith.cmpf oge, %reduce_sum3A_267, %ge3A_269 : vector<128xf32>
    %select_n3A_271 = arith.select %ge3A_270, %shift_right_arithmetic3A_260, %select_n3A_255 : vector<128xi1>, vector<128xi32>
    %select_n3A_272 = arith.select %ge3A_270, %select_n3A_256, %shift_right_arithmetic3A_260 : vector<128xi1>, vector<128xi32>
    %add3A_273 = arith.addi %select_n3A_272, %select_n3A_271 : vector<128xi32>
    %shift_right_arithmetic3A_274 = arith.constant 1 : i32
    %shift_right_arithmetic3A_275 = vector.broadcast %shift_right_arithmetic3A_274 : i32 to vector<128xi32>
    %shift_right_arithmetic3A_276 = arith.shrsi %add3A_273, %shift_right_arithmetic3A_275 : vector<128xi32>
    %broadcast_in_dim3A_277 = vector.shape_cast %shift_right_arithmetic3A_276 : vector<128xi32> to vector<1x128xi32>
    %le3A_278 = vector.broadcast %broadcast_in_dim3A_277 : vector<1x128xi32> to vector<4096x128xi32>
    %le3A_279 = arith.cmpi sle, %bitcast_convert_type3A, %le3A_278 : vector<4096x128xi32>
    %convert_element_type3A_280 = arith.extui %le3A_279 : vector<4096x128xi1> to vector<4096x128xi32>
    %convert_element_type3A_281 = arith.sitofp %convert_element_type3A_280 : vector<4096x128xi32> to vector<4096x128xf32>
    %reduce_sum3A_282 = arith.constant dense<0.000000e+00> : vector<128xf32>
    %reduce_sum3A_283 = vector.multi_reduction <add>, %convert_element_type3A_281, %reduce_sum3A_282 [0] : vector<4096x128xf32> to vector<128xf32>
    %ge3A_284 = arith.constant 3.200000e+01 : f32
    %ge3A_285 = vector.broadcast %ge3A_284 : f32 to vector<128xf32>
    %ge3A_286 = arith.cmpf oge, %reduce_sum3A_283, %ge3A_285 : vector<128xf32>
    %select_n3A_287 = arith.select %ge3A_286, %shift_right_arithmetic3A_276, %select_n3A_271 : vector<128xi1>, vector<128xi32>
    %select_n3A_288 = arith.select %ge3A_286, %select_n3A_272, %shift_right_arithmetic3A_276 : vector<128xi1>, vector<128xi32>
    %add3A_289 = arith.addi %select_n3A_288, %select_n3A_287 : vector<128xi32>
    %shift_right_arithmetic3A_290 = arith.constant 1 : i32
    %shift_right_arithmetic3A_291 = vector.broadcast %shift_right_arithmetic3A_290 : i32 to vector<128xi32>
    %shift_right_arithmetic3A_292 = arith.shrsi %add3A_289, %shift_right_arithmetic3A_291 : vector<128xi32>
    %broadcast_in_dim3A_293 = vector.shape_cast %shift_right_arithmetic3A_292 : vector<128xi32> to vector<1x128xi32>
    %le3A_294 = vector.broadcast %broadcast_in_dim3A_293 : vector<1x128xi32> to vector<4096x128xi32>
    %le3A_295 = arith.cmpi sle, %bitcast_convert_type3A, %le3A_294 : vector<4096x128xi32>
    %convert_element_type3A_296 = arith.extui %le3A_295 : vector<4096x128xi1> to vector<4096x128xi32>
    %convert_element_type3A_297 = arith.sitofp %convert_element_type3A_296 : vector<4096x128xi32> to vector<4096x128xf32>
    %reduce_sum3A_298 = arith.constant dense<0.000000e+00> : vector<128xf32>
    %reduce_sum3A_299 = vector.multi_reduction <add>, %convert_element_type3A_297, %reduce_sum3A_298 [0] : vector<4096x128xf32> to vector<128xf32>
    %ge3A_300 = arith.constant 3.200000e+01 : f32
    %ge3A_301 = vector.broadcast %ge3A_300 : f32 to vector<128xf32>
    %ge3A_302 = arith.cmpf oge, %reduce_sum3A_299, %ge3A_301 : vector<128xf32>
    %select_n3A_303 = arith.select %ge3A_302, %shift_right_arithmetic3A_292, %select_n3A_287 : vector<128xi1>, vector<128xi32>
    %select_n3A_304 = arith.select %ge3A_302, %select_n3A_288, %shift_right_arithmetic3A_292 : vector<128xi1>, vector<128xi32>
    %add3A_305 = arith.addi %select_n3A_304, %select_n3A_303 : vector<128xi32>
    %shift_right_arithmetic3A_306 = arith.constant 1 : i32
    %shift_right_arithmetic3A_307 = vector.broadcast %shift_right_arithmetic3A_306 : i32 to vector<128xi32>
    %shift_right_arithmetic3A_308 = arith.shrsi %add3A_305, %shift_right_arithmetic3A_307 : vector<128xi32>
    %broadcast_in_dim3A_309 = vector.shape_cast %shift_right_arithmetic3A_308 : vector<128xi32> to vector<1x128xi32>
    %le3A_310 = vector.broadcast %broadcast_in_dim3A_309 : vector<1x128xi32> to vector<4096x128xi32>
    %le3A_311 = arith.cmpi sle, %bitcast_convert_type3A, %le3A_310 : vector<4096x128xi32>
    %convert_element_type3A_312 = arith.extui %le3A_311 : vector<4096x128xi1> to vector<4096x128xi32>
    %convert_element_type3A_313 = arith.sitofp %convert_element_type3A_312 : vector<4096x128xi32> to vector<4096x128xf32>
    %reduce_sum3A_314 = arith.constant dense<0.000000e+00> : vector<128xf32>
    %reduce_sum3A_315 = vector.multi_reduction <add>, %convert_element_type3A_313, %reduce_sum3A_314 [0] : vector<4096x128xf32> to vector<128xf32>
    %ge3A_316 = arith.constant 3.200000e+01 : f32
    %ge3A_317 = vector.broadcast %ge3A_316 : f32 to vector<128xf32>
    %ge3A_318 = arith.cmpf oge, %reduce_sum3A_315, %ge3A_317 : vector<128xf32>
    %select_n3A_319 = arith.select %ge3A_318, %shift_right_arithmetic3A_308, %select_n3A_303 : vector<128xi1>, vector<128xi32>
    %select_n3A_320 = arith.select %ge3A_318, %select_n3A_304, %shift_right_arithmetic3A_308 : vector<128xi1>, vector<128xi32>
    %add3A_321 = arith.addi %select_n3A_320, %select_n3A_319 : vector<128xi32>
    %shift_right_arithmetic3A_322 = arith.constant 1 : i32
    %shift_right_arithmetic3A_323 = vector.broadcast %shift_right_arithmetic3A_322 : i32 to vector<128xi32>
    %shift_right_arithmetic3A_324 = arith.shrsi %add3A_321, %shift_right_arithmetic3A_323 : vector<128xi32>
    %broadcast_in_dim3A_325 = vector.shape_cast %shift_right_arithmetic3A_324 : vector<128xi32> to vector<1x128xi32>
    %le3A_326 = vector.broadcast %broadcast_in_dim3A_325 : vector<1x128xi32> to vector<4096x128xi32>
    %le3A_327 = arith.cmpi sle, %bitcast_convert_type3A, %le3A_326 : vector<4096x128xi32>
    %convert_element_type3A_328 = arith.extui %le3A_327 : vector<4096x128xi1> to vector<4096x128xi32>
    %convert_element_type3A_329 = arith.sitofp %convert_element_type3A_328 : vector<4096x128xi32> to vector<4096x128xf32>
    %reduce_sum3A_330 = arith.constant dense<0.000000e+00> : vector<128xf32>
    %reduce_sum3A_331 = vector.multi_reduction <add>, %convert_element_type3A_329, %reduce_sum3A_330 [0] : vector<4096x128xf32> to vector<128xf32>
    %ge3A_332 = arith.constant 3.200000e+01 : f32
    %ge3A_333 = vector.broadcast %ge3A_332 : f32 to vector<128xf32>
    %ge3A_334 = arith.cmpf oge, %reduce_sum3A_331, %ge3A_333 : vector<128xf32>
    %select_n3A_335 = arith.select %ge3A_334, %shift_right_arithmetic3A_324, %select_n3A_319 : vector<128xi1>, vector<128xi32>
    %select_n3A_336 = arith.select %ge3A_334, %select_n3A_320, %shift_right_arithmetic3A_324 : vector<128xi1>, vector<128xi32>
    %add3A_337 = arith.addi %select_n3A_336, %select_n3A_335 : vector<128xi32>
    %shift_right_arithmetic3A_338 = arith.constant 1 : i32
    %shift_right_arithmetic3A_339 = vector.broadcast %shift_right_arithmetic3A_338 : i32 to vector<128xi32>
    %shift_right_arithmetic3A_340 = arith.shrsi %add3A_337, %shift_right_arithmetic3A_339 : vector<128xi32>
    %broadcast_in_dim3A_341 = vector.shape_cast %shift_right_arithmetic3A_340 : vector<128xi32> to vector<1x128xi32>
    %le3A_342 = vector.broadcast %broadcast_in_dim3A_341 : vector<1x128xi32> to vector<4096x128xi32>
    %le3A_343 = arith.cmpi sle, %bitcast_convert_type3A, %le3A_342 : vector<4096x128xi32>
    %convert_element_type3A_344 = arith.extui %le3A_343 : vector<4096x128xi1> to vector<4096x128xi32>
    %convert_element_type3A_345 = arith.sitofp %convert_element_type3A_344 : vector<4096x128xi32> to vector<4096x128xf32>
    %reduce_sum3A_346 = arith.constant dense<0.000000e+00> : vector<128xf32>
    %reduce_sum3A_347 = vector.multi_reduction <add>, %convert_element_type3A_345, %reduce_sum3A_346 [0] : vector<4096x128xf32> to vector<128xf32>
    %ge3A_348 = arith.constant 3.200000e+01 : f32
    %ge3A_349 = vector.broadcast %ge3A_348 : f32 to vector<128xf32>
    %ge3A_350 = arith.cmpf oge, %reduce_sum3A_347, %ge3A_349 : vector<128xf32>
    %select_n3A_351 = arith.select %ge3A_350, %shift_right_arithmetic3A_340, %select_n3A_335 : vector<128xi1>, vector<128xi32>
    %select_n3A_352 = arith.select %ge3A_350, %select_n3A_336, %shift_right_arithmetic3A_340 : vector<128xi1>, vector<128xi32>
    %add3A_353 = arith.addi %select_n3A_352, %select_n3A_351 : vector<128xi32>
    %shift_right_arithmetic3A_354 = arith.constant 1 : i32
    %shift_right_arithmetic3A_355 = vector.broadcast %shift_right_arithmetic3A_354 : i32 to vector<128xi32>
    %shift_right_arithmetic3A_356 = arith.shrsi %add3A_353, %shift_right_arithmetic3A_355 : vector<128xi32>
    %broadcast_in_dim3A_357 = vector.shape_cast %shift_right_arithmetic3A_356 : vector<128xi32> to vector<1x128xi32>
    %le3A_358 = vector.broadcast %broadcast_in_dim3A_357 : vector<1x128xi32> to vector<4096x128xi32>
    %le3A_359 = arith.cmpi sle, %bitcast_convert_type3A, %le3A_358 : vector<4096x128xi32>
    %convert_element_type3A_360 = arith.extui %le3A_359 : vector<4096x128xi1> to vector<4096x128xi32>
    %convert_element_type3A_361 = arith.sitofp %convert_element_type3A_360 : vector<4096x128xi32> to vector<4096x128xf32>
    %reduce_sum3A_362 = arith.constant dense<0.000000e+00> : vector<128xf32>
    %reduce_sum3A_363 = vector.multi_reduction <add>, %convert_element_type3A_361, %reduce_sum3A_362 [0] : vector<4096x128xf32> to vector<128xf32>
    %ge3A_364 = arith.constant 3.200000e+01 : f32
    %ge3A_365 = vector.broadcast %ge3A_364 : f32 to vector<128xf32>
    %ge3A_366 = arith.cmpf oge, %reduce_sum3A_363, %ge3A_365 : vector<128xf32>
    %select_n3A_367 = arith.select %ge3A_366, %shift_right_arithmetic3A_356, %select_n3A_351 : vector<128xi1>, vector<128xi32>
    %select_n3A_368 = arith.select %ge3A_366, %select_n3A_352, %shift_right_arithmetic3A_356 : vector<128xi1>, vector<128xi32>
    %add3A_369 = arith.addi %select_n3A_368, %select_n3A_367 : vector<128xi32>
    %shift_right_arithmetic3A_370 = arith.constant 1 : i32
    %shift_right_arithmetic3A_371 = vector.broadcast %shift_right_arithmetic3A_370 : i32 to vector<128xi32>
    %shift_right_arithmetic3A_372 = arith.shrsi %add3A_369, %shift_right_arithmetic3A_371 : vector<128xi32>
    %broadcast_in_dim3A_373 = vector.shape_cast %shift_right_arithmetic3A_372 : vector<128xi32> to vector<1x128xi32>
    %le3A_374 = vector.broadcast %broadcast_in_dim3A_373 : vector<1x128xi32> to vector<4096x128xi32>
    %le3A_375 = arith.cmpi sle, %bitcast_convert_type3A, %le3A_374 : vector<4096x128xi32>
    %convert_element_type3A_376 = arith.extui %le3A_375 : vector<4096x128xi1> to vector<4096x128xi32>
    %convert_element_type3A_377 = arith.sitofp %convert_element_type3A_376 : vector<4096x128xi32> to vector<4096x128xf32>
    %reduce_sum3A_378 = arith.constant dense<0.000000e+00> : vector<128xf32>
    %reduce_sum3A_379 = vector.multi_reduction <add>, %convert_element_type3A_377, %reduce_sum3A_378 [0] : vector<4096x128xf32> to vector<128xf32>
    %ge3A_380 = arith.constant 3.200000e+01 : f32
    %ge3A_381 = vector.broadcast %ge3A_380 : f32 to vector<128xf32>
    %ge3A_382 = arith.cmpf oge, %reduce_sum3A_379, %ge3A_381 : vector<128xf32>
    %select_n3A_383 = arith.select %ge3A_382, %shift_right_arithmetic3A_372, %select_n3A_367 : vector<128xi1>, vector<128xi32>
    %select_n3A_384 = arith.select %ge3A_382, %select_n3A_368, %shift_right_arithmetic3A_372 : vector<128xi1>, vector<128xi32>
    %add3A_385 = arith.addi %select_n3A_384, %select_n3A_383 : vector<128xi32>
    %shift_right_arithmetic3A_386 = arith.constant 1 : i32
    %shift_right_arithmetic3A_387 = vector.broadcast %shift_right_arithmetic3A_386 : i32 to vector<128xi32>
    %shift_right_arithmetic3A_388 = arith.shrsi %add3A_385, %shift_right_arithmetic3A_387 : vector<128xi32>
    %broadcast_in_dim3A_389 = vector.shape_cast %shift_right_arithmetic3A_388 : vector<128xi32> to vector<1x128xi32>
    %le3A_390 = vector.broadcast %broadcast_in_dim3A_389 : vector<1x128xi32> to vector<4096x128xi32>
    %le3A_391 = arith.cmpi sle, %bitcast_convert_type3A, %le3A_390 : vector<4096x128xi32>
    %convert_element_type3A_392 = arith.extui %le3A_391 : vector<4096x128xi1> to vector<4096x128xi32>
    %convert_element_type3A_393 = arith.sitofp %convert_element_type3A_392 : vector<4096x128xi32> to vector<4096x128xf32>
    %reduce_sum3A_394 = arith.constant dense<0.000000e+00> : vector<128xf32>
    %reduce_sum3A_395 = vector.multi_reduction <add>, %convert_element_type3A_393, %reduce_sum3A_394 [0] : vector<4096x128xf32> to vector<128xf32>
    %ge3A_396 = arith.constant 3.200000e+01 : f32
    %ge3A_397 = vector.broadcast %ge3A_396 : f32 to vector<128xf32>
    %ge3A_398 = arith.cmpf oge, %reduce_sum3A_395, %ge3A_397 : vector<128xf32>
    %select_n3A_399 = arith.select %ge3A_398, %shift_right_arithmetic3A_388, %select_n3A_383 : vector<128xi1>, vector<128xi32>
    %select_n3A_400 = arith.select %ge3A_398, %select_n3A_384, %shift_right_arithmetic3A_388 : vector<128xi1>, vector<128xi32>
    %add3A_401 = arith.addi %select_n3A_400, %select_n3A_399 : vector<128xi32>
    %shift_right_arithmetic3A_402 = arith.constant 1 : i32
    %shift_right_arithmetic3A_403 = vector.broadcast %shift_right_arithmetic3A_402 : i32 to vector<128xi32>
    %shift_right_arithmetic3A_404 = arith.shrsi %add3A_401, %shift_right_arithmetic3A_403 : vector<128xi32>
    %broadcast_in_dim3A_405 = vector.shape_cast %shift_right_arithmetic3A_404 : vector<128xi32> to vector<1x128xi32>
    %le3A_406 = vector.broadcast %broadcast_in_dim3A_405 : vector<1x128xi32> to vector<4096x128xi32>
    %le3A_407 = arith.cmpi sle, %bitcast_convert_type3A, %le3A_406 : vector<4096x128xi32>
    %convert_element_type3A_408 = arith.extui %le3A_407 : vector<4096x128xi1> to vector<4096x128xi32>
    %convert_element_type3A_409 = arith.sitofp %convert_element_type3A_408 : vector<4096x128xi32> to vector<4096x128xf32>
    %reduce_sum3A_410 = arith.constant dense<0.000000e+00> : vector<128xf32>
    %reduce_sum3A_411 = vector.multi_reduction <add>, %convert_element_type3A_409, %reduce_sum3A_410 [0] : vector<4096x128xf32> to vector<128xf32>
    %ge3A_412 = arith.constant 3.200000e+01 : f32
    %ge3A_413 = vector.broadcast %ge3A_412 : f32 to vector<128xf32>
    %ge3A_414 = arith.cmpf oge, %reduce_sum3A_411, %ge3A_413 : vector<128xf32>
    %select_n3A_415 = arith.select %ge3A_414, %shift_right_arithmetic3A_404, %select_n3A_399 : vector<128xi1>, vector<128xi32>
    %select_n3A_416 = arith.select %ge3A_414, %select_n3A_400, %shift_right_arithmetic3A_404 : vector<128xi1>, vector<128xi32>
    %add3A_417 = arith.addi %select_n3A_416, %select_n3A_415 : vector<128xi32>
    %shift_right_arithmetic3A_418 = arith.constant 1 : i32
    %shift_right_arithmetic3A_419 = vector.broadcast %shift_right_arithmetic3A_418 : i32 to vector<128xi32>
    %shift_right_arithmetic3A_420 = arith.shrsi %add3A_417, %shift_right_arithmetic3A_419 : vector<128xi32>
    %broadcast_in_dim3A_421 = vector.shape_cast %shift_right_arithmetic3A_420 : vector<128xi32> to vector<1x128xi32>
    %le3A_422 = vector.broadcast %broadcast_in_dim3A_421 : vector<1x128xi32> to vector<4096x128xi32>
    %le3A_423 = arith.cmpi sle, %bitcast_convert_type3A, %le3A_422 : vector<4096x128xi32>
    %convert_element_type3A_424 = arith.extui %le3A_423 : vector<4096x128xi1> to vector<4096x128xi32>
    %convert_element_type3A_425 = arith.sitofp %convert_element_type3A_424 : vector<4096x128xi32> to vector<4096x128xf32>
    %reduce_sum3A_426 = arith.constant dense<0.000000e+00> : vector<128xf32>
    %reduce_sum3A_427 = vector.multi_reduction <add>, %convert_element_type3A_425, %reduce_sum3A_426 [0] : vector<4096x128xf32> to vector<128xf32>
    %ge3A_428 = arith.constant 3.200000e+01 : f32
    %ge3A_429 = vector.broadcast %ge3A_428 : f32 to vector<128xf32>
    %ge3A_430 = arith.cmpf oge, %reduce_sum3A_427, %ge3A_429 : vector<128xf32>
    %select_n3A_431 = arith.select %ge3A_430, %shift_right_arithmetic3A_420, %select_n3A_415 : vector<128xi1>, vector<128xi32>
    %select_n3A_432 = arith.select %ge3A_430, %select_n3A_416, %shift_right_arithmetic3A_420 : vector<128xi1>, vector<128xi32>
    %add3A_433 = arith.addi %select_n3A_432, %select_n3A_431 : vector<128xi32>
    %shift_right_arithmetic3A_434 = arith.constant 1 : i32
    %shift_right_arithmetic3A_435 = vector.broadcast %shift_right_arithmetic3A_434 : i32 to vector<128xi32>
    %shift_right_arithmetic3A_436 = arith.shrsi %add3A_433, %shift_right_arithmetic3A_435 : vector<128xi32>
    %broadcast_in_dim3A_437 = vector.shape_cast %shift_right_arithmetic3A_436 : vector<128xi32> to vector<1x128xi32>
    %le3A_438 = vector.broadcast %broadcast_in_dim3A_437 : vector<1x128xi32> to vector<4096x128xi32>
    %le3A_439 = arith.cmpi sle, %bitcast_convert_type3A, %le3A_438 : vector<4096x128xi32>
    %convert_element_type3A_440 = arith.extui %le3A_439 : vector<4096x128xi1> to vector<4096x128xi32>
    %convert_element_type3A_441 = arith.sitofp %convert_element_type3A_440 : vector<4096x128xi32> to vector<4096x128xf32>
    %reduce_sum3A_442 = arith.constant dense<0.000000e+00> : vector<128xf32>
    %reduce_sum3A_443 = vector.multi_reduction <add>, %convert_element_type3A_441, %reduce_sum3A_442 [0] : vector<4096x128xf32> to vector<128xf32>
    %ge3A_444 = arith.constant 3.200000e+01 : f32
    %ge3A_445 = vector.broadcast %ge3A_444 : f32 to vector<128xf32>
    %ge3A_446 = arith.cmpf oge, %reduce_sum3A_443, %ge3A_445 : vector<128xf32>
    %select_n3A_447 = arith.select %ge3A_446, %shift_right_arithmetic3A_436, %select_n3A_431 : vector<128xi1>, vector<128xi32>
    %select_n3A_448 = arith.select %ge3A_446, %select_n3A_432, %shift_right_arithmetic3A_436 : vector<128xi1>, vector<128xi32>
    %add3A_449 = arith.addi %select_n3A_448, %select_n3A_447 : vector<128xi32>
    %shift_right_arithmetic3A_450 = arith.constant 1 : i32
    %shift_right_arithmetic3A_451 = vector.broadcast %shift_right_arithmetic3A_450 : i32 to vector<128xi32>
    %shift_right_arithmetic3A_452 = arith.shrsi %add3A_449, %shift_right_arithmetic3A_451 : vector<128xi32>
    %broadcast_in_dim3A_453 = vector.shape_cast %shift_right_arithmetic3A_452 : vector<128xi32> to vector<1x128xi32>
    %le3A_454 = vector.broadcast %broadcast_in_dim3A_453 : vector<1x128xi32> to vector<4096x128xi32>
    %le3A_455 = arith.cmpi sle, %bitcast_convert_type3A, %le3A_454 : vector<4096x128xi32>
    %convert_element_type3A_456 = arith.extui %le3A_455 : vector<4096x128xi1> to vector<4096x128xi32>
    %convert_element_type3A_457 = arith.sitofp %convert_element_type3A_456 : vector<4096x128xi32> to vector<4096x128xf32>
    %reduce_sum3A_458 = arith.constant dense<0.000000e+00> : vector<128xf32>
    %reduce_sum3A_459 = vector.multi_reduction <add>, %convert_element_type3A_457, %reduce_sum3A_458 [0] : vector<4096x128xf32> to vector<128xf32>
    %ge3A_460 = arith.constant 3.200000e+01 : f32
    %ge3A_461 = vector.broadcast %ge3A_460 : f32 to vector<128xf32>
    %ge3A_462 = arith.cmpf oge, %reduce_sum3A_459, %ge3A_461 : vector<128xf32>
    %select_n3A_463 = arith.select %ge3A_462, %shift_right_arithmetic3A_452, %select_n3A_447 : vector<128xi1>, vector<128xi32>
    %select_n3A_464 = arith.select %ge3A_462, %select_n3A_448, %shift_right_arithmetic3A_452 : vector<128xi1>, vector<128xi32>
    %add3A_465 = arith.addi %select_n3A_464, %select_n3A_463 : vector<128xi32>
    %shift_right_arithmetic3A_466 = arith.constant 1 : i32
    %shift_right_arithmetic3A_467 = vector.broadcast %shift_right_arithmetic3A_466 : i32 to vector<128xi32>
    %shift_right_arithmetic3A_468 = arith.shrsi %add3A_465, %shift_right_arithmetic3A_467 : vector<128xi32>
    %broadcast_in_dim3A_469 = vector.shape_cast %shift_right_arithmetic3A_468 : vector<128xi32> to vector<1x128xi32>
    %le3A_470 = vector.broadcast %broadcast_in_dim3A_469 : vector<1x128xi32> to vector<4096x128xi32>
    %le3A_471 = arith.cmpi sle, %bitcast_convert_type3A, %le3A_470 : vector<4096x128xi32>
    %convert_element_type3A_472 = arith.extui %le3A_471 : vector<4096x128xi1> to vector<4096x128xi32>
    %convert_element_type3A_473 = arith.sitofp %convert_element_type3A_472 : vector<4096x128xi32> to vector<4096x128xf32>
    %reduce_sum3A_474 = arith.constant dense<0.000000e+00> : vector<128xf32>
    %reduce_sum3A_475 = vector.multi_reduction <add>, %convert_element_type3A_473, %reduce_sum3A_474 [0] : vector<4096x128xf32> to vector<128xf32>
    %ge3A_476 = arith.constant 3.200000e+01 : f32
    %ge3A_477 = vector.broadcast %ge3A_476 : f32 to vector<128xf32>
    %ge3A_478 = arith.cmpf oge, %reduce_sum3A_475, %ge3A_477 : vector<128xf32>
    %select_n3A_479 = arith.select %ge3A_478, %shift_right_arithmetic3A_468, %select_n3A_463 : vector<128xi1>, vector<128xi32>
    %select_n3A_480 = arith.select %ge3A_478, %select_n3A_464, %shift_right_arithmetic3A_468 : vector<128xi1>, vector<128xi32>
    %add3A_481 = arith.addi %select_n3A_480, %select_n3A_479 : vector<128xi32>
    %shift_right_arithmetic3A_482 = arith.constant 1 : i32
    %shift_right_arithmetic3A_483 = vector.broadcast %shift_right_arithmetic3A_482 : i32 to vector<128xi32>
    %shift_right_arithmetic3A_484 = arith.shrsi %add3A_481, %shift_right_arithmetic3A_483 : vector<128xi32>
    %broadcast_in_dim3A_485 = vector.shape_cast %shift_right_arithmetic3A_484 : vector<128xi32> to vector<1x128xi32>
    %le3A_486 = vector.broadcast %broadcast_in_dim3A_485 : vector<1x128xi32> to vector<4096x128xi32>
    %le3A_487 = arith.cmpi sle, %bitcast_convert_type3A, %le3A_486 : vector<4096x128xi32>
    %convert_element_type3A_488 = arith.extui %le3A_487 : vector<4096x128xi1> to vector<4096x128xi32>
    %convert_element_type3A_489 = arith.sitofp %convert_element_type3A_488 : vector<4096x128xi32> to vector<4096x128xf32>
    %reduce_sum3A_490 = arith.constant dense<0.000000e+00> : vector<128xf32>
    %reduce_sum3A_491 = vector.multi_reduction <add>, %convert_element_type3A_489, %reduce_sum3A_490 [0] : vector<4096x128xf32> to vector<128xf32>
    %ge3A_492 = arith.constant 3.200000e+01 : f32
    %ge3A_493 = vector.broadcast %ge3A_492 : f32 to vector<128xf32>
    %ge3A_494 = arith.cmpf oge, %reduce_sum3A_491, %ge3A_493 : vector<128xf32>
    %select_n3A_495 = arith.select %ge3A_494, %shift_right_arithmetic3A_484, %select_n3A_479 : vector<128xi1>, vector<128xi32>
    %select_n3A_496 = arith.select %ge3A_494, %select_n3A_480, %shift_right_arithmetic3A_484 : vector<128xi1>, vector<128xi32>
    %add3A_497 = arith.addi %select_n3A_496, %select_n3A_495 : vector<128xi32>
    %shift_right_arithmetic3A_498 = arith.constant 1 : i32
    %shift_right_arithmetic3A_499 = vector.broadcast %shift_right_arithmetic3A_498 : i32 to vector<128xi32>
    %shift_right_arithmetic3A_500 = arith.shrsi %add3A_497, %shift_right_arithmetic3A_499 : vector<128xi32>
    %broadcast_in_dim3A_501 = vector.shape_cast %shift_right_arithmetic3A_500 : vector<128xi32> to vector<1x128xi32>
    %le3A_502 = vector.broadcast %broadcast_in_dim3A_501 : vector<1x128xi32> to vector<4096x128xi32>
    %le3A_503 = arith.cmpi sle, %bitcast_convert_type3A, %le3A_502 : vector<4096x128xi32>
    %convert_element_type3A_504 = arith.extui %le3A_503 : vector<4096x128xi1> to vector<4096x128xi32>
    %convert_element_type3A_505 = arith.sitofp %convert_element_type3A_504 : vector<4096x128xi32> to vector<4096x128xf32>
    %reduce_sum3A_506 = arith.constant dense<0.000000e+00> : vector<128xf32>
    %reduce_sum3A_507 = vector.multi_reduction <add>, %convert_element_type3A_505, %reduce_sum3A_506 [0] : vector<4096x128xf32> to vector<128xf32>
    %ge3A_508 = arith.constant 3.200000e+01 : f32
    %ge3A_509 = vector.broadcast %ge3A_508 : f32 to vector<128xf32>
    %ge3A_510 = arith.cmpf oge, %reduce_sum3A_507, %ge3A_509 : vector<128xf32>
    %select_n3A_511 = arith.select %ge3A_510, %shift_right_arithmetic3A_500, %select_n3A_495 : vector<128xi1>, vector<128xi32>
    %select_n3A_512 = arith.select %ge3A_510, %select_n3A_496, %shift_right_arithmetic3A_500 : vector<128xi1>, vector<128xi32>
    %add3A_513 = arith.addi %select_n3A_512, %select_n3A_511 : vector<128xi32>
    %shift_right_arithmetic3A_514 = arith.constant 1 : i32
    %shift_right_arithmetic3A_515 = vector.broadcast %shift_right_arithmetic3A_514 : i32 to vector<128xi32>
    %shift_right_arithmetic3A_516 = arith.shrsi %add3A_513, %shift_right_arithmetic3A_515 : vector<128xi32>
    %broadcast_in_dim3A_517 = vector.shape_cast %shift_right_arithmetic3A_516 : vector<128xi32> to vector<1x128xi32>
    %le3A_518 = vector.broadcast %broadcast_in_dim3A_517 : vector<1x128xi32> to vector<4096x128xi32>
    %le3A_519 = arith.cmpi sle, %bitcast_convert_type3A, %le3A_518 : vector<4096x128xi32>
    %convert_element_type3A_520 = arith.extui %le3A_519 : vector<4096x128xi1> to vector<4096x128xi32>
    %convert_element_type3A_521 = arith.sitofp %convert_element_type3A_520 : vector<4096x128xi32> to vector<4096x128xf32>
    %reduce_sum3A_522 = arith.constant dense<0.000000e+00> : vector<128xf32>
    %reduce_sum3A_523 = vector.multi_reduction <add>, %convert_element_type3A_521, %reduce_sum3A_522 [0] : vector<4096x128xf32> to vector<128xf32>
    %ge3A_524 = arith.constant 3.200000e+01 : f32
    %ge3A_525 = vector.broadcast %ge3A_524 : f32 to vector<128xf32>
    %ge3A_526 = arith.cmpf oge, %reduce_sum3A_523, %ge3A_525 : vector<128xf32>
    %select_n3A_527 = arith.select %ge3A_526, %shift_right_arithmetic3A_516, %select_n3A_511 : vector<128xi1>, vector<128xi32>
    %broadcast_in_dim3A_528 = vector.shape_cast %select_n3A_527 : vector<128xi32> to vector<1x128xi32>
    %le3A_529 = vector.broadcast %broadcast_in_dim3A_528 : vector<1x128xi32> to vector<4096x128xi32>
    %le3A_530 = arith.cmpi sle, %bitcast_convert_type3A, %le3A_529 : vector<4096x128xi32>
    %iota3A = tpu.iota {dimensions = array<i32: 0>} : vector<4096x128xi32>
    %convert_element_type3A_531 = arith.sitofp %iota3A : vector<4096x128xi32> to vector<4096x128xf32>
    %jit3A = arith.constant 1.000000e+09 : f32
    %broadcast_in_dim3A_532 = vector.broadcast %jit3A : f32 to vector<4096x128xf32>
    %select_n3A_533 = arith.select %le3A_530, %convert_element_type3A_531, %broadcast_in_dim3A_532 : vector<4096x128xi1>, vector<4096x128xf32>
    %reshape3A = vector.shape_cast %select_n3A_533 : vector<4096x128xf32> to vector<32x128x128xf32>
    %reduce_min3A = arith.constant dense<0x7F800000> : vector<32x128xf32>
    %reduce_min3A_534 = vector.multi_reduction <minimumf>, %reshape3A, %reduce_min3A [1] : vector<32x128x128xf32> to vector<32x128xf32>
    %broadcast_in_dim3A_535 = vector.shape_cast %reduce_min3A_534 : vector<32x128xf32> to vector<32x1x128xf32>
    %broadcast_in_dim3A_536 = vector.shape_cast %broadcast_in_dim3A_535 : vector<32x1x128xf32> to vector<32x1x128xf32>
    %broadcast_in_dim3A_537 = vector.broadcast %broadcast_in_dim3A_536 : vector<32x1x128xf32> to vector<32x128x128xf32>
    %reshape3A_538 = vector.shape_cast %broadcast_in_dim3A_537 : vector<32x128x128xf32> to vector<4096x128xf32>
    %eq3A = arith.cmpf oeq, %select_n3A_533, %reshape3A_538 : vector<4096x128xf32>
    %jit3A_539 = arith.constant 1.000000e+09 : f32
    %broadcast_in_dim3A_540 = vector.broadcast %jit3A_539 : f32 to vector<4096x128xf32>
    %select_n3A_541 = arith.select %eq3A, %broadcast_in_dim3A_540, %select_n3A_533 : vector<4096x128xi1>, vector<4096x128xf32>
    %reshape3A_542 = vector.shape_cast %select_n3A_541 : vector<4096x128xf32> to vector<32x128x128xf32>
    %reduce_min3A_543 = arith.constant dense<0x7F800000> : vector<32x128xf32>
    %reduce_min3A_544 = vector.multi_reduction <minimumf>, %reshape3A_542, %reduce_min3A_543 [1] : vector<32x128x128xf32> to vector<32x128xf32>
    %broadcast_in_dim3A_545 = vector.shape_cast %reduce_min3A_544 : vector<32x128xf32> to vector<32x1x128xf32>
    %broadcast_in_dim3A_546 = vector.shape_cast %broadcast_in_dim3A_545 : vector<32x1x128xf32> to vector<32x1x128xf32>
    %broadcast_in_dim3A_547 = vector.broadcast %broadcast_in_dim3A_546 : vector<32x1x128xf32> to vector<32x128x128xf32>
    %reshape3A_548 = vector.shape_cast %broadcast_in_dim3A_547 : vector<32x128x128xf32> to vector<4096x128xf32>
    %eq3A_549 = arith.cmpf oeq, %select_n3A_541, %reshape3A_548 : vector<4096x128xf32>
    %jit3A_550 = arith.constant 1.000000e+09 : f32
    %broadcast_in_dim3A_551 = vector.broadcast %jit3A_550 : f32 to vector<4096x128xf32>
    %select_n3A_552 = arith.select %eq3A_549, %broadcast_in_dim3A_551, %select_n3A_541 : vector<4096x128xi1>, vector<4096x128xf32>
    %reshape3A_553 = vector.shape_cast %select_n3A_552 : vector<4096x128xf32> to vector<32x128x128xf32>
    %reduce_min3A_554 = arith.constant dense<0x7F800000> : vector<32x128xf32>
    %reduce_min3A_555 = vector.multi_reduction <minimumf>, %reshape3A_553, %reduce_min3A_554 [1] : vector<32x128x128xf32> to vector<32x128xf32>
    %broadcast_in_dim3A_556 = vector.shape_cast %reduce_min3A_555 : vector<32x128xf32> to vector<32x1x128xf32>
    %broadcast_in_dim3A_557 = vector.shape_cast %broadcast_in_dim3A_556 : vector<32x1x128xf32> to vector<32x1x128xf32>
    %broadcast_in_dim3A_558 = vector.broadcast %broadcast_in_dim3A_557 : vector<32x1x128xf32> to vector<32x128x128xf32>
    %reshape3A_559 = vector.shape_cast %broadcast_in_dim3A_558 : vector<32x128x128xf32> to vector<4096x128xf32>
    %eq3A_560 = arith.cmpf oeq, %select_n3A_552, %reshape3A_559 : vector<4096x128xf32>
    %jit3A_561 = arith.constant 1.000000e+09 : f32
    %broadcast_in_dim3A_562 = vector.broadcast %jit3A_561 : f32 to vector<4096x128xf32>
    %select_n3A_563 = arith.select %eq3A_560, %broadcast_in_dim3A_562, %select_n3A_552 : vector<4096x128xi1>, vector<4096x128xf32>
    %reshape3A_564 = vector.shape_cast %select_n3A_563 : vector<4096x128xf32> to vector<32x128x128xf32>
    %reduce_min3A_565 = arith.constant dense<0x7F800000> : vector<32x128xf32>
    %reduce_min3A_566 = vector.multi_reduction <minimumf>, %reshape3A_564, %reduce_min3A_565 [1] : vector<32x128x128xf32> to vector<32x128xf32>
    %broadcast_in_dim3A_567 = vector.shape_cast %reduce_min3A_566 : vector<32x128xf32> to vector<32x1x128xf32>
    %broadcast_in_dim3A_568 = vector.shape_cast %broadcast_in_dim3A_567 : vector<32x1x128xf32> to vector<32x1x128xf32>
    %broadcast_in_dim3A_569 = vector.broadcast %broadcast_in_dim3A_568 : vector<32x1x128xf32> to vector<32x128x128xf32>
    %reshape3A_570 = vector.shape_cast %broadcast_in_dim3A_569 : vector<32x128x128xf32> to vector<4096x128xf32>
    %eq3A_571 = arith.cmpf oeq, %select_n3A_563, %reshape3A_570 : vector<4096x128xf32>
    %jit3A_572 = arith.constant 1.000000e+09 : f32
    %broadcast_in_dim3A_573 = vector.broadcast %jit3A_572 : f32 to vector<4096x128xf32>
    %select_n3A_574 = arith.select %eq3A_571, %broadcast_in_dim3A_573, %select_n3A_563 : vector<4096x128xi1>, vector<4096x128xf32>
    %reshape3A_575 = vector.shape_cast %select_n3A_574 : vector<4096x128xf32> to vector<32x128x128xf32>
    %reduce_min3A_576 = arith.constant dense<0x7F800000> : vector<32x128xf32>
    %reduce_min3A_577 = vector.multi_reduction <minimumf>, %reshape3A_575, %reduce_min3A_576 [1] : vector<32x128x128xf32> to vector<32x128xf32>
    %broadcast_in_dim3A_578 = vector.shape_cast %reduce_min3A_577 : vector<32x128xf32> to vector<32x1x128xf32>
    %broadcast_in_dim3A_579 = vector.shape_cast %broadcast_in_dim3A_578 : vector<32x1x128xf32> to vector<32x1x128xf32>
    %broadcast_in_dim3A_580 = vector.broadcast %broadcast_in_dim3A_579 : vector<32x1x128xf32> to vector<32x128x128xf32>
    %reshape3A_581 = vector.shape_cast %broadcast_in_dim3A_580 : vector<32x128x128xf32> to vector<4096x128xf32>
    %eq3A_582 = arith.cmpf oeq, %select_n3A_574, %reshape3A_581 : vector<4096x128xf32>
    %jit3A_583 = arith.constant 1.000000e+09 : f32
    %broadcast_in_dim3A_584 = vector.broadcast %jit3A_583 : f32 to vector<4096x128xf32>
    %select_n3A_585 = arith.select %eq3A_582, %broadcast_in_dim3A_584, %select_n3A_574 : vector<4096x128xi1>, vector<4096x128xf32>
    %reshape3A_586 = vector.shape_cast %select_n3A_585 : vector<4096x128xf32> to vector<32x128x128xf32>
    %reduce_min3A_587 = arith.constant dense<0x7F800000> : vector<32x128xf32>
    %reduce_min3A_588 = vector.multi_reduction <minimumf>, %reshape3A_586, %reduce_min3A_587 [1] : vector<32x128x128xf32> to vector<32x128xf32>
    %broadcast_in_dim3A_589 = vector.shape_cast %reduce_min3A_588 : vector<32x128xf32> to vector<32x1x128xf32>
    %broadcast_in_dim3A_590 = vector.shape_cast %broadcast_in_dim3A_589 : vector<32x1x128xf32> to vector<32x1x128xf32>
    %broadcast_in_dim3A_591 = vector.broadcast %broadcast_in_dim3A_590 : vector<32x1x128xf32> to vector<32x128x128xf32>
    %reshape3A_592 = vector.shape_cast %broadcast_in_dim3A_591 : vector<32x128x128xf32> to vector<4096x128xf32>
    %eq3A_593 = arith.cmpf oeq, %select_n3A_585, %reshape3A_592 : vector<4096x128xf32>
    %jit3A_594 = arith.constant 1.000000e+09 : f32
    %broadcast_in_dim3A_595 = vector.broadcast %jit3A_594 : f32 to vector<4096x128xf32>
    %select_n3A_596 = arith.select %eq3A_593, %broadcast_in_dim3A_595, %select_n3A_585 : vector<4096x128xi1>, vector<4096x128xf32>
    %reshape3A_597 = vector.shape_cast %select_n3A_596 : vector<4096x128xf32> to vector<32x128x128xf32>
    %reduce_min3A_598 = arith.constant dense<0x7F800000> : vector<32x128xf32>
    %reduce_min3A_599 = vector.multi_reduction <minimumf>, %reshape3A_597, %reduce_min3A_598 [1] : vector<32x128x128xf32> to vector<32x128xf32>
    %broadcast_in_dim3A_600 = vector.shape_cast %reduce_min3A_599 : vector<32x128xf32> to vector<32x1x128xf32>
    %broadcast_in_dim3A_601 = vector.shape_cast %broadcast_in_dim3A_600 : vector<32x1x128xf32> to vector<32x1x128xf32>
    %broadcast_in_dim3A_602 = vector.broadcast %broadcast_in_dim3A_601 : vector<32x1x128xf32> to vector<32x128x128xf32>
    %reshape3A_603 = vector.shape_cast %broadcast_in_dim3A_602 : vector<32x128x128xf32> to vector<4096x128xf32>
    %eq3A_604 = arith.cmpf oeq, %select_n3A_596, %reshape3A_603 : vector<4096x128xf32>
    %jit3A_605 = arith.constant 1.000000e+09 : f32
    %broadcast_in_dim3A_606 = vector.broadcast %jit3A_605 : f32 to vector<4096x128xf32>
    %select_n3A_607 = arith.select %eq3A_604, %broadcast_in_dim3A_606, %select_n3A_596 : vector<4096x128xi1>, vector<4096x128xf32>
    %reshape3A_608 = vector.shape_cast %select_n3A_607 : vector<4096x128xf32> to vector<32x128x128xf32>
    %reduce_min3A_609 = arith.constant dense<0x7F800000> : vector<32x128xf32>
    %reduce_min3A_610 = vector.multi_reduction <minimumf>, %reshape3A_608, %reduce_min3A_609 [1] : vector<32x128x128xf32> to vector<32x128xf32>
    %broadcast_in_dim3A_611 = vector.shape_cast %reduce_min3A_610 : vector<32x128xf32> to vector<32x1x128xf32>
    %broadcast_in_dim3A_612 = vector.shape_cast %broadcast_in_dim3A_611 : vector<32x1x128xf32> to vector<32x1x128xf32>
    %broadcast_in_dim3A_613 = vector.broadcast %broadcast_in_dim3A_612 : vector<32x1x128xf32> to vector<32x128x128xf32>
    %reshape3A_614 = vector.shape_cast %broadcast_in_dim3A_613 : vector<32x128x128xf32> to vector<4096x128xf32>
    %eq3A_615 = arith.cmpf oeq, %select_n3A_607, %reshape3A_614 : vector<4096x128xf32>
    %jit3A_616 = arith.constant 1.000000e+09 : f32
    %broadcast_in_dim3A_617 = vector.broadcast %jit3A_616 : f32 to vector<4096x128xf32>
    %select_n3A_618 = arith.select %eq3A_615, %broadcast_in_dim3A_617, %select_n3A_607 : vector<4096x128xi1>, vector<4096x128xf32>
    %reshape3A_619 = vector.shape_cast %select_n3A_618 : vector<4096x128xf32> to vector<32x128x128xf32>
    %reduce_min3A_620 = arith.constant dense<0x7F800000> : vector<32x128xf32>
    %reduce_min3A_621 = vector.multi_reduction <minimumf>, %reshape3A_619, %reduce_min3A_620 [1] : vector<32x128x128xf32> to vector<32x128xf32>
    %broadcast_in_dim3A_622 = vector.shape_cast %reduce_min3A_621 : vector<32x128xf32> to vector<32x1x128xf32>
    %broadcast_in_dim3A_623 = vector.shape_cast %broadcast_in_dim3A_622 : vector<32x1x128xf32> to vector<32x1x128xf32>
    %broadcast_in_dim3A_624 = vector.broadcast %broadcast_in_dim3A_623 : vector<32x1x128xf32> to vector<32x128x128xf32>
    %reshape3A_625 = vector.shape_cast %broadcast_in_dim3A_624 : vector<32x128x128xf32> to vector<4096x128xf32>
    %eq3A_626 = arith.cmpf oeq, %select_n3A_618, %reshape3A_625 : vector<4096x128xf32>
    %jit3A_627 = arith.constant 1.000000e+09 : f32
    %broadcast_in_dim3A_628 = vector.broadcast %jit3A_627 : f32 to vector<4096x128xf32>
    %select_n3A_629 = arith.select %eq3A_626, %broadcast_in_dim3A_628, %select_n3A_618 : vector<4096x128xi1>, vector<4096x128xf32>
    %reshape3A_630 = vector.shape_cast %select_n3A_629 : vector<4096x128xf32> to vector<32x128x128xf32>
    %reduce_min3A_631 = arith.constant dense<0x7F800000> : vector<32x128xf32>
    %reduce_min3A_632 = vector.multi_reduction <minimumf>, %reshape3A_630, %reduce_min3A_631 [1] : vector<32x128x128xf32> to vector<32x128xf32>
    %broadcast_in_dim3A_633 = vector.shape_cast %reduce_min3A_632 : vector<32x128xf32> to vector<32x1x128xf32>
    %broadcast_in_dim3A_634 = vector.shape_cast %broadcast_in_dim3A_633 : vector<32x1x128xf32> to vector<32x1x128xf32>
    %broadcast_in_dim3A_635 = vector.broadcast %broadcast_in_dim3A_634 : vector<32x1x128xf32> to vector<32x128x128xf32>
    %reshape3A_636 = vector.shape_cast %broadcast_in_dim3A_635 : vector<32x128x128xf32> to vector<4096x128xf32>
    %eq3A_637 = arith.cmpf oeq, %select_n3A_629, %reshape3A_636 : vector<4096x128xf32>
    %jit3A_638 = arith.constant 1.000000e+09 : f32
    %broadcast_in_dim3A_639 = vector.broadcast %jit3A_638 : f32 to vector<4096x128xf32>
    %select_n3A_640 = arith.select %eq3A_637, %broadcast_in_dim3A_639, %select_n3A_629 : vector<4096x128xi1>, vector<4096x128xf32>
    %reshape3A_641 = vector.shape_cast %select_n3A_640 : vector<4096x128xf32> to vector<32x128x128xf32>
    %reduce_min3A_642 = arith.constant dense<0x7F800000> : vector<32x128xf32>
    %reduce_min3A_643 = vector.multi_reduction <minimumf>, %reshape3A_641, %reduce_min3A_642 [1] : vector<32x128x128xf32> to vector<32x128xf32>
    %broadcast_in_dim3A_644 = vector.shape_cast %reduce_min3A_643 : vector<32x128xf32> to vector<32x1x128xf32>
    %broadcast_in_dim3A_645 = vector.shape_cast %broadcast_in_dim3A_644 : vector<32x1x128xf32> to vector<32x1x128xf32>
    %broadcast_in_dim3A_646 = vector.broadcast %broadcast_in_dim3A_645 : vector<32x1x128xf32> to vector<32x128x128xf32>
    %reshape3A_647 = vector.shape_cast %broadcast_in_dim3A_646 : vector<32x128x128xf32> to vector<4096x128xf32>
    %eq3A_648 = arith.cmpf oeq, %select_n3A_640, %reshape3A_647 : vector<4096x128xf32>
    %jit3A_649 = arith.constant 1.000000e+09 : f32
    %broadcast_in_dim3A_650 = vector.broadcast %jit3A_649 : f32 to vector<4096x128xf32>
    %select_n3A_651 = arith.select %eq3A_648, %broadcast_in_dim3A_650, %select_n3A_640 : vector<4096x128xi1>, vector<4096x128xf32>
    %reshape3A_652 = vector.shape_cast %select_n3A_651 : vector<4096x128xf32> to vector<32x128x128xf32>
    %reduce_min3A_653 = arith.constant dense<0x7F800000> : vector<32x128xf32>
    %reduce_min3A_654 = vector.multi_reduction <minimumf>, %reshape3A_652, %reduce_min3A_653 [1] : vector<32x128x128xf32> to vector<32x128xf32>
    %concatenate3A = tpu.concatenate %reduce_min3A_534, %reduce_min3A_544, %reduce_min3A_555, %reduce_min3A_566, %reduce_min3A_577, %reduce_min3A_588, %reduce_min3A_599, %reduce_min3A_610, %reduce_min3A_621, %reduce_min3A_632, %reduce_min3A_643, %reduce_min3A_654 in 0 : vector<32x128xf32>, vector<32x128xf32>, vector<32x128xf32>, vector<32x128xf32>, vector<32x128xf32>, vector<32x128xf32>, vector<32x128xf32>, vector<32x128xf32>, vector<32x128xf32>, vector<32x128xf32>, vector<32x128xf32>, vector<32x128xf32> -> vector<384x128xf32>
    %reduce_min3A_655 = arith.constant dense<0x7F800000> : vector<128xf32>
    %reduce_min3A_656 = vector.multi_reduction <minimumf>, %concatenate3A, %reduce_min3A_655 [0] : vector<384x128xf32> to vector<128xf32>
    %min3A = arith.constant 4.095000e+03 : f32
    %min3A_657 = vector.broadcast %min3A : f32 to vector<128xf32>
    %min3A_658 = arith.minimumf %reduce_min3A_656, %min3A_657 : vector<128xf32>
    %convert_element_type3A_659 = arith.fptosi %min3A_658 : vector<128xf32> to vector<128xi32>
    %swap3A = arith.constant 0 : index
    %swap3A_660 = arith.constant 0 : index
    %swap3A_661 = arith.constant 0 : index
    %swap3A_662 = vector.load %arg4[%swap3A, %swap3A_660, %swap3A_661] : memref<1x32x128xi32, #tpu.memory_space<vmem>>, vector<1x1x128xi32>
    %swap3A_663 = vector.shape_cast %swap3A_662 : vector<1x1x128xi32> to vector<128xi32>
    %swap3A_664 = vector.shape_cast %convert_element_type3A_659 : vector<128xi32> to vector<1x1x128xi32>
    tpu.vector_store %arg4[%swap3A, %swap3A_660, %swap3A_661], %swap3A_664 {strides = array<i32>} : memref<1x32x128xi32, #tpu.memory_space<vmem>>, vector<1x1x128xi32>,
    %broadcast_in_dim3A_665 = vector.shape_cast %reduce_min3A_656 : vector<128xf32> to vector<1x128xf32>
    %eq3A_666 = vector.broadcast %broadcast_in_dim3A_665 : vector<1x128xf32> to vector<384x128xf32>
    %eq3A_667 = arith.cmpf oeq, %concatenate3A, %eq3A_666 : vector<384x128xf32>
    %jit3A_668 = arith.constant 1.000000e+09 : f32
    %broadcast_in_dim3A_669 = vector.broadcast %jit3A_668 : f32 to vector<384x128xf32>
    %select_n3A_670 = arith.select %eq3A_667, %broadcast_in_dim3A_669, %concatenate3A : vector<384x128xi1>, vector<384x128xf32>
    %reduce_min3A_671 = arith.constant dense<0x7F800000> : vector<128xf32>
    %reduce_min3A_672 = vector.multi_reduction <minimumf>, %select_n3A_670, %reduce_min3A_671 [0] : vector<384x128xf32> to vector<128xf32>
    %min3A_673 = arith.constant 4.095000e+03 : f32
    %min3A_674 = vector.broadcast %min3A_673 : f32 to vector<128xf32>
    %min3A_675 = arith.minimumf %reduce_min3A_672, %min3A_674 : vector<128xf32>
    %convert_element_type3A_676 = arith.fptosi %min3A_675 : vector<128xf32> to vector<128xi32>
    %swap3A_677 = arith.constant 0 : index
    %swap3A_678 = arith.constant 1 : index
    %swap3A_679 = arith.constant 0 : index
    %swap3A_680 = vector.load %arg4[%swap3A_677, %swap3A_678, %swap3A_679] : memref<1x32x128xi32, #tpu.memory_space<vmem>>, vector<1x1x128xi32>
    %swap3A_681 = vector.shape_cast %swap3A_680 : vector<1x1x128xi32> to vector<128xi32>
    %swap3A_682 = vector.shape_cast %convert_element_type3A_676 : vector<128xi32> to vector<1x1x128xi32>
    tpu.vector_store %arg4[%swap3A_677, %swap3A_678, %swap3A_679], %swap3A_682 {strides = array<i32>} : memref<1x32x128xi32, #tpu.memory_space<vmem>>, vector<1x1x128xi32>,
    %broadcast_in_dim3A_683 = vector.shape_cast %reduce_min3A_672 : vector<128xf32> to vector<1x128xf32>
    %eq3A_684 = vector.broadcast %broadcast_in_dim3A_683 : vector<1x128xf32> to vector<384x128xf32>
    %eq3A_685 = arith.cmpf oeq, %select_n3A_670, %eq3A_684 : vector<384x128xf32>
    %jit3A_686 = arith.constant 1.000000e+09 : f32
    %broadcast_in_dim3A_687 = vector.broadcast %jit3A_686 : f32 to vector<384x128xf32>
    %select_n3A_688 = arith.select %eq3A_685, %broadcast_in_dim3A_687, %select_n3A_670 : vector<384x128xi1>, vector<384x128xf32>
    %reduce_min3A_689 = arith.constant dense<0x7F800000> : vector<128xf32>
    %reduce_min3A_690 = vector.multi_reduction <minimumf>, %select_n3A_688, %reduce_min3A_689 [0] : vector<384x128xf32> to vector<128xf32>
    %min3A_691 = arith.constant 4.095000e+03 : f32
    %min3A_692 = vector.broadcast %min3A_691 : f32 to vector<128xf32>
    %min3A_693 = arith.minimumf %reduce_min3A_690, %min3A_692 : vector<128xf32>
    %convert_element_type3A_694 = arith.fptosi %min3A_693 : vector<128xf32> to vector<128xi32>
    %swap3A_695 = arith.constant 0 : index
    %swap3A_696 = arith.constant 2 : index
    %swap3A_697 = arith.constant 0 : index
    %swap3A_698 = vector.load %arg4[%swap3A_695, %swap3A_696, %swap3A_697] : memref<1x32x128xi32, #tpu.memory_space<vmem>>, vector<1x1x128xi32>
    %swap3A_699 = vector.shape_cast %swap3A_698 : vector<1x1x128xi32> to vector<128xi32>
    %swap3A_700 = vector.shape_cast %convert_element_type3A_694 : vector<128xi32> to vector<1x1x128xi32>
    tpu.vector_store %arg4[%swap3A_695, %swap3A_696, %swap3A_697], %swap3A_700 {strides = array<i32>} : memref<1x32x128xi32, #tpu.memory_space<vmem>>, vector<1x1x128xi32>,
    %broadcast_in_dim3A_701 = vector.shape_cast %reduce_min3A_690 : vector<128xf32> to vector<1x128xf32>
    %eq3A_702 = vector.broadcast %broadcast_in_dim3A_701 : vector<1x128xf32> to vector<384x128xf32>
    %eq3A_703 = arith.cmpf oeq, %select_n3A_688, %eq3A_702 : vector<384x128xf32>
    %jit3A_704 = arith.constant 1.000000e+09 : f32
    %broadcast_in_dim3A_705 = vector.broadcast %jit3A_704 : f32 to vector<384x128xf32>
    %select_n3A_706 = arith.select %eq3A_703, %broadcast_in_dim3A_705, %select_n3A_688 : vector<384x128xi1>, vector<384x128xf32>
    %reduce_min3A_707 = arith.constant dense<0x7F800000> : vector<128xf32>
    %reduce_min3A_708 = vector.multi_reduction <minimumf>, %select_n3A_706, %reduce_min3A_707 [0] : vector<384x128xf32> to vector<128xf32>
    %min3A_709 = arith.constant 4.095000e+03 : f32
    %min3A_710 = vector.broadcast %min3A_709 : f32 to vector<128xf32>
    %min3A_711 = arith.minimumf %reduce_min3A_708, %min3A_710 : vector<128xf32>
    %convert_element_type3A_712 = arith.fptosi %min3A_711 : vector<128xf32> to vector<128xi32>
    %swap3A_713 = arith.constant 0 : index
    %swap3A_714 = arith.constant 3 : index
    %swap3A_715 = arith.constant 0 : index
    %swap3A_716 = vector.load %arg4[%swap3A_713, %swap3A_714, %swap3A_715] : memref<1x32x128xi32, #tpu.memory_space<vmem>>, vector<1x1x128xi32>
    %swap3A_717 = vector.shape_cast %swap3A_716 : vector<1x1x128xi32> to vector<128xi32>
    %swap3A_718 = vector.shape_cast %convert_element_type3A_712 : vector<128xi32> to vector<1x1x128xi32>
    tpu.vector_store %arg4[%swap3A_713, %swap3A_714, %swap3A_715], %swap3A_718 {strides = array<i32>} : memref<1x32x128xi32, #tpu.memory_space<vmem>>, vector<1x1x128xi32>,
    %broadcast_in_dim3A_719 = vector.shape_cast %reduce_min3A_708 : vector<128xf32> to vector<1x128xf32>
    %eq3A_720 = vector.broadcast %broadcast_in_dim3A_719 : vector<1x128xf32> to vector<384x128xf32>
    %eq3A_721 = arith.cmpf oeq, %select_n3A_706, %eq3A_720 : vector<384x128xf32>
    %jit3A_722 = arith.constant 1.000000e+09 : f32
    %broadcast_in_dim3A_723 = vector.broadcast %jit3A_722 : f32 to vector<384x128xf32>
    %select_n3A_724 = arith.select %eq3A_721, %broadcast_in_dim3A_723, %select_n3A_706 : vector<384x128xi1>, vector<384x128xf32>
    %reduce_min3A_725 = arith.constant dense<0x7F800000> : vector<128xf32>
    %reduce_min3A_726 = vector.multi_reduction <minimumf>, %select_n3A_724, %reduce_min3A_725 [0] : vector<384x128xf32> to vector<128xf32>
    %min3A_727 = arith.constant 4.095000e+03 : f32
    %min3A_728 = vector.broadcast %min3A_727 : f32 to vector<128xf32>
    %min3A_729 = arith.minimumf %reduce_min3A_726, %min3A_728 : vector<128xf32>
    %convert_element_type3A_730 = arith.fptosi %min3A_729 : vector<128xf32> to vector<128xi32>
    %swap3A_731 = arith.constant 0 : index
    %swap3A_732 = arith.constant 4 : index
    %swap3A_733 = arith.constant 0 : index
    %swap3A_734 = vector.load %arg4[%swap3A_731, %swap3A_732, %swap3A_733] : memref<1x32x128xi32, #tpu.memory_space<vmem>>, vector<1x1x128xi32>
    %swap3A_735 = vector.shape_cast %swap3A_734 : vector<1x1x128xi32> to vector<128xi32>
    %swap3A_736 = vector.shape_cast %convert_element_type3A_730 : vector<128xi32> to vector<1x1x128xi32>
    tpu.vector_store %arg4[%swap3A_731, %swap3A_732, %swap3A_733], %swap3A_736 {strides = array<i32>} : memref<1x32x128xi32, #tpu.memory_space<vmem>>, vector<1x1x128xi32>,
    %broadcast_in_dim3A_737 = vector.shape_cast %reduce_min3A_726 : vector<128xf32> to vector<1x128xf32>
    %eq3A_738 = vector.broadcast %broadcast_in_dim3A_737 : vector<1x128xf32> to vector<384x128xf32>
    %eq3A_739 = arith.cmpf oeq, %select_n3A_724, %eq3A_738 : vector<384x128xf32>
    %jit3A_740 = arith.constant 1.000000e+09 : f32
    %broadcast_in_dim3A_741 = vector.broadcast %jit3A_740 : f32 to vector<384x128xf32>
    %select_n3A_742 = arith.select %eq3A_739, %broadcast_in_dim3A_741, %select_n3A_724 : vector<384x128xi1>, vector<384x128xf32>
    %reduce_min3A_743 = arith.constant dense<0x7F800000> : vector<128xf32>
    %reduce_min3A_744 = vector.multi_reduction <minimumf>, %select_n3A_742, %reduce_min3A_743 [0] : vector<384x128xf32> to vector<128xf32>
    %min3A_745 = arith.constant 4.095000e+03 : f32
    %min3A_746 = vector.broadcast %min3A_745 : f32 to vector<128xf32>
    %min3A_747 = arith.minimumf %reduce_min3A_744, %min3A_746 : vector<128xf32>
    %convert_element_type3A_748 = arith.fptosi %min3A_747 : vector<128xf32> to vector<128xi32>
    %swap3A_749 = arith.constant 0 : index
    %swap3A_750 = arith.constant 5 : index
    %swap3A_751 = arith.constant 0 : index
    %swap3A_752 = vector.load %arg4[%swap3A_749, %swap3A_750, %swap3A_751] : memref<1x32x128xi32, #tpu.memory_space<vmem>>, vector<1x1x128xi32>
    %swap3A_753 = vector.shape_cast %swap3A_752 : vector<1x1x128xi32> to vector<128xi32>
    %swap3A_754 = vector.shape_cast %convert_element_type3A_748 : vector<128xi32> to vector<1x1x128xi32>
    tpu.vector_store %arg4[%swap3A_749, %swap3A_750, %swap3A_751], %swap3A_754 {strides = array<i32>} : memref<1x32x128xi32, #tpu.memory_space<vmem>>, vector<1x1x128xi32>,
    %broadcast_in_dim3A_755 = vector.shape_cast %reduce_min3A_744 : vector<128xf32> to vector<1x128xf32>
    %eq3A_756 = vector.broadcast %broadcast_in_dim3A_755 : vector<1x128xf32> to vector<384x128xf32>
    %eq3A_757 = arith.cmpf oeq, %select_n3A_742, %eq3A_756 : vector<384x128xf32>
    %jit3A_758 = arith.constant 1.000000e+09 : f32
    %broadcast_in_dim3A_759 = vector.broadcast %jit3A_758 : f32 to vector<384x128xf32>
    %select_n3A_760 = arith.select %eq3A_757, %broadcast_in_dim3A_759, %select_n3A_742 : vector<384x128xi1>, vector<384x128xf32>
    %reduce_min3A_761 = arith.constant dense<0x7F800000> : vector<128xf32>
    %reduce_min3A_762 = vector.multi_reduction <minimumf>, %select_n3A_760, %reduce_min3A_761 [0] : vector<384x128xf32> to vector<128xf32>
    %min3A_763 = arith.constant 4.095000e+03 : f32
    %min3A_764 = vector.broadcast %min3A_763 : f32 to vector<128xf32>
    %min3A_765 = arith.minimumf %reduce_min3A_762, %min3A_764 : vector<128xf32>
    %convert_element_type3A_766 = arith.fptosi %min3A_765 : vector<128xf32> to vector<128xi32>
    %swap3A_767 = arith.constant 0 : index
    %swap3A_768 = arith.constant 6 : index
    %swap3A_769 = arith.constant 0 : index
    %swap3A_770 = vector.load %arg4[%swap3A_767, %swap3A_768, %swap3A_769] : memref<1x32x128xi32, #tpu.memory_space<vmem>>, vector<1x1x128xi32>
    %swap3A_771 = vector.shape_cast %swap3A_770 : vector<1x1x128xi32> to vector<128xi32>
    %swap3A_772 = vector.shape_cast %convert_element_type3A_766 : vector<128xi32> to vector<1x1x128xi32>
    tpu.vector_store %arg4[%swap3A_767, %swap3A_768, %swap3A_769], %swap3A_772 {strides = array<i32>} : memref<1x32x128xi32, #tpu.memory_space<vmem>>, vector<1x1x128xi32>,
    %broadcast_in_dim3A_773 = vector.shape_cast %reduce_min3A_762 : vector<128xf32> to vector<1x128xf32>
    %eq3A_774 = vector.broadcast %broadcast_in_dim3A_773 : vector<1x128xf32> to vector<384x128xf32>
    %eq3A_775 = arith.cmpf oeq, %select_n3A_760, %eq3A_774 : vector<384x128xf32>
    %jit3A_776 = arith.constant 1.000000e+09 : f32
    %broadcast_in_dim3A_777 = vector.broadcast %jit3A_776 : f32 to vector<384x128xf32>
    %select_n3A_778 = arith.select %eq3A_775, %broadcast_in_dim3A_777, %select_n3A_760 : vector<384x128xi1>, vector<384x128xf32>
    %reduce_min3A_779 = arith.constant dense<0x7F800000> : vector<128xf32>
    %reduce_min3A_780 = vector.multi_reduction <minimumf>, %select_n3A_778, %reduce_min3A_779 [0] : vector<384x128xf32> to vector<128xf32>
    %min3A_781 = arith.constant 4.095000e+03 : f32
    %min3A_782 = vector.broadcast %min3A_781 : f32 to vector<128xf32>
    %min3A_783 = arith.minimumf %reduce_min3A_780, %min3A_782 : vector<128xf32>
    %convert_element_type3A_784 = arith.fptosi %min3A_783 : vector<128xf32> to vector<128xi32>
    %swap3A_785 = arith.constant 0 : index
    %swap3A_786 = arith.constant 7 : index
    %swap3A_787 = arith.constant 0 : index
    %swap3A_788 = vector.load %arg4[%swap3A_785, %swap3A_786, %swap3A_787] : memref<1x32x128xi32, #tpu.memory_space<vmem>>, vector<1x1x128xi32>
    %swap3A_789 = vector.shape_cast %swap3A_788 : vector<1x1x128xi32> to vector<128xi32>
    %swap3A_790 = vector.shape_cast %convert_element_type3A_784 : vector<128xi32> to vector<1x1x128xi32>
    tpu.vector_store %arg4[%swap3A_785, %swap3A_786, %swap3A_787], %swap3A_790 {strides = array<i32>} : memref<1x32x128xi32, #tpu.memory_space<vmem>>, vector<1x1x128xi32>,
    %broadcast_in_dim3A_791 = vector.shape_cast %reduce_min3A_780 : vector<128xf32> to vector<1x128xf32>
    %eq3A_792 = vector.broadcast %broadcast_in_dim3A_791 : vector<1x128xf32> to vector<384x128xf32>
    %eq3A_793 = arith.cmpf oeq, %select_n3A_778, %eq3A_792 : vector<384x128xf32>
    %jit3A_794 = arith.constant 1.000000e+09 : f32
    %broadcast_in_dim3A_795 = vector.broadcast %jit3A_794 : f32 to vector<384x128xf32>
    %select_n3A_796 = arith.select %eq3A_793, %broadcast_in_dim3A_795, %select_n3A_778 : vector<384x128xi1>, vector<384x128xf32>
    %reduce_min3A_797 = arith.constant dense<0x7F800000> : vector<128xf32>
    %reduce_min3A_798 = vector.multi_reduction <minimumf>, %select_n3A_796, %reduce_min3A_797 [0] : vector<384x128xf32> to vector<128xf32>
    %min3A_799 = arith.constant 4.095000e+03 : f32
    %min3A_800 = vector.broadcast %min3A_799 : f32 to vector<128xf32>
    %min3A_801 = arith.minimumf %reduce_min3A_798, %min3A_800 : vector<128xf32>
    %convert_element_type3A_802 = arith.fptosi %min3A_801 : vector<128xf32> to vector<128xi32>
    %swap3A_803 = arith.constant 0 : index
    %swap3A_804 = arith.constant 8 : index
    %swap3A_805 = arith.constant 0 : index
    %swap3A_806 = vector.load %arg4[%swap3A_803, %swap3A_804, %swap3A_805] : memref<1x32x128xi32, #tpu.memory_space<vmem>>, vector<1x1x128xi32>
    %swap3A_807 = vector.shape_cast %swap3A_806 : vector<1x1x128xi32> to vector<128xi32>
    %swap3A_808 = vector.shape_cast %convert_element_type3A_802 : vector<128xi32> to vector<1x1x128xi32>
    tpu.vector_store %arg4[%swap3A_803, %swap3A_804, %swap3A_805], %swap3A_808 {strides = array<i32>} : memref<1x32x128xi32, #tpu.memory_space<vmem>>, vector<1x1x128xi32>,
    %broadcast_in_dim3A_809 = vector.shape_cast %reduce_min3A_798 : vector<128xf32> to vector<1x128xf32>
    %eq3A_810 = vector.broadcast %broadcast_in_dim3A_809 : vector<1x128xf32> to vector<384x128xf32>
    %eq3A_811 = arith.cmpf oeq, %select_n3A_796, %eq3A_810 : vector<384x128xf32>
    %jit3A_812 = arith.constant 1.000000e+09 : f32
    %broadcast_in_dim3A_813 = vector.broadcast %jit3A_812 : f32 to vector<384x128xf32>
    %select_n3A_814 = arith.select %eq3A_811, %broadcast_in_dim3A_813, %select_n3A_796 : vector<384x128xi1>, vector<384x128xf32>
    %reduce_min3A_815 = arith.constant dense<0x7F800000> : vector<128xf32>
    %reduce_min3A_816 = vector.multi_reduction <minimumf>, %select_n3A_814, %reduce_min3A_815 [0] : vector<384x128xf32> to vector<128xf32>
    %min3A_817 = arith.constant 4.095000e+03 : f32
    %min3A_818 = vector.broadcast %min3A_817 : f32 to vector<128xf32>
    %min3A_819 = arith.minimumf %reduce_min3A_816, %min3A_818 : vector<128xf32>
    %convert_element_type3A_820 = arith.fptosi %min3A_819 : vector<128xf32> to vector<128xi32>
    %swap3A_821 = arith.constant 0 : index
    %swap3A_822 = arith.constant 9 : index
    %swap3A_823 = arith.constant 0 : index
    %swap3A_824 = vector.load %arg4[%swap3A_821, %swap3A_822, %swap3A_823] : memref<1x32x128xi32, #tpu.memory_space<vmem>>, vector<1x1x128xi32>
    %swap3A_825 = vector.shape_cast %swap3A_824 : vector<1x1x128xi32> to vector<128xi32>
    %swap3A_826 = vector.shape_cast %convert_element_type3A_820 : vector<128xi32> to vector<1x1x128xi32>
    tpu.vector_store %arg4[%swap3A_821, %swap3A_822, %swap3A_823], %swap3A_826 {strides = array<i32>} : memref<1x32x128xi32, #tpu.memory_space<vmem>>, vector<1x1x128xi32>,
    %broadcast_in_dim3A_827 = vector.shape_cast %reduce_min3A_816 : vector<128xf32> to vector<1x128xf32>
    %eq3A_828 = vector.broadcast %broadcast_in_dim3A_827 : vector<1x128xf32> to vector<384x128xf32>
    %eq3A_829 = arith.cmpf oeq, %select_n3A_814, %eq3A_828 : vector<384x128xf32>
    %jit3A_830 = arith.constant 1.000000e+09 : f32
    %broadcast_in_dim3A_831 = vector.broadcast %jit3A_830 : f32 to vector<384x128xf32>
    %select_n3A_832 = arith.select %eq3A_829, %broadcast_in_dim3A_831, %select_n3A_814 : vector<384x128xi1>, vector<384x128xf32>
    %reduce_min3A_833 = arith.constant dense<0x7F800000> : vector<128xf32>
    %reduce_min3A_834 = vector.multi_reduction <minimumf>, %select_n3A_832, %reduce_min3A_833 [0] : vector<384x128xf32> to vector<128xf32>
    %min3A_835 = arith.constant 4.095000e+03 : f32
    %min3A_836 = vector.broadcast %min3A_835 : f32 to vector<128xf32>
    %min3A_837 = arith.minimumf %reduce_min3A_834, %min3A_836 : vector<128xf32>
    %convert_element_type3A_838 = arith.fptosi %min3A_837 : vector<128xf32> to vector<128xi32>
    %swap3A_839 = arith.constant 0 : index
    %swap3A_840 = arith.constant 10 : index
    %swap3A_841 = arith.constant 0 : index
    %swap3A_842 = vector.load %arg4[%swap3A_839, %swap3A_840, %swap3A_841] : memref<1x32x128xi32, #tpu.memory_space<vmem>>, vector<1x1x128xi32>
    %swap3A_843 = vector.shape_cast %swap3A_842 : vector<1x1x128xi32> to vector<128xi32>
    %swap3A_844 = vector.shape_cast %convert_element_type3A_838 : vector<128xi32> to vector<1x1x128xi32>
    tpu.vector_store %arg4[%swap3A_839, %swap3A_840, %swap3A_841], %swap3A_844 {strides = array<i32>} : memref<1x32x128xi32, #tpu.memory_space<vmem>>, vector<1x1x128xi32>,
    %broadcast_in_dim3A_845 = vector.shape_cast %reduce_min3A_834 : vector<128xf32> to vector<1x128xf32>
    %eq3A_846 = vector.broadcast %broadcast_in_dim3A_845 : vector<1x128xf32> to vector<384x128xf32>
    %eq3A_847 = arith.cmpf oeq, %select_n3A_832, %eq3A_846 : vector<384x128xf32>
    %jit3A_848 = arith.constant 1.000000e+09 : f32
    %broadcast_in_dim3A_849 = vector.broadcast %jit3A_848 : f32 to vector<384x128xf32>
    %select_n3A_850 = arith.select %eq3A_847, %broadcast_in_dim3A_849, %select_n3A_832 : vector<384x128xi1>, vector<384x128xf32>
    %reduce_min3A_851 = arith.constant dense<0x7F800000> : vector<128xf32>
    %reduce_min3A_852 = vector.multi_reduction <minimumf>, %select_n3A_850, %reduce_min3A_851 [0] : vector<384x128xf32> to vector<128xf32>
    %min3A_853 = arith.constant 4.095000e+03 : f32
    %min3A_854 = vector.broadcast %min3A_853 : f32 to vector<128xf32>
    %min3A_855 = arith.minimumf %reduce_min3A_852, %min3A_854 : vector<128xf32>
    %convert_element_type3A_856 = arith.fptosi %min3A_855 : vector<128xf32> to vector<128xi32>
    %swap3A_857 = arith.constant 0 : index
    %swap3A_858 = arith.constant 11 : index
    %swap3A_859 = arith.constant 0 : index
    %swap3A_860 = vector.load %arg4[%swap3A_857, %swap3A_858, %swap3A_859] : memref<1x32x128xi32, #tpu.memory_space<vmem>>, vector<1x1x128xi32>
    %swap3A_861 = vector.shape_cast %swap3A_860 : vector<1x1x128xi32> to vector<128xi32>
    %swap3A_862 = vector.shape_cast %convert_element_type3A_856 : vector<128xi32> to vector<1x1x128xi32>
    tpu.vector_store %arg4[%swap3A_857, %swap3A_858, %swap3A_859], %swap3A_862 {strides = array<i32>} : memref<1x32x128xi32, #tpu.memory_space<vmem>>, vector<1x1x128xi32>,
    %broadcast_in_dim3A_863 = vector.shape_cast %reduce_min3A_852 : vector<128xf32> to vector<1x128xf32>
    %eq3A_864 = vector.broadcast %broadcast_in_dim3A_863 : vector<1x128xf32> to vector<384x128xf32>
    %eq3A_865 = arith.cmpf oeq, %select_n3A_850, %eq3A_864 : vector<384x128xf32>
    %jit3A_866 = arith.constant 1.000000e+09 : f32
    %broadcast_in_dim3A_867 = vector.broadcast %jit3A_866 : f32 to vector<384x128xf32>
    %select_n3A_868 = arith.select %eq3A_865, %broadcast_in_dim3A_867, %select_n3A_850 : vector<384x128xi1>, vector<384x128xf32>
    %reduce_min3A_869 = arith.constant dense<0x7F800000> : vector<128xf32>
    %reduce_min3A_870 = vector.multi_reduction <minimumf>, %select_n3A_868, %reduce_min3A_869 [0] : vector<384x128xf32> to vector<128xf32>
    %min3A_871 = arith.constant 4.095000e+03 : f32
    %min3A_872 = vector.broadcast %min3A_871 : f32 to vector<128xf32>
    %min3A_873 = arith.minimumf %reduce_min3A_870, %min3A_872 : vector<128xf32>
    %convert_element_type3A_874 = arith.fptosi %min3A_873 : vector<128xf32> to vector<128xi32>
    %swap3A_875 = arith.constant 0 : index
    %swap3A_876 = arith.constant 12 : index
    %swap3A_877 = arith.constant 0 : index
    %swap3A_878 = vector.load %arg4[%swap3A_875, %swap3A_876, %swap3A_877] : memref<1x32x128xi32, #tpu.memory_space<vmem>>, vector<1x1x128xi32>
    %swap3A_879 = vector.shape_cast %swap3A_878 : vector<1x1x128xi32> to vector<128xi32>
    %swap3A_880 = vector.shape_cast %convert_element_type3A_874 : vector<128xi32> to vector<1x1x128xi32>
    tpu.vector_store %arg4[%swap3A_875, %swap3A_876, %swap3A_877], %swap3A_880 {strides = array<i32>} : memref<1x32x128xi32, #tpu.memory_space<vmem>>, vector<1x1x128xi32>,
    %broadcast_in_dim3A_881 = vector.shape_cast %reduce_min3A_870 : vector<128xf32> to vector<1x128xf32>
    %eq3A_882 = vector.broadcast %broadcast_in_dim3A_881 : vector<1x128xf32> to vector<384x128xf32>
    %eq3A_883 = arith.cmpf oeq, %select_n3A_868, %eq3A_882 : vector<384x128xf32>
    %jit3A_884 = arith.constant 1.000000e+09 : f32
    %broadcast_in_dim3A_885 = vector.broadcast %jit3A_884 : f32 to vector<384x128xf32>
    %select_n3A_886 = arith.select %eq3A_883, %broadcast_in_dim3A_885, %select_n3A_868 : vector<384x128xi1>, vector<384x128xf32>
    %reduce_min3A_887 = arith.constant dense<0x7F800000> : vector<128xf32>
    %reduce_min3A_888 = vector.multi_reduction <minimumf>, %select_n3A_886, %reduce_min3A_887 [0] : vector<384x128xf32> to vector<128xf32>
    %min3A_889 = arith.constant 4.095000e+03 : f32
    %min3A_890 = vector.broadcast %min3A_889 : f32 to vector<128xf32>
    %min3A_891 = arith.minimumf %reduce_min3A_888, %min3A_890 : vector<128xf32>
    %convert_element_type3A_892 = arith.fptosi %min3A_891 : vector<128xf32> to vector<128xi32>
    %swap3A_893 = arith.constant 0 : index
    %swap3A_894 = arith.constant 13 : index
    %swap3A_895 = arith.constant 0 : index
    %swap3A_896 = vector.load %arg4[%swap3A_893, %swap3A_894, %swap3A_895] : memref<1x32x128xi32, #tpu.memory_space<vmem>>, vector<1x1x128xi32>
    %swap3A_897 = vector.shape_cast %swap3A_896 : vector<1x1x128xi32> to vector<128xi32>
    %swap3A_898 = vector.shape_cast %convert_element_type3A_892 : vector<128xi32> to vector<1x1x128xi32>
    tpu.vector_store %arg4[%swap3A_893, %swap3A_894, %swap3A_895], %swap3A_898 {strides = array<i32>} : memref<1x32x128xi32, #tpu.memory_space<vmem>>, vector<1x1x128xi32>,
    %broadcast_in_dim3A_899 = vector.shape_cast %reduce_min3A_888 : vector<128xf32> to vector<1x128xf32>
    %eq3A_900 = vector.broadcast %broadcast_in_dim3A_899 : vector<1x128xf32> to vector<384x128xf32>
    %eq3A_901 = arith.cmpf oeq, %select_n3A_886, %eq3A_900 : vector<384x128xf32>
    %jit3A_902 = arith.constant 1.000000e+09 : f32
    %broadcast_in_dim3A_903 = vector.broadcast %jit3A_902 : f32 to vector<384x128xf32>
    %select_n3A_904 = arith.select %eq3A_901, %broadcast_in_dim3A_903, %select_n3A_886 : vector<384x128xi1>, vector<384x128xf32>
    %reduce_min3A_905 = arith.constant dense<0x7F800000> : vector<128xf32>
    %reduce_min3A_906 = vector.multi_reduction <minimumf>, %select_n3A_904, %reduce_min3A_905 [0] : vector<384x128xf32> to vector<128xf32>
    %min3A_907 = arith.constant 4.095000e+03 : f32
    %min3A_908 = vector.broadcast %min3A_907 : f32 to vector<128xf32>
    %min3A_909 = arith.minimumf %reduce_min3A_906, %min3A_908 : vector<128xf32>
    %convert_element_type3A_910 = arith.fptosi %min3A_909 : vector<128xf32> to vector<128xi32>
    %swap3A_911 = arith.constant 0 : index
    %swap3A_912 = arith.constant 14 : index
    %swap3A_913 = arith.constant 0 : index
    %swap3A_914 = vector.load %arg4[%swap3A_911, %swap3A_912, %swap3A_913] : memref<1x32x128xi32, #tpu.memory_space<vmem>>, vector<1x1x128xi32>
    %swap3A_915 = vector.shape_cast %swap3A_914 : vector<1x1x128xi32> to vector<128xi32>
    %swap3A_916 = vector.shape_cast %convert_element_type3A_910 : vector<128xi32> to vector<1x1x128xi32>
    tpu.vector_store %arg4[%swap3A_911, %swap3A_912, %swap3A_913], %swap3A_916 {strides = array<i32>} : memref<1x32x128xi32, #tpu.memory_space<vmem>>, vector<1x1x128xi32>,
    %broadcast_in_dim3A_917 = vector.shape_cast %reduce_min3A_906 : vector<128xf32> to vector<1x128xf32>
    %eq3A_918 = vector.broadcast %broadcast_in_dim3A_917 : vector<1x128xf32> to vector<384x128xf32>
    %eq3A_919 = arith.cmpf oeq, %select_n3A_904, %eq3A_918 : vector<384x128xf32>
    %jit3A_920 = arith.constant 1.000000e+09 : f32
    %broadcast_in_dim3A_921 = vector.broadcast %jit3A_920 : f32 to vector<384x128xf32>
    %select_n3A_922 = arith.select %eq3A_919, %broadcast_in_dim3A_921, %select_n3A_904 : vector<384x128xi1>, vector<384x128xf32>
    %reduce_min3A_923 = arith.constant dense<0x7F800000> : vector<128xf32>
    %reduce_min3A_924 = vector.multi_reduction <minimumf>, %select_n3A_922, %reduce_min3A_923 [0] : vector<384x128xf32> to vector<128xf32>
    %min3A_925 = arith.constant 4.095000e+03 : f32
    %min3A_926 = vector.broadcast %min3A_925 : f32 to vector<128xf32>
    %min3A_927 = arith.minimumf %reduce_min3A_924, %min3A_926 : vector<128xf32>
    %convert_element_type3A_928 = arith.fptosi %min3A_927 : vector<128xf32> to vector<128xi32>
    %swap3A_929 = arith.constant 0 : index
    %swap3A_930 = arith.constant 15 : index
    %swap3A_931 = arith.constant 0 : index
    %swap3A_932 = vector.load %arg4[%swap3A_929, %swap3A_930, %swap3A_931] : memref<1x32x128xi32, #tpu.memory_space<vmem>>, vector<1x1x128xi32>
    %swap3A_933 = vector.shape_cast %swap3A_932 : vector<1x1x128xi32> to vector<128xi32>
    %swap3A_934 = vector.shape_cast %convert_element_type3A_928 : vector<128xi32> to vector<1x1x128xi32>
    tpu.vector_store %arg4[%swap3A_929, %swap3A_930, %swap3A_931], %swap3A_934 {strides = array<i32>} : memref<1x32x128xi32, #tpu.memory_space<vmem>>, vector<1x1x128xi32>,
    %broadcast_in_dim3A_935 = vector.shape_cast %reduce_min3A_924 : vector<128xf32> to vector<1x128xf32>
    %eq3A_936 = vector.broadcast %broadcast_in_dim3A_935 : vector<1x128xf32> to vector<384x128xf32>
    %eq3A_937 = arith.cmpf oeq, %select_n3A_922, %eq3A_936 : vector<384x128xf32>
    %jit3A_938 = arith.constant 1.000000e+09 : f32
    %broadcast_in_dim3A_939 = vector.broadcast %jit3A_938 : f32 to vector<384x128xf32>
    %select_n3A_940 = arith.select %eq3A_937, %broadcast_in_dim3A_939, %select_n3A_922 : vector<384x128xi1>, vector<384x128xf32>
    %reduce_min3A_941 = arith.constant dense<0x7F800000> : vector<128xf32>
    %reduce_min3A_942 = vector.multi_reduction <minimumf>, %select_n3A_940, %reduce_min3A_941 [0] : vector<384x128xf32> to vector<128xf32>
    %min3A_943 = arith.constant 4.095000e+03 : f32
    %min3A_944 = vector.broadcast %min3A_943 : f32 to vector<128xf32>
    %min3A_945 = arith.minimumf %reduce_min3A_942, %min3A_944 : vector<128xf32>
    %convert_element_type3A_946 = arith.fptosi %min3A_945 : vector<128xf32> to vector<128xi32>
    %swap3A_947 = arith.constant 0 : index
    %swap3A_948 = arith.constant 16 : index
    %swap3A_949 = arith.constant 0 : index
    %swap3A_950 = vector.load %arg4[%swap3A_947, %swap3A_948, %swap3A_949] : memref<1x32x128xi32, #tpu.memory_space<vmem>>, vector<1x1x128xi32>
    %swap3A_951 = vector.shape_cast %swap3A_950 : vector<1x1x128xi32> to vector<128xi32>
    %swap3A_952 = vector.shape_cast %convert_element_type3A_946 : vector<128xi32> to vector<1x1x128xi32>
    tpu.vector_store %arg4[%swap3A_947, %swap3A_948, %swap3A_949], %swap3A_952 {strides = array<i32>} : memref<1x32x128xi32, #tpu.memory_space<vmem>>, vector<1x1x128xi32>,
    %broadcast_in_dim3A_953 = vector.shape_cast %reduce_min3A_942 : vector<128xf32> to vector<1x128xf32>
    %eq3A_954 = vector.broadcast %broadcast_in_dim3A_953 : vector<1x128xf32> to vector<384x128xf32>
    %eq3A_955 = arith.cmpf oeq, %select_n3A_940, %eq3A_954 : vector<384x128xf32>
    %jit3A_956 = arith.constant 1.000000e+09 : f32
    %broadcast_in_dim3A_957 = vector.broadcast %jit3A_956 : f32 to vector<384x128xf32>
    %select_n3A_958 = arith.select %eq3A_955, %broadcast_in_dim3A_957, %select_n3A_940 : vector<384x128xi1>, vector<384x128xf32>
    %reduce_min3A_959 = arith.constant dense<0x7F800000> : vector<128xf32>
    %reduce_min3A_960 = vector.multi_reduction <minimumf>, %select_n3A_958, %reduce_min3A_959 [0] : vector<384x128xf32> to vector<128xf32>
    %min3A_961 = arith.constant 4.095000e+03 : f32
    %min3A_962 = vector.broadcast %min3A_961 : f32 to vector<128xf32>
    %min3A_963 = arith.minimumf %reduce_min3A_960, %min3A_962 : vector<128xf32>
    %convert_element_type3A_964 = arith.fptosi %min3A_963 : vector<128xf32> to vector<128xi32>
    %swap3A_965 = arith.constant 0 : index
    %swap3A_966 = arith.constant 17 : index
    %swap3A_967 = arith.constant 0 : index
    %swap3A_968 = vector.load %arg4[%swap3A_965, %swap3A_966, %swap3A_967] : memref<1x32x128xi32, #tpu.memory_space<vmem>>, vector<1x1x128xi32>
    %swap3A_969 = vector.shape_cast %swap3A_968 : vector<1x1x128xi32> to vector<128xi32>
    %swap3A_970 = vector.shape_cast %convert_element_type3A_964 : vector<128xi32> to vector<1x1x128xi32>
    tpu.vector_store %arg4[%swap3A_965, %swap3A_966, %swap3A_967], %swap3A_970 {strides = array<i32>} : memref<1x32x128xi32, #tpu.memory_space<vmem>>, vector<1x1x128xi32>,
    %broadcast_in_dim3A_971 = vector.shape_cast %reduce_min3A_960 : vector<128xf32> to vector<1x128xf32>
    %eq3A_972 = vector.broadcast %broadcast_in_dim3A_971 : vector<1x128xf32> to vector<384x128xf32>
    %eq3A_973 = arith.cmpf oeq, %select_n3A_958, %eq3A_972 : vector<384x128xf32>
    %jit3A_974 = arith.constant 1.000000e+09 : f32
    %broadcast_in_dim3A_975 = vector.broadcast %jit3A_974 : f32 to vector<384x128xf32>
    %select_n3A_976 = arith.select %eq3A_973, %broadcast_in_dim3A_975, %select_n3A_958 : vector<384x128xi1>, vector<384x128xf32>
    %reduce_min3A_977 = arith.constant dense<0x7F800000> : vector<128xf32>
    %reduce_min3A_978 = vector.multi_reduction <minimumf>, %select_n3A_976, %reduce_min3A_977 [0] : vector<384x128xf32> to vector<128xf32>
    %min3A_979 = arith.constant 4.095000e+03 : f32
    %min3A_980 = vector.broadcast %min3A_979 : f32 to vector<128xf32>
    %min3A_981 = arith.minimumf %reduce_min3A_978, %min3A_980 : vector<128xf32>
    %convert_element_type3A_982 = arith.fptosi %min3A_981 : vector<128xf32> to vector<128xi32>
    %swap3A_983 = arith.constant 0 : index
    %swap3A_984 = arith.constant 18 : index
    %swap3A_985 = arith.constant 0 : index
    %swap3A_986 = vector.load %arg4[%swap3A_983, %swap3A_984, %swap3A_985] : memref<1x32x128xi32, #tpu.memory_space<vmem>>, vector<1x1x128xi32>
    %swap3A_987 = vector.shape_cast %swap3A_986 : vector<1x1x128xi32> to vector<128xi32>
    %swap3A_988 = vector.shape_cast %convert_element_type3A_982 : vector<128xi32> to vector<1x1x128xi32>
    tpu.vector_store %arg4[%swap3A_983, %swap3A_984, %swap3A_985], %swap3A_988 {strides = array<i32>} : memref<1x32x128xi32, #tpu.memory_space<vmem>>, vector<1x1x128xi32>,
    %broadcast_in_dim3A_989 = vector.shape_cast %reduce_min3A_978 : vector<128xf32> to vector<1x128xf32>
    %eq3A_990 = vector.broadcast %broadcast_in_dim3A_989 : vector<1x128xf32> to vector<384x128xf32>
    %eq3A_991 = arith.cmpf oeq, %select_n3A_976, %eq3A_990 : vector<384x128xf32>
    %jit3A_992 = arith.constant 1.000000e+09 : f32
    %broadcast_in_dim3A_993 = vector.broadcast %jit3A_992 : f32 to vector<384x128xf32>
    %select_n3A_994 = arith.select %eq3A_991, %broadcast_in_dim3A_993, %select_n3A_976 : vector<384x128xi1>, vector<384x128xf32>
    %reduce_min3A_995 = arith.constant dense<0x7F800000> : vector<128xf32>
    %reduce_min3A_996 = vector.multi_reduction <minimumf>, %select_n3A_994, %reduce_min3A_995 [0] : vector<384x128xf32> to vector<128xf32>
    %min3A_997 = arith.constant 4.095000e+03 : f32
    %min3A_998 = vector.broadcast %min3A_997 : f32 to vector<128xf32>
    %min3A_999 = arith.minimumf %reduce_min3A_996, %min3A_998 : vector<128xf32>
    %convert_element_type3A_1000 = arith.fptosi %min3A_999 : vector<128xf32> to vector<128xi32>
    %swap3A_1001 = arith.constant 0 : index
    %swap3A_1002 = arith.constant 19 : index
    %swap3A_1003 = arith.constant 0 : index
    %swap3A_1004 = vector.load %arg4[%swap3A_1001, %swap3A_1002, %swap3A_1003] : memref<1x32x128xi32, #tpu.memory_space<vmem>>, vector<1x1x128xi32>
    %swap3A_1005 = vector.shape_cast %swap3A_1004 : vector<1x1x128xi32> to vector<128xi32>
    %swap3A_1006 = vector.shape_cast %convert_element_type3A_1000 : vector<128xi32> to vector<1x1x128xi32>
    tpu.vector_store %arg4[%swap3A_1001, %swap3A_1002, %swap3A_1003], %swap3A_1006 {strides = array<i32>} : memref<1x32x128xi32, #tpu.memory_space<vmem>>, vector<1x1x128xi32>,
    %broadcast_in_dim3A_1007 = vector.shape_cast %reduce_min3A_996 : vector<128xf32> to vector<1x128xf32>
    %eq3A_1008 = vector.broadcast %broadcast_in_dim3A_1007 : vector<1x128xf32> to vector<384x128xf32>
    %eq3A_1009 = arith.cmpf oeq, %select_n3A_994, %eq3A_1008 : vector<384x128xf32>
    %jit3A_1010 = arith.constant 1.000000e+09 : f32
    %broadcast_in_dim3A_1011 = vector.broadcast %jit3A_1010 : f32 to vector<384x128xf32>
    %select_n3A_1012 = arith.select %eq3A_1009, %broadcast_in_dim3A_1011, %select_n3A_994 : vector<384x128xi1>, vector<384x128xf32>
    %reduce_min3A_1013 = arith.constant dense<0x7F800000> : vector<128xf32>
    %reduce_min3A_1014 = vector.multi_reduction <minimumf>, %select_n3A_1012, %reduce_min3A_1013 [0] : vector<384x128xf32> to vector<128xf32>
    %min3A_1015 = arith.constant 4.095000e+03 : f32
    %min3A_1016 = vector.broadcast %min3A_1015 : f32 to vector<128xf32>
    %min3A_1017 = arith.minimumf %reduce_min3A_1014, %min3A_1016 : vector<128xf32>
    %convert_element_type3A_1018 = arith.fptosi %min3A_1017 : vector<128xf32> to vector<128xi32>
    %swap3A_1019 = arith.constant 0 : index
    %swap3A_1020 = arith.constant 20 : index
    %swap3A_1021 = arith.constant 0 : index
    %swap3A_1022 = vector.load %arg4[%swap3A_1019, %swap3A_1020, %swap3A_1021] : memref<1x32x128xi32, #tpu.memory_space<vmem>>, vector<1x1x128xi32>
    %swap3A_1023 = vector.shape_cast %swap3A_1022 : vector<1x1x128xi32> to vector<128xi32>
    %swap3A_1024 = vector.shape_cast %convert_element_type3A_1018 : vector<128xi32> to vector<1x1x128xi32>
    tpu.vector_store %arg4[%swap3A_1019, %swap3A_1020, %swap3A_1021], %swap3A_1024 {strides = array<i32>} : memref<1x32x128xi32, #tpu.memory_space<vmem>>, vector<1x1x128xi32>,
    %broadcast_in_dim3A_1025 = vector.shape_cast %reduce_min3A_1014 : vector<128xf32> to vector<1x128xf32>
    %eq3A_1026 = vector.broadcast %broadcast_in_dim3A_1025 : vector<1x128xf32> to vector<384x128xf32>
    %eq3A_1027 = arith.cmpf oeq, %select_n3A_1012, %eq3A_1026 : vector<384x128xf32>
    %jit3A_1028 = arith.constant 1.000000e+09 : f32
    %broadcast_in_dim3A_1029 = vector.broadcast %jit3A_1028 : f32 to vector<384x128xf32>
    %select_n3A_1030 = arith.select %eq3A_1027, %broadcast_in_dim3A_1029, %select_n3A_1012 : vector<384x128xi1>, vector<384x128xf32>
    %reduce_min3A_1031 = arith.constant dense<0x7F800000> : vector<128xf32>
    %reduce_min3A_1032 = vector.multi_reduction <minimumf>, %select_n3A_1030, %reduce_min3A_1031 [0] : vector<384x128xf32> to vector<128xf32>
    %min3A_1033 = arith.constant 4.095000e+03 : f32
    %min3A_1034 = vector.broadcast %min3A_1033 : f32 to vector<128xf32>
    %min3A_1035 = arith.minimumf %reduce_min3A_1032, %min3A_1034 : vector<128xf32>
    %convert_element_type3A_1036 = arith.fptosi %min3A_1035 : vector<128xf32> to vector<128xi32>
    %swap3A_1037 = arith.constant 0 : index
    %swap3A_1038 = arith.constant 21 : index
    %swap3A_1039 = arith.constant 0 : index
    %swap3A_1040 = vector.load %arg4[%swap3A_1037, %swap3A_1038, %swap3A_1039] : memref<1x32x128xi32, #tpu.memory_space<vmem>>, vector<1x1x128xi32>
    %swap3A_1041 = vector.shape_cast %swap3A_1040 : vector<1x1x128xi32> to vector<128xi32>
    %swap3A_1042 = vector.shape_cast %convert_element_type3A_1036 : vector<128xi32> to vector<1x1x128xi32>
    tpu.vector_store %arg4[%swap3A_1037, %swap3A_1038, %swap3A_1039], %swap3A_1042 {strides = array<i32>} : memref<1x32x128xi32, #tpu.memory_space<vmem>>, vector<1x1x128xi32>,
    %broadcast_in_dim3A_1043 = vector.shape_cast %reduce_min3A_1032 : vector<128xf32> to vector<1x128xf32>
    %eq3A_1044 = vector.broadcast %broadcast_in_dim3A_1043 : vector<1x128xf32> to vector<384x128xf32>
    %eq3A_1045 = arith.cmpf oeq, %select_n3A_1030, %eq3A_1044 : vector<384x128xf32>
    %jit3A_1046 = arith.constant 1.000000e+09 : f32
    %broadcast_in_dim3A_1047 = vector.broadcast %jit3A_1046 : f32 to vector<384x128xf32>
    %select_n3A_1048 = arith.select %eq3A_1045, %broadcast_in_dim3A_1047, %select_n3A_1030 : vector<384x128xi1>, vector<384x128xf32>
    %reduce_min3A_1049 = arith.constant dense<0x7F800000> : vector<128xf32>
    %reduce_min3A_1050 = vector.multi_reduction <minimumf>, %select_n3A_1048, %reduce_min3A_1049 [0] : vector<384x128xf32> to vector<128xf32>
    %min3A_1051 = arith.constant 4.095000e+03 : f32
    %min3A_1052 = vector.broadcast %min3A_1051 : f32 to vector<128xf32>
    %min3A_1053 = arith.minimumf %reduce_min3A_1050, %min3A_1052 : vector<128xf32>
    %convert_element_type3A_1054 = arith.fptosi %min3A_1053 : vector<128xf32> to vector<128xi32>
    %swap3A_1055 = arith.constant 0 : index
    %swap3A_1056 = arith.constant 22 : index
    %swap3A_1057 = arith.constant 0 : index
    %swap3A_1058 = vector.load %arg4[%swap3A_1055, %swap3A_1056, %swap3A_1057] : memref<1x32x128xi32, #tpu.memory_space<vmem>>, vector<1x1x128xi32>
    %swap3A_1059 = vector.shape_cast %swap3A_1058 : vector<1x1x128xi32> to vector<128xi32>
    %swap3A_1060 = vector.shape_cast %convert_element_type3A_1054 : vector<128xi32> to vector<1x1x128xi32>
    tpu.vector_store %arg4[%swap3A_1055, %swap3A_1056, %swap3A_1057], %swap3A_1060 {strides = array<i32>} : memref<1x32x128xi32, #tpu.memory_space<vmem>>, vector<1x1x128xi32>,
    %broadcast_in_dim3A_1061 = vector.shape_cast %reduce_min3A_1050 : vector<128xf32> to vector<1x128xf32>
    %eq3A_1062 = vector.broadcast %broadcast_in_dim3A_1061 : vector<1x128xf32> to vector<384x128xf32>
    %eq3A_1063 = arith.cmpf oeq, %select_n3A_1048, %eq3A_1062 : vector<384x128xf32>
    %jit3A_1064 = arith.constant 1.000000e+09 : f32
    %broadcast_in_dim3A_1065 = vector.broadcast %jit3A_1064 : f32 to vector<384x128xf32>
    %select_n3A_1066 = arith.select %eq3A_1063, %broadcast_in_dim3A_1065, %select_n3A_1048 : vector<384x128xi1>, vector<384x128xf32>
    %reduce_min3A_1067 = arith.constant dense<0x7F800000> : vector<128xf32>
    %reduce_min3A_1068 = vector.multi_reduction <minimumf>, %select_n3A_1066, %reduce_min3A_1067 [0] : vector<384x128xf32> to vector<128xf32>
    %min3A_1069 = arith.constant 4.095000e+03 : f32
    %min3A_1070 = vector.broadcast %min3A_1069 : f32 to vector<128xf32>
    %min3A_1071 = arith.minimumf %reduce_min3A_1068, %min3A_1070 : vector<128xf32>
    %convert_element_type3A_1072 = arith.fptosi %min3A_1071 : vector<128xf32> to vector<128xi32>
    %swap3A_1073 = arith.constant 0 : index
    %swap3A_1074 = arith.constant 23 : index
    %swap3A_1075 = arith.constant 0 : index
    %swap3A_1076 = vector.load %arg4[%swap3A_1073, %swap3A_1074, %swap3A_1075] : memref<1x32x128xi32, #tpu.memory_space<vmem>>, vector<1x1x128xi32>
    %swap3A_1077 = vector.shape_cast %swap3A_1076 : vector<1x1x128xi32> to vector<128xi32>
    %swap3A_1078 = vector.shape_cast %convert_element_type3A_1072 : vector<128xi32> to vector<1x1x128xi32>
    tpu.vector_store %arg4[%swap3A_1073, %swap3A_1074, %swap3A_1075], %swap3A_1078 {strides = array<i32>} : memref<1x32x128xi32, #tpu.memory_space<vmem>>, vector<1x1x128xi32>,
    %broadcast_in_dim3A_1079 = vector.shape_cast %reduce_min3A_1068 : vector<128xf32> to vector<1x128xf32>
    %eq3A_1080 = vector.broadcast %broadcast_in_dim3A_1079 : vector<1x128xf32> to vector<384x128xf32>
    %eq3A_1081 = arith.cmpf oeq, %select_n3A_1066, %eq3A_1080 : vector<384x128xf32>
    %jit3A_1082 = arith.constant 1.000000e+09 : f32
    %broadcast_in_dim3A_1083 = vector.broadcast %jit3A_1082 : f32 to vector<384x128xf32>
    %select_n3A_1084 = arith.select %eq3A_1081, %broadcast_in_dim3A_1083, %select_n3A_1066 : vector<384x128xi1>, vector<384x128xf32>
    %reduce_min3A_1085 = arith.constant dense<0x7F800000> : vector<128xf32>
    %reduce_min3A_1086 = vector.multi_reduction <minimumf>, %select_n3A_1084, %reduce_min3A_1085 [0] : vector<384x128xf32> to vector<128xf32>
    %min3A_1087 = arith.constant 4.095000e+03 : f32
    %min3A_1088 = vector.broadcast %min3A_1087 : f32 to vector<128xf32>
    %min3A_1089 = arith.minimumf %reduce_min3A_1086, %min3A_1088 : vector<128xf32>
    %convert_element_type3A_1090 = arith.fptosi %min3A_1089 : vector<128xf32> to vector<128xi32>
    %swap3A_1091 = arith.constant 0 : index
    %swap3A_1092 = arith.constant 24 : index
    %swap3A_1093 = arith.constant 0 : index
    %swap3A_1094 = vector.load %arg4[%swap3A_1091, %swap3A_1092, %swap3A_1093] : memref<1x32x128xi32, #tpu.memory_space<vmem>>, vector<1x1x128xi32>
    %swap3A_1095 = vector.shape_cast %swap3A_1094 : vector<1x1x128xi32> to vector<128xi32>
    %swap3A_1096 = vector.shape_cast %convert_element_type3A_1090 : vector<128xi32> to vector<1x1x128xi32>
    tpu.vector_store %arg4[%swap3A_1091, %swap3A_1092, %swap3A_1093], %swap3A_1096 {strides = array<i32>} : memref<1x32x128xi32, #tpu.memory_space<vmem>>, vector<1x1x128xi32>,
    %broadcast_in_dim3A_1097 = vector.shape_cast %reduce_min3A_1086 : vector<128xf32> to vector<1x128xf32>
    %eq3A_1098 = vector.broadcast %broadcast_in_dim3A_1097 : vector<1x128xf32> to vector<384x128xf32>
    %eq3A_1099 = arith.cmpf oeq, %select_n3A_1084, %eq3A_1098 : vector<384x128xf32>
    %jit3A_1100 = arith.constant 1.000000e+09 : f32
    %broadcast_in_dim3A_1101 = vector.broadcast %jit3A_1100 : f32 to vector<384x128xf32>
    %select_n3A_1102 = arith.select %eq3A_1099, %broadcast_in_dim3A_1101, %select_n3A_1084 : vector<384x128xi1>, vector<384x128xf32>
    %reduce_min3A_1103 = arith.constant dense<0x7F800000> : vector<128xf32>
    %reduce_min3A_1104 = vector.multi_reduction <minimumf>, %select_n3A_1102, %reduce_min3A_1103 [0] : vector<384x128xf32> to vector<128xf32>
    %min3A_1105 = arith.constant 4.095000e+03 : f32
    %min3A_1106 = vector.broadcast %min3A_1105 : f32 to vector<128xf32>
    %min3A_1107 = arith.minimumf %reduce_min3A_1104, %min3A_1106 : vector<128xf32>
    %convert_element_type3A_1108 = arith.fptosi %min3A_1107 : vector<128xf32> to vector<128xi32>
    %swap3A_1109 = arith.constant 0 : index
    %swap3A_1110 = arith.constant 25 : index
    %swap3A_1111 = arith.constant 0 : index
    %swap3A_1112 = vector.load %arg4[%swap3A_1109, %swap3A_1110, %swap3A_1111] : memref<1x32x128xi32, #tpu.memory_space<vmem>>, vector<1x1x128xi32>
    %swap3A_1113 = vector.shape_cast %swap3A_1112 : vector<1x1x128xi32> to vector<128xi32>
    %swap3A_1114 = vector.shape_cast %convert_element_type3A_1108 : vector<128xi32> to vector<1x1x128xi32>
    tpu.vector_store %arg4[%swap3A_1109, %swap3A_1110, %swap3A_1111], %swap3A_1114 {strides = array<i32>} : memref<1x32x128xi32, #tpu.memory_space<vmem>>, vector<1x1x128xi32>,
    %broadcast_in_dim3A_1115 = vector.shape_cast %reduce_min3A_1104 : vector<128xf32> to vector<1x128xf32>
    %eq3A_1116 = vector.broadcast %broadcast_in_dim3A_1115 : vector<1x128xf32> to vector<384x128xf32>
    %eq3A_1117 = arith.cmpf oeq, %select_n3A_1102, %eq3A_1116 : vector<384x128xf32>
    %jit3A_1118 = arith.constant 1.000000e+09 : f32
    %broadcast_in_dim3A_1119 = vector.broadcast %jit3A_1118 : f32 to vector<384x128xf32>
    %select_n3A_1120 = arith.select %eq3A_1117, %broadcast_in_dim3A_1119, %select_n3A_1102 : vector<384x128xi1>, vector<384x128xf32>
    %reduce_min3A_1121 = arith.constant dense<0x7F800000> : vector<128xf32>
    %reduce_min3A_1122 = vector.multi_reduction <minimumf>, %select_n3A_1120, %reduce_min3A_1121 [0] : vector<384x128xf32> to vector<128xf32>
    %min3A_1123 = arith.constant 4.095000e+03 : f32
    %min3A_1124 = vector.broadcast %min3A_1123 : f32 to vector<128xf32>
    %min3A_1125 = arith.minimumf %reduce_min3A_1122, %min3A_1124 : vector<128xf32>
    %convert_element_type3A_1126 = arith.fptosi %min3A_1125 : vector<128xf32> to vector<128xi32>
    %swap3A_1127 = arith.constant 0 : index
    %swap3A_1128 = arith.constant 26 : index
    %swap3A_1129 = arith.constant 0 : index
    %swap3A_1130 = vector.load %arg4[%swap3A_1127, %swap3A_1128, %swap3A_1129] : memref<1x32x128xi32, #tpu.memory_space<vmem>>, vector<1x1x128xi32>
    %swap3A_1131 = vector.shape_cast %swap3A_1130 : vector<1x1x128xi32> to vector<128xi32>
    %swap3A_1132 = vector.shape_cast %convert_element_type3A_1126 : vector<128xi32> to vector<1x1x128xi32>
    tpu.vector_store %arg4[%swap3A_1127, %swap3A_1128, %swap3A_1129], %swap3A_1132 {strides = array<i32>} : memref<1x32x128xi32, #tpu.memory_space<vmem>>, vector<1x1x128xi32>,
    %broadcast_in_dim3A_1133 = vector.shape_cast %reduce_min3A_1122 : vector<128xf32> to vector<1x128xf32>
    %eq3A_1134 = vector.broadcast %broadcast_in_dim3A_1133 : vector<1x128xf32> to vector<384x128xf32>
    %eq3A_1135 = arith.cmpf oeq, %select_n3A_1120, %eq3A_1134 : vector<384x128xf32>
    %jit3A_1136 = arith.constant 1.000000e+09 : f32
    %broadcast_in_dim3A_1137 = vector.broadcast %jit3A_1136 : f32 to vector<384x128xf32>
    %select_n3A_1138 = arith.select %eq3A_1135, %broadcast_in_dim3A_1137, %select_n3A_1120 : vector<384x128xi1>, vector<384x128xf32>
    %reduce_min3A_1139 = arith.constant dense<0x7F800000> : vector<128xf32>
    %reduce_min3A_1140 = vector.multi_reduction <minimumf>, %select_n3A_1138, %reduce_min3A_1139 [0] : vector<384x128xf32> to vector<128xf32>
    %min3A_1141 = arith.constant 4.095000e+03 : f32
    %min3A_1142 = vector.broadcast %min3A_1141 : f32 to vector<128xf32>
    %min3A_1143 = arith.minimumf %reduce_min3A_1140, %min3A_1142 : vector<128xf32>
    %convert_element_type3A_1144 = arith.fptosi %min3A_1143 : vector<128xf32> to vector<128xi32>
    %swap3A_1145 = arith.constant 0 : index
    %swap3A_1146 = arith.constant 27 : index
    %swap3A_1147 = arith.constant 0 : index
    %swap3A_1148 = vector.load %arg4[%swap3A_1145, %swap3A_1146, %swap3A_1147] : memref<1x32x128xi32, #tpu.memory_space<vmem>>, vector<1x1x128xi32>
    %swap3A_1149 = vector.shape_cast %swap3A_1148 : vector<1x1x128xi32> to vector<128xi32>
    %swap3A_1150 = vector.shape_cast %convert_element_type3A_1144 : vector<128xi32> to vector<1x1x128xi32>
    tpu.vector_store %arg4[%swap3A_1145, %swap3A_1146, %swap3A_1147], %swap3A_1150 {strides = array<i32>} : memref<1x32x128xi32, #tpu.memory_space<vmem>>, vector<1x1x128xi32>,
    %broadcast_in_dim3A_1151 = vector.shape_cast %reduce_min3A_1140 : vector<128xf32> to vector<1x128xf32>
    %eq3A_1152 = vector.broadcast %broadcast_in_dim3A_1151 : vector<1x128xf32> to vector<384x128xf32>
    %eq3A_1153 = arith.cmpf oeq, %select_n3A_1138, %eq3A_1152 : vector<384x128xf32>
    %jit3A_1154 = arith.constant 1.000000e+09 : f32
    %broadcast_in_dim3A_1155 = vector.broadcast %jit3A_1154 : f32 to vector<384x128xf32>
    %select_n3A_1156 = arith.select %eq3A_1153, %broadcast_in_dim3A_1155, %select_n3A_1138 : vector<384x128xi1>, vector<384x128xf32>
    %reduce_min3A_1157 = arith.constant dense<0x7F800000> : vector<128xf32>
    %reduce_min3A_1158 = vector.multi_reduction <minimumf>, %select_n3A_1156, %reduce_min3A_1157 [0] : vector<384x128xf32> to vector<128xf32>
    %min3A_1159 = arith.constant 4.095000e+03 : f32
    %min3A_1160 = vector.broadcast %min3A_1159 : f32 to vector<128xf32>
    %min3A_1161 = arith.minimumf %reduce_min3A_1158, %min3A_1160 : vector<128xf32>
    %convert_element_type3A_1162 = arith.fptosi %min3A_1161 : vector<128xf32> to vector<128xi32>
    %swap3A_1163 = arith.constant 0 : index
    %swap3A_1164 = arith.constant 28 : index
    %swap3A_1165 = arith.constant 0 : index
    %swap3A_1166 = vector.load %arg4[%swap3A_1163, %swap3A_1164, %swap3A_1165] : memref<1x32x128xi32, #tpu.memory_space<vmem>>, vector<1x1x128xi32>
    %swap3A_1167 = vector.shape_cast %swap3A_1166 : vector<1x1x128xi32> to vector<128xi32>
    %swap3A_1168 = vector.shape_cast %convert_element_type3A_1162 : vector<128xi32> to vector<1x1x128xi32>
    tpu.vector_store %arg4[%swap3A_1163, %swap3A_1164, %swap3A_1165], %swap3A_1168 {strides = array<i32>} : memref<1x32x128xi32, #tpu.memory_space<vmem>>, vector<1x1x128xi32>,
    %broadcast_in_dim3A_1169 = vector.shape_cast %reduce_min3A_1158 : vector<128xf32> to vector<1x128xf32>
    %eq3A_1170 = vector.broadcast %broadcast_in_dim3A_1169 : vector<1x128xf32> to vector<384x128xf32>
    %eq3A_1171 = arith.cmpf oeq, %select_n3A_1156, %eq3A_1170 : vector<384x128xf32>
    %jit3A_1172 = arith.constant 1.000000e+09 : f32
    %broadcast_in_dim3A_1173 = vector.broadcast %jit3A_1172 : f32 to vector<384x128xf32>
    %select_n3A_1174 = arith.select %eq3A_1171, %broadcast_in_dim3A_1173, %select_n3A_1156 : vector<384x128xi1>, vector<384x128xf32>
    %reduce_min3A_1175 = arith.constant dense<0x7F800000> : vector<128xf32>
    %reduce_min3A_1176 = vector.multi_reduction <minimumf>, %select_n3A_1174, %reduce_min3A_1175 [0] : vector<384x128xf32> to vector<128xf32>
    %min3A_1177 = arith.constant 4.095000e+03 : f32
    %min3A_1178 = vector.broadcast %min3A_1177 : f32 to vector<128xf32>
    %min3A_1179 = arith.minimumf %reduce_min3A_1176, %min3A_1178 : vector<128xf32>
    %convert_element_type3A_1180 = arith.fptosi %min3A_1179 : vector<128xf32> to vector<128xi32>
    %swap3A_1181 = arith.constant 0 : index
    %swap3A_1182 = arith.constant 29 : index
    %swap3A_1183 = arith.constant 0 : index
    %swap3A_1184 = vector.load %arg4[%swap3A_1181, %swap3A_1182, %swap3A_1183] : memref<1x32x128xi32, #tpu.memory_space<vmem>>, vector<1x1x128xi32>
    %swap3A_1185 = vector.shape_cast %swap3A_1184 : vector<1x1x128xi32> to vector<128xi32>
    %swap3A_1186 = vector.shape_cast %convert_element_type3A_1180 : vector<128xi32> to vector<1x1x128xi32>
    tpu.vector_store %arg4[%swap3A_1181, %swap3A_1182, %swap3A_1183], %swap3A_1186 {strides = array<i32>} : memref<1x32x128xi32, #tpu.memory_space<vmem>>, vector<1x1x128xi32>,
    %broadcast_in_dim3A_1187 = vector.shape_cast %reduce_min3A_1176 : vector<128xf32> to vector<1x128xf32>
    %eq3A_1188 = vector.broadcast %broadcast_in_dim3A_1187 : vector<1x128xf32> to vector<384x128xf32>
    %eq3A_1189 = arith.cmpf oeq, %select_n3A_1174, %eq3A_1188 : vector<384x128xf32>
    %jit3A_1190 = arith.constant 1.000000e+09 : f32
    %broadcast_in_dim3A_1191 = vector.broadcast %jit3A_1190 : f32 to vector<384x128xf32>
    %select_n3A_1192 = arith.select %eq3A_1189, %broadcast_in_dim3A_1191, %select_n3A_1174 : vector<384x128xi1>, vector<384x128xf32>
    %reduce_min3A_1193 = arith.constant dense<0x7F800000> : vector<128xf32>
    %reduce_min3A_1194 = vector.multi_reduction <minimumf>, %select_n3A_1192, %reduce_min3A_1193 [0] : vector<384x128xf32> to vector<128xf32>
    %min3A_1195 = arith.constant 4.095000e+03 : f32
    %min3A_1196 = vector.broadcast %min3A_1195 : f32 to vector<128xf32>
    %min3A_1197 = arith.minimumf %reduce_min3A_1194, %min3A_1196 : vector<128xf32>
    %convert_element_type3A_1198 = arith.fptosi %min3A_1197 : vector<128xf32> to vector<128xi32>
    %swap3A_1199 = arith.constant 0 : index
    %swap3A_1200 = arith.constant 30 : index
    %swap3A_1201 = arith.constant 0 : index
    %swap3A_1202 = vector.load %arg4[%swap3A_1199, %swap3A_1200, %swap3A_1201] : memref<1x32x128xi32, #tpu.memory_space<vmem>>, vector<1x1x128xi32>
    %swap3A_1203 = vector.shape_cast %swap3A_1202 : vector<1x1x128xi32> to vector<128xi32>
    %swap3A_1204 = vector.shape_cast %convert_element_type3A_1198 : vector<128xi32> to vector<1x1x128xi32>
    tpu.vector_store %arg4[%swap3A_1199, %swap3A_1200, %swap3A_1201], %swap3A_1204 {strides = array<i32>} : memref<1x32x128xi32, #tpu.memory_space<vmem>>, vector<1x1x128xi32>,
    %broadcast_in_dim3A_1205 = vector.shape_cast %reduce_min3A_1194 : vector<128xf32> to vector<1x128xf32>
    %eq3A_1206 = vector.broadcast %broadcast_in_dim3A_1205 : vector<1x128xf32> to vector<384x128xf32>
    %eq3A_1207 = arith.cmpf oeq, %select_n3A_1192, %eq3A_1206 : vector<384x128xf32>
    %jit3A_1208 = arith.constant 1.000000e+09 : f32
    %broadcast_in_dim3A_1209 = vector.broadcast %jit3A_1208 : f32 to vector<384x128xf32>
    %select_n3A_1210 = arith.select %eq3A_1207, %broadcast_in_dim3A_1209, %select_n3A_1192 : vector<384x128xi1>, vector<384x128xf32>
    %reduce_min3A_1211 = arith.constant dense<0x7F800000> : vector<128xf32>
    %reduce_min3A_1212 = vector.multi_reduction <minimumf>, %select_n3A_1210, %reduce_min3A_1211 [0] : vector<384x128xf32> to vector<128xf32>
    %min3A_1213 = arith.constant 4.095000e+03 : f32
    %min3A_1214 = vector.broadcast %min3A_1213 : f32 to vector<128xf32>
    %min3A_1215 = arith.minimumf %reduce_min3A_1212, %min3A_1214 : vector<128xf32>
    %convert_element_type3A_1216 = arith.fptosi %min3A_1215 : vector<128xf32> to vector<128xi32>
    %swap3A_1217 = arith.constant 0 : index
    %swap3A_1218 = arith.constant 31 : index
    %swap3A_1219 = arith.constant 0 : index
    %swap3A_1220 = vector.load %arg4[%swap3A_1217, %swap3A_1218, %swap3A_1219] : memref<1x32x128xi32, #tpu.memory_space<vmem>>, vector<1x1x128xi32>
    %swap3A_1221 = vector.shape_cast %swap3A_1220 : vector<1x1x128xi32> to vector<128xi32>
    %swap3A_1222 = vector.shape_cast %convert_element_type3A_1216 : vector<128xi32> to vector<1x1x128xi32>
    tpu.vector_store %arg4[%swap3A_1217, %swap3A_1218, %swap3A_1219], %swap3A_1222 {strides = array<i32>} : memref<1x32x128xi32, #tpu.memory_space<vmem>>, vector<1x1x128xi32>,
    return
  }
  func.func @transform_0(%arg0: i32, %arg1: i32) -> (i32, i32, i32) {
    %c0_i32 = arith.constant 0 : i32
    %c0_i32_0 = arith.constant 0 : i32
    return %arg0, %c0_i32, %arg1 : i32, i32, i32
  }
  func.func @transform_1(%arg0: i32, %arg1: i32) -> (i32, i32, i32) {
    %c0_i32 = arith.constant 0 : i32
    %c0_i32_0 = arith.constant 0 : i32
    %c0_i32_1 = arith.constant 0 : i32
    return %arg0, %c0_i32, %c0_i32_0 : i32, i32, i32
  }
  func.func @transform_2(%arg0: i32, %arg1: i32) -> (i32, i32, i32) {
    %c0_i32 = arith.constant 0 : i32
    %c0_i32_0 = arith.constant 0 : i32
    return %arg0, %c0_i32, %arg1 : i32, i32, i32
  }
}

</mosaic_0001>

<sc_bundles>
// kernel: kernel.10.cloned.1.call-start
scs
__scs_entry_jumppad:
0x0: {  	(pc) =	sbr.rel $0x88, $3  }
0x1: {  	(tag) =	ssettag $0x0;
	lr =	simm.s32 $0x1  }
0x2: {  	[smem:$0x3F8A] =	sst lr;
	_ =	strace $0xD0000000  }
0x3: {  	_ = 	snop  }
0x4: {  	_ = 	snop  }
0x5: {  	_ = 	snop  }
0x6: {  	_ = 	snop  }
0x7: {  	_ = 	snop  }
__scs_overlays_trampoline_lowered:
0x8: {  	[smem:$0x3F99] =	sst s0  }
0x9: {  	[smem:$0x3F9A] =	sst s1  }
0xa: {  	[smem:$0x3F9B] =	sst s2  }
0xb: {  	[smem:$0x3F9C] =	sst s3  }
0xc: {  	[smem:$0x3F9D] =	sst s4  }
0xd: {  	[smem:$0x3F9E] =	sst s5  }
0xe: {  	[smem:$0x3F9F] =	sst s6  }
0xf: {  	[smem:$0x3FA0] =	sst s7  }
0x10: {  	[smem:$0x3FA1] =	sst s8  }
0x11: {  	[smem:$0x3FA2] =	sst s9;
	s0 =	simm.s32 @!p0 $0x0  }
0x12: {  	s1 =	sld [smem:$0x3F88];
	s0 =	simm.s32 @p0 $0x1  }
0x13: {  	[smem:$0x3FA3] =	sst s0;
	s0 =	simm.s32 @!p1 $0x0  }
0x14: {  	s2 =	sld [smem:$0x3F87];
	s0 =	simm.s32 @p1 $0x1  }
0x15: {  	[smem:$0x3FA4] =	sst s0;
	s0 =	simm.s32 @!p2 $0x0  }
0x16: {  	s3 =	sld [smem:$0x3FDB];
	s0 =	simm.s32 @p2 $0x1  }
0x17: {  	s4 =	simm.s32 $0x1BF5;
	[smem:$0x3FA6] =	sst s0  }
0x18: {  	s0 =	sld [smem:$0x3F89];
	_ =	swait.ge [sflag:s4], $0x0  }
0x19: {  	s7 =	sld [smem:$0x3F8A]  }
0x1a: {  	s8 =	sadd.s32 $0xFFFFE003, lr  }
0x1b: {  	s9 =	sadd.s32 $0xFFFFFEF7, lr;
	s5 =	simm.s32 $0xFFFFFFFF;
	p2 =	slt.u32 s8, $0xFFFFF086  }
0x1c: {  	p1 =	slt.u32 s9, $0xF7A;
	s5 =	simm.s32 @!p2 $0x0  }
0x1d: {  	s5 =	simm.s32 @p1 $0x1;
	p0 =	seq.s32 s7, s2  }
0x1e: {  	s7 =	smul.u32 @!p0 $0xF7A, s2;
	p2 =	seq.s32 @!p0 s5, $0x0  }
0x1f: {  	s9 =	smul.u32 $0xF7A, s1;
	s8 =	simm.s32 @!p0 $0x1BF5;
	p2 =	por !p2, p0  }
0x20: {  	[sflag:s8] =	ssyncset.s32 @!p0 $0xFFFFF086;
	s6 =	sadd.s32 @!p0 s3, s7;
	s7 =	simm.s32 @!p0 $0x108  }
0x21: {  	s3 =	sadd.s32 s3, s9;
	s6 =	sadd.s32 @!p0 $0x88, s6;
	s7 =	simm.s32 @p2 $0x1082  }
0x22: {  	[simem:s7], [sflag:s8] =	dma.local @!p0 [hbm:s6], $0xF7A  }
0x23: {  	s9 =	sor.u32 $0xD0000000, s2;
	s6 =	simm.s32 $0x108;
	_ =	swait.ge @!p0 [sflag:s8], $0x0  }
0x24: {  	s3 =	sadd.s32 $0x88, s3;
	s6 =	simm.s32 @!p1 $0x1082;
	[sflag:s4] =	ssyncset.s32 $0xFFFFF086  }
0x25: {  	[simem:s6], [sflag:s4] =	dma.local [hbm:s3], $0xF7A  }
0x26: {  	[smem:$0x3F8A] =	sst s1;
	(tag) =	ssettag s2;
	_ =	strace s9  }
0x27: {  	s1 =	sld [smem:$0x3F9A]  }
0x28: {  	s2 =	sld [smem:$0x3F9B]  }
0x29: {  	s4 =	sld [smem:$0x3F9D]  }
0x2a: {  	p0 =	seq.s32 s5, $0x0;
	s5 =	sld [smem:$0x3F9E]  }
0x2b: {  	s6 =	sld [smem:$0x3F9F]  }
0x2c: {  	s7 =	sld [smem:$0x3FA0]  }
0x2d: {  	s3 =	simm.s32 $0x108;
	s8 =	sld [smem:$0x3FA1]  }
0x2e: {  	s3 =	simm.s32 @!p0 $0x1082;
	s9 =	sld [smem:$0x3FA2]  }
0x2f: {  	lr =	sadd.s32 s0, s3;
	s0 =	sld [smem:$0x3F99]  }
0x30: {  	s3 =	sld [smem:$0x3F9C]  }
0x31: {  	[smem:$0x3FA5] =	sst s10  }
0x32: {  	s10 =	sld [smem:$0x3FA3];
	_ =	sdelay $0x3  }
0x33: {  	p0 =	seq.s32 s10, $0x1;
	s10 =	sld [smem:$0x3FA5];
	_ =	sdelay $0x3  }
0x34: {  	[smem:$0x3FA5] =	sst s10  }
0x35: {  	s10 =	sld [smem:$0x3FA4];
	_ =	sdelay $0x3  }
0x36: {  	p1 =	seq.s32 s10, $0x1;
	s10 =	sld [smem:$0x3FA5];
	_ =	sdelay $0x3  }
0x37: {  	[smem:$0x3FA5] =	sst s10  }
0x38: {  	s10 =	sld [smem:$0x3FA6]  }
0x39: {  	_ = 	snop;
	(pc) =	sbr.ind lr, $3  }
0x3a: {  	_ = 	snop  }
0x3b: {  	_ = 	snop  }
0x3c: {  	p2 =	seq.s32 s10, $0x1;
	s10 =	sld [smem:$0x3FA5]  }
0x3d: {  	_ =	shalt  }
0x3e: {  	_ =	shalt  }
0x3f: {  	_ =	shalt  }
0x40: {  	_ =	shalt  }
0x41: {  	_ =	shalt  }
0x42: {  	_ =	shalt  }
0x43: {  	_ =	shalt  }
0x44: {  	_ =	shalt  }
0x45: {  	_ =	shalt  }
0x46: {  	_ =	shalt  }
0x47: {  	_ =	shalt  }
0x48: {  	_ =	shalt  }
0x49: {  	_ =	shalt  }
0x4a: {  	_ =	shalt  }
0x4b: {  	_ =	shalt  }
0x4c: {  	_ =	shalt  }
0x4d: {  	_ =	shalt  }
0x4e: {  	_ =	shalt  }
0x4f: {  	_ =	shalt  }
0x50: {  	_ =	shalt  }
0x51: {  	_ =	shalt  }
0x52: {  	_ =	shalt  }
0x53: {  	_ =	shalt  }
0x54: {  	_ =	shalt  }
0x55: {  	_ =	shalt  }
0x56: {  	_ =	shalt  }
0x57: {  	_ =	shalt  }
0x58: {  	_ =	shalt  }
0x59: {  	_ =	shalt  }
0x5a: {  	_ =	shalt  }
0x5b: {  	_ =	shalt  }
0x5c: {  	_ =	shalt  }
0x5d: {  	_ =	shalt  }
0x5e: {  	_ =	shalt  }
0x5f: {  	_ =	shalt  }
0x60: {  	_ =	shalt  }
0x61: {  	_ =	shalt  }
0x62: {  	_ =	shalt  }
0x63: {  	_ =	shalt  }
0x64: {  	_ =	shalt  }
0x65: {  	_ =	shalt  }
0x66: {  	_ =	shalt  }
0x67: {  	_ =	shalt  }
0x68: {  	_ =	shalt  }
0x69: {  	_ =	shalt  }
0x6a: {  	_ =	shalt  }
0x6b: {  	_ =	shalt  }
0x6c: {  	_ =	shalt  }
0x6d: {  	_ =	shalt  }
0x6e: {  	_ =	shalt  }
0x6f: {  	_ =	shalt  }
0x70: {  	_ =	shalt  }
0x71: {  	_ =	shalt  }
0x72: {  	_ =	shalt  }
0x73: {  	_ =	shalt  }
0x74: {  	_ =	shalt  }
0x75: {  	_ =	shalt  }
0x76: {  	_ =	shalt  }
0x77: {  	_ =	shalt  }
0x78: {  	_ =	shalt  }
0x79: {  	_ =	shalt  }
0x7a: {  	_ =	shalt  }
0x7b: {  	_ =	shalt  }
0x7c: {  	_ =	shalt  }
0x7d: {  	_ =	shalt  }
0x7e: {  	_ =	shalt  }
0x7f: {  	_ =	shalt  }
0x80: {  	_ =	shalt  }
0x81: {  	_ =	shalt  }
0x82: {  	_ =	shalt  }
0x83: {  	_ =	shalt  }
0x84: {  	_ =	shalt  }
0x85: {  	_ =	shalt  }
0x86: {  	_ =	shalt  }
0x87: {  	_ =	shalt  }
.Lfunc_end0:
.L_simem_size_0:
called_computation.5_lowered:
.L_overlay_start_0:
0x88: {  	s2 =	sld [smem:$0x3FD9]  }
0x89: {  	s3 =	sld [smem:$0x3FFE];
	_ =	sdelay $0x1  }
0x8a: {  	s1 =	srdreg.scid  }
0x8b: {  	s0 =	sand.u32 $0x1, s1  }
0x8c: {  	s17 =	sshll.u32 s0, $0xA;
	s2 =	sadd.s32 s3, s2  }
0x8d: {  	s2 =	sadd.s32 s2, s17  }
0x8e: {  	[smem:$0x3FB1] =	sst s2  }
0x8f: {  	_ = 	snop  }
0x90: {  	s2 =	sld [smem:$0x3FD0];
	(tm) =	ssettm $0x1  }
0x91: {  	s18 =	sld [smem:$0x3FFB];
	_ =	sdelay $0x3  }
0x92: {  	_ =	strace s18  }
0x93: {  	s3 =	sld [smem:$0x3FFC];
	_ =	sdelay $0x3  }
0x94: {  	_ =	strace s3  }
0x95: {  	s3 =	sld [smem:$0x3FFD];
	_ =	sdelay $0x3  }
0x96: {  	_ =	strace s3  }
0x97: {  	_ =	strace $0x8FFFFFFF  }
0x98: {  	s19 =	sld [smem:$0x3FDB];
	_ =	sdelay $0x1  }
0x99: {  	s4 =	simm.s32 $_scs_section_size  }
0x9a: {  	s5 =	simm.s32 $_size__tile_overlayer_lowered;
	s6 =	simm.s32 $_tile_overlayer_lowered  }
0x9b: {  	s22 =	simm.s32 $0x1BFF;
	s21 =	sshll.u32 s6, $0x1;
	s3 =	sadd.s32 s4, s19  }
0x9c: {  	s7 =	simm.s32 $0x0;
	s20 =	sshll.u32 s5, $0x1;
	s5 =	sadd.s32 s21, s3  }
0x9d: {  	[timem:s7], [sflag:s22] =	dma.local [hbm:s5], s20  }
0x9e: {  	_ =	swait.ge [sflag:s22], s20  }
0x9f: {  	s4 =	ssub.s32 $0x0, s20;
	[sflag:s22] =	ssyncset.done $0x0  }
0xa0: {  	[sflag:s22] =	ssyncadd.s32 s4;
	_ =	sdelay $0x1  }
0xa1: {  	s23 =	simm.s32 $0x1B8B  }
0xa2: {  	_ =	swait.ge [sflag:s23], $0x1  }
0xa3: {  	[sflag:s23] =	ssyncset.done $0x0  }
0xa4: {  	s25 =	simm.s32 $0x1B8E;
	s24 =	sld [smem:$0x3FFE];
	[sflag:s23] =	ssyncadd.s32 $0xFFFFFFFF  }
0xa5: {  	s26 =	simm.s32 $execute0_lowered;
	[smem:$0x3FD2] =	sst s25  }
0xa6: {  	s5 =	sshll.u32 s26, $0x1;
	_ =	strace $0x80000046;
	[dreg:$0x1] =	wrdreg $0xFFFFFFFF  }
0xa7: {  	s28 =	simm.s32 $_size_execute0_lowered;
	s3 =	sadd.s32 s3, s5;
	[dreg:$0x0] =	wrdreg $0x0  }
0xa8: {  	s5 =	sshll.u32 s28, $0x1;
	[dreg:$0x2] =	wrdreg s3  }
0xa9: {  	[dreg:$0x3] =	wrdreg s5  }
0xaa: {  	[dreg:$0x4] =	wrdreg $0xC0  }
0xab: {  	_ =	task [dreg:s7], $0x5FFFF  }
0xac: {  	[dreg:$0x1] =	wrdreg $0xFFFFFFFF  }
0xad: {  	[dreg:$0x0] =	wrdreg $0x60  }
0xae: {  	[dreg:$0x2] =	wrdreg s2  }
0xaf: {  	[dreg:$0x3] =	wrdreg s24  }
0xb0: {  	[dreg:$0x4] =	wrdreg $0x9  }
0xb1: {  	_ =	task.clear_ibuf [dreg:s7], $0x5FFFF;
	_ =	strace $0x90000046  }
0xb2: {  	s29 =	simm.s32 $0x9;
	_ =	strace $0x80000048  }
0xb3: {  	_ =	swait.ge [sflag:s29], $0x1  }
0xb4: {  	[sflag:s29] =	ssyncadd.s32 $0xFFFFFFFF  }
0xb5: {  	_ =	strace $0x90000048  }
0xb6: {  	_ =	sfence  }
0xb7: {  	s30 =	sld [smem:$0x0];
	_ =	sdelay $0x2  }
0xb8: {  	s31 =	sshll.u32 s1, $0xD;
	s1 =	sshrl.u32 s1, $0x2  }
0xb9: {  	s3 =	sand.u32 $0x4000, s31;
	s1 =	sadd.s32 s1, s30  }
0xba: {  	s0 =	sor.u32 s3, s0;
	s1 =	sshll.u32 s1, $0x11  }
0xbb: {  	s0 =	sor.u32 s1, s0  }
0xbc: {  	s0 =	sadd.s32 $0x8F2B, s0  }
0xbd: {  	[sflag:s0] =	ssyncadd.remote.s32 $0x1  }
0xbe: {  	_ =	sfence.sel $0xFFFF  }
0xbf: {  	[dreg:$0x0] =	wrdreg $0xFFFFFFFF;
	(pc) =	sbr.abs _section_cstart, $3  }
0xc0: {  	[dreg:$0x1] =	wrdreg $0xFFFFFFFF  }
0xc1: {  	_ =	task.clear_ibuf [dreg:s7], $0x2FFFF;
	_ =	strace $0x9FFFFFFF  }
0xc2: {  	(tm) =	ssettm $0x7FFFFFFF  }
0xc3: {  	_ =	shalt  }
tec
execute0_lowered:
.L_overlay_start_1:
0x0: {  	(tag) =	ssettag $0x1  }
0x1: {  	s6 =	rddreg [dreg:$0x0]  }
0x2: {  	s4 =	rddreg [dreg:$0x1]  }
0x3: {  	s0 =	rddreg [dreg:$0x2];
	s2 =	simm.s32 $0x0;
	s1 =	stileid.u32  }
0x4: {  	s3 =	srdreg.scid;
	[smem:$0x7FF] =	sst s2  }
0x5: {  	s5 =	sshll.u32 s1, $0x13;
	s7 =	sand.u32 $0x1, s3;
	s3 =	sadd.s32 $0x9E00, s4  }
0x6: {  	s9 =	sshll.u32 s1, $0xF;
	_ =	strace $0x80000047;
	s5 =	sadd.s32 s5, s4  }
0x7: {  	s29 =	ssub.s32 $0x2, s7;
	s10 =	sshll.u32 s7, $0xE;
	s7 =	sshll.u32 s7, $0x12  }
0x8: {  	s8 =	sshrl.u32 s29, $0x1;
	s30 =	sor.u32 s10, s9;
	s5 =	sadd.s32 s7, s5  }
0x9: {  	s7 =	simm.s32 $0x2;
	s9 =	simm.s32 $0x1;
	s10 =	simm.s32 $0x0  }
0xa: {  	s4 =	ssub.s32 s29, s8;
	s31 =	sshrl.u32 s30, $0x3;
	s5 =	sadd.s32 $0x49E00, s5  }
0xb: {  	s8 =	simm.s32 $0x200;
	s4 =	smax.u32 s4, $0x1;
	s6 =	sadd.s32 s31, s6  }
.LBB2_1:
0xc: {  	s11 =	sadd.s32 $0x0, s6  }
0xd: {  	[tilespmem:s2], [sflag:$0x2] =	stream.linear.gather [hbm4b:s11+s2], $0x200, $0x38;
	[tilespmem:$0x10200] =	vst v63  }
0xe: {  	_ =	swait.ge [sflag:s7], $0x200  }
0xf: {  	[sflag:s7] =	ssyncset.done $0x0  }
0x10: {  	[sflag:s7] =	ssyncadd.s32 $0xFFFFFE00  }
0x11: {  	[tilespmem:s8], [sflag:$0x1] =	stream.indirect.gather [hbm4b:s3+s8], $0x80, s2, s8, $0xb8;
	[tilespmem:$0x10200] =	vst v63  }
0x12: {  	_ =	swait.ge [sflag:s9], $0x10000  }
0x13: {  	[sflag:s9] =	ssyncset.done $0x0  }
0x14: {  	[sflag:s9] =	ssyncadd.s32 $0xFFFF0000  }
0x15: {  	[hbm4b:s5+s2] =	stream.linear.scatter [tilespmem:s8], [sflag:$0x2], $0x10000, $0x38;
	[tilespmem:$0x10200] =	vst v63  }
0x16: {  	s12 =	simm.s32 $0x40;
	_ =	swait.ge [sflag:s7], $0x10000  }
0x17: {  	s13 =	simm.s32 $0x80;
	s11 =	sadd.s32 $0x2000, s5;
	[sflag:s7] =	ssyncset.done $0x0  }
.LBB2_2:
0x18: {  	s14 =	sadd.s32 s12, s6  }
0x19: {  	[sflag:s7] =	ssyncadd.s32 $0xFFFF0000;
	s12 =	smov.u32 s13;
	s15 =	sadd.s32 $0x40, s13  }
0x1a: {  	[tilespmem:s2], [sflag:$0x2] =	stream.linear.gather [hbm4b:s14+s2], $0x200, $0x38;
	[tilespmem:$0x10200] =	vst v63  }
0x1b: {  	p0 =	sne.s32 s13, $0x7C0;
	_ =	swait.ge [sflag:s7], $0x200  }
0x1c: {  	[sflag:s7] =	ssyncset.done $0x0  }
0x1d: {  	[sflag:s7] =	ssyncadd.s32 $0xFFFFFE00  }
0x1e: {  	[tilespmem:s8], [sflag:$0x1] =	stream.indirect.gather [hbm4b:s3+s8], $0x80, s2, s8, $0xb8;
	[tilespmem:$0x10200] =	vst v63  }
0x1f: {  	_ =	swait.ge [sflag:s9], $0x10000  }
.Ltmp0:
0x20: {  	[sflag:s9] =	ssyncset.done $0x0;
	(pc) =	sbr.rel @p0 .LBB2_2-.Ltmp0, $4  }
0x21: {  	[sflag:s9] =	ssyncadd.s32 $0xFFFF0000  }
0x22: {  	[hbm4b:s11+s2] =	stream.linear.scatter [tilespmem:s8], [sflag:$0x2], $0x10000, $0x38;
	[tilespmem:$0x10200] =	vst v63  }
0x23: {  	_ =	swait.ge [sflag:s7], $0x10000  }
0x24: {  	s13 =	smov.u32 s15;
	s11 =	sadd.s32 $0x2000, s11;
	[sflag:s7] =	ssyncset.done $0x0  }
0x25: {  	s12 =	sadd.s32 s12, s6;
	[sflag:s7] =	ssyncadd.s32 $0xFFFF0000  }
0x26: {  	[tilespmem:s2], [sflag:$0x2] =	stream.linear.gather [hbm4b:s12+s2], $0x200, $0x38;
	[tilespmem:$0x10200] =	vst v63  }
0x27: {  	_ =	swait.ge [sflag:s7], $0x200  }
0x28: {  	[sflag:s7] =	ssyncset.done $0x0  }
0x29: {  	[sflag:s7] =	ssyncadd.s32 $0xFFFFFE00  }
0x2a: {  	[tilespmem:s8], [sflag:$0x1] =	stream.indirect.gather [hbm4b:s3+s8], $0x80, s2, s8, $0xb8;
	[tilespmem:$0x10200] =	vst v63  }
0x2b: {  	s10 =	sadd.s32 $0x1, s10;
	_ =	swait.ge [sflag:s9], $0x10000  }
0x2c: {  	p0 =	sne.s32 s10, s4;
	[sflag:s9] =	ssyncset.done $0x0  }
.Ltmp1:
0x2d: {  	[sflag:s9] =	ssyncadd.s32 $0xFFFF0000;
	(pc) =	sbr.rel @p0 .LBB2_1-.Ltmp1, $4  }
0x2e: {  	[hbm4b:s11+s2] =	stream.linear.scatter [tilespmem:s8], [sflag:$0x2], $0x10000, $0x38;
	[tilespmem:$0x10200] =	vst v63  }
0x2f: {  	_ =	swait.ge [sflag:s7], $0x10000  }
0x30: {  	[sflag:s7] =	ssyncset.done $0x0  }
0x31: {  	[sflag:s7] =	ssyncadd.s32 $0xFFFF0000  }
0x32: {  	_ =	sfence.sel $0x180000  }
0x33: {  	[bflag:$0x0] =	sbarrier.arrive $0xFFFF  }
0x34: {  	p0 =	sne.s32 s1, $0x0;
	_ =	strace $0x90000047  }
0x35: {  	s0 =	sadd.s32 @!p0 $0x100000, s0;
	[bflag:$0x2] =	sbarrier.arrive $0xFFFF  }
0x36: {  	[sflag:s0] =	ssyncadd.tile.s32 @!p0 $0x1;
	_ =	shalt  }
.Lfunc_end2:
_tile_overlayer_lowered:
.L_overlay_start_2:
0x37: {  	(tag) =	ssettag $0x2  }
0x38: {  	s0 =	rddreg [dreg:$0x0];
	s2 =	stileid.u32  }
0x39: {  	s1 =	rddreg [dreg:$0x1];
	p0 =	sne.s32 s2, $0x0  }
0x3a: {  	s3 =	rddreg [dreg:$0x2];
	[bflag:$0x3] =	sbarrier.arrive $0xFFFF;
	s2 =	simm.s32 @!p0 $0x1C02  }
0x3b: {  	[timem:s3], [sflag:s2] =	dma.local @!p0 [hbm:s0], s1  }
0x3c: {  	s0 =	simm.s32 @!p0 $0x2  }
0x3d: {  	_ =	swait.ge @!p0 [sflag:s0], s1  }
0x3e: {  	s1 =	ssub.s32 @!p0 $0x0, s1;
	[sflag:s0] =	ssyncset.done @!p0 $0x0  }
0x3f: {  	[sflag:s0] =	ssyncadd.s32 @!p0 s1  }
0x40: {  	[bflag:$0x3] =	sbarrier.arrive $0xFFFF  }
0x41: {  	_ =	shalt  }

// kernel: kernel.13.cloned.1.call-start
scs
__scs_entry_jumppad:
0x0: {  	(pc) =	sbr.rel $0x88, $3  }
0x1: {  	(tag) =	ssettag $0x0;
	lr =	simm.s32 $0x1  }
0x2: {  	[smem:$0x3F8A] =	sst lr;
	_ =	strace $0xD0000000  }
0x3: {  	_ = 	snop  }
0x4: {  	_ = 	snop  }
0x5: {  	_ = 	snop  }
0x6: {  	_ = 	snop  }
0x7: {  	_ = 	snop  }
__scs_overlays_trampoline_lowered:
0x8: {  	[smem:$0x3F99] =	sst s0  }
0x9: {  	[smem:$0x3F9A] =	sst s1  }
0xa: {  	[smem:$0x3F9B] =	sst s2  }
0xb: {  	[smem:$0x3F9C] =	sst s3  }
0xc: {  	[smem:$0x3F9D] =	sst s4  }
0xd: {  	[smem:$0x3F9E] =	sst s5  }
0xe: {  	[smem:$0x3F9F] =	sst s6  }
0xf: {  	[smem:$0x3FA0] =	sst s7  }
0x10: {  	[smem:$0x3FA1] =	sst s8  }
0x11: {  	[smem:$0x3FA2] =	sst s9;
	s0 =	simm.s32 @!p0 $0x0  }
0x12: {  	s1 =	sld [smem:$0x3F88];
	s0 =	simm.s32 @p0 $0x1  }
0x13: {  	[smem:$0x3FA3] =	sst s0;
	s0 =	simm.s32 @!p1 $0x0  }
0x14: {  	s2 =	sld [smem:$0x3F87];
	s0 =	simm.s32 @p1 $0x1  }
0x15: {  	[smem:$0x3FA4] =	sst s0;
	s0 =	simm.s32 @!p2 $0x0  }
0x16: {  	s3 =	sld [smem:$0x3FDB];
	s0 =	simm.s32 @p2 $0x1  }
0x17: {  	s4 =	simm.s32 $0x1BF5;
	[smem:$0x3FA6] =	sst s0  }
0x18: {  	s0 =	sld [smem:$0x3F89];
	_ =	swait.ge [sflag:s4], $0x0  }
0x19: {  	s7 =	sld [smem:$0x3F8A]  }
0x1a: {  	s8 =	sadd.s32 $0xFFFFE003, lr  }
0x1b: {  	s9 =	sadd.s32 $0xFFFFFEF7, lr;
	s5 =	simm.s32 $0xFFFFFFFF;
	p2 =	slt.u32 s8, $0xFFFFF086  }
0x1c: {  	p1 =	slt.u32 s9, $0xF7A;
	s5 =	simm.s32 @!p2 $0x0  }
0x1d: {  	s5 =	simm.s32 @p1 $0x1;
	p0 =	seq.s32 s7, s2  }
0x1e: {  	s7 =	smul.u32 @!p0 $0xF7A, s2;
	p2 =	seq.s32 @!p0 s5, $0x0  }
0x1f: {  	s9 =	smul.u32 $0xF7A, s1;
	s8 =	simm.s32 @!p0 $0x1BF5;
	p2 =	por !p2, p0  }
0x20: {  	[sflag:s8] =	ssyncset.s32 @!p0 $0xFFFFF086;
	s6 =	sadd.s32 @!p0 s3, s7;
	s7 =	simm.s32 @!p0 $0x108  }
0x21: {  	s3 =	sadd.s32 s3, s9;
	s6 =	sadd.s32 @!p0 $0x88, s6;
	s7 =	simm.s32 @p2 $0x1082  }
0x22: {  	[simem:s7], [sflag:s8] =	dma.local @!p0 [hbm:s6], $0xF7A  }
0x23: {  	s9 =	sor.u32 $0xD0000000, s2;
	s6 =	simm.s32 $0x108;
	_ =	swait.ge @!p0 [sflag:s8], $0x0  }
0x24: {  	s3 =	sadd.s32 $0x88, s3;
	s6 =	simm.s32 @!p1 $0x1082;
	[sflag:s4] =	ssyncset.s32 $0xFFFFF086  }
0x25: {  	[simem:s6], [sflag:s4] =	dma.local [hbm:s3], $0xF7A  }
0x26: {  	[smem:$0x3F8A] =	sst s1;
	(tag) =	ssettag s2;
	_ =	strace s9  }
0x27: {  	s1 =	sld [smem:$0x3F9A]  }
0x28: {  	s2 =	sld [smem:$0x3F9B]  }
0x29: {  	s4 =	sld [smem:$0x3F9D]  }
0x2a: {  	p0 =	seq.s32 s5, $0x0;
	s5 =	sld [smem:$0x3F9E]  }
0x2b: {  	s6 =	sld [smem:$0x3F9F]  }
0x2c: {  	s7 =	sld [smem:$0x3FA0]  }
0x2d: {  	s3 =	simm.s32 $0x108;
	s8 =	sld [smem:$0x3FA1]  }
0x2e: {  	s3 =	simm.s32 @!p0 $0x1082;
	s9 =	sld [smem:$0x3FA2]  }
0x2f: {  	lr =	sadd.s32 s0, s3;
	s0 =	sld [smem:$0x3F99]  }
0x30: {  	s3 =	sld [smem:$0x3F9C]  }
0x31: {  	[smem:$0x3FA5] =	sst s10  }
0x32: {  	s10 =	sld [smem:$0x3FA3];
	_ =	sdelay $0x3  }
0x33: {  	p0 =	seq.s32 s10, $0x1;
	s10 =	sld [smem:$0x3FA5];
	_ =	sdelay $0x3  }
0x34: {  	[smem:$0x3FA5] =	sst s10  }
0x35: {  	s10 =	sld [smem:$0x3FA4];
	_ =	sdelay $0x3  }
0x36: {  	p1 =	seq.s32 s10, $0x1;
	s10 =	sld [smem:$0x3FA5];
	_ =	sdelay $0x3  }
0x37: {  	[smem:$0x3FA5] =	sst s10  }
0x38: {  	s10 =	sld [smem:$0x3FA6]  }
0x39: {  	_ = 	snop;
	(pc) =	sbr.ind lr, $3  }
0x3a: {  	_ = 	snop  }
0x3b: {  	_ = 	snop  }
0x3c: {  	p2 =	seq.s32 s10, $0x1;
	s10 =	sld [smem:$0x3FA5]  }
0x3d: {  	_ =	shalt  }
0x3e: {  	_ =	shalt  }
0x3f: {  	_ =	shalt  }
0x40: {  	_ =	shalt  }
0x41: {  	_ =	shalt  }
0x42: {  	_ =	shalt  }
0x43: {  	_ =	shalt  }
0x44: {  	_ =	shalt  }
0x45: {  	_ =	shalt  }
0x46: {  	_ =	shalt  }
0x47: {  	_ =	shalt  }
0x48: {  	_ =	shalt  }
0x49: {  	_ =	shalt  }
0x4a: {  	_ =	shalt  }
0x4b: {  	_ =	shalt  }
0x4c: {  	_ =	shalt  }
0x4d: {  	_ =	shalt  }
0x4e: {  	_ =	shalt  }
0x4f: {  	_ =	shalt  }
0x50: {  	_ =	shalt  }
0x51: {  	_ =	shalt  }
0x52: {  	_ =	shalt  }
0x53: {  	_ =	shalt  }
0x54: {  	_ =	shalt  }
0x55: {  	_ =	shalt  }
0x56: {  	_ =	shalt  }
0x57: {  	_ =	shalt  }
0x58: {  	_ =	shalt  }
0x59: {  	_ =	shalt  }
0x5a: {  	_ =	shalt  }
0x5b: {  	_ =	shalt  }
0x5c: {  	_ =	shalt  }
0x5d: {  	_ =	shalt  }
0x5e: {  	_ =	shalt  }
0x5f: {  	_ =	shalt  }
0x60: {  	_ =	shalt  }
0x61: {  	_ =	shalt  }
0x62: {  	_ =	shalt  }
0x63: {  	_ =	shalt  }
0x64: {  	_ =	shalt  }
0x65: {  	_ =	shalt  }
0x66: {  	_ =	shalt  }
0x67: {  	_ =	shalt  }
0x68: {  	_ =	shalt  }
0x69: {  	_ =	shalt  }
0x6a: {  	_ =	shalt  }
0x6b: {  	_ =	shalt  }
0x6c: {  	_ =	shalt  }
0x6d: {  	_ =	shalt  }
0x6e: {  	_ =	shalt  }
0x6f: {  	_ =	shalt  }
0x70: {  	_ =	shalt  }
0x71: {  	_ =	shalt  }
0x72: {  	_ =	shalt  }
0x73: {  	_ =	shalt  }
0x74: {  	_ =	shalt  }
0x75: {  	_ =	shalt  }
0x76: {  	_ =	shalt  }
0x77: {  	_ =	shalt  }
0x78: {  	_ =	shalt  }
0x79: {  	_ =	shalt  }
0x7a: {  	_ =	shalt  }
0x7b: {  	_ =	shalt  }
0x7c: {  	_ =	shalt  }
0x7d: {  	_ =	shalt  }
0x7e: {  	_ =	shalt  }
0x7f: {  	_ =	shalt  }
0x80: {  	_ =	shalt  }
0x81: {  	_ =	shalt  }
0x82: {  	_ =	shalt  }
0x83: {  	_ =	shalt  }
0x84: {  	_ =	shalt  }
0x85: {  	_ =	shalt  }
0x86: {  	_ =	shalt  }
0x87: {  	_ =	shalt  }
.Lfunc_end0:
.L_simem_size_0:
called_computation.6_lowered:
.L_overlay_start_0:
0x88: {  	s2 =	sld [smem:$0x3FD9]  }
0x89: {  	s3 =	sld [smem:$0x3FFE];
	_ =	sdelay $0x1  }
0x8a: {  	s1 =	srdreg.scid  }
0x8b: {  	s0 =	sand.u32 $0x1, s1  }
0x8c: {  	s16 =	sshll.u32 s0, $0xA;
	s2 =	sadd.s32 s3, s2  }
0x8d: {  	s2 =	sadd.s32 s2, s16  }
0x8e: {  	[smem:$0x3FB1] =	sst s2  }
0x8f: {  	_ = 	snop  }
0x90: {  	(tm) =	ssettm $0x1  }
0x91: {  	s17 =	sld [smem:$0x3FFB];
	_ =	sdelay $0x3  }
0x92: {  	_ =	strace s17  }
0x93: {  	s2 =	sld [smem:$0x3FFC];
	_ =	sdelay $0x3  }
0x94: {  	_ =	strace s2  }
0x95: {  	s2 =	sld [smem:$0x3FFD];
	_ =	sdelay $0x3  }
0x96: {  	_ =	strace s2  }
0x97: {  	_ =	strace $0x8FFFFFFF  }
0x98: {  	s18 =	sld [smem:$0x3FDB];
	_ =	sdelay $0x1  }
0x99: {  	s19 =	simm.s32 $_scs_section_size  }
0x9a: {  	s4 =	simm.s32 $_size__tile_overlayer_lowered;
	s5 =	simm.s32 $_tile_overlayer_lowered  }
0x9b: {  	s22 =	simm.s32 $0x1BFF;
	s21 =	sshll.u32 s5, $0x1;
	s2 =	sadd.s32 s19, s18  }
0x9c: {  	s6 =	simm.s32 $0x0;
	s20 =	sshll.u32 s4, $0x1;
	s4 =	sadd.s32 s21, s2  }
0x9d: {  	[timem:s6], [sflag:s22] =	dma.local [hbm:s4], s20  }
0x9e: {  	_ =	swait.ge [sflag:s22], s20  }
0x9f: {  	s3 =	ssub.s32 $0x0, s20;
	[sflag:s22] =	ssyncset.done $0x0  }
0xa0: {  	[sflag:s22] =	ssyncadd.s32 s3;
	_ =	sdelay $0x1  }
0xa1: {  	s23 =	simm.s32 $0x1B8B  }
0xa2: {  	_ =	swait.ge [sflag:s23], $0x1  }
0xa3: {  	[sflag:s23] =	ssyncset.done $0x0  }
0xa4: {  	s25 =	simm.s32 $0x1B8E;
	s24 =	sld [smem:$0x3FFE];
	[sflag:s23] =	ssyncadd.s32 $0xFFFFFFFF  }
0xa5: {  	s26 =	simm.s32 $execute0_lowered;
	[smem:$0x3FD2] =	sst s25  }
0xa6: {  	s4 =	sshll.u32 s26, $0x1;
	_ =	strace $0x8000004C;
	[dreg:$0x1] =	wrdreg $0xFFFFFFFF  }
0xa7: {  	s28 =	simm.s32 $_size_execute0_lowered;
	s2 =	sadd.s32 s2, s4;
	[dreg:$0x0] =	wrdreg $0x0  }
0xa8: {  	s4 =	sshll.u32 s28, $0x1;
	[dreg:$0x2] =	wrdreg s2  }
0xa9: {  	[dreg:$0x3] =	wrdreg s4  }
0xaa: {  	[dreg:$0x4] =	wrdreg $0xC0  }
0xab: {  	_ =	task [dreg:s6], $0x5FFFF  }
0xac: {  	[dreg:$0x1] =	wrdreg $0xFFFFFFFF  }
0xad: {  	[dreg:$0x0] =	wrdreg $0x60  }
0xae: {  	[dreg:$0x2] =	wrdreg s24  }
0xaf: {  	[dreg:$0x3] =	wrdreg $0x9  }
0xb0: {  	_ =	task.clear_ibuf [dreg:s6], $0x4FFFF;
	_ =	strace $0x9000004C  }
0xb1: {  	s29 =	simm.s32 $0x9;
	_ =	strace $0x8000004E  }
0xb2: {  	_ =	swait.ge [sflag:s29], $0x1  }
0xb3: {  	[sflag:s29] =	ssyncadd.s32 $0xFFFFFFFF  }
0xb4: {  	_ =	strace $0x9000004E  }
0xb5: {  	_ =	sfence  }
0xb6: {  	s30 =	sld [smem:$0x0];
	_ =	sdelay $0x2  }
0xb7: {  	s31 =	sshll.u32 s1, $0xD;
	s1 =	sshrl.u32 s1, $0x2  }
0xb8: {  	s3 =	sand.u32 $0x4000, s31;
	s1 =	sadd.s32 s1, s30  }
0xb9: {  	s0 =	sor.u32 s3, s0;
	s1 =	sshll.u32 s1, $0x11  }
0xba: {  	s0 =	sor.u32 s1, s0  }
0xbb: {  	s0 =	sadd.s32 $0x8F2B, s0  }
0xbc: {  	[sflag:s0] =	ssyncadd.remote.s32 $0x1  }
0xbd: {  	_ =	sfence.sel $0xFFFF  }
0xbe: {  	[dreg:$0x0] =	wrdreg $0xFFFFFFFF;
	(pc) =	sbr.abs _section_cstart, $3  }
0xbf: {  	[dreg:$0x1] =	wrdreg $0xFFFFFFFF  }
0xc0: {  	_ =	task.clear_ibuf [dreg:s6], $0x2FFFF;
	_ =	strace $0x9FFFFFFF  }
0xc1: {  	(tm) =	ssettm $0x7FFFFFFF  }
tec
execute0_lowered:
.L_overlay_start_1:
0x0: {  	(tag) =	ssettag $0x1  }
0x1: {  	s3 =	rddreg [dreg:$0x0];
	s2 =	srdreg.scid  }
0x2: {  	s0 =	rddreg [dreg:$0x1];
	s1 =	stileid.u32  }
0x3: {  	s9 =	simm.s32 $0x1;
	s10 =	simm.s32 $0x0;
	s4 =	sand.u32 $0x1, s2  }
0x4: {  	s2 =	simm.s32 $0x0;
	s5 =	sshll.u32 s1, $0xE;
	s30 =	sshll.u32 s1, $0x12  }
0x5: {  	s6 =	sshll.u32 s4, $0xD;
	[smem:$0x7FF] =	sst s2;
	s29 =	ssub.s32 $0x2, s4  }
0x6: {  	s31 =	sshll.u32 s4, $0x11;
	s5 =	sor.u32 s6, s5;
	s8 =	sshrl.u32 s29, $0x1  }
0x7: {  	_ =	strace $0x8000004D;
	s5 =	sshrl.u32 s5, $0x3;
	s6 =	ssub.s32 s29, s8  }
0x8: {  	s8 =	simm.s32 $0x200;
	s7 =	sadd.s32 s5, s3;
	s5 =	sadd.s32 s30, s3  }
0x9: {  	s3 =	sadd.s32 $0x19E00, s3;
	s4 =	smax.u32 s6, $0x1;
	s5 =	sadd.s32 s31, s5  }
0xa: {  	s6 =	sadd.s32 $0x849E00, s7;
	s7 =	simm.s32 $0x2;
	s5 =	sadd.s32 $0x59E00, s5  }
.LBB2_1:
0xb: {  	s11 =	sadd.s32 $0x0, s6  }
0xc: {  	[tilespmem:s2], [sflag:$0x2] =	stream.linear.gather [hbm4b:s11+s2], $0x200, $0x38;
	[tilespmem:$0x10200] =	vst v63  }
0xd: {  	_ =	swait.ge [sflag:s7], $0x200  }
0xe: {  	[sflag:s7] =	ssyncset.done $0x0  }
0xf: {  	[sflag:s7] =	ssyncadd.s32 $0xFFFFFE00  }
0x10: {  	[tilespmem:s8], [sflag:$0x1] =	stream.indirect.gather [hbm4b:s3+s8], $0x80, s2, s8, $0xb8;
	[tilespmem:$0x10200] =	vst v63  }
0x11: {  	_ =	swait.ge [sflag:s9], $0x10000  }
0x12: {  	[sflag:s9] =	ssyncset.done $0x0  }
0x13: {  	[sflag:s9] =	ssyncadd.s32 $0xFFFF0000  }
0x14: {  	[hbm4b:s5+s2] =	stream.linear.scatter [tilespmem:s8], [sflag:$0x2], $0x10000, $0x38;
	[tilespmem:$0x10200] =	vst v63  }
0x15: {  	s12 =	simm.s32 $0x40;
	_ =	swait.ge [sflag:s7], $0x10000  }
0x16: {  	s13 =	simm.s32 $0x80;
	s11 =	sadd.s32 $0x2000, s5;
	[sflag:s7] =	ssyncset.done $0x0  }
.LBB2_2:
0x17: {  	s14 =	sadd.s32 s12, s6  }
0x18: {  	[sflag:s7] =	ssyncadd.s32 $0xFFFF0000;
	s12 =	smov.u32 s13;
	s15 =	sadd.s32 $0x40, s13  }
0x19: {  	[tilespmem:s2], [sflag:$0x2] =	stream.linear.gather [hbm4b:s14+s2], $0x200, $0x38;
	[tilespmem:$0x10200] =	vst v63  }
0x1a: {  	p0 =	sne.s32 s13, $0x3C0;
	_ =	swait.ge [sflag:s7], $0x200  }
0x1b: {  	[sflag:s7] =	ssyncset.done $0x0  }
0x1c: {  	[sflag:s7] =	ssyncadd.s32 $0xFFFFFE00  }
0x1d: {  	[tilespmem:s8], [sflag:$0x1] =	stream.indirect.gather [hbm4b:s3+s8], $0x80, s2, s8, $0xb8;
	[tilespmem:$0x10200] =	vst v63  }
0x1e: {  	_ =	swait.ge [sflag:s9], $0x10000  }
.Ltmp0:
0x1f: {  	[sflag:s9] =	ssyncset.done $0x0;
	(pc) =	sbr.rel @p0 .LBB2_2-.Ltmp0, $4  }
0x20: {  	[sflag:s9] =	ssyncadd.s32 $0xFFFF0000  }
0x21: {  	[hbm4b:s11+s2] =	stream.linear.scatter [tilespmem:s8], [sflag:$0x2], $0x10000, $0x38;
	[tilespmem:$0x10200] =	vst v63  }
0x22: {  	_ =	swait.ge [sflag:s7], $0x10000  }
0x23: {  	s13 =	smov.u32 s15;
	s11 =	sadd.s32 $0x2000, s11;
	[sflag:s7] =	ssyncset.done $0x0  }
0x24: {  	s12 =	sadd.s32 s12, s6;
	[sflag:s7] =	ssyncadd.s32 $0xFFFF0000  }
0x25: {  	[tilespmem:s2], [sflag:$0x2] =	stream.linear.gather [hbm4b:s12+s2], $0x200, $0x38;
	[tilespmem:$0x10200] =	vst v63  }
0x26: {  	_ =	swait.ge [sflag:s7], $0x200  }
0x27: {  	[sflag:s7] =	ssyncset.done $0x0  }
0x28: {  	[sflag:s7] =	ssyncadd.s32 $0xFFFFFE00  }
0x29: {  	[tilespmem:s8], [sflag:$0x1] =	stream.indirect.gather [hbm4b:s3+s8], $0x80, s2, s8, $0xb8;
	[tilespmem:$0x10200] =	vst v63  }
0x2a: {  	s10 =	sadd.s32 $0x1, s10;
	_ =	swait.ge [sflag:s9], $0x10000  }
0x2b: {  	p0 =	sne.s32 s10, s4;
	[sflag:s9] =	ssyncset.done $0x0  }
.Ltmp1:
0x2c: {  	[sflag:s9] =	ssyncadd.s32 $0xFFFF0000;
	(pc) =	sbr.rel @p0 .LBB2_1-.Ltmp1, $4  }
0x2d: {  	[hbm4b:s11+s2] =	stream.linear.scatter [tilespmem:s8], [sflag:$0x2], $0x10000, $0x38;
	[tilespmem:$0x10200] =	vst v63  }
0x2e: {  	_ =	swait.ge [sflag:s7], $0x10000  }
0x2f: {  	[sflag:s7] =	ssyncset.done $0x0  }
0x30: {  	[sflag:s7] =	ssyncadd.s32 $0xFFFF0000  }
0x31: {  	_ =	sfence.sel $0x180000  }
0x32: {  	[bflag:$0x0] =	sbarrier.arrive $0xFFFF  }
0x33: {  	p0 =	sne.s32 s1, $0x0;
	_ =	strace $0x9000004D  }
0x34: {  	s0 =	sadd.s32 @!p0 $0x100000, s0;
	[bflag:$0x2] =	sbarrier.arrive $0xFFFF  }
0x35: {  	[sflag:s0] =	ssyncadd.tile.s32 @!p0 $0x1;
	_ =	shalt  }
.Lfunc_end2:
_tile_overlayer_lowered:
.L_overlay_start_2:
0x36: {  	(tag) =	ssettag $0x2  }
0x37: {  	s0 =	rddreg [dreg:$0x0];
	s2 =	stileid.u32  }
0x38: {  	s1 =	rddreg [dreg:$0x1];
	p0 =	sne.s32 s2, $0x0  }
0x39: {  	s3 =	rddreg [dreg:$0x2];
	[bflag:$0x3] =	sbarrier.arrive $0xFFFF;
	s2 =	simm.s32 @!p0 $0x1C02  }
0x3a: {  	[timem:s3], [sflag:s2] =	dma.local @!p0 [hbm:s0], s1  }
0x3b: {  	s0 =	simm.s32 @!p0 $0x2  }
0x3c: {  	_ =	swait.ge @!p0 [sflag:s0], s1  }
0x3d: {  	s1 =	ssub.s32 @!p0 $0x0, s1;
	[sflag:s0] =	ssyncset.done @!p0 $0x0  }
0x3e: {  	[sflag:s0] =	ssyncadd.s32 @!p0 s1  }
0x3f: {  	[bflag:$0x3] =	sbarrier.arrive $0xFFFF  }
0x40: {  	_ =	shalt  }

// kernel: kernel.16.cloned.1.call-start
scs
__scs_entry_jumppad:
0x0: {  	(pc) =	sbr.rel $0x88, $3  }
0x1: {  	(tag) =	ssettag $0x0;
	lr =	simm.s32 $0x1  }
0x2: {  	[smem:$0x3F8A] =	sst lr;
	_ =	strace $0xD0000000  }
0x3: {  	_ = 	snop  }
0x4: {  	_ = 	snop  }
0x5: {  	_ = 	snop  }
0x6: {  	_ = 	snop  }
0x7: {  	_ = 	snop  }
__scs_overlays_trampoline_lowered:
0x8: {  	[smem:$0x3F99] =	sst s0  }
0x9: {  	[smem:$0x3F9A] =	sst s1  }
0xa: {  	[smem:$0x3F9B] =	sst s2  }
0xb: {  	[smem:$0x3F9C] =	sst s3  }
0xc: {  	[smem:$0x3F9D] =	sst s4  }
0xd: {  	[smem:$0x3F9E] =	sst s5  }
0xe: {  	[smem:$0x3F9F] =	sst s6  }
0xf: {  	[smem:$0x3FA0] =	sst s7  }
0x10: {  	[smem:$0x3FA1] =	sst s8  }
0x11: {  	[smem:$0x3FA2] =	sst s9;
	s0 =	simm.s32 @!p0 $0x0  }
0x12: {  	s1 =	sld [smem:$0x3F88];
	s0 =	simm.s32 @p0 $0x1  }
0x13: {  	[smem:$0x3FA3] =	sst s0;
	s0 =	simm.s32 @!p1 $0x0  }
0x14: {  	s2 =	sld [smem:$0x3F87];
	s0 =	simm.s32 @p1 $0x1  }
0x15: {  	[smem:$0x3FA4] =	sst s0;
	s0 =	simm.s32 @!p2 $0x0  }
0x16: {  	s3 =	sld [smem:$0x3FDB];
	s0 =	simm.s32 @p2 $0x1  }
0x17: {  	s4 =	simm.s32 $0x1BF5;
	[smem:$0x3FA6] =	sst s0  }
0x18: {  	s0 =	sld [smem:$0x3F89];
	_ =	swait.ge [sflag:s4], $0x0  }
0x19: {  	s7 =	sld [smem:$0x3F8A]  }
0x1a: {  	s8 =	sadd.s32 $0xFFFFE003, lr  }
0x1b: {  	s9 =	sadd.s32 $0xFFFFFEF7, lr;
	s5 =	simm.s32 $0xFFFFFFFF;
	p2 =	slt.u32 s8, $0xFFFFF086  }
0x1c: {  	p1 =	slt.u32 s9, $0xF7A;
	s5 =	simm.s32 @!p2 $0x0  }
0x1d: {  	s5 =	simm.s32 @p1 $0x1;
	p0 =	seq.s32 s7, s2  }
0x1e: {  	s7 =	smul.u32 @!p0 $0xF7A, s2;
	p2 =	seq.s32 @!p0 s5, $0x0  }
0x1f: {  	s9 =	smul.u32 $0xF7A, s1;
	s8 =	simm.s32 @!p0 $0x1BF5;
	p2 =	por !p2, p0  }
0x20: {  	[sflag:s8] =	ssyncset.s32 @!p0 $0xFFFFF086;
	s6 =	sadd.s32 @!p0 s3, s7;
	s7 =	simm.s32 @!p0 $0x108  }
0x21: {  	s3 =	sadd.s32 s3, s9;
	s6 =	sadd.s32 @!p0 $0x88, s6;
	s7 =	simm.s32 @p2 $0x1082  }
0x22: {  	[simem:s7], [sflag:s8] =	dma.local @!p0 [hbm:s6], $0xF7A  }
0x23: {  	s9 =	sor.u32 $0xD0000000, s2;
	s6 =	simm.s32 $0x108;
	_ =	swait.ge @!p0 [sflag:s8], $0x0  }
0x24: {  	s3 =	sadd.s32 $0x88, s3;
	s6 =	simm.s32 @!p1 $0x1082;
	[sflag:s4] =	ssyncset.s32 $0xFFFFF086  }
0x25: {  	[simem:s6], [sflag:s4] =	dma.local [hbm:s3], $0xF7A  }
0x26: {  	[smem:$0x3F8A] =	sst s1;
	(tag) =	ssettag s2;
	_ =	strace s9  }
0x27: {  	s1 =	sld [smem:$0x3F9A]  }
0x28: {  	s2 =	sld [smem:$0x3F9B]  }
0x29: {  	s4 =	sld [smem:$0x3F9D]  }
0x2a: {  	p0 =	seq.s32 s5, $0x0;
	s5 =	sld [smem:$0x3F9E]  }
0x2b: {  	s6 =	sld [smem:$0x3F9F]  }
0x2c: {  	s7 =	sld [smem:$0x3FA0]  }
0x2d: {  	s3 =	simm.s32 $0x108;
	s8 =	sld [smem:$0x3FA1]  }
0x2e: {  	s3 =	simm.s32 @!p0 $0x1082;
	s9 =	sld [smem:$0x3FA2]  }
0x2f: {  	lr =	sadd.s32 s0, s3;
	s0 =	sld [smem:$0x3F99]  }
0x30: {  	s3 =	sld [smem:$0x3F9C]  }
0x31: {  	[smem:$0x3FA5] =	sst s10  }
0x32: {  	s10 =	sld [smem:$0x3FA3];
	_ =	sdelay $0x3  }
0x33: {  	p0 =	seq.s32 s10, $0x1;
	s10 =	sld [smem:$0x3FA5];
	_ =	sdelay $0x3  }
0x34: {  	[smem:$0x3FA5] =	sst s10  }
0x35: {  	s10 =	sld [smem:$0x3FA4];
	_ =	sdelay $0x3  }
0x36: {  	p1 =	seq.s32 s10, $0x1;
	s10 =	sld [smem:$0x3FA5];
	_ =	sdelay $0x3  }
0x37: {  	[smem:$0x3FA5] =	sst s10  }
0x38: {  	s10 =	sld [smem:$0x3FA6]  }
0x39: {  	_ = 	snop;
	(pc) =	sbr.ind lr, $3  }
0x3a: {  	_ = 	snop  }
0x3b: {  	_ = 	snop  }
0x3c: {  	p2 =	seq.s32 s10, $0x1;
	s10 =	sld [smem:$0x3FA5]  }
0x3d: {  	_ =	shalt  }
0x3e: {  	_ =	shalt  }
0x3f: {  	_ =	shalt  }
0x40: {  	_ =	shalt  }
0x41: {  	_ =	shalt  }
0x42: {  	_ =	shalt  }
0x43: {  	_ =	shalt  }
0x44: {  	_ =	shalt  }
0x45: {  	_ =	shalt  }
0x46: {  	_ =	shalt  }
0x47: {  	_ =	shalt  }
0x48: {  	_ =	shalt  }
0x49: {  	_ =	shalt  }
0x4a: {  	_ =	shalt  }
0x4b: {  	_ =	shalt  }
0x4c: {  	_ =	shalt  }
0x4d: {  	_ =	shalt  }
0x4e: {  	_ =	shalt  }
0x4f: {  	_ =	shalt  }
0x50: {  	_ =	shalt  }
0x51: {  	_ =	shalt  }
0x52: {  	_ =	shalt  }
0x53: {  	_ =	shalt  }
0x54: {  	_ =	shalt  }
0x55: {  	_ =	shalt  }
0x56: {  	_ =	shalt  }
0x57: {  	_ =	shalt  }
0x58: {  	_ =	shalt  }
0x59: {  	_ =	shalt  }
0x5a: {  	_ =	shalt  }
0x5b: {  	_ =	shalt  }
0x5c: {  	_ =	shalt  }
0x5d: {  	_ =	shalt  }
0x5e: {  	_ =	shalt  }
0x5f: {  	_ =	shalt  }
0x60: {  	_ =	shalt  }
0x61: {  	_ =	shalt  }
0x62: {  	_ =	shalt  }
0x63: {  	_ =	shalt  }
0x64: {  	_ =	shalt  }
0x65: {  	_ =	shalt  }
0x66: {  	_ =	shalt  }
0x67: {  	_ =	shalt  }
0x68: {  	_ =	shalt  }
0x69: {  	_ =	shalt  }
0x6a: {  	_ =	shalt  }
0x6b: {  	_ =	shalt  }
0x6c: {  	_ =	shalt  }
0x6d: {  	_ =	shalt  }
0x6e: {  	_ =	shalt  }
0x6f: {  	_ =	shalt  }
0x70: {  	_ =	shalt  }
0x71: {  	_ =	shalt  }
0x72: {  	_ =	shalt  }
0x73: {  	_ =	shalt  }
0x74: {  	_ =	shalt  }
0x75: {  	_ =	shalt  }
0x76: {  	_ =	shalt  }
0x77: {  	_ =	shalt  }
0x78: {  	_ =	shalt  }
0x79: {  	_ =	shalt  }
0x7a: {  	_ =	shalt  }
0x7b: {  	_ =	shalt  }
0x7c: {  	_ =	shalt  }
0x7d: {  	_ =	shalt  }
0x7e: {  	_ =	shalt  }
0x7f: {  	_ =	shalt  }
0x80: {  	_ =	shalt  }
0x81: {  	_ =	shalt  }
0x82: {  	_ =	shalt  }
0x83: {  	_ =	shalt  }
0x84: {  	_ =	shalt  }
0x85: {  	_ =	shalt  }
0x86: {  	_ =	shalt  }
0x87: {  	_ =	shalt  }
.Lfunc_end0:
.L_simem_size_0:
called_computation.7_lowered:
.L_overlay_start_0:
0x88: {  	s2 =	sld [smem:$0x3FD9]  }
0x89: {  	s3 =	sld [smem:$0x3FFE];
	_ =	sdelay $0x1  }
0x8a: {  	s1 =	srdreg.scid  }
0x8b: {  	s0 =	sand.u32 $0x1, s1  }
0x8c: {  	s17 =	sshll.u32 s0, $0xA;
	s2 =	sadd.s32 s3, s2  }
0x8d: {  	s2 =	sadd.s32 s2, s17  }
0x8e: {  	[smem:$0x3FB1] =	sst s2  }
0x8f: {  	_ = 	snop  }
0x90: {  	s2 =	sld [smem:$0x3FD0];
	(tm) =	ssettm $0x1  }
0x91: {  	s18 =	sld [smem:$0x3FFB];
	_ =	sdelay $0x3  }
0x92: {  	_ =	strace s18  }
0x93: {  	s3 =	sld [smem:$0x3FFC];
	_ =	sdelay $0x3  }
0x94: {  	_ =	strace s3  }
0x95: {  	s3 =	sld [smem:$0x3FFD];
	_ =	sdelay $0x3  }
0x96: {  	_ =	strace s3  }
0x97: {  	_ =	strace $0x8FFFFFFF  }
0x98: {  	s19 =	sld [smem:$0x3FDB];
	_ =	sdelay $0x1  }
0x99: {  	s4 =	simm.s32 $_scs_section_size  }
0x9a: {  	s5 =	simm.s32 $_size__tile_overlayer_lowered;
	s6 =	simm.s32 $_tile_overlayer_lowered  }
0x9b: {  	s22 =	simm.s32 $0x1BFF;
	s21 =	sshll.u32 s6, $0x1;
	s3 =	sadd.s32 s4, s19  }
0x9c: {  	s7 =	simm.s32 $0x0;
	s20 =	sshll.u32 s5, $0x1;
	s5 =	sadd.s32 s21, s3  }
0x9d: {  	[timem:s7], [sflag:s22] =	dma.local [hbm:s5], s20  }
0x9e: {  	_ =	swait.ge [sflag:s22], s20  }
0x9f: {  	s4 =	ssub.s32 $0x0, s20;
	[sflag:s22] =	ssyncset.done $0x0  }
0xa0: {  	[sflag:s22] =	ssyncadd.s32 s4;
	_ =	sdelay $0x1  }
0xa1: {  	s23 =	simm.s32 $0x1B8B  }
0xa2: {  	_ =	swait.ge [sflag:s23], $0x1  }
0xa3: {  	[sflag:s23] =	ssyncset.done $0x0  }
0xa4: {  	s25 =	simm.s32 $0x1B8E;
	s24 =	sld [smem:$0x3FFE];
	[sflag:s23] =	ssyncadd.s32 $0xFFFFFFFF  }
0xa5: {  	s26 =	simm.s32 $execute0_lowered;
	[smem:$0x3FD2] =	sst s25  }
0xa6: {  	s5 =	sshll.u32 s26, $0x1;
	_ =	strace $0x80000052;
	[dreg:$0x1] =	wrdreg $0xFFFFFFFF  }
0xa7: {  	s28 =	simm.s32 $_size_execute0_lowered;
	s3 =	sadd.s32 s3, s5;
	[dreg:$0x0] =	wrdreg $0x0  }
0xa8: {  	s5 =	sshll.u32 s28, $0x1;
	[dreg:$0x2] =	wrdreg s3  }
0xa9: {  	[dreg:$0x3] =	wrdreg s5  }
0xaa: {  	[dreg:$0x4] =	wrdreg $0xC0  }
0xab: {  	_ =	task [dreg:s7], $0x5FFFF  }
0xac: {  	[dreg:$0x1] =	wrdreg $0xFFFFFFFF  }
0xad: {  	[dreg:$0x0] =	wrdreg $0x60  }
0xae: {  	[dreg:$0x2] =	wrdreg s2  }
0xaf: {  	[dreg:$0x3] =	wrdreg s24  }
0xb0: {  	[dreg:$0x4] =	wrdreg $0x9  }
0xb1: {  	_ =	task.clear_ibuf [dreg:s7], $0x5FFFF;
	_ =	strace $0x90000052  }
0xb2: {  	s29 =	simm.s32 $0x9;
	_ =	strace $0x80000054  }
0xb3: {  	_ =	swait.ge [sflag:s29], $0x1  }
0xb4: {  	[sflag:s29] =	ssyncadd.s32 $0xFFFFFFFF  }
0xb5: {  	_ =	strace $0x90000054  }
0xb6: {  	_ =	sfence  }
0xb7: {  	s30 =	sld [smem:$0x0];
	_ =	sdelay $0x2  }
0xb8: {  	s31 =	sshll.u32 s1, $0xD;
	s1 =	sshrl.u32 s1, $0x2  }
0xb9: {  	s3 =	sand.u32 $0x4000, s31;
	s1 =	sadd.s32 s1, s30  }
0xba: {  	s0 =	sor.u32 s3, s0;
	s1 =	sshll.u32 s1, $0x11  }
0xbb: {  	s0 =	sor.u32 s1, s0  }
0xbc: {  	s0 =	sadd.s32 $0x8F2B, s0  }
0xbd: {  	[sflag:s0] =	ssyncadd.remote.s32 $0x1  }
0xbe: {  	_ =	sfence.sel $0xFFFF  }
0xbf: {  	[dreg:$0x0] =	wrdreg $0xFFFFFFFF;
	(pc) =	sbr.abs _section_cstart, $3  }
0xc0: {  	[dreg:$0x1] =	wrdreg $0xFFFFFFFF  }
0xc1: {  	_ =	task.clear_ibuf [dreg:s7], $0x2FFFF;
	_ =	strace $0x9FFFFFFF  }
0xc2: {  	(tm) =	ssettm $0x7FFFFFFF  }
0xc3: {  	_ =	shalt  }
tec
execute0_lowered:
.L_overlay_start_1:
0x0: {  	(tag) =	ssettag $0x1  }
0x1: {  	s6 =	rddreg [dreg:$0x0]  }
0x2: {  	s4 =	rddreg [dreg:$0x1]  }
0x3: {  	s0 =	rddreg [dreg:$0x2];
	s2 =	simm.s32 $0x0;
	s1 =	stileid.u32  }
0x4: {  	s3 =	srdreg.scid;
	[smem:$0x7FF] =	sst s2  }
0x5: {  	s5 =	sshll.u32 s1, $0x13;
	s7 =	sand.u32 $0x1, s3;
	s3 =	sadd.s32 $0x47A800, s4  }
0x6: {  	s9 =	sshll.u32 s1, $0xF;
	_ =	strace $0x80000053;
	s5 =	sadd.s32 s5, s4  }
0x7: {  	s29 =	ssub.s32 $0x2, s7;
	s10 =	sshll.u32 s7, $0xE;
	s7 =	sshll.u32 s7, $0x12  }
0x8: {  	s8 =	sshrl.u32 s29, $0x1;
	s30 =	sor.u32 s10, s9;
	s5 =	sadd.s32 s7, s5  }
0x9: {  	s7 =	simm.s32 $0x2;
	s9 =	simm.s32 $0x1;
	s10 =	simm.s32 $0x0  }
0xa: {  	s4 =	ssub.s32 s29, s8;
	s31 =	sshrl.u32 s30, $0x3;
	s5 =	sadd.s32 $0x851E00, s5  }
0xb: {  	s8 =	simm.s32 $0x200;
	s4 =	smax.u32 s4, $0x1;
	s6 =	sadd.s32 s31, s6  }
.LBB2_1:
0xc: {  	s11 =	sadd.s32 $0x0, s6  }
0xd: {  	[tilespmem:s2], [sflag:$0x2] =	stream.linear.gather [hbm4b:s11+s2], $0x200, $0x38;
	[tilespmem:$0x10200] =	vst v63  }
0xe: {  	_ =	swait.ge [sflag:s7], $0x200  }
0xf: {  	[sflag:s7] =	ssyncset.done $0x0  }
0x10: {  	[sflag:s7] =	ssyncadd.s32 $0xFFFFFE00  }
0x11: {  	[tilespmem:s8], [sflag:$0x1] =	stream.indirect.gather [hbm4b:s3+s8], $0x80, s2, s8, $0xb8;
	[tilespmem:$0x10200] =	vst v63  }
0x12: {  	_ =	swait.ge [sflag:s9], $0x10000  }
0x13: {  	[sflag:s9] =	ssyncset.done $0x0  }
0x14: {  	[sflag:s9] =	ssyncadd.s32 $0xFFFF0000  }
0x15: {  	[hbm4b:s5+s2] =	stream.linear.scatter [tilespmem:s8], [sflag:$0x2], $0x10000, $0x38;
	[tilespmem:$0x10200] =	vst v63  }
0x16: {  	s12 =	simm.s32 $0x40;
	_ =	swait.ge [sflag:s7], $0x10000  }
0x17: {  	s13 =	simm.s32 $0x80;
	s11 =	sadd.s32 $0x2000, s5;
	[sflag:s7] =	ssyncset.done $0x0  }
.LBB2_2:
0x18: {  	s14 =	sadd.s32 s12, s6  }
0x19: {  	[sflag:s7] =	ssyncadd.s32 $0xFFFF0000;
	s12 =	smov.u32 s13;
	s15 =	sadd.s32 $0x40, s13  }
0x1a: {  	[tilespmem:s2], [sflag:$0x2] =	stream.linear.gather [hbm4b:s14+s2], $0x200, $0x38;
	[tilespmem:$0x10200] =	vst v63  }
0x1b: {  	p0 =	sne.s32 s13, $0x7C0;
	_ =	swait.ge [sflag:s7], $0x200  }
0x1c: {  	[sflag:s7] =	ssyncset.done $0x0  }
0x1d: {  	[sflag:s7] =	ssyncadd.s32 $0xFFFFFE00  }
0x1e: {  	[tilespmem:s8], [sflag:$0x1] =	stream.indirect.gather [hbm4b:s3+s8], $0x80, s2, s8, $0xb8;
	[tilespmem:$0x10200] =	vst v63  }
0x1f: {  	_ =	swait.ge [sflag:s9], $0x10000  }
.Ltmp0:
0x20: {  	[sflag:s9] =	ssyncset.done $0x0;
	(pc) =	sbr.rel @p0 .LBB2_2-.Ltmp0, $4  }
0x21: {  	[sflag:s9] =	ssyncadd.s32 $0xFFFF0000  }
0x22: {  	[hbm4b:s11+s2] =	stream.linear.scatter [tilespmem:s8], [sflag:$0x2], $0x10000, $0x38;
	[tilespmem:$0x10200] =	vst v63  }
0x23: {  	_ =	swait.ge [sflag:s7], $0x10000  }
0x24: {  	s13 =	smov.u32 s15;
	s11 =	sadd.s32 $0x2000, s11;
	[sflag:s7] =	ssyncset.done $0x0  }
0x25: {  	s12 =	sadd.s32 s12, s6;
	[sflag:s7] =	ssyncadd.s32 $0xFFFF0000  }
0x26: {  	[tilespmem:s2], [sflag:$0x2] =	stream.linear.gather [hbm4b:s12+s2], $0x200, $0x38;
	[tilespmem:$0x10200] =	vst v63  }
0x27: {  	_ =	swait.ge [sflag:s7], $0x200  }
0x28: {  	[sflag:s7] =	ssyncset.done $0x0  }
0x29: {  	[sflag:s7] =	ssyncadd.s32 $0xFFFFFE00  }
0x2a: {  	[tilespmem:s8], [sflag:$0x1] =	stream.indirect.gather [hbm4b:s3+s8], $0x80, s2, s8, $0xb8;
	[tilespmem:$0x10200] =	vst v63  }
0x2b: {  	s10 =	sadd.s32 $0x1, s10;
	_ =	swait.ge [sflag:s9], $0x10000  }
0x2c: {  	p0 =	sne.s32 s10, s4;
	[sflag:s9] =	ssyncset.done $0x0  }
.Ltmp1:
0x2d: {  	[sflag:s9] =	ssyncadd.s32 $0xFFFF0000;
	(pc) =	sbr.rel @p0 .LBB2_1-.Ltmp1, $4  }
0x2e: {  	[hbm4b:s11+s2] =	stream.linear.scatter [tilespmem:s8], [sflag:$0x2], $0x10000, $0x38;
	[tilespmem:$0x10200] =	vst v63  }
0x2f: {  	_ =	swait.ge [sflag:s7], $0x10000  }
0x30: {  	[sflag:s7] =	ssyncset.done $0x0  }
0x31: {  	[sflag:s7] =	ssyncadd.s32 $0xFFFF0000  }
0x32: {  	_ =	sfence.sel $0x180000  }
0x33: {  	[bflag:$0x0] =	sbarrier.arrive $0xFFFF  }
0x34: {  	p0 =	sne.s32 s1, $0x0;
	_ =	strace $0x90000053  }
0x35: {  	s0 =	sadd.s32 @!p0 $0x100000, s0;
	[bflag:$0x2] =	sbarrier.arrive $0xFFFF  }
0x36: {  	[sflag:s0] =	ssyncadd.tile.s32 @!p0 $0x1;
	_ =	shalt  }
.Lfunc_end2:
_tile_overlayer_lowered:
.L_overlay_start_2:
0x37: {  	(tag) =	ssettag $0x2  }
0x38: {  	s0 =	rddreg [dreg:$0x0];
	s2 =	stileid.u32  }
0x39: {  	s1 =	rddreg [dreg:$0x1];
	p0 =	sne.s32 s2, $0x0  }
0x3a: {  	s3 =	rddreg [dreg:$0x2];
	[bflag:$0x3] =	sbarrier.arrive $0xFFFF;
	s2 =	simm.s32 @!p0 $0x1C02  }
0x3b: {  	[timem:s3], [sflag:s2] =	dma.local @!p0 [hbm:s0], s1  }
0x3c: {  	s0 =	simm.s32 @!p0 $0x2  }
0x3d: {  	_ =	swait.ge @!p0 [sflag:s0], s1  }
0x3e: {  	s1 =	ssub.s32 @!p0 $0x0, s1;
	[sflag:s0] =	ssyncset.done @!p0 $0x0  }
0x3f: {  	[sflag:s0] =	ssyncadd.s32 @!p0 s1  }
0x40: {  	[bflag:$0x3] =	sbarrier.arrive $0xFFFF  }
0x41: {  	_ =	shalt  }

// kernel: kernel.19.cloned.1.call-start
scs
__scs_entry_jumppad:
0x0: {  	(pc) =	sbr.rel $0x88, $3  }
0x1: {  	(tag) =	ssettag $0x0;
	lr =	simm.s32 $0x1  }
0x2: {  	[smem:$0x3F8A] =	sst lr;
	_ =	strace $0xD0000000  }
0x3: {  	_ = 	snop  }
0x4: {  	_ = 	snop  }
0x5: {  	_ = 	snop  }
0x6: {  	_ = 	snop  }
0x7: {  	_ = 	snop  }
__scs_overlays_trampoline_lowered:
0x8: {  	[smem:$0x3F99] =	sst s0  }
0x9: {  	[smem:$0x3F9A] =	sst s1  }
0xa: {  	[smem:$0x3F9B] =	sst s2  }
0xb: {  	[smem:$0x3F9C] =	sst s3  }
0xc: {  	[smem:$0x3F9D] =	sst s4  }
0xd: {  	[smem:$0x3F9E] =	sst s5  }
0xe: {  	[smem:$0x3F9F] =	sst s6  }
0xf: {  	[smem:$0x3FA0] =	sst s7  }
0x10: {  	[smem:$0x3FA1] =	sst s8  }
0x11: {  	[smem:$0x3FA2] =	sst s9;
	s0 =	simm.s32 @!p0 $0x0  }
0x12: {  	s1 =	sld [smem:$0x3F88];
	s0 =	simm.s32 @p0 $0x1  }
0x13: {  	[smem:$0x3FA3] =	sst s0;
	s0 =	simm.s32 @!p1 $0x0  }
0x14: {  	s2 =	sld [smem:$0x3F87];
	s0 =	simm.s32 @p1 $0x1  }
0x15: {  	[smem:$0x3FA4] =	sst s0;
	s0 =	simm.s32 @!p2 $0x0  }
0x16: {  	s3 =	sld [smem:$0x3FDB];
	s0 =	simm.s32 @p2 $0x1  }
0x17: {  	s4 =	simm.s32 $0x1BF5;
	[smem:$0x3FA6] =	sst s0  }
0x18: {  	s0 =	sld [smem:$0x3F89];
	_ =	swait.ge [sflag:s4], $0x0  }
0x19: {  	s7 =	sld [smem:$0x3F8A]  }
0x1a: {  	s8 =	sadd.s32 $0xFFFFE003, lr  }
0x1b: {  	s9 =	sadd.s32 $0xFFFFFEF7, lr;
	s5 =	simm.s32 $0xFFFFFFFF;
	p2 =	slt.u32 s8, $0xFFFFF086  }
0x1c: {  	p1 =	slt.u32 s9, $0xF7A;
	s5 =	simm.s32 @!p2 $0x0  }
0x1d: {  	s5 =	simm.s32 @p1 $0x1;
	p0 =	seq.s32 s7, s2  }
0x1e: {  	s7 =	smul.u32 @!p0 $0xF7A, s2;
	p2 =	seq.s32 @!p0 s5, $0x0  }
0x1f: {  	s9 =	smul.u32 $0xF7A, s1;
	s8 =	simm.s32 @!p0 $0x1BF5;
	p2 =	por !p2, p0  }
0x20: {  	[sflag:s8] =	ssyncset.s32 @!p0 $0xFFFFF086;
	s6 =	sadd.s32 @!p0 s3, s7;
	s7 =	simm.s32 @!p0 $0x108  }
0x21: {  	s3 =	sadd.s32 s3, s9;
	s6 =	sadd.s32 @!p0 $0x88, s6;
	s7 =	simm.s32 @p2 $0x1082  }
0x22: {  	[simem:s7], [sflag:s8] =	dma.local @!p0 [hbm:s6], $0xF7A  }
0x23: {  	s9 =	sor.u32 $0xD0000000, s2;
	s6 =	simm.s32 $0x108;
	_ =	swait.ge @!p0 [sflag:s8], $0x0  }
0x24: {  	s3 =	sadd.s32 $0x88, s3;
	s6 =	simm.s32 @!p1 $0x1082;
	[sflag:s4] =	ssyncset.s32 $0xFFFFF086  }
0x25: {  	[simem:s6], [sflag:s4] =	dma.local [hbm:s3], $0xF7A  }
0x26: {  	[smem:$0x3F8A] =	sst s1;
	(tag) =	ssettag s2;
	_ =	strace s9  }
0x27: {  	s1 =	sld [smem:$0x3F9A]  }
0x28: {  	s2 =	sld [smem:$0x3F9B]  }
0x29: {  	s4 =	sld [smem:$0x3F9D]  }
0x2a: {  	p0 =	seq.s32 s5, $0x0;
	s5 =	sld [smem:$0x3F9E]  }
0x2b: {  	s6 =	sld [smem:$0x3F9F]  }
0x2c: {  	s7 =	sld [smem:$0x3FA0]  }
0x2d: {  	s3 =	simm.s32 $0x108;
	s8 =	sld [smem:$0x3FA1]  }
0x2e: {  	s3 =	simm.s32 @!p0 $0x1082;
	s9 =	sld [smem:$0x3FA2]  }
0x2f: {  	lr =	sadd.s32 s0, s3;
	s0 =	sld [smem:$0x3F99]  }
0x30: {  	s3 =	sld [smem:$0x3F9C]  }
0x31: {  	[smem:$0x3FA5] =	sst s10  }
0x32: {  	s10 =	sld [smem:$0x3FA3];
	_ =	sdelay $0x3  }
0x33: {  	p0 =	seq.s32 s10, $0x1;
	s10 =	sld [smem:$0x3FA5];
	_ =	sdelay $0x3  }
0x34: {  	[smem:$0x3FA5] =	sst s10  }
0x35: {  	s10 =	sld [smem:$0x3FA4];
	_ =	sdelay $0x3  }
0x36: {  	p1 =	seq.s32 s10, $0x1;
	s10 =	sld [smem:$0x3FA5];
	_ =	sdelay $0x3  }
0x37: {  	[smem:$0x3FA5] =	sst s10  }
0x38: {  	s10 =	sld [smem:$0x3FA6]  }
0x39: {  	_ = 	snop;
	(pc) =	sbr.ind lr, $3  }
0x3a: {  	_ = 	snop  }
0x3b: {  	_ = 	snop  }
0x3c: {  	p2 =	seq.s32 s10, $0x1;
	s10 =	sld [smem:$0x3FA5]  }
0x3d: {  	_ =	shalt  }
0x3e: {  	_ =	shalt  }
0x3f: {  	_ =	shalt  }
0x40: {  	_ =	shalt  }
0x41: {  	_ =	shalt  }
0x42: {  	_ =	shalt  }
0x43: {  	_ =	shalt  }
0x44: {  	_ =	shalt  }
0x45: {  	_ =	shalt  }
0x46: {  	_ =	shalt  }
0x47: {  	_ =	shalt  }
0x48: {  	_ =	shalt  }
0x49: {  	_ =	shalt  }
0x4a: {  	_ =	shalt  }
0x4b: {  	_ =	shalt  }
0x4c: {  	_ =	shalt  }
0x4d: {  	_ =	shalt  }
0x4e: {  	_ =	shalt  }
0x4f: {  	_ =	shalt  }
0x50: {  	_ =	shalt  }
0x51: {  	_ =	shalt  }
0x52: {  	_ =	shalt  }
0x53: {  	_ =	shalt  }
0x54: {  	_ =	shalt  }
0x55: {  	_ =	shalt  }
0x56: {  	_ =	shalt  }
0x57: {  	_ =	shalt  }
0x58: {  	_ =	shalt  }
0x59: {  	_ =	shalt  }
0x5a: {  	_ =	shalt  }
0x5b: {  	_ =	shalt  }
0x5c: {  	_ =	shalt  }
0x5d: {  	_ =	shalt  }
0x5e: {  	_ =	shalt  }
0x5f: {  	_ =	shalt  }
0x60: {  	_ =	shalt  }
0x61: {  	_ =	shalt  }
0x62: {  	_ =	shalt  }
0x63: {  	_ =	shalt  }
0x64: {  	_ =	shalt  }
0x65: {  	_ =	shalt  }
0x66: {  	_ =	shalt  }
0x67: {  	_ =	shalt  }
0x68: {  	_ =	shalt  }
0x69: {  	_ =	shalt  }
0x6a: {  	_ =	shalt  }
0x6b: {  	_ =	shalt  }
0x6c: {  	_ =	shalt  }
0x6d: {  	_ =	shalt  }
0x6e: {  	_ =	shalt  }
0x6f: {  	_ =	shalt  }
0x70: {  	_ =	shalt  }
0x71: {  	_ =	shalt  }
0x72: {  	_ =	shalt  }
0x73: {  	_ =	shalt  }
0x74: {  	_ =	shalt  }
0x75: {  	_ =	shalt  }
0x76: {  	_ =	shalt  }
0x77: {  	_ =	shalt  }
0x78: {  	_ =	shalt  }
0x79: {  	_ =	shalt  }
0x7a: {  	_ =	shalt  }
0x7b: {  	_ =	shalt  }
0x7c: {  	_ =	shalt  }
0x7d: {  	_ =	shalt  }
0x7e: {  	_ =	shalt  }
0x7f: {  	_ =	shalt  }
0x80: {  	_ =	shalt  }
0x81: {  	_ =	shalt  }
0x82: {  	_ =	shalt  }
0x83: {  	_ =	shalt  }
0x84: {  	_ =	shalt  }
0x85: {  	_ =	shalt  }
0x86: {  	_ =	shalt  }
0x87: {  	_ =	shalt  }
.Lfunc_end0:
.L_simem_size_0:
called_computation.8_lowered:
.L_overlay_start_0:
0x88: {  	s2 =	sld [smem:$0x3FD9]  }
0x89: {  	s3 =	sld [smem:$0x3FFE];
	_ =	sdelay $0x1  }
0x8a: {  	s1 =	srdreg.scid  }
0x8b: {  	s0 =	sand.u32 $0x1, s1  }
0x8c: {  	s16 =	sshll.u32 s0, $0xA;
	s2 =	sadd.s32 s3, s2  }
0x8d: {  	s2 =	sadd.s32 s2, s16  }
0x8e: {  	[smem:$0x3FB1] =	sst s2  }
0x8f: {  	_ = 	snop  }
0x90: {  	(tm) =	ssettm $0x1  }
0x91: {  	s17 =	sld [smem:$0x3FFB];
	_ =	sdelay $0x3  }
0x92: {  	_ =	strace s17  }
0x93: {  	s2 =	sld [smem:$0x3FFC];
	_ =	sdelay $0x3  }
0x94: {  	_ =	strace s2  }
0x95: {  	s2 =	sld [smem:$0x3FFD];
	_ =	sdelay $0x3  }
0x96: {  	_ =	strace s2  }
0x97: {  	_ =	strace $0x8FFFFFFF  }
0x98: {  	s18 =	sld [smem:$0x3FDB];
	_ =	sdelay $0x1  }
0x99: {  	s19 =	simm.s32 $_scs_section_size  }
0x9a: {  	s4 =	simm.s32 $_size__tile_overlayer_lowered;
	s5 =	simm.s32 $_tile_overlayer_lowered  }
0x9b: {  	s22 =	simm.s32 $0x1BFF;
	s21 =	sshll.u32 s5, $0x1;
	s2 =	sadd.s32 s19, s18  }
0x9c: {  	s6 =	simm.s32 $0x0;
	s20 =	sshll.u32 s4, $0x1;
	s4 =	sadd.s32 s21, s2  }
0x9d: {  	[timem:s6], [sflag:s22] =	dma.local [hbm:s4], s20  }
0x9e: {  	_ =	swait.ge [sflag:s22], s20  }
0x9f: {  	s3 =	ssub.s32 $0x0, s20;
	[sflag:s22] =	ssyncset.done $0x0  }
0xa0: {  	[sflag:s22] =	ssyncadd.s32 s3;
	_ =	sdelay $0x1  }
0xa1: {  	s23 =	simm.s32 $0x1B8B  }
0xa2: {  	_ =	swait.ge [sflag:s23], $0x1  }
0xa3: {  	[sflag:s23] =	ssyncset.done $0x0  }
0xa4: {  	s25 =	simm.s32 $0x1B8E;
	s24 =	sld [smem:$0x3FFE];
	[sflag:s23] =	ssyncadd.s32 $0xFFFFFFFF  }
0xa5: {  	s26 =	simm.s32 $execute0_lowered;
	[smem:$0x3FD2] =	sst s25  }
0xa6: {  	s4 =	sshll.u32 s26, $0x1;
	_ =	strace $0x80000058;
	[dreg:$0x1] =	wrdreg $0xFFFFFFFF  }
0xa7: {  	s28 =	simm.s32 $_size_execute0_lowered;
	s2 =	sadd.s32 s2, s4;
	[dreg:$0x0] =	wrdreg $0x0  }
0xa8: {  	s4 =	sshll.u32 s28, $0x1;
	[dreg:$0x2] =	wrdreg s2  }
0xa9: {  	[dreg:$0x3] =	wrdreg s4  }
0xaa: {  	[dreg:$0x4] =	wrdreg $0xC0  }
0xab: {  	_ =	task [dreg:s6], $0x5FFFF  }
0xac: {  	[dreg:$0x1] =	wrdreg $0xFFFFFFFF  }
0xad: {  	[dreg:$0x0] =	wrdreg $0x60  }
0xae: {  	[dreg:$0x2] =	wrdreg s24  }
0xaf: {  	[dreg:$0x3] =	wrdreg $0x9  }
0xb0: {  	_ =	task.clear_ibuf [dreg:s6], $0x4FFFF;
	_ =	strace $0x90000058  }
0xb1: {  	s29 =	simm.s32 $0x9;
	_ =	strace $0x8000005A  }
0xb2: {  	_ =	swait.ge [sflag:s29], $0x1  }
0xb3: {  	[sflag:s29] =	ssyncadd.s32 $0xFFFFFFFF  }
0xb4: {  	_ =	strace $0x9000005A  }
0xb5: {  	_ =	sfence  }
0xb6: {  	s30 =	sld [smem:$0x0];
	_ =	sdelay $0x2  }
0xb7: {  	s31 =	sshll.u32 s1, $0xD;
	s1 =	sshrl.u32 s1, $0x2  }
0xb8: {  	s3 =	sand.u32 $0x4000, s31;
	s1 =	sadd.s32 s1, s30  }
0xb9: {  	s0 =	sor.u32 s3, s0;
	s1 =	sshll.u32 s1, $0x11  }
0xba: {  	s0 =	sor.u32 s1, s0  }
0xbb: {  	s0 =	sadd.s32 $0x8F2B, s0  }
0xbc: {  	[sflag:s0] =	ssyncadd.remote.s32 $0x1  }
0xbd: {  	_ =	sfence.sel $0xFFFF  }
0xbe: {  	[dreg:$0x0] =	wrdreg $0xFFFFFFFF;
	(pc) =	sbr.abs _section_cstart, $3  }
0xbf: {  	[dreg:$0x1] =	wrdreg $0xFFFFFFFF  }
0xc0: {  	_ =	task.clear_ibuf [dreg:s6], $0x2FFFF;
	_ =	strace $0x9FFFFFFF  }
0xc1: {  	(tm) =	ssettm $0x7FFFFFFF  }
tec
execute0_lowered:
.L_overlay_start_1:
0x0: {  	(tag) =	ssettag $0x1  }
0x1: {  	s3 =	rddreg [dreg:$0x0];
	s2 =	srdreg.scid  }
0x2: {  	s0 =	rddreg [dreg:$0x1];
	s1 =	stileid.u32  }
0x3: {  	s9 =	simm.s32 $0x1;
	s10 =	simm.s32 $0x0;
	s4 =	sand.u32 $0x1, s2  }
0x4: {  	s2 =	simm.s32 $0x0;
	s5 =	sshll.u32 s1, $0xE;
	s30 =	sshll.u32 s1, $0x12  }
0x5: {  	s6 =	sshll.u32 s4, $0xD;
	[smem:$0x7FF] =	sst s2;
	s29 =	ssub.s32 $0x2, s4  }
0x6: {  	s31 =	sshll.u32 s4, $0x11;
	s5 =	sor.u32 s6, s5;
	s8 =	sshrl.u32 s29, $0x1  }
0x7: {  	_ =	strace $0x80000059;
	s5 =	sshrl.u32 s5, $0x3;
	s6 =	ssub.s32 s29, s8  }
0x8: {  	s8 =	simm.s32 $0x200;
	s7 =	sadd.s32 s5, s3;
	s5 =	sadd.s32 s30, s3  }
0x9: {  	s3 =	sadd.s32 $0x47A800, s3;
	s4 =	smax.u32 s6, $0x1;
	s5 =	sadd.s32 s31, s5  }
0xa: {  	s6 =	sadd.s32 $0x849E00, s7;
	s7 =	simm.s32 $0x2;
	s5 =	sadd.s32 $0x7E00, s5  }
.LBB2_1:
0xb: {  	s11 =	sadd.s32 $0x0, s6  }
0xc: {  	[tilespmem:s2], [sflag:$0x2] =	stream.linear.gather [hbm4b:s11+s2], $0x200, $0x38;
	[tilespmem:$0x10200] =	vst v63  }
0xd: {  	_ =	swait.ge [sflag:s7], $0x200  }
0xe: {  	[sflag:s7] =	ssyncset.done $0x0  }
0xf: {  	[sflag:s7] =	ssyncadd.s32 $0xFFFFFE00  }
0x10: {  	[tilespmem:s8], [sflag:$0x1] =	stream.indirect.gather [hbm4b:s3+s8], $0x80, s2, s8, $0xb8;
	[tilespmem:$0x10200] =	vst v63  }
0x11: {  	_ =	swait.ge [sflag:s9], $0x10000  }
0x12: {  	[sflag:s9] =	ssyncset.done $0x0  }
0x13: {  	[sflag:s9] =	ssyncadd.s32 $0xFFFF0000  }
0x14: {  	[hbm4b:s5+s2] =	stream.linear.scatter [tilespmem:s8], [sflag:$0x2], $0x10000, $0x38;
	[tilespmem:$0x10200] =	vst v63  }
0x15: {  	s12 =	simm.s32 $0x40;
	_ =	swait.ge [sflag:s7], $0x10000  }
0x16: {  	s13 =	simm.s32 $0x80;
	s11 =	sadd.s32 $0x2000, s5;
	[sflag:s7] =	ssyncset.done $0x0  }
.LBB2_2:
0x17: {  	s14 =	sadd.s32 s12, s6  }
0x18: {  	[sflag:s7] =	ssyncadd.s32 $0xFFFF0000;
	s12 =	smov.u32 s13;
	s15 =	sadd.s32 $0x40, s13  }
0x19: {  	[tilespmem:s2], [sflag:$0x2] =	stream.linear.gather [hbm4b:s14+s2], $0x200, $0x38;
	[tilespmem:$0x10200] =	vst v63  }
0x1a: {  	p0 =	sne.s32 s13, $0x3C0;
	_ =	swait.ge [sflag:s7], $0x200  }
0x1b: {  	[sflag:s7] =	ssyncset.done $0x0  }
0x1c: {  	[sflag:s7] =	ssyncadd.s32 $0xFFFFFE00  }
0x1d: {  	[tilespmem:s8], [sflag:$0x1] =	stream.indirect.gather [hbm4b:s3+s8], $0x80, s2, s8, $0xb8;
	[tilespmem:$0x10200] =	vst v63  }
0x1e: {  	_ =	swait.ge [sflag:s9], $0x10000  }
.Ltmp0:
0x1f: {  	[sflag:s9] =	ssyncset.done $0x0;
	(pc) =	sbr.rel @p0 .LBB2_2-.Ltmp0, $4  }
0x20: {  	[sflag:s9] =	ssyncadd.s32 $0xFFFF0000  }
0x21: {  	[hbm4b:s11+s2] =	stream.linear.scatter [tilespmem:s8], [sflag:$0x2], $0x10000, $0x38;
	[tilespmem:$0x10200] =	vst v63  }
0x22: {  	_ =	swait.ge [sflag:s7], $0x10000  }
0x23: {  	s13 =	smov.u32 s15;
	s11 =	sadd.s32 $0x2000, s11;
	[sflag:s7] =	ssyncset.done $0x0  }
0x24: {  	s12 =	sadd.s32 s12, s6;
	[sflag:s7] =	ssyncadd.s32 $0xFFFF0000  }
0x25: {  	[tilespmem:s2], [sflag:$0x2] =	stream.linear.gather [hbm4b:s12+s2], $0x200, $0x38;
	[tilespmem:$0x10200] =	vst v63  }
0x26: {  	_ =	swait.ge [sflag:s7], $0x200  }
0x27: {  	[sflag:s7] =	ssyncset.done $0x0  }
0x28: {  	[sflag:s7] =	ssyncadd.s32 $0xFFFFFE00  }
0x29: {  	[tilespmem:s8], [sflag:$0x1] =	stream.indirect.gather [hbm4b:s3+s8], $0x80, s2, s8, $0xb8;
	[tilespmem:$0x10200] =	vst v63  }
0x2a: {  	s10 =	sadd.s32 $0x1, s10;
	_ =	swait.ge [sflag:s9], $0x10000  }
0x2b: {  	p0 =	sne.s32 s10, s4;
	[sflag:s9] =	ssyncset.done $0x0  }
.Ltmp1:
0x2c: {  	[sflag:s9] =	ssyncadd.s32 $0xFFFF0000;
	(pc) =	sbr.rel @p0 .LBB2_1-.Ltmp1, $4  }
0x2d: {  	[hbm4b:s11+s2] =	stream.linear.scatter [tilespmem:s8], [sflag:$0x2], $0x10000, $0x38;
	[tilespmem:$0x10200] =	vst v63  }
0x2e: {  	_ =	swait.ge [sflag:s7], $0x10000  }
0x2f: {  	[sflag:s7] =	ssyncset.done $0x0  }
0x30: {  	[sflag:s7] =	ssyncadd.s32 $0xFFFF0000  }
0x31: {  	_ =	sfence.sel $0x180000  }
0x32: {  	[bflag:$0x0] =	sbarrier.arrive $0xFFFF  }
0x33: {  	p0 =	sne.s32 s1, $0x0;
	_ =	strace $0x90000059  }
0x34: {  	s0 =	sadd.s32 @!p0 $0x100000, s0;
	[bflag:$0x2] =	sbarrier.arrive $0xFFFF  }
0x35: {  	[sflag:s0] =	ssyncadd.tile.s32 @!p0 $0x1;
	_ =	shalt  }
.Lfunc_end2:
_tile_overlayer_lowered:
.L_overlay_start_2:
0x36: {  	(tag) =	ssettag $0x2  }
0x37: {  	s0 =	rddreg [dreg:$0x0];
	s2 =	stileid.u32  }
0x38: {  	s1 =	rddreg [dreg:$0x1];
	p0 =	sne.s32 s2, $0x0  }
0x39: {  	s3 =	rddreg [dreg:$0x2];
	[bflag:$0x3] =	sbarrier.arrive $0xFFFF;
	s2 =	simm.s32 @!p0 $0x1C02  }
0x3a: {  	[timem:s3], [sflag:s2] =	dma.local @!p0 [hbm:s0], s1  }
0x3b: {  	s0 =	simm.s32 @!p0 $0x2  }
0x3c: {  	_ =	swait.ge @!p0 [sflag:s0], s1  }
0x3d: {  	s1 =	ssub.s32 @!p0 $0x0, s1;
	[sflag:s0] =	ssyncset.done @!p0 $0x0  }
0x3e: {  	[sflag:s0] =	ssyncadd.s32 @!p0 s1  }
0x3f: {  	[bflag:$0x3] =	sbarrier.arrive $0xFFFF  }
0x40: {  	_ =	shalt  }

// kernel: kernel.22.cloned.1.call-start
scs
__scs_entry_jumppad:
0x0: {  	(pc) =	sbr.rel $0x88, $3  }
0x1: {  	(tag) =	ssettag $0x0;
	lr =	simm.s32 $0x1  }
0x2: {  	[smem:$0x3F8A] =	sst lr;
	_ =	strace $0xD0000000  }
0x3: {  	_ = 	snop  }
0x4: {  	_ = 	snop  }
0x5: {  	_ = 	snop  }
0x6: {  	_ = 	snop  }
0x7: {  	_ = 	snop  }
__scs_overlays_trampoline_lowered:
0x8: {  	[smem:$0x3F99] =	sst s0  }
0x9: {  	[smem:$0x3F9A] =	sst s1  }
0xa: {  	[smem:$0x3F9B] =	sst s2  }
0xb: {  	[smem:$0x3F9C] =	sst s3  }
0xc: {  	[smem:$0x3F9D] =	sst s4  }
0xd: {  	[smem:$0x3F9E] =	sst s5  }
0xe: {  	[smem:$0x3F9F] =	sst s6  }
0xf: {  	[smem:$0x3FA0] =	sst s7  }
0x10: {  	[smem:$0x3FA1] =	sst s8  }
0x11: {  	[smem:$0x3FA2] =	sst s9;
	s0 =	simm.s32 @!p0 $0x0  }
0x12: {  	s1 =	sld [smem:$0x3F88];
	s0 =	simm.s32 @p0 $0x1  }
0x13: {  	[smem:$0x3FA3] =	sst s0;
	s0 =	simm.s32 @!p1 $0x0  }
0x14: {  	s2 =	sld [smem:$0x3F87];
	s0 =	simm.s32 @p1 $0x1  }
0x15: {  	[smem:$0x3FA4] =	sst s0;
	s0 =	simm.s32 @!p2 $0x0  }
0x16: {  	s3 =	sld [smem:$0x3FDB];
	s0 =	simm.s32 @p2 $0x1  }
0x17: {  	s4 =	simm.s32 $0x1BF5;
	[smem:$0x3FA6] =	sst s0  }
0x18: {  	s0 =	sld [smem:$0x3F89];
	_ =	swait.ge [sflag:s4], $0x0  }
0x19: {  	s7 =	sld [smem:$0x3F8A]  }
0x1a: {  	s8 =	sadd.s32 $0xFFFFE003, lr  }
0x1b: {  	s9 =	sadd.s32 $0xFFFFFEF7, lr;
	s5 =	simm.s32 $0xFFFFFFFF;
	p2 =	slt.u32 s8, $0xFFFFF086  }
0x1c: {  	p1 =	slt.u32 s9, $0xF7A;
	s5 =	simm.s32 @!p2 $0x0  }
0x1d: {  	s5 =	simm.s32 @p1 $0x1;
	p0 =	seq.s32 s7, s2  }
0x1e: {  	s7 =	smul.u32 @!p0 $0xF7A, s2;
	p2 =	seq.s32 @!p0 s5, $0x0  }
0x1f: {  	s9 =	smul.u32 $0xF7A, s1;
	s8 =	simm.s32 @!p0 $0x1BF5;
	p2 =	por !p2, p0  }
0x20: {  	[sflag:s8] =	ssyncset.s32 @!p0 $0xFFFFF086;
	s6 =	sadd.s32 @!p0 s3, s7;
	s7 =	simm.s32 @!p0 $0x108  }
0x21: {  	s3 =	sadd.s32 s3, s9;
	s6 =	sadd.s32 @!p0 $0x88, s6;
	s7 =	simm.s32 @p2 $0x1082  }
0x22: {  	[simem:s7], [sflag:s8] =	dma.local @!p0 [hbm:s6], $0xF7A  }
0x23: {  	s9 =	sor.u32 $0xD0000000, s2;
	s6 =	simm.s32 $0x108;
	_ =	swait.ge @!p0 [sflag:s8], $0x0  }
0x24: {  	s3 =	sadd.s32 $0x88, s3;
	s6 =	simm.s32 @!p1 $0x1082;
	[sflag:s4] =	ssyncset.s32 $0xFFFFF086  }
0x25: {  	[simem:s6], [sflag:s4] =	dma.local [hbm:s3], $0xF7A  }
0x26: {  	[smem:$0x3F8A] =	sst s1;
	(tag) =	ssettag s2;
	_ =	strace s9  }
0x27: {  	s1 =	sld [smem:$0x3F9A]  }
0x28: {  	s2 =	sld [smem:$0x3F9B]  }
0x29: {  	s4 =	sld [smem:$0x3F9D]  }
0x2a: {  	p0 =	seq.s32 s5, $0x0;
	s5 =	sld [smem:$0x3F9E]  }
0x2b: {  	s6 =	sld [smem:$0x3F9F]  }
0x2c: {  	s7 =	sld [smem:$0x3FA0]  }
0x2d: {  	s3 =	simm.s32 $0x108;
	s8 =	sld [smem:$0x3FA1]  }
0x2e: {  	s3 =	simm.s32 @!p0 $0x1082;
	s9 =	sld [smem:$0x3FA2]  }
0x2f: {  	lr =	sadd.s32 s0, s3;
	s0 =	sld [smem:$0x3F99]  }
0x30: {  	s3 =	sld [smem:$0x3F9C]  }
0x31: {  	[smem:$0x3FA5] =	sst s10  }
0x32: {  	s10 =	sld [smem:$0x3FA3];
	_ =	sdelay $0x3  }
0x33: {  	p0 =	seq.s32 s10, $0x1;
	s10 =	sld [smem:$0x3FA5];
	_ =	sdelay $0x3  }
0x34: {  	[smem:$0x3FA5] =	sst s10  }
0x35: {  	s10 =	sld [smem:$0x3FA4];
	_ =	sdelay $0x3  }
0x36: {  	p1 =	seq.s32 s10, $0x1;
	s10 =	sld [smem:$0x3FA5];
	_ =	sdelay $0x3  }
0x37: {  	[smem:$0x3FA5] =	sst s10  }
0x38: {  	s10 =	sld [smem:$0x3FA6]  }
0x39: {  	_ = 	snop;
	(pc) =	sbr.ind lr, $3  }
0x3a: {  	_ = 	snop  }
0x3b: {  	_ = 	snop  }
0x3c: {  	p2 =	seq.s32 s10, $0x1;
	s10 =	sld [smem:$0x3FA5]  }
0x3d: {  	_ =	shalt  }
0x3e: {  	_ =	shalt  }
0x3f: {  	_ =	shalt  }
0x40: {  	_ =	shalt  }
0x41: {  	_ =	shalt  }
0x42: {  	_ =	shalt  }
0x43: {  	_ =	shalt  }
0x44: {  	_ =	shalt  }
0x45: {  	_ =	shalt  }
0x46: {  	_ =	shalt  }
0x47: {  	_ =	shalt  }
0x48: {  	_ =	shalt  }
0x49: {  	_ =	shalt  }
0x4a: {  	_ =	shalt  }
0x4b: {  	_ =	shalt  }
0x4c: {  	_ =	shalt  }
0x4d: {  	_ =	shalt  }
0x4e: {  	_ =	shalt  }
0x4f: {  	_ =	shalt  }
0x50: {  	_ =	shalt  }
0x51: {  	_ =	shalt  }
0x52: {  	_ =	shalt  }
0x53: {  	_ =	shalt  }
0x54: {  	_ =	shalt  }
0x55: {  	_ =	shalt  }
0x56: {  	_ =	shalt  }
0x57: {  	_ =	shalt  }
0x58: {  	_ =	shalt  }
0x59: {  	_ =	shalt  }
0x5a: {  	_ =	shalt  }
0x5b: {  	_ =	shalt  }
0x5c: {  	_ =	shalt  }
0x5d: {  	_ =	shalt  }
0x5e: {  	_ =	shalt  }
0x5f: {  	_ =	shalt  }
0x60: {  	_ =	shalt  }
0x61: {  	_ =	shalt  }
0x62: {  	_ =	shalt  }
0x63: {  	_ =	shalt  }
0x64: {  	_ =	shalt  }
0x65: {  	_ =	shalt  }
0x66: {  	_ =	shalt  }
0x67: {  	_ =	shalt  }
0x68: {  	_ =	shalt  }
0x69: {  	_ =	shalt  }
0x6a: {  	_ =	shalt  }
0x6b: {  	_ =	shalt  }
0x6c: {  	_ =	shalt  }
0x6d: {  	_ =	shalt  }
0x6e: {  	_ =	shalt  }
0x6f: {  	_ =	shalt  }
0x70: {  	_ =	shalt  }
0x71: {  	_ =	shalt  }
0x72: {  	_ =	shalt  }
0x73: {  	_ =	shalt  }
0x74: {  	_ =	shalt  }
0x75: {  	_ =	shalt  }
0x76: {  	_ =	shalt  }
0x77: {  	_ =	shalt  }
0x78: {  	_ =	shalt  }
0x79: {  	_ =	shalt  }
0x7a: {  	_ =	shalt  }
0x7b: {  	_ =	shalt  }
0x7c: {  	_ =	shalt  }
0x7d: {  	_ =	shalt  }
0x7e: {  	_ =	shalt  }
0x7f: {  	_ =	shalt  }
0x80: {  	_ =	shalt  }
0x81: {  	_ =	shalt  }
0x82: {  	_ =	shalt  }
0x83: {  	_ =	shalt  }
0x84: {  	_ =	shalt  }
0x85: {  	_ =	shalt  }
0x86: {  	_ =	shalt  }
0x87: {  	_ =	shalt  }
.Lfunc_end0:
.L_simem_size_0:
called_computation.9_lowered:
.L_overlay_start_0:
0x88: {  	s2 =	sld [smem:$0x3FD9]  }
0x89: {  	s3 =	sld [smem:$0x3FFE];
	_ =	sdelay $0x1  }
0x8a: {  	s1 =	srdreg.scid  }
0x8b: {  	s0 =	sand.u32 $0x1, s1  }
0x8c: {  	s16 =	sshll.u32 s0, $0xA;
	s2 =	sadd.s32 s3, s2  }
0x8d: {  	s2 =	sadd.s32 s2, s16  }
0x8e: {  	[smem:$0x3FB1] =	sst s2  }
0x8f: {  	_ = 	snop  }
0x90: {  	(tm) =	ssettm $0x1  }
0x91: {  	s17 =	sld [smem:$0x3FFB];
	_ =	sdelay $0x3  }
0x92: {  	_ =	strace s17  }
0x93: {  	s2 =	sld [smem:$0x3FFC];
	_ =	sdelay $0x3  }
0x94: {  	_ =	strace s2  }
0x95: {  	s2 =	sld [smem:$0x3FFD];
	_ =	sdelay $0x3  }
0x96: {  	_ =	strace s2  }
0x97: {  	_ =	strace $0x8FFFFFFF  }
0x98: {  	s18 =	sld [smem:$0x3FDB];
	_ =	sdelay $0x1  }
0x99: {  	s19 =	simm.s32 $_scs_section_size  }
0x9a: {  	s4 =	simm.s32 $_size__tile_overlayer_lowered;
	s5 =	simm.s32 $_tile_overlayer_lowered  }
0x9b: {  	s22 =	simm.s32 $0x1BFF;
	s21 =	sshll.u32 s5, $0x1;
	s2 =	sadd.s32 s19, s18  }
0x9c: {  	s6 =	simm.s32 $0x0;
	s20 =	sshll.u32 s4, $0x1;
	s4 =	sadd.s32 s21, s2  }
0x9d: {  	[timem:s6], [sflag:s22] =	dma.local [hbm:s4], s20  }
0x9e: {  	_ =	swait.ge [sflag:s22], s20  }
0x9f: {  	s3 =	ssub.s32 $0x0, s20;
	[sflag:s22] =	ssyncset.done $0x0  }
0xa0: {  	[sflag:s22] =	ssyncadd.s32 s3;
	_ =	sdelay $0x1  }
0xa1: {  	s23 =	simm.s32 $0x1B8B  }
0xa2: {  	_ =	swait.ge [sflag:s23], $0x1  }
0xa3: {  	[sflag:s23] =	ssyncset.done $0x0  }
0xa4: {  	s25 =	simm.s32 $0x1B8E;
	s24 =	sld [smem:$0x3FFE];
	[sflag:s23] =	ssyncadd.s32 $0xFFFFFFFF  }
0xa5: {  	s26 =	simm.s32 $execute0_lowered;
	[smem:$0x3FD2] =	sst s25  }
0xa6: {  	s4 =	sshll.u32 s26, $0x1;
	_ =	strace $0x8000005E;
	[dreg:$0x1] =	wrdreg $0xFFFFFFFF  }
0xa7: {  	s28 =	simm.s32 $_size_execute0_lowered;
	s2 =	sadd.s32 s2, s4;
	[dreg:$0x0] =	wrdreg $0x0  }
0xa8: {  	s4 =	sshll.u32 s28, $0x1;
	[dreg:$0x2] =	wrdreg s2  }
0xa9: {  	[dreg:$0x3] =	wrdreg s4  }
0xaa: {  	[dreg:$0x4] =	wrdreg $0xC0  }
0xab: {  	_ =	task [dreg:s6], $0x5FFFF  }
0xac: {  	[dreg:$0x1] =	wrdreg $0xFFFFFFFF  }
0xad: {  	[dreg:$0x0] =	wrdreg $0x60  }
0xae: {  	[dreg:$0x2] =	wrdreg s24  }
0xaf: {  	[dreg:$0x3] =	wrdreg $0x9  }
0xb0: {  	_ =	task.clear_ibuf [dreg:s6], $0x4FFFF;
	_ =	strace $0x9000005E  }
0xb1: {  	s29 =	simm.s32 $0x9;
	_ =	strace $0x80000060  }
0xb2: {  	_ =	swait.ge [sflag:s29], $0x1  }
0xb3: {  	[sflag:s29] =	ssyncadd.s32 $0xFFFFFFFF  }
0xb4: {  	_ =	strace $0x90000060  }
0xb5: {  	_ =	sfence  }
0xb6: {  	s30 =	sld [smem:$0x0];
	_ =	sdelay $0x2  }
0xb7: {  	s31 =	sshll.u32 s1, $0xD;
	s1 =	sshrl.u32 s1, $0x2  }
0xb8: {  	s3 =	sand.u32 $0x4000, s31;
	s1 =	sadd.s32 s1, s30  }
0xb9: {  	s0 =	sor.u32 s3, s0;
	s1 =	sshll.u32 s1, $0x11  }
0xba: {  	s0 =	sor.u32 s1, s0  }
0xbb: {  	s0 =	sadd.s32 $0x8F2B, s0  }
0xbc: {  	[sflag:s0] =	ssyncadd.remote.s32 $0x1  }
0xbd: {  	_ =	sfence.sel $0xFFFF  }
0xbe: {  	[dreg:$0x0] =	wrdreg $0xFFFFFFFF;
	(pc) =	sbr.abs _section_cstart, $3  }
0xbf: {  	[dreg:$0x1] =	wrdreg $0xFFFFFFFF  }
0xc0: {  	_ =	task.clear_ibuf [dreg:s6], $0x2FFFF;
	_ =	strace $0x9FFFFFFF  }
0xc1: {  	(tm) =	ssettm $0x7FFFFFFF  }
tec
execute0_lowered:
.L_overlay_start_1:
0x0: {  	(tag) =	ssettag $0x1  }
0x1: {  	s3 =	rddreg [dreg:$0x0];
	s2 =	srdreg.scid  }
0x2: {  	s0 =	rddreg [dreg:$0x1];
	s1 =	stileid.u32  }
0x3: {  	s9 =	simm.s32 $0x1;
	s10 =	simm.s32 $0x0;
	s4 =	sand.u32 $0x1, s2  }
0x4: {  	s2 =	simm.s32 $0x0;
	s5 =	sshll.u32 s1, $0xE;
	s30 =	sshll.u32 s1, $0x12  }
0x5: {  	s6 =	sshll.u32 s4, $0xD;
	[smem:$0x7FF] =	sst s2;
	s29 =	ssub.s32 $0x2, s4  }
0x6: {  	s31 =	sshll.u32 s4, $0x11;
	s5 =	sor.u32 s6, s5;
	s8 =	sshrl.u32 s29, $0x1  }
0x7: {  	_ =	strace $0x8000005F;
	s5 =	sshrl.u32 s5, $0x3;
	s6 =	ssub.s32 s29, s8  }
0x8: {  	s8 =	simm.s32 $0x200;
	s7 =	sadd.s32 s5, s3;
	s5 =	sadd.s32 s30, s3  }
0x9: {  	s3 =	sadd.s32 $0x7C00, s3;
	s4 =	smax.u32 s6, $0x1;
	s5 =	sadd.s32 s31, s5  }
0xa: {  	s6 =	sadd.s32 $0x40AE00, s7;
	s7 =	simm.s32 $0x2;
	s5 =	sadd.s32 $0x412E00, s5  }
.LBB2_1:
0xb: {  	s11 =	sadd.s32 $0x0, s6  }
0xc: {  	[tilespmem:s2], [sflag:$0x2] =	stream.linear.gather [hbm4b:s11+s2], $0x200, $0x38;
	[tilespmem:$0x10200] =	vst v63  }
0xd: {  	_ =	swait.ge [sflag:s7], $0x200  }
0xe: {  	[sflag:s7] =	ssyncset.done $0x0  }
0xf: {  	[sflag:s7] =	ssyncadd.s32 $0xFFFFFE00  }
0x10: {  	[tilespmem:s8], [sflag:$0x1] =	stream.indirect.gather [hbm4b:s3+s8], $0x80, s2, s8, $0xb8;
	[tilespmem:$0x10200] =	vst v63  }
0x11: {  	_ =	swait.ge [sflag:s9], $0x10000  }
0x12: {  	[sflag:s9] =	ssyncset.done $0x0  }
0x13: {  	[sflag:s9] =	ssyncadd.s32 $0xFFFF0000  }
0x14: {  	[hbm4b:s5+s2] =	stream.linear.scatter [tilespmem:s8], [sflag:$0x2], $0x10000, $0x38;
	[tilespmem:$0x10200] =	vst v63  }
0x15: {  	s12 =	simm.s32 $0x40;
	_ =	swait.ge [sflag:s7], $0x10000  }
0x16: {  	s13 =	simm.s32 $0x80;
	s11 =	sadd.s32 $0x2000, s5;
	[sflag:s7] =	ssyncset.done $0x0  }
.LBB2_2:
0x17: {  	s14 =	sadd.s32 s12, s6  }
0x18: {  	[sflag:s7] =	ssyncadd.s32 $0xFFFF0000;
	s12 =	smov.u32 s13;
	s15 =	sadd.s32 $0x40, s13  }
0x19: {  	[tilespmem:s2], [sflag:$0x2] =	stream.linear.gather [hbm4b:s14+s2], $0x200, $0x38;
	[tilespmem:$0x10200] =	vst v63  }
0x1a: {  	p0 =	sne.s32 s13, $0x3C0;
	_ =	swait.ge [sflag:s7], $0x200  }
0x1b: {  	[sflag:s7] =	ssyncset.done $0x0  }
0x1c: {  	[sflag:s7] =	ssyncadd.s32 $0xFFFFFE00  }
0x1d: {  	[tilespmem:s8], [sflag:$0x1] =	stream.indirect.gather [hbm4b:s3+s8], $0x80, s2, s8, $0xb8;
	[tilespmem:$0x10200] =	vst v63  }
0x1e: {  	_ =	swait.ge [sflag:s9], $0x10000  }
.Ltmp0:
0x1f: {  	[sflag:s9] =	ssyncset.done $0x0;
	(pc) =	sbr.rel @p0 .LBB2_2-.Ltmp0, $4  }
0x20: {  	[sflag:s9] =	ssyncadd.s32 $0xFFFF0000  }
0x21: {  	[hbm4b:s11+s2] =	stream.linear.scatter [tilespmem:s8], [sflag:$0x2], $0x10000, $0x38;
	[tilespmem:$0x10200] =	vst v63  }
0x22: {  	_ =	swait.ge [sflag:s7], $0x10000  }
0x23: {  	s13 =	smov.u32 s15;
	s11 =	sadd.s32 $0x2000, s11;
	[sflag:s7] =	ssyncset.done $0x0  }
0x24: {  	s12 =	sadd.s32 s12, s6;
	[sflag:s7] =	ssyncadd.s32 $0xFFFF0000  }
0x25: {  	[tilespmem:s2], [sflag:$0x2] =	stream.linear.gather [hbm4b:s12+s2], $0x200, $0x38;
	[tilespmem:$0x10200] =	vst v63  }
0x26: {  	_ =	swait.ge [sflag:s7], $0x200  }
0x27: {  	[sflag:s7] =	ssyncset.done $0x0  }
0x28: {  	[sflag:s7] =	ssyncadd.s32 $0xFFFFFE00  }
0x29: {  	[tilespmem:s8], [sflag:$0x1] =	stream.indirect.gather [hbm4b:s3+s8], $0x80, s2, s8, $0xb8;
	[tilespmem:$0x10200] =	vst v63  }
0x2a: {  	s10 =	sadd.s32 $0x1, s10;
	_ =	swait.ge [sflag:s9], $0x10000  }
0x2b: {  	p0 =	sne.s32 s10, s4;
	[sflag:s9] =	ssyncset.done $0x0  }
.Ltmp1:
0x2c: {  	[sflag:s9] =	ssyncadd.s32 $0xFFFF0000;
	(pc) =	sbr.rel @p0 .LBB2_1-.Ltmp1, $4  }
0x2d: {  	[hbm4b:s11+s2] =	stream.linear.scatter [tilespmem:s8], [sflag:$0x2], $0x10000, $0x38;
	[tilespmem:$0x10200] =	vst v63  }
0x2e: {  	_ =	swait.ge [sflag:s7], $0x10000  }
0x2f: {  	[sflag:s7] =	ssyncset.done $0x0  }
0x30: {  	[sflag:s7] =	ssyncadd.s32 $0xFFFF0000  }
0x31: {  	_ =	sfence.sel $0x180000  }
0x32: {  	[bflag:$0x0] =	sbarrier.arrive $0xFFFF  }
0x33: {  	p0 =	sne.s32 s1, $0x0;
	_ =	strace $0x9000005F  }
0x34: {  	s0 =	sadd.s32 @!p0 $0x100000, s0;
	[bflag:$0x2] =	sbarrier.arrive $0xFFFF  }
0x35: {  	[sflag:s0] =	ssyncadd.tile.s32 @!p0 $0x1;
	_ =	shalt  }
.Lfunc_end2:
_tile_overlayer_lowered:
.L_overlay_start_2:
0x36: {  	(tag) =	ssettag $0x2  }
0x37: {  	s0 =	rddreg [dreg:$0x0];
	s2 =	stileid.u32  }
0x38: {  	s1 =	rddreg [dreg:$0x1];
	p0 =	sne.s32 s2, $0x0  }
0x39: {  	s3 =	rddreg [dreg:$0x2];
	[bflag:$0x3] =	sbarrier.arrive $0xFFFF;
	s2 =	simm.s32 @!p0 $0x1C02  }
0x3a: {  	[timem:s3], [sflag:s2] =	dma.local @!p0 [hbm:s0], s1  }
0x3b: {  	s0 =	simm.s32 @!p0 $0x2  }
0x3c: {  	_ =	swait.ge @!p0 [sflag:s0], s1  }
0x3d: {  	s1 =	ssub.s32 @!p0 $0x0, s1;
	[sflag:s0] =	ssyncset.done @!p0 $0x0  }
0x3e: {  	[sflag:s0] =	ssyncadd.s32 @!p0 s1  }
0x3f: {  	[bflag:$0x3] =	sbarrier.arrive $0xFFFF  }
0x40: {  	_ =	shalt  }

// kernel: sparse-core-data-format-call.1.cloned.1.call-start
scs
called_computation.1_lowered:
.L_overlay_start_0:
0x0: {  	s1 =	sld [smem:$0x3FD9]  }
0x1: {  	s2 =	sld [smem:$0x3FFE];
	_ =	sdelay $0x1  }
0x2: {  	s3 =	srdreg.scid  }
0x3: {  	s0 =	sand.u32 $0x1, s3  }
0x4: {  	s17 =	sshll.u32 s0, $0xA;
	s1 =	sadd.s32 s2, s1  }
0x5: {  	s1 =	sadd.s32 s1, s17  }
0x6: {  	[smem:$0x3FB1] =	sst s1  }
0x7: {  	_ = 	snop  }
0x8: {  	(tm) =	ssettm $0x1  }
0x9: {  	s18 =	sld [smem:$0x3FFB];
	_ =	sdelay $0x3  }
0xa: {  	_ =	strace s18  }
0xb: {  	s1 =	sld [smem:$0x3FFC];
	_ =	sdelay $0x3  }
0xc: {  	_ =	strace s1  }
0xd: {  	s1 =	sld [smem:$0x3FFD];
	_ =	sdelay $0x3  }
0xe: {  	_ =	strace s1  }
0xf: {  	_ =	strace $0x8FFFFFFF  }
0x10: {  	s19 =	sld [smem:$0x3FDB];
	_ =	sdelay $0x1  }
0x11: {  	s20 =	simm.s32 $_scs_section_size  }
0x12: {  	s4 =	simm.s32 $_size__tile_overlayer_lowered;
	s5 =	simm.s32 $_tile_overlayer_lowered  }
0x13: {  	s23 =	simm.s32 $0x1BFF;
	s22 =	sshll.u32 s5, $0x1;
	s1 =	sadd.s32 s20, s19  }
0x14: {  	s6 =	simm.s32 $0x0;
	s21 =	sshll.u32 s4, $0x1;
	s4 =	sadd.s32 s22, s1  }
0x15: {  	[timem:s6], [sflag:s23] =	dma.local [hbm:s4], s21  }
0x16: {  	_ =	swait.ge [sflag:s23], s21  }
0x17: {  	s2 =	ssub.s32 $0x0, s21;
	[sflag:s23] =	ssyncset.done $0x0  }
0x18: {  	[sflag:s23] =	ssyncadd.s32 s2;
	_ =	sdelay $0x1  }
0x19: {  	s24 =	simm.s32 $0x1B8B  }
0x1a: {  	_ =	swait.ge [sflag:s24], $0x1  }
0x1b: {  	[sflag:s24] =	ssyncset.done $0x0  }
0x1c: {  	s26 =	simm.s32 $0x1B8E;
	s25 =	sld [smem:$0x3FFE];
	[sflag:s24] =	ssyncadd.s32 $0xFFFFFFFF  }
0x1d: {  	s27 =	simm.s32 $execute0_lowered;
	[smem:$0x3FD2] =	sst s26  }
0x1e: {  	s4 =	sshll.u32 s27, $0x1;
	_ =	strace $0x8000005B;
	[dreg:$0x1] =	wrdreg $0xFFFFFFFF  }
0x1f: {  	s28 =	simm.s32 $_size_execute0_lowered;
	s1 =	sadd.s32 s1, s4;
	[dreg:$0x0] =	wrdreg $0x0  }
0x20: {  	s4 =	sshll.u32 s28, $0x1;
	[dreg:$0x2] =	wrdreg s1  }
0x21: {  	[dreg:$0x3] =	wrdreg s4  }
0x22: {  	[dreg:$0x4] =	wrdreg $0xC0  }
0x23: {  	_ =	task [dreg:s6], $0x5FFFF  }
0x24: {  	[dreg:$0x1] =	wrdreg $0xFFFFFFFF  }
0x25: {  	[dreg:$0x0] =	wrdreg $0x60  }
0x26: {  	[dreg:$0x2] =	wrdreg s25  }
0x27: {  	[dreg:$0x3] =	wrdreg $0x9  }
0x28: {  	_ =	task.clear_ibuf [dreg:s6], $0x4FFFF;
	_ =	strace $0x9000005B  }
0x29: {  	s29 =	simm.s32 $0x9;
	_ =	strace $0x8000005D  }
0x2a: {  	_ =	swait.ge [sflag:s29], $0x1  }
0x2b: {  	[sflag:s29] =	ssyncadd.s32 $0xFFFFFFFF  }
0x2c: {  	_ =	strace $0x9000005D  }
0x2d: {  	_ =	sfence  }
0x2e: {  	s30 =	sld [smem:$0x0];
	_ =	sdelay $0x2  }
0x2f: {  	s31 =	sshll.u32 s3, $0xD;
	s3 =	sshrl.u32 s3, $0x2  }
0x30: {  	s2 =	sand.u32 $0x4000, s31;
	s1 =	sadd.s32 s3, s30  }
0x31: {  	s0 =	sor.u32 s2, s0;
	s1 =	sshll.u32 s1, $0x11  }
0x32: {  	s0 =	sor.u32 s1, s0  }
0x33: {  	s0 =	sadd.s32 $0x8F2B, s0  }
0x34: {  	[sflag:s0] =	ssyncadd.remote.s32 $0x1  }
0x35: {  	_ =	sfence.sel $0xFFFF  }
0x36: {  	[dreg:$0x0] =	wrdreg $0xFFFFFFFF;
	(pc) =	sbr.abs _section_cstart, $3  }
0x37: {  	[dreg:$0x1] =	wrdreg $0xFFFFFFFF  }
0x38: {  	_ =	task.clear_ibuf [dreg:s6], $0x2FFFF;
	_ =	strace $0x9FFFFFFF  }
0x39: {  	(tm) =	ssettm $0x7FFFFFFF  }
tec
execute0_lowered:
.L_overlay_start_1:
0x0: {  	(tag) =	ssettag $0x1  }
0x1: {  	s0 =	stileid.u32  }
0x2: {  	s1 =	srdreg.scid;
	s6 =	rddreg [dreg:$0x0];
	s4 =	simm.s32 $0x1  }
0x3: {  	s8 =	simm.s32 $0x2;
	s2 =	sshll.u32 s0, $0x5;
	s1 =	sshll.u32 s1, $0x9  }
0x4: {  	s17 =	simm.s32 $0x0;
	s9 =	simm.s32 $0x30000;
	s1 =	sor.u32 s2, s1  }
0x5: {  	s16 =	simm.s32 $0x0;
	s15 =	simm.s32 $0x0;
	s2 =	sand.u32 $0x380, s1  }
0x6: {  	s18 =	simm.s32 $0x0;
	s10 =	simm.s32 $0x0;
	s3 =	ssub.s32 $0x1000, s2  }
0x7: {  	s11 =	simm.s32 $0x0;
	s7 =	sand.u32 $0x3, s0;
	s31 =	sand.u32 $0x380, s3  }
0x8: {  	s14 =	simm.s32 $0x0;
	s13 =	smov.u32 s7;
	p0 =	sne.s32 s31, $0x0  }
.Ltmp0:
0x9: {  	s3 =	sshrl.u32 s3, $0xA;
	s4 =	simm.s32 @!p0 $0x0;
	(pc) =	sbr.rel .LBB1_1-.Ltmp0, $4  }
0xa: {  	s1 =	rddreg [dreg:$0x1];
	_ =	strace $0x8000005C;
	s5 =	sadd.s32 s4, s3  }
0xb: {  	s12 =	smov.u32 s2;
	s4 =	simm.s32 $0x1;
	s5 =	smul.u32 $0x6, s5  }
0xc: {  	p0 =	por $0x0, $0x0;
	s3 =	sadd.s32 $0x47A800, s6;
	[sflag:s4] =	ssyncpa.u1 $0x0  }
0xd: {  	s6 =	sadd.s32 $0x67A800, s6;
	[sflag:s8] =	ssyncpa.u1 $0x0;
	s8 =	sor.u32 $0x1, s5  }
.LBB1_7:
0xe: {  	s19 =	sadd.s32 $0x10, s10  }
0xf: {  	s15 =	sadd.s32 $0x10, s11;
	s20 =	smov.u32 s11;
	p2 =	sgt.s32 s19, $0x5F  }
0x10: {  	s20 =	smov.u32 @p2 s15  }
0x11: {  	s21 =	smov.u32 s12;
	s15 =	sadd.s32 $0x400, s12;
	p3 =	sgt.s32 s20, $0xF  }
0x12: {  	s21 =	smov.u32 @p3 s15  }
0x13: {  	s22 =	smov.u32 s13;
	s15 =	sadd.s32 $0x4, s13;
	p4 =	sgt.s32 s21, $0xFFF  }
0x14: {  	p1 =	slt.u32 s14, $0x2;
	s22 =	smov.u32 @p4 s15  }
0x15: {  	s17 =	smov.u32 s10;
	s19 =	simm.s32 @p2 $0x0;
	p2 =	sgt.s32 s22, $0x3  }
0x16: {  	s23 =	simm.s32 @!p1 $0x2;
	s22 =	smov.u32 @p2 s7;
	p2 =	sne.s32 s14, s8  }
.Ltmp1:
0x17: {  	s16 =	smov.u32 s11;
	_ =	swait.ge @!p1 [sflag:s23], $0x4000;
	(pc) =	sbr.rel @!p2 .LBB1_8-.Ltmp1, $4  }
0x18: {  	s18 =	smov.u32 s13;
	p0 =	por !p0, !p0;
	[sflag:s23] =	ssyncset.done @!p1 $0x0  }
0x19: {  	s10 =	smov.u32 s19;
	s20 =	simm.s32 @p3 $0x0;
	[sflag:s23] =	ssyncadd.s32 @!p1 $0xFFFFC000  }
0x1a: {  	s11 =	smov.u32 s20;
	s21 =	smov.u32 @p4 s2;
	s15 =	smov.u32 s12  }
0x1b: {  	s12 =	smov.u32 s21;
	s14 =	sadd.s32 $0x1, s14;
	s13 =	smov.u32 s22  }
.LBB1_1:
0x1c: {  	p1 =	sge.u32 s14, s5  }
0x1d: {  	s19 =	sshll.u32 @!p1 s11, $0x7;
	s20 =	sshll.u32 @!p1 s10, $0x1  }
0x1e: {  	s19 =	sand.u32 @!p1 $0x700, s19;
	s20 =	sand.u32 @!p1 $0x80, s20  }
0x1f: {  	s31 =	sadd.s32 $0xFFFFFFFF, s14;
	s19 =	sor.u32 @!p1 s19, s20;
	s20 =	sshll.u32 @!p1 s13, $0x13  }
0x20: {  	s21 =	sshll.u32 @!p1 s12, $0x7;
	s22 =	sshrl.u32 @!p1 s10, $0x3;
	s20 =	sadd.s32 @!p1 s3, s20  }
0x21: {  	s23 =	sxor.u32 @!p1 $0xFFFFFFFF, s14;
	s22 =	sand.u32 @!p1 $0x7, s22;
	s20 =	sadd.s32 @!p1 s21, s20  }
0x22: {  	s19 =	sshrl.u32 @!p1 s19, $0x4;
	s21 =	sand.u32 @!p1 $0x7, s10;
	s20 =	sadd.s32 @!p1 s22, s20  }
0x23: {  	s21 =	sshll.u32 @!p1 s21, $0x12;
	s19 =	sadd.s32 @!p1 s19, s20;
	s20 =	sshll.u32 @!p1 s23, $0xE  }
0x24: {  	s22 =	simm.s32 @!p1 $0x80;
	s21 =	sor.u32 @!p1 $0x10, s21;
	s20 =	sand.u32 @!p1 $0x4000, s20  }
0x25: {  	[tilespmem:s20], [sflag:$0x1] =	stream.strided.gather @!p1 [hbm4b:s19+s21], $0x4000, s22, s21, $0x38;
	[tilespmem:$0x10100] =	vst v63  }
0x26: {  	p1 =	sge.u32 s31, s5  }
.Ltmp2:
0x27: {  	_ = 	snop;
	(pc) =	sbr.rel @p1 .LBB1_7-.Ltmp2, $1  }
0x28: {  	_ =	sdelay $0x3  }
0x29: {  	s19 =	simm.s32 $0x1;
	s21 =	sand.u32 $0x1, s14  }
0x2a: {  	s19 =	simm.s32 @!p0 $0x0;
	s22 =	smul.u32 $0x10200, s21  }
0x2b: {  	_ =	swait.ge [sflag:s4], $0x4000;
	s20 =	smul.u32 $0x10200, s19  }
0x2c: {  	[sflag:s4] =	ssyncset.done $0x0;
	s21 =	sshll.u32 s19, $0xE  }
0x2d: {  	[sflag:s4] =	ssyncadd.s32 $0xFFFFC000;
	s31 =	sshrl.u32 s22, $0x2;
	s20 =	sshrl.u32 s20, $0x2  }
0x2e: {  	s22 =	simm.s32 $0x0;
	s19 =	sor.u32 $0x8000, s31;
	s20 =	sadd.s32 $0x8408, s20  }
.LBB1_3:
0x2f: {  	v0 =	vld [tilespmem:s21+$0x0];
	_ =	sdelay $0x4  }
0x30: {  	v1 =	vperm.xlane.i2c.b16 v0  }
0x31: {  	s23 =	sadd.s32 $0x10, s21  }
0x32: {  	v0 =	vld [tilespmem:s23+$0x0];
	v2 =	vcombine.low v1, v1;
	_ =	sdelay $0x1  }
0x33: {  	s25 =	simm.s32 $0x2;
	s24 =	smov.u32 s20;
	v1 =	vcombine.high v1, v1;
	[tilespmem:s20+$0xFFFFFBF8 ss:$0x81] =	vst.msk $0xff, v2  }
.LBB1_4:
0x34: {  	s25 =	sadd.s32 $0x2, s25  }
0x35: {  	[tilespmem:s24+$0x0 ss:$0x81] =	vst.msk $0xff, v1;
	s24 =	sadd.s32 $0x810, s24;
	p1 =	slt.u32 s25, $0xE  }
.Ltmp3:
0x36: {  	s23 =	sadd.s32 $0x10, s23;
	v1 =	vperm.xlane.i2c.b16 v0;
	(pc) =	sbr.rel @p1 .LBB1_4-.Ltmp3, $4  }
0x37: {  	v0 =	vld [tilespmem:s23+$0x0]  }
0x38: {  	v2 =	vcombine.low v1, v1  }
0x39: {  	v1 =	vcombine.high v1, v1  }
0x3a: {  	[tilespmem:s24+$0xFFFFFBF8 ss:$0x81] =	vst.msk $0xff, v2  }
0x3b: {  	s22 =	sadd.s32 $0x1, s22  }
0x3c: {  	v0 =	vperm.xlane.i2c.b16 v0;
	p1 =	sne.s32 s22, $0x80  }
.Ltmp4:
0x3d: {  	_ = 	snop;
	(pc) =	sbr.rel @p1 .LBB1_3-.Ltmp4, $4  }
0x3e: {  	v2 =	vcombine.low v0, v0  }
0x3f: {  	[tilespmem:s24+$0x0 ss:$0x81] =	vst.msk $0xff, v1;
	s23 =	sadd.s32 $0x810, s24;
	v0 =	vcombine.high v0, v0  }
0x40: {  	[tilespmem:s23+$0xFFFFFBF8 ss:$0x81] =	vst.msk $0xff, v2  }
0x41: {  	s20 =	sadd.s32 $0x1, s20;
	s21 =	sadd.s32 $0x80, s21;
	[tilespmem:s23+$0x0 ss:$0x81] =	vst.msk $0xff, v0  }
0x42: {  	s20 =	sshll.u32 s17, $0xC;
	s21 =	sshll.u32 s15, $0x4  }
0x43: {  	s20 =	sand.u32 $0xFFFF0000, s20;
	s22 =	sand.u32 $0xFFFFF800, s21  }
0x44: {  	s18 =	smul.u32 $0x60000, s18;
	s20 =	sadd.s32 s22, s20  }
0x45: {  	s16 =	smul.u32 $0x6000, s16;
	s20 =	sshrl.u32 s20, $0xC  }
0x46: {  	s29 =	sshll.u32 s17, $0x7;
	s23 =	sshll.u32 s15, $0x1;
	s28 =	smulhi.u32 $0x2AAAAAB, s20  }
0x47: {  	s30 =	sand.u32 $0x7, s15;
	s23 =	sand.u32 $0xF0, s23;
	s21 =	sand.u32 $0x800, s21  }
0x48: {  	s17 =	sand.u32 $0x700, s29;
	s21 =	sor.u32 s21, s23;
	s22 =	smul.u32 $0x60, s28  }
.Ltmp5:
0x49: {  	s18 =	sadd.s32 s6, s18;
	s17 =	sor.u32 s17, s21;
	(pc) =	sbr.rel .LBB1_7-.Ltmp5, $4  }
0x4a: {  	s16 =	sadd.s32 s16, s18;
	s17 =	sshrl.u32 s17, $0x4;
	s20 =	ssub.s32 s20, s22  }
0x4b: {  	s15 =	sshll.u32 s30, $0x12;
	s16 =	sadd.s32 s17, s16;
	s31 =	sshll.u32 s20, $0x8  }
0x4c: {  	s15 =	sor.u32 $0x400, s15;
	s16 =	sadd.s32 s31, s16  }
0x4d: {  	[hbm4b:s16+s15] =	stream.strided.scatter [tilespmem:s19], [sflag:$0x2], $0x4000, s9, s15, $0x20;
	[tilespmem:$0x10100] =	vst v63  }
.LBB1_8:
0x4e: {  	_ =	sfence.sel $0x180000  }
0x4f: {  	s2 =	simm.s32 $0x1;
	[bflag:$0x0] =	sbarrier.arrive $0xFFFF  }
0x50: {  	s31 =	simm.s32 $0x2;
	[sflag:s2] =	ssyncpa.u1 $0x1  }
0x51: {  	[sflag:s31] =	ssyncpa.u1 $0x1  }
0x52: {  	p0 =	sne.s32 s0, $0x0;
	_ =	strace $0x9000005C  }
0x53: {  	s0 =	sadd.s32 @!p0 $0x100000, s1;
	[bflag:$0x2] =	sbarrier.arrive $0xFFFF  }
0x54: {  	[sflag:s0] =	ssyncadd.tile.s32 @!p0 $0x1;
	_ =	shalt  }
.Lfunc_end1:
_tile_overlayer_lowered:
.L_overlay_start_2:
0x55: {  	(tag) =	ssettag $0x2  }
0x56: {  	s0 =	rddreg [dreg:$0x0];
	s2 =	stileid.u32  }
0x57: {  	s1 =	rddreg [dreg:$0x1];
	p0 =	sne.s32 s2, $0x0  }
0x58: {  	s3 =	rddreg [dreg:$0x2];
	[bflag:$0x3] =	sbarrier.arrive $0xFFFF;
	s2 =	simm.s32 @!p0 $0x1C01  }
0x59: {  	[timem:s3], [sflag:s2] =	dma.local @!p0 [hbm:s0], s1  }
0x5a: {  	s0 =	simm.s32 @!p0 $0x1  }
0x5b: {  	_ =	swait.ge @!p0 [sflag:s0], s1  }
0x5c: {  	s1 =	ssub.s32 @!p0 $0x0, s1;
	[sflag:s0] =	ssyncset.done @!p0 $0x0  }
0x5d: {  	[sflag:s0] =	ssyncadd.s32 @!p0 s1  }
0x5e: {  	[bflag:$0x3] =	sbarrier.arrive $0xFFFF  }
0x5f: {  	_ =	shalt  }

// kernel: sparse-core-data-format-call.2.cloned.1.call-start
scs
called_computation.2_lowered:
.L_overlay_start_0:
0x0: {  	s1 =	sld [smem:$0x3FD9]  }
0x1: {  	s2 =	sld [smem:$0x3FFE];
	_ =	sdelay $0x1  }
0x2: {  	s3 =	srdreg.scid  }
0x3: {  	s0 =	sand.u32 $0x1, s3  }
0x4: {  	s17 =	sshll.u32 s0, $0xA;
	s1 =	sadd.s32 s2, s1  }
0x5: {  	s1 =	sadd.s32 s1, s17  }
0x6: {  	[smem:$0x3FB1] =	sst s1  }
0x7: {  	_ = 	snop  }
0x8: {  	(tm) =	ssettm $0x1  }
0x9: {  	s18 =	sld [smem:$0x3FFB];
	_ =	sdelay $0x3  }
0xa: {  	_ =	strace s18  }
0xb: {  	s1 =	sld [smem:$0x3FFC];
	_ =	sdelay $0x3  }
0xc: {  	_ =	strace s1  }
0xd: {  	s1 =	sld [smem:$0x3FFD];
	_ =	sdelay $0x3  }
0xe: {  	_ =	strace s1  }
0xf: {  	_ =	strace $0x8FFFFFFF  }
0x10: {  	s19 =	sld [smem:$0x3FDB];
	_ =	sdelay $0x1  }
0x11: {  	s20 =	simm.s32 $_scs_section_size  }
0x12: {  	s4 =	simm.s32 $_size__tile_overlayer_lowered;
	s5 =	simm.s32 $_tile_overlayer_lowered  }
0x13: {  	s23 =	simm.s32 $0x1BFF;
	s22 =	sshll.u32 s5, $0x1;
	s1 =	sadd.s32 s20, s19  }
0x14: {  	s6 =	simm.s32 $0x0;
	s21 =	sshll.u32 s4, $0x1;
	s4 =	sadd.s32 s22, s1  }
0x15: {  	[timem:s6], [sflag:s23] =	dma.local [hbm:s4], s21  }
0x16: {  	_ =	swait.ge [sflag:s23], s21  }
0x17: {  	s2 =	ssub.s32 $0x0, s21;
	[sflag:s23] =	ssyncset.done $0x0  }
0x18: {  	[sflag:s23] =	ssyncadd.s32 s2;
	_ =	sdelay $0x1  }
0x19: {  	s24 =	simm.s32 $0x1B8B  }
0x1a: {  	_ =	swait.ge [sflag:s24], $0x1  }
0x1b: {  	[sflag:s24] =	ssyncset.done $0x0  }
0x1c: {  	s26 =	simm.s32 $0x1B8E;
	s25 =	sld [smem:$0x3FFE];
	[sflag:s24] =	ssyncadd.s32 $0xFFFFFFFF  }
0x1d: {  	s27 =	simm.s32 $execute0_lowered;
	[smem:$0x3FD2] =	sst s26  }
0x1e: {  	s4 =	sshll.u32 s27, $0x1;
	_ =	strace $0x80000055;
	[dreg:$0x1] =	wrdreg $0xFFFFFFFF  }
0x1f: {  	s28 =	simm.s32 $_size_execute0_lowered;
	s1 =	sadd.s32 s1, s4;
	[dreg:$0x0] =	wrdreg $0x0  }
0x20: {  	s4 =	sshll.u32 s28, $0x1;
	[dreg:$0x2] =	wrdreg s1  }
0x21: {  	[dreg:$0x3] =	wrdreg s4  }
0x22: {  	[dreg:$0x4] =	wrdreg $0xC0  }
0x23: {  	_ =	task [dreg:s6], $0x5FFFF  }
0x24: {  	[dreg:$0x1] =	wrdreg $0xFFFFFFFF  }
0x25: {  	[dreg:$0x0] =	wrdreg $0x60  }
0x26: {  	[dreg:$0x2] =	wrdreg s25  }
0x27: {  	[dreg:$0x3] =	wrdreg $0x9  }
0x28: {  	_ =	task.clear_ibuf [dreg:s6], $0x4FFFF;
	_ =	strace $0x90000055  }
0x29: {  	s29 =	simm.s32 $0x9;
	_ =	strace $0x80000057  }
0x2a: {  	_ =	swait.ge [sflag:s29], $0x1  }
0x2b: {  	[sflag:s29] =	ssyncadd.s32 $0xFFFFFFFF  }
0x2c: {  	_ =	strace $0x90000057  }
0x2d: {  	_ =	sfence  }
0x2e: {  	s30 =	sld [smem:$0x0];
	_ =	sdelay $0x2  }
0x2f: {  	s31 =	sshll.u32 s3, $0xD;
	s3 =	sshrl.u32 s3, $0x2  }
0x30: {  	s2 =	sand.u32 $0x4000, s31;
	s1 =	sadd.s32 s3, s30  }
0x31: {  	s0 =	sor.u32 s2, s0;
	s1 =	sshll.u32 s1, $0x11  }
0x32: {  	s0 =	sor.u32 s1, s0  }
0x33: {  	s0 =	sadd.s32 $0x8F2B, s0  }
0x34: {  	[sflag:s0] =	ssyncadd.remote.s32 $0x1  }
0x35: {  	_ =	sfence.sel $0xFFFF  }
0x36: {  	[dreg:$0x0] =	wrdreg $0xFFFFFFFF;
	(pc) =	sbr.abs _section_cstart, $3  }
0x37: {  	[dreg:$0x1] =	wrdreg $0xFFFFFFFF  }
0x38: {  	_ =	task.clear_ibuf [dreg:s6], $0x2FFFF;
	_ =	strace $0x9FFFFFFF  }
0x39: {  	(tm) =	ssettm $0x7FFFFFFF  }
tec
execute0_lowered:
.L_overlay_start_1:
0x0: {  	(tag) =	ssettag $0x1  }
0x1: {  	s0 =	stileid.u32;
	s1 =	srdreg.scid  }
0x2: {  	s4 =	rddreg [dreg:$0x0];
	s7 =	simm.s32 $0x1;
	s31 =	simm.s32 $0x2  }
0x3: {  	s15 =	simm.s32 $0x0;
	s2 =	sshll.u32 s0, $0x5;
	s1 =	sshll.u32 s1, $0x9  }
0x4: {  	s9 =	simm.s32 $0x4000;
	s14 =	simm.s32 $0x0;
	s1 =	sor.u32 s2, s1  }
0x5: {  	s16 =	simm.s32 $0x0;
	s10 =	simm.s32 $0x0;
	s2 =	sand.u32 $0x380, s1  }
0x6: {  	s13 =	simm.s32 $0x0;
	s3 =	sadd.s32 $0x9E00, s4;
	s5 =	ssub.s32 $0x1000, s2  }
0x7: {  	s4 =	sadd.s32 $0x47A800, s4;
	s1 =	rddreg [dreg:$0x1];
	s6 =	sand.u32 $0x380, s5  }
.Ltmp0:
0x8: {  	_ =	strace $0x80000056;
	p0 =	sne.s32 s6, $0x0;
	(pc) =	sbr.rel .LBB1_1-.Ltmp0, $4  }
0x9: {  	s11 =	smov.u32 s2;
	s8 =	sshrl.u32 s5, $0xA;
	s7 =	simm.s32 @!p0 $0x0  }
0xa: {  	s5 =	sand.u32 $0x3, s0;
	s6 =	simm.s32 $0x1;
	s7 =	sadd.s32 s7, s8  }
0xb: {  	s12 =	smov.u32 s5;
	[sflag:s6] =	ssyncpa.u1 $0x0;
	s7 =	sshll.u32 s7, $0x4  }
0xc: {  	p0 =	por $0x0, $0x0;
	[sflag:s31] =	ssyncpa.u1 $0x0;
	s8 =	sor.u32 $0x1, s7  }
.LBB1_4:
0xd: {  	v1 =	vperm.xlane.i2c.b16 v1;
	v0 =	vperm.xlane.i2c.b16 v0  }
0xe: {  	v2 =	vperm.xlane.i2c.b16 v2;
	s21 =	sshll.u32 s14, $0x3;
	s22 =	sshll.u32 s14, $0x1;
	v3 =	vperm.xlane.i2c.b16 v3  }
0xf: {  	[tilespmem:s19+$0x0 ss:$0x81] =	vst.msk $0xffff, v5;
	s20 =	sshra.s32 s20, $0x2;
	s16 =	sshll.u32 s16, $0x13;
	s15 =	sshll.u32 s15, $0xE;
	v62 =	vcombine.low v0, v1  }
0x10: {  	s29 =	sshrl.u32 s14, $0x1;
	s30 =	sand.u32 $0x7, s14;
	[tilespmem:s19+$0x1020 ss:$0x81] =	vst.msk $0xffff, v4;
	s18 =	sadd.s32 s20, s18;
	v63 =	vcombine.low v3, v2  }
0x11: {  	s22 =	sand.u32 $0xF0, s22;
	s21 =	sand.u32 $0xC00, s21;
	s16 =	sadd.s32 s4, s16;
	v0 =	vcombine.high v0, v1;
	[tilespmem:s18+$0x810 ss:$0x81] =	vst.msk $0xffff, v62  }
0x12: {  	s20 =	sand.u32 $0x3F00, s29;
	s28 =	sor.u32 s22, s21;
	v2 =	vcombine.high v3, v2;
	s15 =	sadd.s32 s15, s16;
	[tilespmem:s18+$0x0 ss:$0x81] =	vst.msk $0xffff, v63  }
0x13: {  	s14 =	sshll.u32 s30, $0x12;
	s31 =	sshrl.u32 s28, $0x4;
	s15 =	sadd.s32 s20, s15;
	[tilespmem:s18+$0x1830 ss:$0x81] =	vst.msk $0xffff, v0  }
0x14: {  	s14 =	sor.u32 $0x200, s14;
	s15 =	sadd.s32 s31, s15;
	[tilespmem:s18+$0x1020 ss:$0x81] =	vst.msk $0xffff, v2  }
0x15: {  	[hbm4b:s15+s14] =	stream.strided.scatter [tilespmem:s17], [sflag:$0x2], $0x2000, s9, s14, $0x20;
	[tilespmem:$0x8080] =	vst v63  }
.LBB1_5:
0x16: {  	s17 =	sadd.s32 $0x2, s10  }
0x17: {  	s14 =	sadd.s32 $0x400, s11;
	s18 =	smov.u32 s11;
	p2 =	sgt.s32 s17, $0x1F  }
0x18: {  	s18 =	smov.u32 @p2 s14  }
0x19: {  	s20 =	smov.u32 s12;
	s14 =	sadd.s32 $0x4, s12;
	p3 =	sgt.s32 s18, $0xFFF  }
0x1a: {  	s20 =	smov.u32 @p3 s14  }
0x1b: {  	s17 =	simm.s32 @p2 $0x0;
	p2 =	sgt.s32 s20, $0x3  }
0x1c: {  	p1 =	slt.u32 s13, $0x2;
	s20 =	smov.u32 @p2 s5;
	p2 =	sne.s32 s13, s8  }
.Ltmp1:
0x1d: {  	s19 =	simm.s32 @!p1 $0x2;
	(pc) =	sbr.rel @!p2 .LBB1_6-.Ltmp1, $4  }
0x1e: {  	s15 =	smov.u32 s10;
	s16 =	smov.u32 s12;
	_ =	swait.ge @!p1 [sflag:s19], $0x2000  }
0x1f: {  	p0 =	por !p0, !p0;
	[sflag:s19] =	ssyncset.done @!p1 $0x0;
	s10 =	smov.u32 s17  }
0x20: {  	s18 =	smov.u32 @p3 s2;
	s14 =	smov.u32 s11;
	[sflag:s19] =	ssyncadd.s32 @!p1 $0xFFFFE000  }
0x21: {  	s11 =	smov.u32 s18;
	s13 =	sadd.s32 $0x1, s13;
	s12 =	smov.u32 s20  }
.LBB1_1:
0x22: {  	p1 =	sge.u32 s13, s7;
	s31 =	sadd.s32 $0xFFFFFFFF, s13  }
0x23: {  	s17 =	sshll.u32 @!p1 s12, $0x14;
	s18 =	sshll.u32 @!p1 s11, $0x8;
	s19 =	sshll.u32 @!p1 s10, $0x3  }
0x24: {  	s20 =	sxor.u32 @!p1 $0xFFFFFFFF, s13;
	s17 =	sadd.s32 @!p1 s3, s17;
	s19 =	sand.u32 @!p1 $0xF0, s19  }
0x25: {  	s17 =	sadd.s32 @!p1 s18, s17;
	s18 =	sshll.u32 @!p1 s20, $0xD;
	s20 =	simm.s32 @!p1 $0x800  }
0x26: {  	s17 =	sadd.s32 @!p1 s19, s17;
	s18 =	sand.u32 @!p1 $0x2000, s18;
	s19 =	simm.s32 @!p1 $0x40  }
0x27: {  	[tilespmem:s18], [sflag:$0x1] =	stream.strided.gather @!p1 [hbm4b:s17+s19], $0x2000, s20, s19, $0x38;
	[tilespmem:$0x8080] =	vst v63  }
0x28: {  	p1 =	sge.u32 s31, s7  }
.Ltmp2:
0x29: {  	_ = 	snop;
	(pc) =	sbr.rel @p1 .LBB1_5-.Ltmp2, $1  }
0x2a: {  	_ =	sdelay $0x3  }
0x2b: {  	s17 =	simm.s32 $0x1  }
0x2c: {  	_ =	swait.ge [sflag:s6], $0x2000;
	s17 =	simm.s32 @!p0 $0x0  }
0x2d: {  	[sflag:s6] =	ssyncset.done $0x0;
	s18 =	sshll.u32 s17, $0xD  }
0x2e: {  	[sflag:s6] =	ssyncadd.s32 $0xFFFFE000;
	s18 =	sor.u32 $0x20, s18  }
0x2f: {  	v0 =	vld [tilespmem:s18+$0x0]  }
0x30: {  	v1 =	vld [tilespmem:s18+$0x10]  }
0x31: {  	v2 =	vld [tilespmem:s18+$0xFFFFFFF0]  }
0x32: {  	v3 =	vld [tilespmem:s18+$0xFFFFFFE0];
	_ =	sdelay $0x1  }
0x33: {  	s17 =	smul.u32 $0x8100, s17;
	s22 =	sadd.s32 $0x40, s18  }
0x34: {  	s19 =	sand.u32 $0x1, s13;
	v4 =	vperm.xlane.i2c.b16 v1;
	v5 =	vperm.xlane.i2c.b16 v0;
	v0 =	vld [tilespmem:s22+$0x0]  }
0x35: {  	s19 =	smul.u32 $0x8100, s19;
	s17 =	sshrl.u32 s17, $0x2;
	v6 =	vperm.xlane.i2c.b16 v2;
	v1 =	vld [tilespmem:s22+$0x10]  }
0x36: {  	s18 =	sor.u32 $0x4000, s17;
	v8 =	vperm.xlane.i2c.b16 v3;
	v2 =	vld [tilespmem:s22+$0xFFFFFFF0];
	v7 =	vcombine.low v5, v4  }
0x37: {  	s31 =	sshrl.u32 s19, $0x2;
	s19 =	sadd.s32 $0x0, s18;
	v3 =	vld [tilespmem:s22+$0xFFFFFFE0];
	v9 =	vcombine.high v5, v4  }
0x38: {  	s20 =	simm.s32 $0x4;
	v5 =	vcombine.low v8, v6;
	[tilespmem:s19+$0x810 ss:$0x81] =	vst.msk $0xffff, v7  }
0x39: {  	s21 =	simm.s32 $0x8;
	s17 =	sor.u32 $0x4000, s31;
	s22 =	sadd.s32 $0x40, s22;
	v4 =	vcombine.high v8, v6;
	[tilespmem:s19+$0x1830 ss:$0x81] =	vst.msk $0xffff, v9  }
.LBB1_3:
0x3a: {  	v6 =	vperm.xlane.i2c.b16 v1;
	v7 =	vperm.xlane.i2c.b16 v0;
	v0 =	vld [tilespmem:s22+$0x0];
	[tilespmem:s19+$0x0 ss:$0x81] =	vst.msk $0xffff, v5;
	s23 =	smov.u32 s21;
	p1 =	sne.s32 s21, $0x1FC  }
.Ltmp3:
0x3b: {  	v8 =	vperm.xlane.i2c.b16 v2;
	v1 =	vld [tilespmem:s22+$0x10];
	[tilespmem:s19+$0x1020 ss:$0x81] =	vst.msk $0xffff, v4;
	(pc) =	sbr.rel @p1 .LBB1_3-.Ltmp3, $4  }
0x3c: {  	s21 =	sadd.s32 $0x4, s21;
	v4 =	vperm.xlane.i2c.b16 v3;
	s19 =	sshra.s32 s20, $0x2;
	v2 =	vld [tilespmem:s22+$0xFFFFFFF0];
	v9 =	vcombine.low v7, v6  }
0x3d: {  	s20 =	smov.u32 s23;
	s19 =	sadd.s32 s19, s18;
	v6 =	vcombine.high v7, v6;
	v3 =	vld [tilespmem:s22+$0xFFFFFFE0]  }
0x3e: {  	v5 =	vcombine.low v4, v8;
	v4 =	vcombine.high v4, v8;
	[tilespmem:s19+$0x810 ss:$0x81] =	vst.msk $0xffff, v9  }
0x3f: {  	s22 =	sadd.s32 $0x40, s22;
	[tilespmem:s19+$0x1830 ss:$0x81] =	vst.msk $0xffff, v6  }
.Ltmp4:
0x40: {  	_ = 	snop;
	(pc) =	sbr.rel .LBB1_4-.Ltmp4, $1  }
0x41: {  	_ =	sdelay $0x3  }
.LBB1_6:
0x42: {  	_ =	sfence.sel $0x180000  }
0x43: {  	s2 =	simm.s32 $0x1;
	[bflag:$0x0] =	sbarrier.arrive $0xFFFF  }
0x44: {  	s31 =	simm.s32 $0x2;
	[sflag:s2] =	ssyncpa.u1 $0x1  }
0x45: {  	[sflag:s31] =	ssyncpa.u1 $0x1  }
0x46: {  	p0 =	sne.s32 s0, $0x0;
	_ =	strace $0x90000056  }
0x47: {  	s0 =	sadd.s32 @!p0 $0x100000, s1;
	[bflag:$0x2] =	sbarrier.arrive $0xFFFF  }
0x48: {  	[sflag:s0] =	ssyncadd.tile.s32 @!p0 $0x1;
	_ =	shalt  }
.Lfunc_end1:
_tile_overlayer_lowered:
.L_overlay_start_2:
0x49: {  	(tag) =	ssettag $0x2  }
0x4a: {  	s0 =	rddreg [dreg:$0x0];
	s2 =	stileid.u32  }
0x4b: {  	s1 =	rddreg [dreg:$0x1];
	p0 =	sne.s32 s2, $0x0  }
0x4c: {  	s3 =	rddreg [dreg:$0x2];
	[bflag:$0x3] =	sbarrier.arrive $0xFFFF;
	s2 =	simm.s32 @!p0 $0x1C01  }
0x4d: {  	[timem:s3], [sflag:s2] =	dma.local @!p0 [hbm:s0], s1  }
0x4e: {  	s0 =	simm.s32 @!p0 $0x1  }
0x4f: {  	_ =	swait.ge @!p0 [sflag:s0], s1  }
0x50: {  	s1 =	ssub.s32 @!p0 $0x0, s1;
	[sflag:s0] =	ssyncset.done @!p0 $0x0  }
0x51: {  	[sflag:s0] =	ssyncadd.s32 @!p0 s1  }
0x52: {  	[bflag:$0x3] =	sbarrier.arrive $0xFFFF  }
0x53: {  	_ =	shalt  }

// kernel: sparse-core-data-format-call.3.cloned.1.call-start
scs
called_computation.3_lowered:
.L_overlay_start_0:
0x0: {  	s1 =	sld [smem:$0x3FD9]  }
0x1: {  	s2 =	sld [smem:$0x3FFE];
	_ =	sdelay $0x1  }
0x2: {  	s3 =	srdreg.scid  }
0x3: {  	s0 =	sand.u32 $0x1, s3  }
0x4: {  	s17 =	sshll.u32 s0, $0xA;
	s1 =	sadd.s32 s2, s1  }
0x5: {  	s1 =	sadd.s32 s1, s17  }
0x6: {  	[smem:$0x3FB1] =	sst s1  }
0x7: {  	_ = 	snop  }
0x8: {  	(tm) =	ssettm $0x1  }
0x9: {  	s18 =	sld [smem:$0x3FFB];
	_ =	sdelay $0x3  }
0xa: {  	_ =	strace s18  }
0xb: {  	s1 =	sld [smem:$0x3FFC];
	_ =	sdelay $0x3  }
0xc: {  	_ =	strace s1  }
0xd: {  	s1 =	sld [smem:$0x3FFD];
	_ =	sdelay $0x3  }
0xe: {  	_ =	strace s1  }
0xf: {  	_ =	strace $0x8FFFFFFF  }
0x10: {  	s19 =	sld [smem:$0x3FDB];
	_ =	sdelay $0x1  }
0x11: {  	s20 =	simm.s32 $_scs_section_size  }
0x12: {  	s4 =	simm.s32 $_size__tile_overlayer_lowered;
	s5 =	simm.s32 $_tile_overlayer_lowered  }
0x13: {  	s23 =	simm.s32 $0x1BFF;
	s22 =	sshll.u32 s5, $0x1;
	s1 =	sadd.s32 s20, s19  }
0x14: {  	s6 =	simm.s32 $0x0;
	s21 =	sshll.u32 s4, $0x1;
	s4 =	sadd.s32 s22, s1  }
0x15: {  	[timem:s6], [sflag:s23] =	dma.local [hbm:s4], s21  }
0x16: {  	_ =	swait.ge [sflag:s23], s21  }
0x17: {  	s2 =	ssub.s32 $0x0, s21;
	[sflag:s23] =	ssyncset.done $0x0  }
0x18: {  	[sflag:s23] =	ssyncadd.s32 s2;
	_ =	sdelay $0x1  }
0x19: {  	s24 =	simm.s32 $0x1B8B  }
0x1a: {  	_ =	swait.ge [sflag:s24], $0x1  }
0x1b: {  	[sflag:s24] =	ssyncset.done $0x0  }
0x1c: {  	s26 =	simm.s32 $0x1B8E;
	s25 =	sld [smem:$0x3FFE];
	[sflag:s24] =	ssyncadd.s32 $0xFFFFFFFF  }
0x1d: {  	s27 =	simm.s32 $execute0_lowered;
	[smem:$0x3FD2] =	sst s26  }
0x1e: {  	s4 =	sshll.u32 s27, $0x1;
	_ =	strace $0x8000004F;
	[dreg:$0x1] =	wrdreg $0xFFFFFFFF  }
0x1f: {  	s28 =	simm.s32 $_size_execute0_lowered;
	s1 =	sadd.s32 s1, s4;
	[dreg:$0x0] =	wrdreg $0x0  }
0x20: {  	s4 =	sshll.u32 s28, $0x1;
	[dreg:$0x2] =	wrdreg s1  }
0x21: {  	[dreg:$0x3] =	wrdreg s4  }
0x22: {  	[dreg:$0x4] =	wrdreg $0xC0  }
0x23: {  	_ =	task [dreg:s6], $0x5FFFF  }
0x24: {  	[dreg:$0x1] =	wrdreg $0xFFFFFFFF  }
0x25: {  	[dreg:$0x0] =	wrdreg $0x60  }
0x26: {  	[dreg:$0x2] =	wrdreg s25  }
0x27: {  	[dreg:$0x3] =	wrdreg $0x9  }
0x28: {  	_ =	task.clear_ibuf [dreg:s6], $0x4FFFF;
	_ =	strace $0x9000004F  }
0x29: {  	s29 =	simm.s32 $0x9;
	_ =	strace $0x80000051  }
0x2a: {  	_ =	swait.ge [sflag:s29], $0x1  }
0x2b: {  	[sflag:s29] =	ssyncadd.s32 $0xFFFFFFFF  }
0x2c: {  	_ =	strace $0x90000051  }
0x2d: {  	_ =	sfence  }
0x2e: {  	s30 =	sld [smem:$0x0];
	_ =	sdelay $0x2  }
0x2f: {  	s31 =	sshll.u32 s3, $0xD;
	s3 =	sshrl.u32 s3, $0x2  }
0x30: {  	s2 =	sand.u32 $0x4000, s31;
	s1 =	sadd.s32 s3, s30  }
0x31: {  	s0 =	sor.u32 s2, s0;
	s1 =	sshll.u32 s1, $0x11  }
0x32: {  	s0 =	sor.u32 s1, s0  }
0x33: {  	s0 =	sadd.s32 $0x8F2B, s0  }
0x34: {  	[sflag:s0] =	ssyncadd.remote.s32 $0x1  }
0x35: {  	_ =	sfence.sel $0xFFFF  }
0x36: {  	[dreg:$0x0] =	wrdreg $0xFFFFFFFF;
	(pc) =	sbr.abs _section_cstart, $3  }
0x37: {  	[dreg:$0x1] =	wrdreg $0xFFFFFFFF  }
0x38: {  	_ =	task.clear_ibuf [dreg:s6], $0x2FFFF;
	_ =	strace $0x9FFFFFFF  }
0x39: {  	(tm) =	ssettm $0x7FFFFFFF  }
tec
execute0_lowered:
.L_overlay_start_1:
0x0: {  	(tag) =	ssettag $0x1  }
0x1: {  	s0 =	stileid.u32;
	s1 =	srdreg.scid  }
0x2: {  	s4 =	rddreg [dreg:$0x0];
	s7 =	simm.s32 $0x1;
	s31 =	simm.s32 $0x2  }
0x3: {  	s14 =	simm.s32 $0x0;
	s2 =	sshll.u32 s0, $0x5;
	s1 =	sshll.u32 s1, $0x9  }
0x4: {  	s9 =	simm.s32 $0x8000;
	s15 =	simm.s32 $0x0;
	s1 =	sor.u32 s2, s1  }
0x5: {  	s16 =	simm.s32 $0x0;
	s10 =	simm.s32 $0x0;
	s2 =	sand.u32 $0x380, s1  }
0x6: {  	s13 =	simm.s32 $0x0;
	s3 =	sadd.s32 $0x45A800, s4;
	s5 =	ssub.s32 $0x1000, s2  }
0x7: {  	s4 =	sadd.s32 $0x65A800, s4;
	s1 =	rddreg [dreg:$0x1];
	s6 =	sand.u32 $0x380, s5  }
.Ltmp0:
0x8: {  	_ =	strace $0x80000050;
	p0 =	sne.s32 s6, $0x0;
	(pc) =	sbr.rel .LBB1_1-.Ltmp0, $4  }
0x9: {  	s11 =	smov.u32 s2;
	s8 =	sshrl.u32 s5, $0xA;
	s7 =	simm.s32 @!p0 $0x0  }
0xa: {  	s5 =	sand.u32 $0x3, s0;
	s6 =	simm.s32 $0x1;
	s7 =	sadd.s32 s7, s8  }
0xb: {  	s12 =	smov.u32 s5;
	[sflag:s6] =	ssyncpa.u1 $0x0;
	s7 =	sshll.u32 s7, $0x3  }
0xc: {  	p0 =	por $0x0, $0x0;
	[sflag:s31] =	ssyncpa.u1 $0x0;
	s8 =	sor.u32 $0x1, s7  }
.LBB1_4:
0xd: {  	v1 =	vperm.xlane.i2c.b16 v1;
	v0 =	vperm.xlane.i2c.b16 v0  }
0xe: {  	v2 =	vperm.xlane.i2c.b16 v2;
	s20 =	sshra.s32 s21, $0x2;
	v3 =	vperm.xlane.i2c.b16 v3  }
0xf: {  	[tilespmem:s19+$0x0 ss:$0x81] =	vst.msk $0xffff, v5;
	s27 =	sshll.u32 s15, $0x4;
	s28 =	sshll.u32 s15, $0x1;
	s16 =	sshll.u32 s16, $0x12;
	v62 =	vcombine.low v0, v1  }
0x10: {  	s30 =	sand.u32 $0x3F00, s15;
	s14 =	sshll.u32 s14, $0xE;
	s18 =	sadd.s32 s20, s18;
	[tilespmem:s19+$0x1020 ss:$0x81] =	vst.msk $0xffff, v4;
	v63 =	vcombine.low v3, v2  }
0x11: {  	s29 =	sand.u32 $0xF0, s28;
	s20 =	sand.u32 $0x800, s27;
	s16 =	sadd.s32 s4, s16;
	v0 =	vcombine.high v0, v1;
	[tilespmem:s18+$0x810 ss:$0x81] =	vst.msk $0xffff, v62  }
0x12: {  	s31 =	sand.u32 $0x7, s15;
	s19 =	sor.u32 s29, s20;
	v2 =	vcombine.high v3, v2;
	s16 =	sadd.s32 s30, s16;
	[tilespmem:s18+$0x0 ss:$0x81] =	vst.msk $0xffff, v63  }
0x13: {  	s15 =	sshll.u32 s31, $0x12;
	s19 =	sshrl.u32 s19, $0x4;
	s14 =	sadd.s32 s14, s16;
	[tilespmem:s18+$0x1830 ss:$0x81] =	vst.msk $0xffff, v0  }
0x14: {  	s15 =	sor.u32 $0x400, s15;
	s14 =	sadd.s32 s19, s14;
	[tilespmem:s18+$0x1020 ss:$0x81] =	vst.msk $0xffff, v2  }
0x15: {  	[hbm4b:s14+s15] =	stream.strided.scatter [tilespmem:s17], [sflag:$0x2], $0x2000, s9, s15, $0x20;
	[tilespmem:$0x8080] =	vst v63  }
.LBB1_5:
0x16: {  	s17 =	sadd.s32 $0x2, s10  }
0x17: {  	s14 =	sadd.s32 $0x400, s11;
	s18 =	smov.u32 s11;
	p2 =	sgt.s32 s17, $0xF  }
0x18: {  	s18 =	smov.u32 @p2 s14  }
0x19: {  	s20 =	smov.u32 s12;
	s14 =	sadd.s32 $0x4, s12;
	p3 =	sgt.s32 s18, $0xFFF  }
0x1a: {  	s20 =	smov.u32 @p3 s14  }
0x1b: {  	s17 =	simm.s32 @p2 $0x0;
	p2 =	sgt.s32 s20, $0x3  }
0x1c: {  	p1 =	slt.u32 s13, $0x2;
	s20 =	smov.u32 @p2 s5;
	p2 =	sne.s32 s13, s8  }
.Ltmp1:
0x1d: {  	s19 =	simm.s32 @!p1 $0x2;
	(pc) =	sbr.rel @!p2 .LBB1_6-.Ltmp1, $4  }
0x1e: {  	s15 =	smov.u32 s11;
	s16 =	smov.u32 s12;
	_ =	swait.ge @!p1 [sflag:s19], $0x2000  }
0x1f: {  	p0 =	por !p0, !p0;
	[sflag:s19] =	ssyncset.done @!p1 $0x0;
	s18 =	smov.u32 @p3 s2  }
0x20: {  	s14 =	smov.u32 s10;
	[sflag:s19] =	ssyncadd.s32 @!p1 $0xFFFFE000;
	s10 =	smov.u32 s17  }
0x21: {  	s11 =	smov.u32 s18;
	s13 =	sadd.s32 $0x1, s13;
	s12 =	smov.u32 s20  }
.LBB1_1:
0x22: {  	p1 =	sge.u32 s13, s7;
	s31 =	sadd.s32 $0xFFFFFFFF, s13  }
0x23: {  	s17 =	sshll.u32 @!p1 s12, $0x13;
	s18 =	sshll.u32 @!p1 s11, $0x7;
	s19 =	sshll.u32 @!p1 s10, $0x3  }
0x24: {  	s20 =	sxor.u32 @!p1 $0xFFFFFFFF, s13;
	s17 =	sadd.s32 @!p1 s3, s17;
	s19 =	sand.u32 @!p1 $0x70, s19  }
0x25: {  	s17 =	sadd.s32 @!p1 s18, s17;
	s18 =	sshll.u32 @!p1 s20, $0xD;
	s20 =	simm.s32 @!p1 $0x400  }
0x26: {  	s17 =	sadd.s32 @!p1 s19, s17;
	s18 =	sand.u32 @!p1 $0x2000, s18;
	s19 =	simm.s32 @!p1 $0x40  }
0x27: {  	[tilespmem:s18], [sflag:$0x1] =	stream.strided.gather @!p1 [hbm4b:s17+s19], $0x2000, s20, s19, $0x38;
	[tilespmem:$0x8080] =	vst v63  }
0x28: {  	p1 =	sge.u32 s31, s7  }
.Ltmp2:
0x29: {  	_ = 	snop;
	(pc) =	sbr.rel @p1 .LBB1_5-.Ltmp2, $1  }
0x2a: {  	_ =	sdelay $0x3  }
0x2b: {  	s17 =	simm.s32 $0x1  }
0x2c: {  	_ =	swait.ge [sflag:s6], $0x2000;
	s17 =	simm.s32 @!p0 $0x0  }
0x2d: {  	[sflag:s6] =	ssyncset.done $0x0;
	s18 =	sshll.u32 s17, $0xD  }
0x2e: {  	[sflag:s6] =	ssyncadd.s32 $0xFFFFE000;
	s18 =	sor.u32 $0x20, s18  }
0x2f: {  	v0 =	vld [tilespmem:s18+$0x0]  }
0x30: {  	v1 =	vld [tilespmem:s18+$0x10]  }
0x31: {  	v2 =	vld [tilespmem:s18+$0xFFFFFFF0]  }
0x32: {  	v3 =	vld [tilespmem:s18+$0xFFFFFFE0];
	_ =	sdelay $0x1  }
0x33: {  	s17 =	smul.u32 $0x8100, s17;
	s22 =	sadd.s32 $0x40, s18  }
0x34: {  	s19 =	sand.u32 $0x1, s13;
	v4 =	vperm.xlane.i2c.b16 v1;
	v5 =	vperm.xlane.i2c.b16 v0;
	v0 =	vld [tilespmem:s22+$0x0]  }
0x35: {  	s19 =	smul.u32 $0x8100, s19;
	s17 =	sshrl.u32 s17, $0x2;
	v6 =	vperm.xlane.i2c.b16 v2;
	v1 =	vld [tilespmem:s22+$0x10]  }
0x36: {  	s18 =	sor.u32 $0x4000, s17;
	v8 =	vperm.xlane.i2c.b16 v3;
	v2 =	vld [tilespmem:s22+$0xFFFFFFF0];
	v7 =	vcombine.low v5, v4  }
0x37: {  	s31 =	sshrl.u32 s19, $0x2;
	s19 =	sadd.s32 $0x0, s18;
	v3 =	vld [tilespmem:s22+$0xFFFFFFE0];
	v9 =	vcombine.high v5, v4  }
0x38: {  	s21 =	simm.s32 $0x4;
	v5 =	vcombine.low v8, v6;
	[tilespmem:s19+$0x810 ss:$0x81] =	vst.msk $0xffff, v7  }
0x39: {  	s20 =	simm.s32 $0x8;
	s17 =	sor.u32 $0x4000, s31;
	s22 =	sadd.s32 $0x40, s22;
	v4 =	vcombine.high v8, v6;
	[tilespmem:s19+$0x1830 ss:$0x81] =	vst.msk $0xffff, v9  }
.LBB1_3:
0x3a: {  	v6 =	vperm.xlane.i2c.b16 v1;
	v7 =	vperm.xlane.i2c.b16 v0;
	v0 =	vld [tilespmem:s22+$0x0];
	[tilespmem:s19+$0x0 ss:$0x81] =	vst.msk $0xffff, v5;
	s23 =	smov.u32 s20;
	p1 =	sne.s32 s20, $0x1FC  }
.Ltmp3:
0x3b: {  	v8 =	vperm.xlane.i2c.b16 v2;
	v1 =	vld [tilespmem:s22+$0x10];
	[tilespmem:s19+$0x1020 ss:$0x81] =	vst.msk $0xffff, v4;
	(pc) =	sbr.rel @p1 .LBB1_3-.Ltmp3, $4  }
0x3c: {  	s20 =	sadd.s32 $0x4, s20;
	v4 =	vperm.xlane.i2c.b16 v3;
	s19 =	sshra.s32 s21, $0x2;
	v2 =	vld [tilespmem:s22+$0xFFFFFFF0];
	v9 =	vcombine.low v7, v6  }
0x3d: {  	s21 =	smov.u32 s23;
	s19 =	sadd.s32 s19, s18;
	v6 =	vcombine.high v7, v6;
	v3 =	vld [tilespmem:s22+$0xFFFFFFE0]  }
0x3e: {  	v5 =	vcombine.low v4, v8;
	v4 =	vcombine.high v4, v8;
	[tilespmem:s19+$0x810 ss:$0x81] =	vst.msk $0xffff, v9  }
0x3f: {  	s22 =	sadd.s32 $0x40, s22;
	[tilespmem:s19+$0x1830 ss:$0x81] =	vst.msk $0xffff, v6  }
.Ltmp4:
0x40: {  	_ = 	snop;
	(pc) =	sbr.rel .LBB1_4-.Ltmp4, $1  }
0x41: {  	_ =	sdelay $0x3  }
.LBB1_6:
0x42: {  	_ =	sfence.sel $0x180000  }
0x43: {  	s2 =	simm.s32 $0x1;
	[bflag:$0x0] =	sbarrier.arrive $0xFFFF  }
0x44: {  	s31 =	simm.s32 $0x2;
	[sflag:s2] =	ssyncpa.u1 $0x1  }
0x45: {  	[sflag:s31] =	ssyncpa.u1 $0x1  }
0x46: {  	p0 =	sne.s32 s0, $0x0;
	_ =	strace $0x90000050  }
0x47: {  	s0 =	sadd.s32 @!p0 $0x100000, s1;
	[bflag:$0x2] =	sbarrier.arrive $0xFFFF  }
0x48: {  	[sflag:s0] =	ssyncadd.tile.s32 @!p0 $0x1;
	_ =	shalt  }
.Lfunc_end1:
_tile_overlayer_lowered:
.L_overlay_start_2:
0x49: {  	(tag) =	ssettag $0x2  }
0x4a: {  	s0 =	rddreg [dreg:$0x0];
	s2 =	stileid.u32  }
0x4b: {  	s1 =	rddreg [dreg:$0x1];
	p0 =	sne.s32 s2, $0x0  }
0x4c: {  	s3 =	rddreg [dreg:$0x2];
	[bflag:$0x3] =	sbarrier.arrive $0xFFFF;
	s2 =	simm.s32 @!p0 $0x1C01  }
0x4d: {  	[timem:s3], [sflag:s2] =	dma.local @!p0 [hbm:s0], s1  }
0x4e: {  	s0 =	simm.s32 @!p0 $0x1  }
0x4f: {  	_ =	swait.ge @!p0 [sflag:s0], s1  }
0x50: {  	s1 =	ssub.s32 @!p0 $0x0, s1;
	[sflag:s0] =	ssyncset.done @!p0 $0x0  }
0x51: {  	[sflag:s0] =	ssyncadd.s32 @!p0 s1  }
0x52: {  	[bflag:$0x3] =	sbarrier.arrive $0xFFFF  }
0x53: {  	_ =	shalt  }

// kernel: sparse-core-data-format-call.4.cloned.1.call-start
scs
called_computation.4_lowered:
.L_overlay_start_0:
0x0: {  	s1 =	sld [smem:$0x3FD9]  }
0x1: {  	s2 =	sld [smem:$0x3FFE];
	_ =	sdelay $0x1  }
0x2: {  	s3 =	srdreg.scid  }
0x3: {  	s0 =	sand.u32 $0x1, s3  }
0x4: {  	s17 =	sshll.u32 s0, $0xA;
	s1 =	sadd.s32 s2, s1  }
0x5: {  	s1 =	sadd.s32 s1, s17  }
0x6: {  	[smem:$0x3FB1] =	sst s1  }
0x7: {  	_ = 	snop  }
0x8: {  	(tm) =	ssettm $0x1  }
0x9: {  	s18 =	sld [smem:$0x3FFB];
	_ =	sdelay $0x3  }
0xa: {  	_ =	strace s18  }
0xb: {  	s1 =	sld [smem:$0x3FFC];
	_ =	sdelay $0x3  }
0xc: {  	_ =	strace s1  }
0xd: {  	s1 =	sld [smem:$0x3FFD];
	_ =	sdelay $0x3  }
0xe: {  	_ =	strace s1  }
0xf: {  	_ =	strace $0x8FFFFFFF  }
0x10: {  	s19 =	sld [smem:$0x3FDB];
	_ =	sdelay $0x1  }
0x11: {  	s20 =	simm.s32 $_scs_section_size  }
0x12: {  	s4 =	simm.s32 $_size__tile_overlayer_lowered;
	s5 =	simm.s32 $_tile_overlayer_lowered  }
0x13: {  	s23 =	simm.s32 $0x1BFF;
	s22 =	sshll.u32 s5, $0x1;
	s1 =	sadd.s32 s20, s19  }
0x14: {  	s6 =	simm.s32 $0x0;
	s21 =	sshll.u32 s4, $0x1;
	s4 =	sadd.s32 s22, s1  }
0x15: {  	[timem:s6], [sflag:s23] =	dma.local [hbm:s4], s21  }
0x16: {  	_ =	swait.ge [sflag:s23], s21  }
0x17: {  	s2 =	ssub.s32 $0x0, s21;
	[sflag:s23] =	ssyncset.done $0x0  }
0x18: {  	[sflag:s23] =	ssyncadd.s32 s2;
	_ =	sdelay $0x1  }
0x19: {  	s24 =	simm.s32 $0x1B8B  }
0x1a: {  	_ =	swait.ge [sflag:s24], $0x1  }
0x1b: {  	[sflag:s24] =	ssyncset.done $0x0  }
0x1c: {  	s26 =	simm.s32 $0x1B8E;
	s25 =	sld [smem:$0x3FFE];
	[sflag:s24] =	ssyncadd.s32 $0xFFFFFFFF  }
0x1d: {  	s27 =	simm.s32 $execute0_lowered;
	[smem:$0x3FD2] =	sst s26  }
0x1e: {  	s4 =	sshll.u32 s27, $0x1;
	_ =	strace $0x80000049;
	[dreg:$0x1] =	wrdreg $0xFFFFFFFF  }
0x1f: {  	s28 =	simm.s32 $_size_execute0_lowered;
	s1 =	sadd.s32 s1, s4;
	[dreg:$0x0] =	wrdreg $0x0  }
0x20: {  	s4 =	sshll.u32 s28, $0x1;
	[dreg:$0x2] =	wrdreg s1  }
0x21: {  	[dreg:$0x3] =	wrdreg s4  }
0x22: {  	[dreg:$0x4] =	wrdreg $0xC0  }
0x23: {  	_ =	task [dreg:s6], $0x5FFFF  }
0x24: {  	[dreg:$0x1] =	wrdreg $0xFFFFFFFF  }
0x25: {  	[dreg:$0x0] =	wrdreg $0x60  }
0x26: {  	[dreg:$0x2] =	wrdreg s25  }
0x27: {  	[dreg:$0x3] =	wrdreg $0x9  }
0x28: {  	_ =	task.clear_ibuf [dreg:s6], $0x4FFFF;
	_ =	strace $0x90000049  }
0x29: {  	s29 =	simm.s32 $0x9;
	_ =	strace $0x8000004B  }
0x2a: {  	_ =	swait.ge [sflag:s29], $0x1  }
0x2b: {  	[sflag:s29] =	ssyncadd.s32 $0xFFFFFFFF  }
0x2c: {  	_ =	strace $0x9000004B  }
0x2d: {  	_ =	sfence  }
0x2e: {  	s30 =	sld [smem:$0x0];
	_ =	sdelay $0x2  }
0x2f: {  	s31 =	sshll.u32 s3, $0xD;
	s3 =	sshrl.u32 s3, $0x2  }
0x30: {  	s2 =	sand.u32 $0x4000, s31;
	s1 =	sadd.s32 s3, s30  }
0x31: {  	s0 =	sor.u32 s2, s0;
	s1 =	sshll.u32 s1, $0x11  }
0x32: {  	s0 =	sor.u32 s1, s0  }
0x33: {  	s0 =	sadd.s32 $0x8F2B, s0  }
0x34: {  	[sflag:s0] =	ssyncadd.remote.s32 $0x1  }
0x35: {  	_ =	sfence.sel $0xFFFF  }
0x36: {  	[dreg:$0x0] =	wrdreg $0xFFFFFFFF;
	(pc) =	sbr.abs _section_cstart, $3  }
0x37: {  	[dreg:$0x1] =	wrdreg $0xFFFFFFFF  }
0x38: {  	_ =	task.clear_ibuf [dreg:s6], $0x2FFFF;
	_ =	strace $0x9FFFFFFF  }
0x39: {  	(tm) =	ssettm $0x7FFFFFFF  }
tec
execute0_lowered:
.L_overlay_start_1:
0x0: {  	(tag) =	ssettag $0x1  }
0x1: {  	s0 =	stileid.u32  }
0x2: {  	s1 =	srdreg.scid;
	s4 =	rddreg [dreg:$0x0];
	s6 =	simm.s32 $0x1  }
0x3: {  	s8 =	simm.s32 $0x2;
	s17 =	simm.s32 $0x0;
	s9 =	simm.s32 $0x10000  }
0x4: {  	s16 =	simm.s32 $0x0;
	s2 =	sshll.u32 s0, $0x5;
	s1 =	sshll.u32 s1, $0x9  }
0x5: {  	s15 =	simm.s32 $0x0;
	s18 =	simm.s32 $0x0;
	s1 =	sor.u32 s2, s1  }
0x6: {  	s10 =	simm.s32 $0x0;
	s11 =	simm.s32 $0x0;
	s2 =	sand.u32 $0x380, s1  }
0x7: {  	s14 =	simm.s32 $0x0;
	s1 =	rddreg [dreg:$0x1];
	s5 =	ssub.s32 $0x1000, s2  }
0x8: {  	_ =	strace $0x8000004A;
	s12 =	smov.u32 s2;
	s3 =	sand.u32 $0x380, s5  }
.Ltmp0:
0x9: {  	s7 =	sshrl.u32 s5, $0xA;
	p0 =	sne.s32 s3, $0x0;
	(pc) =	sbr.rel .LBB1_1-.Ltmp0, $4  }
0xa: {  	s5 =	simm.s32 $0x1;
	s3 =	sadd.s32 $0x851E00, s4;
	s6 =	simm.s32 @!p0 $0x0  }
0xb: {  	s4 =	sadd.s32 $0xC51E00, s4;
	[sflag:s5] =	ssyncpa.u1 $0x0;
	s6 =	sadd.s32 s6, s7  }
0xc: {  	[sflag:s8] =	ssyncpa.u1 $0x0;
	s7 =	sand.u32 $0x3, s0;
	s6 =	sshll.u32 s6, $0x2  }
0xd: {  	vm0 =	vmxor vm0, vm0;
	p0 =	por $0x0, $0x0;
	s13 =	smov.u32 s7;
	s8 =	sor.u32 $0x1, s6  }
.LBB1_7:
0xe: {  	s19 =	sadd.s32 $0x8, s10  }
0xf: {  	s15 =	sadd.s32 $0x20, s11;
	s20 =	smov.u32 s11;
	p2 =	sgt.s32 s19, $0x1F  }
0x10: {  	s20 =	smov.u32 @p2 s15  }
0x11: {  	s21 =	smov.u32 s12;
	s15 =	sadd.s32 $0x400, s12;
	p3 =	sgt.s32 s20, $0x1F  }
0x12: {  	s21 =	smov.u32 @p3 s15  }
0x13: {  	s22 =	smov.u32 s13;
	s15 =	sadd.s32 $0x4, s13;
	p4 =	sgt.s32 s21, $0xFFF  }
0x14: {  	p1 =	slt.u32 s14, $0x2;
	s22 =	smov.u32 @p4 s15  }
0x15: {  	s17 =	smov.u32 s10;
	s19 =	simm.s32 @p2 $0x0;
	p2 =	sgt.s32 s22, $0x3  }
0x16: {  	s23 =	simm.s32 @!p1 $0x2;
	s22 =	smov.u32 @p2 s7;
	p2 =	sne.s32 s14, s8  }
.Ltmp1:
0x17: {  	s16 =	smov.u32 s11;
	_ =	swait.ge @!p1 [sflag:s23], $0x4000;
	(pc) =	sbr.rel @!p2 .LBB1_8-.Ltmp1, $4  }
0x18: {  	s18 =	smov.u32 s13;
	p0 =	por !p0, !p0;
	[sflag:s23] =	ssyncset.done @!p1 $0x0  }
0x19: {  	s10 =	smov.u32 s19;
	s20 =	simm.s32 @p3 $0x0;
	[sflag:s23] =	ssyncadd.s32 @!p1 $0xFFFFC000  }
0x1a: {  	s11 =	smov.u32 s20;
	s21 =	smov.u32 @p4 s2;
	s15 =	smov.u32 s12  }
0x1b: {  	s12 =	smov.u32 s21;
	s14 =	sadd.s32 $0x1, s14;
	s13 =	smov.u32 s22  }
.LBB1_1:
0x1c: {  	p1 =	sge.u32 s14, s6  }
0x1d: {  	s19 =	sshll.u32 @!p1 s11, $0x7;
	s20 =	sshll.u32 @!p1 s10, $0x3  }
0x1e: {  	s21 =	sand.u32 @!p1 $0xC00, s19;
	s20 =	sand.u32 @!p1 $0xC00, s20  }
0x1f: {  	s19 =	sand.u32 @!p1 $0x300, s19;
	s20 =	sadd.s32 @!p1 s21, s20;
	s21 =	sshll.u32 @!p1 s10, $0x1  }
0x20: {  	s31 =	sadd.s32 $0xFFFFFFFF, s14;
	s19 =	sor.u32 @!p1 s19, s20;
	s20 =	sand.u32 @!p1 $0x80, s21  }
0x21: {  	s23 =	sshrl.u32 @!p1 s10, $0x3;
	s19 =	sor.u32 @!p1 s20, s19;
	s20 =	sshll.u32 @!p1 s13, $0x14  }
0x22: {  	s22 =	sshll.u32 @!p1 s12, $0x8;
	s23 =	sand.u32 @!p1 $0x7, s23;
	s20 =	sadd.s32 @!p1 s3, s20  }
0x23: {  	s21 =	sxor.u32 @!p1 $0xFFFFFFFF, s14;
	s19 =	sshrl.u32 @!p1 s19, $0x4;
	s20 =	sadd.s32 @!p1 s22, s20  }
0x24: {  	s19 =	sand.u32 @!p1 $0xF8, s19;
	s22 =	sand.u32 @!p1 $0x7, s10;
	s20 =	sadd.s32 @!p1 s23, s20  }
0x25: {  	s19 =	sadd.s32 @!p1 s19, s20;
	s20 =	sshll.u32 @!p1 s21, $0xE;
	s21 =	sshll.u32 @!p1 s22, $0x12  }
0x26: {  	s22 =	simm.s32 @!p1 $0x80;
	s20 =	sand.u32 @!p1 $0x4000, s20;
	s21 =	sor.u32 @!p1 $0x8, s21  }
0x27: {  	[tilespmem:s20], [sflag:$0x1] =	stream.strided.gather @!p1 [hbm4b:s19+s21], $0x4000, s22, s21, $0x38;
	[tilespmem:$0x10100] =	vst v63  }
0x28: {  	p1 =	sge.u32 s31, s6  }
.Ltmp2:
0x29: {  	_ = 	snop;
	(pc) =	sbr.rel @p1 .LBB1_7-.Ltmp2, $1  }
0x2a: {  	_ =	sdelay $0x3  }
0x2b: {  	s19 =	simm.s32 $0x1;
	s21 =	sand.u32 $0x1, s14  }
0x2c: {  	s19 =	simm.s32 @!p0 $0x0;
	s22 =	smul.u32 $0x10200, s21  }
0x2d: {  	_ =	swait.ge [sflag:s5], $0x4000;
	s20 =	smul.u32 $0x10200, s19  }
0x2e: {  	[sflag:s5] =	ssyncset.done $0x0;
	s21 =	sshll.u32 s19, $0xE  }
0x2f: {  	[sflag:s5] =	ssyncadd.s32 $0xFFFFC000;
	s31 =	sshrl.u32 s22, $0x2;
	s20 =	sshrl.u32 s20, $0x2  }
0x30: {  	s22 =	simm.s32 $0x0;
	s19 =	sor.u32 $0x8000, s31;
	s20 =	sadd.s32 $0x8204, s20  }
.LBB1_3:
0x31: {  	v0 =	vld.msk [tilespmem:s21+$0x0], $0xff  }
0x32: {  	v1 =	vld.msk [tilespmem:s21+$0x0], vm0;
	_ =	sdelay $0x4  }
0x33: {  	s23 =	sadd.s32 $0x8, s21;
	v2 =	vperm.xlane.i2c.b16 v0;
	v3 =	vperm.xlane.i2c.b16 v1  }
0x34: {  	v0 =	vld.msk [tilespmem:s23+$0x0], $0xff  }
0x35: {  	v1 =	vld.msk [tilespmem:s23+$0x0], vm0;
	v4 =	vcombine.low v2, v3;
	_ =	sdelay $0x1  }
0x36: {  	s25 =	simm.s32 $0x2;
	s24 =	smov.u32 s20;
	v2 =	vcombine.high v2, v3;
	[tilespmem:s20+$0xFFFFFDFC ss:$0x81] =	vst.msk $0xf, v4  }
.LBB1_4:
0x37: {  	s25 =	sadd.s32 $0x2, s25  }
0x38: {  	s23 =	sadd.s32 $0x8, s23;
	[tilespmem:s24+$0x0 ss:$0x81] =	vst.msk $0xf, v2;
	s24 =	sadd.s32 $0x408, s24;
	p1 =	slt.u32 s25, $0x1E  }
.Ltmp3:
0x39: {  	v2 =	vperm.xlane.i2c.b16 v0;
	v0 =	vld.msk [tilespmem:s23+$0x0], $0xff;
	v3 =	vperm.xlane.i2c.b16 v1;
	(pc) =	sbr.rel @p1 .LBB1_4-.Ltmp3, $3  }
0x3a: {  	v1 =	vld.msk [tilespmem:s23+$0x0], vm0  }
0x3b: {  	v4 =	vcombine.low v2, v3;
	v2 =	vcombine.high v2, v3;
	_ =	sdelay $0x1  }
0x3c: {  	[tilespmem:s24+$0xFFFFFDFC ss:$0x81] =	vst.msk $0xf, v4  }
0x3d: {  	s22 =	sadd.s32 $0x1, s22  }
0x3e: {  	v0 =	vperm.xlane.i2c.b16 v0;
	v1 =	vperm.xlane.i2c.b16 v1;
	p1 =	sne.s32 s22, $0x80  }
.Ltmp4:
0x3f: {  	_ = 	snop;
	(pc) =	sbr.rel @p1 .LBB1_3-.Ltmp4, $4  }
0x40: {  	v3 =	vcombine.low v0, v1  }
0x41: {  	[tilespmem:s24+$0x0 ss:$0x81] =	vst.msk $0xf, v2;
	s23 =	sadd.s32 $0x408, s24;
	v0 =	vcombine.high v0, v1  }
0x42: {  	[tilespmem:s23+$0xFFFFFDFC ss:$0x81] =	vst.msk $0xf, v3  }
0x43: {  	s20 =	sadd.s32 $0x1, s20;
	s21 =	sadd.s32 $0x80, s21;
	[tilespmem:s23+$0x0 ss:$0x81] =	vst.msk $0xf, v0  }
0x44: {  	s20 =	sshll.u32 s15, $0x3;
	s21 =	sshll.u32 s15, $0x1  }
0x45: {  	s29 =	sshll.u32 s17, $0xC;
	s30 =	sshll.u32 s17, $0x7;
	s18 =	sshll.u32 s18, $0x12  }
0x46: {  	s16 =	sshll.u32 s16, $0xD;
	s21 =	sand.u32 $0xF0, s21;
	s22 =	sand.u32 $0xC00, s20  }
0x47: {  	s20 =	sand.u32 $0x1FC00, s20;
	s21 =	sor.u32 s22, s21;
	s22 =	sand.u32 $0x18000, s29  }
0x48: {  	s31 =	sand.u32 $0x7, s15;
	s17 =	sand.u32 $0x300, s30;
	s20 =	sadd.s32 s20, s22  }
.Ltmp5:
0x49: {  	s18 =	sadd.s32 s4, s18;
	s20 =	sshrl.u32 s20, $0x4;
	(pc) =	sbr.rel .LBB1_7-.Ltmp5, $4  }
0x4a: {  	s16 =	sadd.s32 s16, s18;
	s17 =	sor.u32 s17, s21;
	s20 =	sand.u32 $0x1F00, s20  }
0x4b: {  	s15 =	sshll.u32 s31, $0x12;
	s17 =	sshrl.u32 s17, $0x4;
	s16 =	sadd.s32 s20, s16  }
0x4c: {  	s15 =	sor.u32 $0x200, s15;
	s16 =	sadd.s32 s17, s16  }
0x4d: {  	[hbm4b:s16+s15] =	stream.strided.scatter [tilespmem:s19], [sflag:$0x2], $0x4000, s9, s15, $0x20;
	[tilespmem:$0x10100] =	vst v63  }
.LBB1_8:
0x4e: {  	_ =	sfence.sel $0x180000  }
0x4f: {  	s2 =	simm.s32 $0x1;
	[bflag:$0x0] =	sbarrier.arrive $0xFFFF  }
0x50: {  	s31 =	simm.s32 $0x2;
	[sflag:s2] =	ssyncpa.u1 $0x1  }
0x51: {  	[sflag:s31] =	ssyncpa.u1 $0x1  }
0x52: {  	p0 =	sne.s32 s0, $0x0;
	_ =	strace $0x9000004A  }
0x53: {  	s0 =	sadd.s32 @!p0 $0x100000, s1;
	[bflag:$0x2] =	sbarrier.arrive $0xFFFF  }
0x54: {  	[sflag:s0] =	ssyncadd.tile.s32 @!p0 $0x1;
	_ =	shalt  }
.Lfunc_end1:
_tile_overlayer_lowered:
.L_overlay_start_2:
0x55: {  	(tag) =	ssettag $0x2  }
0x56: {  	s0 =	rddreg [dreg:$0x0];
	s2 =	stileid.u32  }
0x57: {  	s1 =	rddreg [dreg:$0x1];
	p0 =	sne.s32 s2, $0x0  }
0x58: {  	s3 =	rddreg [dreg:$0x2];
	[bflag:$0x3] =	sbarrier.arrive $0xFFFF;
	s2 =	simm.s32 @!p0 $0x1C01  }
0x59: {  	[timem:s3], [sflag:s2] =	dma.local @!p0 [hbm:s0], s1  }
0x5a: {  	s0 =	simm.s32 @!p0 $0x1  }
0x5b: {  	_ =	swait.ge @!p0 [sflag:s0], s1  }
0x5c: {  	s1 =	ssub.s32 @!p0 $0x0, s1;
	[sflag:s0] =	ssyncset.done @!p0 $0x0  }
0x5d: {  	[sflag:s0] =	ssyncadd.s32 @!p0 s1  }
0x5e: {  	[bflag:$0x3] =	sbarrier.arrive $0xFFFF  }
0x5f: {  	_ =	shalt  }

// kernel: sparse-core-data-format-call.cloned.1.call-start
scs
called_computation_lowered:
.L_overlay_start_0:
0x0: {  	s1 =	sld [smem:$0x3FD9]  }
0x1: {  	s2 =	sld [smem:$0x3FFE];
	_ =	sdelay $0x1  }
0x2: {  	s3 =	srdreg.scid  }
0x3: {  	s0 =	sand.u32 $0x1, s3  }
0x4: {  	s17 =	sshll.u32 s0, $0xA;
	s1 =	sadd.s32 s2, s1  }
0x5: {  	s1 =	sadd.s32 s1, s17  }
0x6: {  	[smem:$0x3FB1] =	sst s1  }
0x7: {  	_ = 	snop  }
0x8: {  	(tm) =	ssettm $0x1  }
0x9: {  	s18 =	sld [smem:$0x3FFB];
	_ =	sdelay $0x3  }
0xa: {  	_ =	strace s18  }
0xb: {  	s1 =	sld [smem:$0x3FFC];
	_ =	sdelay $0x3  }
0xc: {  	_ =	strace s1  }
0xd: {  	s1 =	sld [smem:$0x3FFD];
	_ =	sdelay $0x3  }
0xe: {  	_ =	strace s1  }
0xf: {  	_ =	strace $0x8FFFFFFF  }
0x10: {  	s19 =	sld [smem:$0x3FDB];
	_ =	sdelay $0x1  }
0x11: {  	s20 =	simm.s32 $_scs_section_size  }
0x12: {  	s4 =	simm.s32 $_size__tile_overlayer_lowered;
	s5 =	simm.s32 $_tile_overlayer_lowered  }
0x13: {  	s23 =	simm.s32 $0x1BFF;
	s22 =	sshll.u32 s5, $0x1;
	s1 =	sadd.s32 s20, s19  }
0x14: {  	s6 =	simm.s32 $0x0;
	s21 =	sshll.u32 s4, $0x1;
	s4 =	sadd.s32 s22, s1  }
0x15: {  	[timem:s6], [sflag:s23] =	dma.local [hbm:s4], s21  }
0x16: {  	_ =	swait.ge [sflag:s23], s21  }
0x17: {  	s2 =	ssub.s32 $0x0, s21;
	[sflag:s23] =	ssyncset.done $0x0  }
0x18: {  	[sflag:s23] =	ssyncadd.s32 s2;
	_ =	sdelay $0x1  }
0x19: {  	s24 =	simm.s32 $0x1B8B  }
0x1a: {  	_ =	swait.ge [sflag:s24], $0x1  }
0x1b: {  	[sflag:s24] =	ssyncset.done $0x0  }
0x1c: {  	s26 =	simm.s32 $0x1B8E;
	s25 =	sld [smem:$0x3FFE];
	[sflag:s24] =	ssyncadd.s32 $0xFFFFFFFF  }
0x1d: {  	s27 =	simm.s32 $execute0_lowered;
	[smem:$0x3FD2] =	sst s26  }
0x1e: {  	s4 =	sshll.u32 s27, $0x1;
	_ =	strace $0x80000061;
	[dreg:$0x1] =	wrdreg $0xFFFFFFFF  }
0x1f: {  	s28 =	simm.s32 $_size_execute0_lowered;
	s1 =	sadd.s32 s1, s4;
	[dreg:$0x0] =	wrdreg $0x0  }
0x20: {  	s4 =	sshll.u32 s28, $0x1;
	[dreg:$0x2] =	wrdreg s1  }
0x21: {  	[dreg:$0x3] =	wrdreg s4  }
0x22: {  	[dreg:$0x4] =	wrdreg $0xC0  }
0x23: {  	_ =	task [dreg:s6], $0x5FFFF  }
0x24: {  	[dreg:$0x1] =	wrdreg $0xFFFFFFFF  }
0x25: {  	[dreg:$0x0] =	wrdreg $0x60  }
0x26: {  	[dreg:$0x2] =	wrdreg s25  }
0x27: {  	[dreg:$0x3] =	wrdreg $0x9  }
0x28: {  	_ =	task.clear_ibuf [dreg:s6], $0x4FFFF;
	_ =	strace $0x90000061  }
0x29: {  	s29 =	simm.s32 $0x9;
	_ =	strace $0x80000063  }
0x2a: {  	_ =	swait.ge [sflag:s29], $0x1  }
0x2b: {  	[sflag:s29] =	ssyncadd.s32 $0xFFFFFFFF  }
0x2c: {  	_ =	strace $0x90000063  }
0x2d: {  	_ =	sfence  }
0x2e: {  	s30 =	sld [smem:$0x0];
	_ =	sdelay $0x2  }
0x2f: {  	s31 =	sshll.u32 s3, $0xD;
	s3 =	sshrl.u32 s3, $0x2  }
0x30: {  	s2 =	sand.u32 $0x4000, s31;
	s1 =	sadd.s32 s3, s30  }
0x31: {  	s0 =	sor.u32 s2, s0;
	s1 =	sshll.u32 s1, $0x11  }
0x32: {  	s0 =	sor.u32 s1, s0  }
0x33: {  	s0 =	sadd.s32 $0x8F2B, s0  }
0x34: {  	[sflag:s0] =	ssyncadd.remote.s32 $0x1  }
0x35: {  	_ =	sfence.sel $0xFFFF  }
0x36: {  	[dreg:$0x0] =	wrdreg $0xFFFFFFFF;
	(pc) =	sbr.abs _section_cstart, $3  }
0x37: {  	[dreg:$0x1] =	wrdreg $0xFFFFFFFF  }
0x38: {  	_ =	task.clear_ibuf [dreg:s6], $0x2FFFF;
	_ =	strace $0x9FFFFFFF  }
0x39: {  	(tm) =	ssettm $0x7FFFFFFF  }
tec
execute0_lowered:
.L_overlay_start_1:
0x0: {  	(tag) =	ssettag $0x1  }
0x1: {  	s0 =	stileid.u32;
	s1 =	srdreg.scid  }
0x2: {  	s4 =	rddreg [dreg:$0x0];
	s7 =	simm.s32 $0x1;
	s31 =	simm.s32 $0x2  }
0x3: {  	s15 =	simm.s32 $0x0;
	s2 =	sshll.u32 s0, $0x5;
	s1 =	sshll.u32 s1, $0x9  }
0x4: {  	s9 =	simm.s32 $0x2000;
	s14 =	simm.s32 $0x0;
	s1 =	sor.u32 s2, s1  }
0x5: {  	s16 =	simm.s32 $0x0;
	s10 =	simm.s32 $0x0;
	s2 =	sand.u32 $0x380, s1  }
0x6: {  	s13 =	simm.s32 $0x0;
	s3 =	sadd.s32 $0x7C00, s4;
	s5 =	ssub.s32 $0x800, s2  }
0x7: {  	s4 =	sadd.s32 $0x207C00, s4;
	s1 =	rddreg [dreg:$0x1];
	s6 =	sand.u32 $0x380, s5  }
.Ltmp0:
0x8: {  	_ =	strace $0x80000062;
	p0 =	sne.s32 s6, $0x0;
	(pc) =	sbr.rel .LBB1_1-.Ltmp0, $4  }
0x9: {  	s11 =	smov.u32 s2;
	s8 =	sshrl.u32 s5, $0xA;
	s7 =	simm.s32 @!p0 $0x0  }
0xa: {  	s5 =	sand.u32 $0x3, s0;
	s6 =	simm.s32 $0x1;
	s7 =	sadd.s32 s7, s8  }
0xb: {  	s12 =	smov.u32 s5;
	[sflag:s6] =	ssyncpa.u1 $0x0;
	s7 =	sshll.u32 s7, $0x4  }
0xc: {  	p0 =	por $0x0, $0x0;
	[sflag:s31] =	ssyncpa.u1 $0x0;
	s8 =	sor.u32 $0x1, s7  }
.LBB1_4:
0xd: {  	v1 =	vperm.xlane.i2c.b16 v1;
	v0 =	vperm.xlane.i2c.b16 v0  }
0xe: {  	v2 =	vperm.xlane.i2c.b16 v2;
	s21 =	sshll.u32 s14, $0x3;
	s22 =	sshll.u32 s14, $0x1;
	v3 =	vperm.xlane.i2c.b16 v3  }
0xf: {  	[tilespmem:s19+$0x0 ss:$0x81] =	vst.msk $0xffff, v5;
	s20 =	sshra.s32 s20, $0x2;
	s16 =	sshll.u32 s16, $0x12;
	s15 =	sshll.u32 s15, $0xD;
	v62 =	vcombine.low v0, v1  }
0x10: {  	s29 =	sshrl.u32 s14, $0x1;
	s30 =	sand.u32 $0x7, s14;
	[tilespmem:s19+$0x1020 ss:$0x81] =	vst.msk $0xffff, v4;
	s18 =	sadd.s32 s20, s18;
	v63 =	vcombine.low v3, v2  }
0x11: {  	s22 =	sand.u32 $0xF0, s22;
	s21 =	sand.u32 $0x400, s21;
	s16 =	sadd.s32 s4, s16;
	v0 =	vcombine.high v0, v1;
	[tilespmem:s18+$0x810 ss:$0x81] =	vst.msk $0xffff, v62  }
0x12: {  	s20 =	sand.u32 $0x1F80, s29;
	s28 =	sor.u32 s22, s21;
	v2 =	vcombine.high v3, v2;
	s15 =	sadd.s32 s15, s16;
	[tilespmem:s18+$0x0 ss:$0x81] =	vst.msk $0xffff, v63  }
0x13: {  	s14 =	sshll.u32 s30, $0x12;
	s31 =	sshrl.u32 s28, $0x4;
	s15 =	sadd.s32 s20, s15;
	[tilespmem:s18+$0x1830 ss:$0x81] =	vst.msk $0xffff, v0  }
0x14: {  	s14 =	sor.u32 $0x200, s14;
	s15 =	sadd.s32 s31, s15;
	[tilespmem:s18+$0x1020 ss:$0x81] =	vst.msk $0xffff, v2  }
0x15: {  	[hbm4b:s15+s14] =	stream.strided.scatter [tilespmem:s17], [sflag:$0x2], $0x2000, s9, s14, $0x20;
	[tilespmem:$0x8080] =	vst v63  }
.LBB1_5:
0x16: {  	s17 =	sadd.s32 $0x2, s10  }
0x17: {  	s14 =	sadd.s32 $0x400, s11;
	s18 =	smov.u32 s11;
	p2 =	sgt.s32 s17, $0x1F  }
0x18: {  	s18 =	smov.u32 @p2 s14  }
0x19: {  	s20 =	smov.u32 s12;
	s14 =	sadd.s32 $0x4, s12;
	p3 =	sgt.s32 s18, $0x7FF  }
0x1a: {  	s20 =	smov.u32 @p3 s14  }
0x1b: {  	s17 =	simm.s32 @p2 $0x0;
	p2 =	sgt.s32 s20, $0x3  }
0x1c: {  	p1 =	slt.u32 s13, $0x2;
	s20 =	smov.u32 @p2 s5;
	p2 =	sne.s32 s13, s8  }
.Ltmp1:
0x1d: {  	s19 =	simm.s32 @!p1 $0x2;
	(pc) =	sbr.rel @!p2 .LBB1_6-.Ltmp1, $4  }
0x1e: {  	s15 =	smov.u32 s10;
	s16 =	smov.u32 s12;
	_ =	swait.ge @!p1 [sflag:s19], $0x2000  }
0x1f: {  	p0 =	por !p0, !p0;
	[sflag:s19] =	ssyncset.done @!p1 $0x0;
	s10 =	smov.u32 s17  }
0x20: {  	s18 =	smov.u32 @p3 s2;
	s14 =	smov.u32 s11;
	[sflag:s19] =	ssyncadd.s32 @!p1 $0xFFFFE000  }
0x21: {  	s11 =	smov.u32 s18;
	s13 =	sadd.s32 $0x1, s13;
	s12 =	smov.u32 s20  }
.LBB1_1:
0x22: {  	p1 =	sge.u32 s13, s7;
	s31 =	sadd.s32 $0xFFFFFFFF, s13  }
0x23: {  	s17 =	sshll.u32 @!p1 s12, $0x13;
	s18 =	sshll.u32 @!p1 s11, $0x8;
	s19 =	sshll.u32 @!p1 s10, $0x3  }
0x24: {  	s20 =	sxor.u32 @!p1 $0xFFFFFFFF, s13;
	s17 =	sadd.s32 @!p1 s3, s17;
	s19 =	sand.u32 @!p1 $0xF0, s19  }
0x25: {  	s17 =	sadd.s32 @!p1 s18, s17;
	s18 =	sshll.u32 @!p1 s20, $0xD;
	s20 =	simm.s32 @!p1 $0x800  }
0x26: {  	s17 =	sadd.s32 @!p1 s19, s17;
	s18 =	sand.u32 @!p1 $0x2000, s18;
	s19 =	simm.s32 @!p1 $0x40  }
0x27: {  	[tilespmem:s18], [sflag:$0x1] =	stream.strided.gather @!p1 [hbm4b:s17+s19], $0x2000, s20, s19, $0x38;
	[tilespmem:$0x8080] =	vst v63  }
0x28: {  	p1 =	sge.u32 s31, s7  }
.Ltmp2:
0x29: {  	_ = 	snop;
	(pc) =	sbr.rel @p1 .LBB1_5-.Ltmp2, $1  }
0x2a: {  	_ =	sdelay $0x3  }
0x2b: {  	s17 =	simm.s32 $0x1  }
0x2c: {  	_ =	swait.ge [sflag:s6], $0x2000;
	s17 =	simm.s32 @!p0 $0x0  }
0x2d: {  	[sflag:s6] =	ssyncset.done $0x0;
	s18 =	sshll.u32 s17, $0xD  }
0x2e: {  	[sflag:s6] =	ssyncadd.s32 $0xFFFFE000;
	s18 =	sor.u32 $0x20, s18  }
0x2f: {  	v0 =	vld [tilespmem:s18+$0x0]  }
0x30: {  	v1 =	vld [tilespmem:s18+$0x10]  }
0x31: {  	v2 =	vld [tilespmem:s18+$0xFFFFFFF0]  }
0x32: {  	v3 =	vld [tilespmem:s18+$0xFFFFFFE0];
	_ =	sdelay $0x1  }
0x33: {  	s17 =	smul.u32 $0x8100, s17;
	s22 =	sadd.s32 $0x40, s18  }
0x34: {  	s19 =	sand.u32 $0x1, s13;
	v4 =	vperm.xlane.i2c.b16 v1;
	v5 =	vperm.xlane.i2c.b16 v0;
	v0 =	vld [tilespmem:s22+$0x0]  }
0x35: {  	s19 =	smul.u32 $0x8100, s19;
	s17 =	sshrl.u32 s17, $0x2;
	v6 =	vperm.xlane.i2c.b16 v2;
	v1 =	vld [tilespmem:s22+$0x10]  }
0x36: {  	s18 =	sor.u32 $0x4000, s17;
	v8 =	vperm.xlane.i2c.b16 v3;
	v2 =	vld [tilespmem:s22+$0xFFFFFFF0];
	v7 =	vcombine.low v5, v4  }
0x37: {  	s31 =	sshrl.u32 s19, $0x2;
	s19 =	sadd.s32 $0x0, s18;
	v3 =	vld [tilespmem:s22+$0xFFFFFFE0];
	v9 =	vcombine.high v5, v4  }
0x38: {  	s20 =	simm.s32 $0x4;
	v5 =	vcombine.low v8, v6;
	[tilespmem:s19+$0x810 ss:$0x81] =	vst.msk $0xffff, v7  }
0x39: {  	s21 =	simm.s32 $0x8;
	s17 =	sor.u32 $0x4000, s31;
	s22 =	sadd.s32 $0x40, s22;
	v4 =	vcombine.high v8, v6;
	[tilespmem:s19+$0x1830 ss:$0x81] =	vst.msk $0xffff, v9  }
.LBB1_3:
0x3a: {  	v6 =	vperm.xlane.i2c.b16 v1;
	v7 =	vperm.xlane.i2c.b16 v0;
	v0 =	vld [tilespmem:s22+$0x0];
	[tilespmem:s19+$0x0 ss:$0x81] =	vst.msk $0xffff, v5;
	s23 =	smov.u32 s21;
	p1 =	sne.s32 s21, $0x1FC  }
.Ltmp3:
0x3b: {  	v8 =	vperm.xlane.i2c.b16 v2;
	v1 =	vld [tilespmem:s22+$0x10];
	[tilespmem:s19+$0x1020 ss:$0x81] =	vst.msk $0xffff, v4;
	(pc) =	sbr.rel @p1 .LBB1_3-.Ltmp3, $4  }
0x3c: {  	s21 =	sadd.s32 $0x4, s21;
	v4 =	vperm.xlane.i2c.b16 v3;
	s19 =	sshra.s32 s20, $0x2;
	v2 =	vld [tilespmem:s22+$0xFFFFFFF0];
	v9 =	vcombine.low v7, v6  }
0x3d: {  	s20 =	smov.u32 s23;
	s19 =	sadd.s32 s19, s18;
	v6 =	vcombine.high v7, v6;
	v3 =	vld [tilespmem:s22+$0xFFFFFFE0]  }
0x3e: {  	v5 =	vcombine.low v4, v8;
	v4 =	vcombine.high v4, v8;
	[tilespmem:s19+$0x810 ss:$0x81] =	vst.msk $0xffff, v9  }
0x3f: {  	s22 =	sadd.s32 $0x40, s22;
	[tilespmem:s19+$0x1830 ss:$0x81] =	vst.msk $0xffff, v6  }
.Ltmp4:
0x40: {  	_ = 	snop;
	(pc) =	sbr.rel .LBB1_4-.Ltmp4, $1  }
0x41: {  	_ =	sdelay $0x3  }
.LBB1_6:
0x42: {  	_ =	sfence.sel $0x180000  }
0x43: {  	s2 =	simm.s32 $0x1;
	[bflag:$0x0] =	sbarrier.arrive $0xFFFF  }
0x44: {  	s31 =	simm.s32 $0x2;
	[sflag:s2] =	ssyncpa.u1 $0x1  }
0x45: {  	[sflag:s31] =	ssyncpa.u1 $0x1  }
0x46: {  	p0 =	sne.s32 s0, $0x0;
	_ =	strace $0x90000062  }
0x47: {  	s0 =	sadd.s32 @!p0 $0x100000, s1;
	[bflag:$0x2] =	sbarrier.arrive $0xFFFF  }
0x48: {  	[sflag:s0] =	ssyncadd.tile.s32 @!p0 $0x1;
	_ =	shalt  }
.Lfunc_end1:
_tile_overlayer_lowered:
.L_overlay_start_2:
0x49: {  	(tag) =	ssettag $0x2  }
0x4a: {  	s0 =	rddreg [dreg:$0x0];
	s2 =	stileid.u32  }
0x4b: {  	s1 =	rddreg [dreg:$0x1];
	p0 =	sne.s32 s2, $0x0  }
0x4c: {  	s3 =	rddreg [dreg:$0x2];
	[bflag:$0x3] =	sbarrier.arrive $0xFFFF;
	s2 =	simm.s32 @!p0 $0x1C01  }
0x4d: {  	[timem:s3], [sflag:s2] =	dma.local @!p0 [hbm:s0], s1  }
0x4e: {  	s0 =	simm.s32 @!p0 $0x1  }
0x4f: {  	_ =	swait.ge @!p0 [sflag:s0], s1  }
0x50: {  	s1 =	ssub.s32 @!p0 $0x0, s1;
	[sflag:s0] =	ssyncset.done @!p0 $0x0  }
0x51: {  	[sflag:s0] =	ssyncadd.s32 @!p0 s1  }
0x52: {  	[bflag:$0x3] =	sbarrier.arrive $0xFFFF  }
0x53: {  	_ =	shalt  }

</sc_bundles>
